<compile_context>
chip_gen: v7x
topology: tpu7x:2x2x1
jax: 0.10.2.dev20260603
libtpu: 0.0.44.dev20260713+nightly
codegen_flags: <defaults>
</compile_context>

<pallas_src>
import jax
import jax.numpy as jnp
from jax.experimental import pallas as pl

N = 800000
S = 20000
IN_C = 10
C = 32
BLK = 8000


def _dense_kernel(x_ref, WlT_ref, bl_ref, a1_ref, c1_ref,
                  W0T_ref, b0_ref, a2_ref, c2_ref, w3T_ref, b3_ref,
                  nv_ref, v_ref, wgt_ref):
    x = x_ref[...]
    v = jnp.dot(x, WlT_ref[...], preferred_element_type=jnp.float32) + bl_ref[...]
    v_ref[...] = v
    nv_ref[...] = v * a1_ref[...] + c1_ref[...]
    u = jnp.dot(x, W0T_ref[...], preferred_element_type=jnp.float32) + b0_ref[...]
    h = jnp.maximum(u * a2_ref[...] + c2_ref[...], 0.0)
    wgt_ref[...] = jnp.dot(h, w3T_ref[...], preferred_element_type=jnp.float32) + b3_ref[...]


def kernel(inputs, linear_W, linear_b, w0_W, w0_b, w_bn_g, w_bn_b, w3_W, w3_b,
           norm_g, norm_b, fc1_W, fc1_b, fc2_W, fc2_b, unq_inv):
    seg = unq_inv.astype(jnp.int32)
    n = inputs.shape[0]

    m = jnp.mean(inputs, axis=0)
    M2 = (inputs.T @ inputs) / n

    def bn_affine(W, b, g, beta, eps):
        Wm = W @ m
        mean_v = Wm + b
        e2 = jnp.einsum('ci,ij,cj->c', W, M2, W) + 2.0 * b * Wm + b * b
        var = jnp.maximum(e2 - mean_v * mean_v, 0.0)
        a = g / jnp.sqrt(var + eps)
        c = beta - mean_v * a
        return a, c

    a1, c1 = bn_affine(linear_W, linear_b, norm_g, norm_b, 1e-3)
    a2, c2 = bn_affine(w0_W, w0_b, w_bn_g, w_bn_b, 1e-5)

    grid = (n // BLK,)
    row = lambda i: (i, 0)
    fix = lambda i: (0, 0)
    nv, v, wgt = pl.pallas_call(
        _dense_kernel,
        grid=grid,
        in_specs=[
            pl.BlockSpec((BLK, IN_C), row),
            pl.BlockSpec((IN_C, C), fix),
            pl.BlockSpec((1, C), fix),
            pl.BlockSpec((1, C), fix),
            pl.BlockSpec((1, C), fix),
            pl.BlockSpec((IN_C, C), fix),
            pl.BlockSpec((1, C), fix),
            pl.BlockSpec((1, C), fix),
            pl.BlockSpec((1, C), fix),
            pl.BlockSpec((C, 1), fix),
            pl.BlockSpec((1, 1), fix),
        ],
        out_specs=[
            pl.BlockSpec((BLK, C), row),
            pl.BlockSpec((BLK, C), row),
            pl.BlockSpec((BLK, 1), row),
        ],
        out_shape=[
            jax.ShapeDtypeStruct((n, C), jnp.float32),
            jax.ShapeDtypeStruct((n, C), jnp.float32),
            jax.ShapeDtypeStruct((n, 1), jnp.float32),
        ],
    )(
        inputs,
        linear_W.T, linear_b[None, :], a1[None, :], c1[None, :],
        w0_W.T, w0_b[None, :], a2[None, :], c2[None, :],
        w3_W.T, w3_b[None, :],
    )

    x = jnp.maximum(nv, 0.0)

    counts = jax.ops.segment_sum(jnp.ones((n, 1), jnp.float32), seg,
                                 num_segments=S, indices_are_sorted=True)
    nonempty = counts > 0

    q_max = jax.ops.segment_max(x, seg, num_segments=S, indices_are_sorted=True)
    q_max = jnp.where(nonempty, q_max, 0.0)

    seg_max_w = jax.ops.segment_max(wgt, seg, num_segments=S, indices_are_sorted=True)
    seg_max_w = jnp.where(nonempty, seg_max_w, 0.0)
    ex = jnp.exp(wgt - seg_max_w[seg])
    denom = jax.ops.segment_sum(ex, seg, num_segments=S, indices_are_sorted=True)
    soft_weight = ex / jnp.maximum(denom, 1e-12)[seg]

    seg_sum = jax.ops.segment_sum(soft_weight * v, seg, num_segments=S,
                                  indices_are_sorted=True)
    weight_x = seg_sum / jnp.maximum(counts, 1.0)

    min_feat = -jax.ops.segment_max(-nv, seg, num_segments=S, indices_are_sorted=True)
    min_feat = jnp.where(nonempty, min_feat, 0.0)
    cw = jax.nn.sigmoid(jax.nn.relu(min_feat @ fc1_W.T + fc1_b) @ fc2_W.T + fc2_b)

    final_feat = cw * q_max + (1.0 - cw) * weight_x
    return jnp.concatenate([x, final_feat[seg]], axis=-1)

# --- scband reference (transcript-rebuilt; emitter-appended) ---
"""Pipeline reference for scband-pfnlayer-v15-44092134261321 (READ-ONLY COPY).

The authoritative reference and input builder live on the scoring server;
editing this copy changes nothing except your own understanding.
"""

import jax, jax.numpy as jnp
import numpy as np

N = 800000
S = 20000
IN_C = 10
OUT_C = 32  # out_channel // 2 since last_layer=False


def _bn_train(x, g, b, eps):
    mu = jnp.mean(x, axis=0)
    var = jnp.var(x, axis=0)  # biased, matching torch BN train-mode normalization
    return (x - mu) / jnp.sqrt(var + eps) * g + b


def _lin_init(k, fan_out, fan_in):
    bound = 1.0 / np.sqrt(fan_in)
    kw, kb = jax.random.split(k)
    W = jax.random.uniform(kw, (fan_out, fan_in), minval=-bound, maxval=bound, dtype=jnp.float32)
    b = jax.random.uniform(kb, (fan_out,), minval=-bound, maxval=bound, dtype=jnp.float32)
    return W, b


def setup_inputs(seed: int = 0) -> dict:
    key = jax.random.key(seed)
    ks = jax.random.split(key, 8)
    inputs = jax.random.normal(ks[0], (N, IN_C), dtype=jnp.float32)
    unq_inv = jnp.sort(jax.random.randint(ks[1], (N,), 0, S)).astype(jnp.int64)
    linear_W, linear_b = _lin_init(ks[2], OUT_C, IN_C)
    w0_W, w0_b = _lin_init(ks[3], OUT_C, IN_C)
    w3_W, w3_b = _lin_init(ks[4], 1, OUT_C)
    fc1_W, fc1_b = _lin_init(ks[5], OUT_C * 2, OUT_C)
    fc2_W, fc2_b = _lin_init(ks[6], OUT_C, OUT_C * 2)
    return {
        "inputs": inputs,
        "linear_W": linear_W, "linear_b": linear_b,
        "w0_W": w0_W, "w0_b": w0_b,
        "w_bn_g": jnp.ones((OUT_C,), jnp.float32), "w_bn_b": jnp.zeros((OUT_C,), jnp.float32),
        "w3_W": w3_W, "w3_b": w3_b,
        "norm_g": jnp.ones((OUT_C,), jnp.float32), "norm_b": jnp.zeros((OUT_C,), jnp.float32),
        "fc1_W": fc1_W, "fc1_b": fc1_b,
        "fc2_W": fc2_W, "fc2_b": fc2_b,
        "unq_inv": unq_inv,
    }


def reference(inputs, linear_W, linear_b, w0_W, w0_b, w_bn_g, w_bn_b, w3_W, w3_b,
              norm_g, norm_b, fc1_W, fc1_b, fc2_W, fc2_b, unq_inv):
    seg = unq_inv.astype(jnp.int32)
    v = inputs @ linear_W.T + linear_b
    norm_v = _bn_train(v, norm_g, norm_b, 1e-3)
    x = jax.nn.relu(norm_v)

    counts = jax.ops.segment_sum(jnp.ones((inputs.shape[0], 1), jnp.float32), seg, num_segments=S)
    nonempty = counts > 0

    # scatter_max
    q_max = jax.ops.segment_max(x, seg, num_segments=S)
    q_max = jnp.where(nonempty, q_max, 0.0)

    # w branch: Linear -> BN -> ReLU -> Linear
    w_h = jax.nn.relu(_bn_train(inputs @ w0_W.T + w0_b, w_bn_g, w_bn_b, 1e-5))
    weight = w_h @ w3_W.T + w3_b  # [N, 1]

    # scatter_softmax over segments
    seg_max_w = jax.ops.segment_max(weight, seg, num_segments=S)
    seg_max_w = jnp.where(nonempty, seg_max_w, 0.0)
    ex = jnp.exp(weight - seg_max_w[seg])
    denom = jax.ops.segment_sum(ex, seg, num_segments=S)
    soft_weight = ex / jnp.maximum(denom, 1e-12)[seg]

    # scatter_mean of soft_weight * v
    seg_sum = jax.ops.segment_sum(soft_weight * v, seg, num_segments=S)
    weight_x = seg_sum / jnp.maximum(counts, 1.0)

    # channel attention: scatter_min -> fc1 -> relu -> fc2 -> sigmoid
    min_feat = -jax.ops.segment_max(-norm_v, seg, num_segments=S)
    min_feat = jnp.where(nonempty, min_feat, 0.0)
    cw = jax.nn.sigmoid(jax.nn.relu(min_feat @ fc1_W.T + fc1_b) @ fc2_W.T + fc2_b)

    final_feat = cw * q_max + (1.0 - cw) * weight_x
    return jnp.concatenate([x, final_feat[seg]], axis=-1)

if __name__ == "__main__":
    import jax
    _d = setup_inputs()
    print(jax.jit(kernel)(*tuple(_d.values())))

</pallas_src>

<mosaic_0001>
module attributes {stable_mosaic.version = 14 : i64} {
  func.func @_dense_kernel(%arg0: i32, %arg1: memref<8000x10xf32, #tpu.memory_space<vmem>>, %arg2: memref<10x32xf32, #tpu.memory_space<vmem>>, %arg3: memref<1x32xf32, #tpu.memory_space<vmem>>, %arg4: memref<1x32xf32, #tpu.memory_space<vmem>>, %arg5: memref<1x32xf32, #tpu.memory_space<vmem>>, %arg6: memref<10x32xf32, #tpu.memory_space<vmem>>, %arg7: memref<1x32xf32, #tpu.memory_space<vmem>>, %arg8: memref<1x32xf32, #tpu.memory_space<vmem>>, %arg9: memref<1x32xf32, #tpu.memory_space<vmem>>, %arg10: memref<32x1xf32, #tpu.memory_space<vmem>>, %arg11: memref<1x1xf32, #tpu.memory_space<vmem>>, %arg12: memref<8000x32xf32, #tpu.memory_space<vmem>>, %arg13: memref<8000x32xf32, #tpu.memory_space<vmem>>, %arg14: memref<8000x1xf32, #tpu.memory_space<vmem>>) attributes {dimension_semantics = [#tpu.dimension_semantics<arbitrary>], iteration_bounds = array<i64: 100>, scalar_prefetch = 0 : i64, scratch_operands = 0 : i64, tpu.core_type = #tpu.core_type<tc>, window_params = [{transform_indices = @transform_0, window_bounds = array<i64: 8000, 10>}, {pipeline_mode = #tpu.pipeline_mode<synchronous>, transform_indices = @transform_1, window_bounds = array<i64: 10, 32>}, {pipeline_mode = #tpu.pipeline_mode<synchronous>, transform_indices = @transform_2, window_bounds = array<i64: 1, 32>}, {pipeline_mode = #tpu.pipeline_mode<synchronous>, transform_indices = @transform_3, window_bounds = array<i64: 1, 32>}, {pipeline_mode = #tpu.pipeline_mode<synchronous>, transform_indices = @transform_4, window_bounds = array<i64: 1, 32>}, {pipeline_mode = #tpu.pipeline_mode<synchronous>, transform_indices = @transform_5, window_bounds = array<i64: 10, 32>}, {pipeline_mode = #tpu.pipeline_mode<synchronous>, transform_indices = @transform_6, window_bounds = array<i64: 1, 32>}, {pipeline_mode = #tpu.pipeline_mode<synchronous>, transform_indices = @transform_7, window_bounds = array<i64: 1, 32>}, {pipeline_mode = #tpu.pipeline_mode<synchronous>, transform_indices = @transform_8, window_bounds = array<i64: 1, 32>}, {pipeline_mode = #tpu.pipeline_mode<synchronous>, transform_indices = @transform_9, window_bounds = array<i64: 32, 1>}, {pipeline_mode = #tpu.pipeline_mode<synchronous>, transform_indices = @transform_10, window_bounds = array<i64: 1, 1>}, {transform_indices = @transform_11, window_bounds = array<i64: 8000, 32>}, {transform_indices = @transform_12, window_bounds = array<i64: 8000, 32>}, {transform_indices = @transform_13, window_bounds = array<i64: 8000, 1>}]} {
    %get3A = arith.constant 0 : index
    %get3A_0 = arith.constant 0 : index
    %get3A_1 = vector.load %arg1[%get3A, %get3A_0] : memref<8000x10xf32, #tpu.memory_space<vmem>>, vector<8000x10xf32>
    %get3A_2 = arith.constant 0 : index
    %get3A_3 = arith.constant 0 : index
    %get3A_4 = vector.load %arg2[%get3A_2, %get3A_3] : memref<10x32xf32, #tpu.memory_space<vmem>>, vector<10x32xf32>
    %dot_general3A = arith.constant dense<0.000000e+00> : vector<8000x32xf32>
    %dot_general3A_5 = tpu.matmul %get3A_1, %get3A_4, %dot_general3A {dimension_numbers = #tpu.dot_dimension_numbers<[1], [0], [0], [1], [0, 0, 1, 1], [], []>, transpose_lhs_hint = false} : vector<8000x10xf32>, vector<10x32xf32>, vector<8000x32xf32> -> vector<8000x32xf32>
    %get3A_6 = arith.constant 0 : index
    %get3A_7 = arith.constant 0 : index
    %get3A_8 = vector.load %arg3[%get3A_6, %get3A_7] : memref<1x32xf32, #tpu.memory_space<vmem>>, vector<1x32xf32>
    %add3A = vector.broadcast %get3A_8 : vector<1x32xf32> to vector<8000x32xf32>
    %add3A_9 = arith.addf %dot_general3A_5, %add3A : vector<8000x32xf32>
    %swap3A = arith.constant 0 : index
    %swap3A_10 = arith.constant 0 : index
    %swap3A_11 = vector.load %arg13[%swap3A, %swap3A_10] : memref<8000x32xf32, #tpu.memory_space<vmem>>, vector<8000x32xf32>
    tpu.vector_store %arg13[%swap3A, %swap3A_10], %add3A_9 {strides = array<i32>} : memref<8000x32xf32, #tpu.memory_space<vmem>>, vector<8000x32xf32>,
    %get3A_12 = arith.constant 0 : index
    %get3A_13 = arith.constant 0 : index
    %get3A_14 = vector.load %arg4[%get3A_12, %get3A_13] : memref<1x32xf32, #tpu.memory_space<vmem>>, vector<1x32xf32>
    %mul3A = vector.broadcast %get3A_14 : vector<1x32xf32> to vector<8000x32xf32>
    %mul3A_15 = arith.mulf %add3A_9, %mul3A : vector<8000x32xf32>
    %get3A_16 = arith.constant 0 : index
    %get3A_17 = arith.constant 0 : index
    %get3A_18 = vector.load %arg5[%get3A_16, %get3A_17] : memref<1x32xf32, #tpu.memory_space<vmem>>, vector<1x32xf32>
    %add3A_19 = vector.broadcast %get3A_18 : vector<1x32xf32> to vector<8000x32xf32>
    %add3A_20 = arith.addf %mul3A_15, %add3A_19 : vector<8000x32xf32>
    %swap3A_21 = arith.constant 0 : index
    %swap3A_22 = arith.constant 0 : index
    %swap3A_23 = vector.load %arg12[%swap3A_21, %swap3A_22] : memref<8000x32xf32, #tpu.memory_space<vmem>>, vector<8000x32xf32>
    tpu.vector_store %arg12[%swap3A_21, %swap3A_22], %add3A_20 {strides = array<i32>} : memref<8000x32xf32, #tpu.memory_space<vmem>>, vector<8000x32xf32>,
    %get3A_24 = arith.constant 0 : index
    %get3A_25 = arith.constant 0 : index
    %get3A_26 = vector.load %arg6[%get3A_24, %get3A_25] : memref<10x32xf32, #tpu.memory_space<vmem>>, vector<10x32xf32>
    %dot_general3A_27 = arith.constant dense<0.000000e+00> : vector<8000x32xf32>
    %dot_general3A_28 = tpu.matmul %get3A_1, %get3A_26, %dot_general3A_27 {dimension_numbers = #tpu.dot_dimension_numbers<[1], [0], [0], [1], [0, 0, 1, 1], [], []>, transpose_lhs_hint = false} : vector<8000x10xf32>, vector<10x32xf32>, vector<8000x32xf32> -> vector<8000x32xf32>
    %get3A_29 = arith.constant 0 : index
    %get3A_30 = arith.constant 0 : index
    %get3A_31 = vector.load %arg7[%get3A_29, %get3A_30] : memref<1x32xf32, #tpu.memory_space<vmem>>, vector<1x32xf32>
    %add3A_32 = vector.broadcast %get3A_31 : vector<1x32xf32> to vector<8000x32xf32>
    %add3A_33 = arith.addf %dot_general3A_28, %add3A_32 : vector<8000x32xf32>
    %get3A_34 = arith.constant 0 : index
    %get3A_35 = arith.constant 0 : index
    %get3A_36 = vector.load %arg8[%get3A_34, %get3A_35] : memref<1x32xf32, #tpu.memory_space<vmem>>, vector<1x32xf32>
    %mul3A_37 = vector.broadcast %get3A_36 : vector<1x32xf32> to vector<8000x32xf32>
    %mul3A_38 = arith.mulf %add3A_33, %mul3A_37 : vector<8000x32xf32>
    %get3A_39 = arith.constant 0 : index
    %get3A_40 = arith.constant 0 : index
    %get3A_41 = vector.load %arg9[%get3A_39, %get3A_40] : memref<1x32xf32, #tpu.memory_space<vmem>>, vector<1x32xf32>
    %add3A_42 = vector.broadcast %get3A_41 : vector<1x32xf32> to vector<8000x32xf32>
    %add3A_43 = arith.addf %mul3A_38, %add3A_42 : vector<8000x32xf32>
    %max3A = arith.constant 0.000000e+00 : f32
    %max3A_44 = vector.broadcast %max3A : f32 to vector<8000x32xf32>
    %max3A_45 = arith.maximumf %add3A_43, %max3A_44 : vector<8000x32xf32>
    %get3A_46 = arith.constant 0 : index
    %get3A_47 = arith.constant 0 : index
    %get3A_48 = vector.load %arg10[%get3A_46, %get3A_47] : memref<32x1xf32, #tpu.memory_space<vmem>>, vector<32x1xf32>
    %dot_general3A_49 = arith.constant dense<0.000000e+00> : vector<8000x1xf32>
    %dot_general3A_50 = tpu.matmul %max3A_45, %get3A_48, %dot_general3A_49 {dimension_numbers = #tpu.dot_dimension_numbers<[1], [0], [0], [1], [0, 0, 1, 1], [], []>, transpose_lhs_hint = false} : vector<8000x32xf32>, vector<32x1xf32>, vector<8000x1xf32> -> vector<8000x1xf32>
    %get3A_51 = arith.constant 0 : index
    %get3A_52 = arith.constant 0 : index
    %get3A_53 = vector.load %arg11[%get3A_51, %get3A_52] : memref<1x1xf32, #tpu.memory_space<vmem>>, vector<1x1xf32>
    %add3A_54 = vector.broadcast %get3A_53 : vector<1x1xf32> to vector<8000x1xf32>
    %add3A_55 = arith.addf %dot_general3A_50, %add3A_54 : vector<8000x1xf32>
    %swap3A_56 = arith.constant 0 : index
    %swap3A_57 = arith.constant 0 : index
    %swap3A_58 = vector.load %arg14[%swap3A_56, %swap3A_57] : memref<8000x1xf32, #tpu.memory_space<vmem>>, vector<8000x1xf32>
    tpu.vector_store %arg14[%swap3A_56, %swap3A_57], %add3A_55 {strides = array<i32>} : memref<8000x1xf32, #tpu.memory_space<vmem>>, vector<8000x1xf32>,
    return
  }
  func.func @transform_0(%arg0: i32) -> (i32, i32) {
    %c0_i32 = arith.constant 0 : i32
    %c0_i32_0 = arith.constant 0 : i32
    return %arg0, %c0_i32 : i32, i32
  }
  func.func @transform_1(%arg0: i32) -> (i32, i32) {
    %c0_i32 = arith.constant 0 : i32
    %c0_i32_0 = arith.constant 0 : i32
    %c0_i32_1 = arith.constant 0 : i32
    return %c0_i32, %c0_i32_0 : i32, i32
  }
  func.func @transform_2(%arg0: i32) -> (i32, i32) {
    %c0_i32 = arith.constant 0 : i32
    %c0_i32_0 = arith.constant 0 : i32
    %c0_i32_1 = arith.constant 0 : i32
    return %c0_i32, %c0_i32_0 : i32, i32
  }
  func.func @transform_3(%arg0: i32) -> (i32, i32) {
    %c0_i32 = arith.constant 0 : i32
    %c0_i32_0 = arith.constant 0 : i32
    %c0_i32_1 = arith.constant 0 : i32
    return %c0_i32, %c0_i32_0 : i32, i32
  }
  func.func @transform_4(%arg0: i32) -> (i32, i32) {
    %c0_i32 = arith.constant 0 : i32
    %c0_i32_0 = arith.constant 0 : i32
    %c0_i32_1 = arith.constant 0 : i32
    return %c0_i32, %c0_i32_0 : i32, i32
  }
  func.func @transform_5(%arg0: i32) -> (i32, i32) {
    %c0_i32 = arith.constant 0 : i32
    %c0_i32_0 = arith.constant 0 : i32
    %c0_i32_1 = arith.constant 0 : i32
    return %c0_i32, %c0_i32_0 : i32, i32
  }
  func.func @transform_6(%arg0: i32) -> (i32, i32) {
    %c0_i32 = arith.constant 0 : i32
    %c0_i32_0 = arith.constant 0 : i32
    %c0_i32_1 = arith.constant 0 : i32
    return %c0_i32, %c0_i32_0 : i32, i32
  }
  func.func @transform_7(%arg0: i32) -> (i32, i32) {
    %c0_i32 = arith.constant 0 : i32
    %c0_i32_0 = arith.constant 0 : i32
    %c0_i32_1 = arith.constant 0 : i32
    return %c0_i32, %c0_i32_0 : i32, i32
  }
  func.func @transform_8(%arg0: i32) -> (i32, i32) {
    %c0_i32 = arith.constant 0 : i32
    %c0_i32_0 = arith.constant 0 : i32
    %c0_i32_1 = arith.constant 0 : i32
    return %c0_i32, %c0_i32_0 : i32, i32
  }
  func.func @transform_9(%arg0: i32) -> (i32, i32) {
    %c0_i32 = arith.constant 0 : i32
    %c0_i32_0 = arith.constant 0 : i32
    %c0_i32_1 = arith.constant 0 : i32
    return %c0_i32, %c0_i32_0 : i32, i32
  }
  func.func @transform_10(%arg0: i32) -> (i32, i32) {
    %c0_i32 = arith.constant 0 : i32
    %c0_i32_0 = arith.constant 0 : i32
    %c0_i32_1 = arith.constant 0 : i32
    return %c0_i32, %c0_i32_0 : i32, i32
  }
  func.func @transform_11(%arg0: i32) -> (i32, i32) {
    %c0_i32 = arith.constant 0 : i32
    %c0_i32_0 = arith.constant 0 : i32
    return %arg0, %c0_i32 : i32, i32
  }
  func.func @transform_12(%arg0: i32) -> (i32, i32) {
    %c0_i32 = arith.constant 0 : i32
    %c0_i32_0 = arith.constant 0 : i32
    return %arg0, %c0_i32 : i32, i32
  }
  func.func @transform_13(%arg0: i32) -> (i32, i32) {
    %c0_i32 = arith.constant 0 : i32
    %c0_i32_0 = arith.constant 0 : i32
    return %arg0, %c0_i32 : i32, i32
  }
}

</mosaic_0001>

<sc_bundles>
// kernel: scatter_offload_async_start.1
scs
__scs_entry_jumppad:
0x0: {  	(pc) =	sbr.rel $0x88, $3  }
0x1: {  	(tag) =	ssettag $0x0;
	lr =	simm.s32 $0x1  }
0x2: {  	[smem:$0x3F91] =	sst lr;
	_ =	strace $0xD0000000  }
0x3: {  	_ = 	snop  }
0x4: {  	_ = 	snop  }
0x5: {  	_ = 	snop  }
0x6: {  	_ = 	snop  }
0x7: {  	_ = 	snop  }
__scs_overlays_trampoline_lowered:
0x8: {  	[smem:$0x3FA0] =	sst s0  }
0x9: {  	[smem:$0x3FA1] =	sst s1  }
0xa: {  	[smem:$0x3FA2] =	sst s2  }
0xb: {  	[smem:$0x3FA3] =	sst s3  }
0xc: {  	[smem:$0x3FA4] =	sst s4  }
0xd: {  	[smem:$0x3FA5] =	sst s5  }
0xe: {  	[smem:$0x3FA6] =	sst s6  }
0xf: {  	[smem:$0x3FA7] =	sst s7  }
0x10: {  	[smem:$0x3FA8] =	sst s8  }
0x11: {  	[smem:$0x3FA9] =	sst s9;
	s0 =	simm.s32 @!p0 $0x0  }
0x12: {  	s1 =	sld [smem:$0x3F8F];
	s0 =	simm.s32 @p0 $0x1  }
0x13: {  	[smem:$0x3FAA] =	sst s0;
	s0 =	simm.s32 @!p1 $0x0  }
0x14: {  	s2 =	sld [smem:$0x3F8E];
	s0 =	simm.s32 @p1 $0x1  }
0x15: {  	[smem:$0x3FAB] =	sst s0;
	s0 =	simm.s32 @!p2 $0x0  }
0x16: {  	s3 =	sld [smem:$0x3FDB];
	s0 =	simm.s32 @p2 $0x1  }
0x17: {  	s4 =	simm.s32 $0x1BF5;
	[smem:$0x3FAD] =	sst s0  }
0x18: {  	s0 =	sld [smem:$0x3F90];
	_ =	swait.ge [sflag:s4], $0x0  }
0x19: {  	s7 =	sld [smem:$0x3F91]  }
0x1a: {  	s8 =	sadd.s32 $0xFFFFE003, lr  }
0x1b: {  	s9 =	sadd.s32 $0xFFFFFEF7, lr;
	s5 =	simm.s32 $0xFFFFFFFF;
	p2 =	slt.u32 s8, $0xFFFFF086  }
0x1c: {  	p1 =	slt.u32 s9, $0xF7A;
	s5 =	simm.s32 @!p2 $0x0  }
0x1d: {  	s5 =	simm.s32 @p1 $0x1;
	p0 =	seq.s32 s7, s2  }
0x1e: {  	s7 =	smul.u32 @!p0 $0xF7A, s2;
	p2 =	seq.s32 @!p0 s5, $0x0  }
0x1f: {  	s9 =	smul.u32 $0xF7A, s1;
	s8 =	simm.s32 @!p0 $0x1BF5;
	p2 =	por !p2, p0  }
0x20: {  	[sflag:s8] =	ssyncset.s32 @!p0 $0xFFFFF086;
	s6 =	sadd.s32 @!p0 s3, s7;
	s7 =	simm.s32 @!p0 $0x108  }
0x21: {  	s3 =	sadd.s32 s3, s9;
	s6 =	sadd.s32 @!p0 $0x88, s6;
	s7 =	simm.s32 @p2 $0x1082  }
0x22: {  	[simem:s7], [sflag:s8] =	dma.local @!p0 [hbm:s6], $0xF7A  }
0x23: {  	s9 =	sor.u32 $0xD0000000, s2;
	s6 =	simm.s32 $0x108;
	_ =	swait.ge @!p0 [sflag:s8], $0x0  }
0x24: {  	s3 =	sadd.s32 $0x88, s3;
	s6 =	simm.s32 @!p1 $0x1082;
	[sflag:s4] =	ssyncset.s32 $0xFFFFF086  }
0x25: {  	[simem:s6], [sflag:s4] =	dma.local [hbm:s3], $0xF7A  }
0x26: {  	[smem:$0x3F91] =	sst s1;
	(tag) =	ssettag s2;
	_ =	strace s9  }
0x27: {  	s1 =	sld [smem:$0x3FA1]  }
0x28: {  	s2 =	sld [smem:$0x3FA2]  }
0x29: {  	s4 =	sld [smem:$0x3FA4]  }
0x2a: {  	p0 =	seq.s32 s5, $0x0;
	s5 =	sld [smem:$0x3FA5]  }
0x2b: {  	s6 =	sld [smem:$0x3FA6]  }
0x2c: {  	s7 =	sld [smem:$0x3FA7]  }
0x2d: {  	s3 =	simm.s32 $0x108;
	s8 =	sld [smem:$0x3FA8]  }
0x2e: {  	s3 =	simm.s32 @!p0 $0x1082;
	s9 =	sld [smem:$0x3FA9]  }
0x2f: {  	lr =	sadd.s32 s0, s3;
	s0 =	sld [smem:$0x3FA0]  }
0x30: {  	s3 =	sld [smem:$0x3FA3]  }
0x31: {  	[smem:$0x3FAC] =	sst s10  }
0x32: {  	s10 =	sld [smem:$0x3FAA];
	_ =	sdelay $0x3  }
0x33: {  	p0 =	seq.s32 s10, $0x1;
	s10 =	sld [smem:$0x3FAC];
	_ =	sdelay $0x3  }
0x34: {  	[smem:$0x3FAC] =	sst s10  }
0x35: {  	s10 =	sld [smem:$0x3FAB];
	_ =	sdelay $0x3  }
0x36: {  	p1 =	seq.s32 s10, $0x1;
	s10 =	sld [smem:$0x3FAC];
	_ =	sdelay $0x3  }
0x37: {  	[smem:$0x3FAC] =	sst s10  }
0x38: {  	s10 =	sld [smem:$0x3FAD]  }
0x39: {  	_ = 	snop;
	(pc) =	sbr.ind lr, $3  }
0x3a: {  	_ = 	snop  }
0x3b: {  	_ = 	snop  }
0x3c: {  	p2 =	seq.s32 s10, $0x1;
	s10 =	sld [smem:$0x3FAC]  }
0x3d: {  	_ =	shalt  }
0x3e: {  	_ =	shalt  }
0x3f: {  	_ =	shalt  }
0x40: {  	_ =	shalt  }
0x41: {  	_ =	shalt  }
0x42: {  	_ =	shalt  }
0x43: {  	_ =	shalt  }
0x44: {  	_ =	shalt  }
0x45: {  	_ =	shalt  }
0x46: {  	_ =	shalt  }
0x47: {  	_ =	shalt  }
0x48: {  	_ =	shalt  }
0x49: {  	_ =	shalt  }
0x4a: {  	_ =	shalt  }
0x4b: {  	_ =	shalt  }
0x4c: {  	_ =	shalt  }
0x4d: {  	_ =	shalt  }
0x4e: {  	_ =	shalt  }
0x4f: {  	_ =	shalt  }
0x50: {  	_ =	shalt  }
0x51: {  	_ =	shalt  }
0x52: {  	_ =	shalt  }
0x53: {  	_ =	shalt  }
0x54: {  	_ =	shalt  }
0x55: {  	_ =	shalt  }
0x56: {  	_ =	shalt  }
0x57: {  	_ =	shalt  }
0x58: {  	_ =	shalt  }
0x59: {  	_ =	shalt  }
0x5a: {  	_ =	shalt  }
0x5b: {  	_ =	shalt  }
0x5c: {  	_ =	shalt  }
0x5d: {  	_ =	shalt  }
0x5e: {  	_ =	shalt  }
0x5f: {  	_ =	shalt  }
0x60: {  	_ =	shalt  }
0x61: {  	_ =	shalt  }
0x62: {  	_ =	shalt  }
0x63: {  	_ =	shalt  }
0x64: {  	_ =	shalt  }
0x65: {  	_ =	shalt  }
0x66: {  	_ =	shalt  }
0x67: {  	_ =	shalt  }
0x68: {  	_ =	shalt  }
0x69: {  	_ =	shalt  }
0x6a: {  	_ =	shalt  }
0x6b: {  	_ =	shalt  }
0x6c: {  	_ =	shalt  }
0x6d: {  	_ =	shalt  }
0x6e: {  	_ =	shalt  }
0x6f: {  	_ =	shalt  }
0x70: {  	_ =	shalt  }
0x71: {  	_ =	shalt  }
0x72: {  	_ =	shalt  }
0x73: {  	_ =	shalt  }
0x74: {  	_ =	shalt  }
0x75: {  	_ =	shalt  }
0x76: {  	_ =	shalt  }
0x77: {  	_ =	shalt  }
0x78: {  	_ =	shalt  }
0x79: {  	_ =	shalt  }
0x7a: {  	_ =	shalt  }
0x7b: {  	_ =	shalt  }
0x7c: {  	_ =	shalt  }
0x7d: {  	_ =	shalt  }
0x7e: {  	_ =	shalt  }
0x7f: {  	_ =	shalt  }
0x80: {  	_ =	shalt  }
0x81: {  	_ =	shalt  }
0x82: {  	_ =	shalt  }
0x83: {  	_ =	shalt  }
0x84: {  	_ =	shalt  }
0x85: {  	_ =	shalt  }
0x86: {  	_ =	shalt  }
0x87: {  	_ =	shalt  }
.Lfunc_end0:
.L_simem_size_0:
called_computation.1_lowered:
.L_overlay_start_0:
0x88: {  	s2 =	sld [smem:$0x3FD9]  }
0x89: {  	s3 =	sld [smem:$0x3FFE];
	_ =	sdelay $0x1  }
0x8a: {  	s1 =	srdreg.scid  }
0x8b: {  	s0 =	sand.u32 $0x1, s1  }
0x8c: {  	s12 =	sshll.u32 s0, $0xA;
	s2 =	sadd.s32 s3, s2  }
0x8d: {  	s2 =	sadd.s32 s2, s12  }
0x8e: {  	[smem:$0x3FB8] =	sst s2  }
0x8f: {  	_ = 	snop  }
0x90: {  	s13 =	sld [smem:$0x3FBA]  }
0x91: {  	s5 =	sld [smem:$0x3FD0];
	(tm) =	ssettm $0x1  }
0x92: {  	s14 =	sld [smem:$0x3FFB];
	_ =	sdelay $0x3  }
0x93: {  	_ =	strace s14  }
0x94: {  	s2 =	sld [smem:$0x3FFC];
	_ =	sdelay $0x3  }
0x95: {  	_ =	strace s2  }
0x96: {  	s2 =	sld [smem:$0x3FFD];
	_ =	sdelay $0x3  }
0x97: {  	_ =	strace s2  }
0x98: {  	_ =	strace $0x8FFFFFFF  }
0x99: {  	s15 =	sld [smem:$0x3FDB];
	_ =	sdelay $0x1  }
0x9a: {  	s4 =	simm.s32 $_scs_section_size  }
0x9b: {  	s6 =	simm.s32 $_size__tile_overlayer_lowered;
	s7 =	simm.s32 $_tile_overlayer_lowered  }
0x9c: {  	s19 =	simm.s32 $0x1BFF;
	s17 =	sshll.u32 s7, $0x1;
	s8 =	sadd.s32 s4, s15  }
0x9d: {  	s20 =	simm.s32 $0x0;
	s16 =	sshll.u32 s6, $0x1;
	s18 =	sadd.s32 s17, s8  }
0x9e: {  	[timem:s20], [sflag:s19] =	dma.local [hbm:s18], s16  }
0x9f: {  	_ =	swait.ge [sflag:s19], s16  }
0xa0: {  	s4 =	ssub.s32 $0x0, s16;
	[sflag:s19] =	ssyncset.done $0x0  }
0xa1: {  	[sflag:s19] =	ssyncadd.s32 s4;
	_ =	sdelay $0x1  }
0xa2: {  	s21 =	simm.s32 $0x1B8B  }
0xa3: {  	_ =	swait.ge [sflag:s21], $0x1  }
0xa4: {  	[sflag:s21] =	ssyncset.done $0x0  }
0xa5: {  	[sflag:s21] =	ssyncadd.s32 $0xFFFFFFFF  }
0xa6: {  	s4 =	sld [smem:$0x0]  }
0xa7: {  	s6 =	sand.u32 $0xFFFFFFFE, s1  }
0xa8: {  	p0 =	sne.s32 s1, s6  }
0xa9: {  	s6 =	sshll.u32 @p0 s6, $0xE  }
0xaa: {  	s7 =	sadd.s32 @p0 $0x11B8D, s6;
	s9 =	sshll.u32 @p0 s4, $0x11  }
0xab: {  	s7 =	sor.u32 @p0 s9, s7  }
0xac: {  	[sflag:s7] =	ssyncadd.remote.s32 @p0 $0x1;
	_ =	sdelay $0x1  }
0xad: {  	s7 =	simm.s32 @p0 $0x1B8D  }
0xae: {  	_ =	swait.eq @p0 [sflag:s7], $0x1  }
0xaf: {  	[sflag:s7] =	ssyncadd.s32 @p0 $0xFFFFFFFF  }
0xb0: {  	s9 =	sshll.u32 @!p0 s1, $0xE  }
0xb1: {  	s9 =	sor.u32 @!p0 $0x4000, s9;
	s7 =	simm.s32 @!p0 $0x1B8D  }
0xb2: {  	s11 =	sshll.u32 @!p0 s4, $0x11;
	s10 =	sadd.s32 @!p0 $0x11B8D, s9;
	_ =	swait.eq @!p0 [sflag:s7], $0x1  }
0xb3: {  	[sflag:s7] =	ssyncadd.s32 @!p0 $0xFFFFFFFF;
	s7 =	sor.u32 @!p0 s11, s10  }
0xb4: {  	s23 =	simm.s32 $0x1B8E;
	s22 =	sld [smem:$0x3FFE];
	[sflag:s7] =	ssyncadd.remote.s32 @!p0 $0x1  }
0xb5: {  	s24 =	simm.s32 $execute0_lowered;
	[smem:$0x3FD2] =	sst s23  }
0xb6: {  	s10 =	sshll.u32 s24, $0x1;
	_ =	strace $0x80000055;
	[dreg:$0x1] =	wrdreg $0xFFFFFFFF  }
0xb7: {  	s25 =	simm.s32 $_size_execute0_lowered;
	s10 =	sadd.s32 s8, s10;
	[dreg:$0x0] =	wrdreg $0x0  }
0xb8: {  	s11 =	sshll.u32 s25, $0x1;
	[dreg:$0x2] =	wrdreg s10  }
0xb9: {  	[dreg:$0x3] =	wrdreg s11  }
0xba: {  	[dreg:$0x4] =	wrdreg $0xC0  }
0xbb: {  	s26 =	simm.s32 $execute1_lowered;
	_ =	task [dreg:s20], $0x5FFFF  }
0xbc: {  	s10 =	sshll.u32 s26, $0x1;
	[dreg:$0x1] =	wrdreg $0xFFFFFFFF  }
0xbd: {  	s8 =	sadd.s32 s8, s10;
	[dreg:$0x0] =	wrdreg $0x60  }
0xbe: {  	[dreg:$0x2] =	wrdreg s8  }
0xbf: {  	[dreg:$0x3] =	wrdreg s5  }
0xc0: {  	[dreg:$0x4] =	wrdreg s22  }
0xc1: {  	[dreg:$0x5] =	wrdreg $0x9  }
0xc2: {  	_ =	task.clear_ibuf [dreg:s20], $0x6FFFF;
	_ =	strace $0x90000055  }
0xc3: {  	s28 =	simm.s32 $0x9;
	_ =	strace $0x80000057  }
0xc4: {  	_ =	swait.ge [sflag:s28], $0x1  }
0xc5: {  	[sflag:s28] =	ssyncadd.s32 $0xFFFFFFFF  }
0xc6: {  	_ =	strace $0x90000057  }
0xc7: {  	s5 =	sld [smem:$0x0];
	_ =	sdelay $0x3  }
0xc8: {  	s6 =	sadd.s32 @p0 $0x11BF3, s6;
	s8 =	sshll.u32 @p0 s5, $0x11  }
0xc9: {  	s6 =	sor.u32 @p0 s8, s6  }
0xca: {  	[sflag:s6] =	ssyncadd.remote.s32 @p0 $0x1;
	_ =	sdelay $0x1  }
0xcb: {  	s6 =	simm.s32 @p0 $0x1BF3  }
0xcc: {  	_ =	swait.eq @p0 [sflag:s6], $0x1  }
0xcd: {  	[sflag:s6] =	ssyncadd.s32 @p0 $0xFFFFFFFF;
	_ =	sdelay $0x1  }
0xce: {  	s6 =	simm.s32 @!p0 $0x1BF3  }
0xcf: {  	s5 =	sshll.u32 @!p0 s5, $0x11;
	s8 =	sadd.s32 @!p0 $0x11BF3, s9;
	_ =	swait.eq @!p0 [sflag:s6], $0x1  }
0xd0: {  	s5 =	sor.u32 @!p0 s5, s8;
	[sflag:s6] =	ssyncadd.s32 @!p0 $0xFFFFFFFF  }
0xd1: {  	[sflag:s5] =	ssyncadd.remote.s32 @!p0 $0x1  }
0xd2: {  	_ =	strace $0x80000058;
	[dreg:$0x1] =	wrdreg $0xFFFFFFFF  }
0xd3: {  	[dreg:$0x0] =	wrdreg $0x2030  }
0xd4: {  	[dreg:$0x2] =	wrdreg s22  }
0xd5: {  	[dreg:$0x3] =	wrdreg s13  }
0xd6: {  	[dreg:$0x4] =	wrdreg s1  }
0xd7: {  	[dreg:$0x5] =	wrdreg s4  }
0xd8: {  	[dreg:$0x6] =	wrdreg $0xA  }
0xd9: {  	_ =	task.clear_ibuf [dreg:s20], $0x7FFFF;
	_ =	strace $0x90000058  }
0xda: {  	s29 =	simm.s32 $0xA;
	_ =	strace $0x8000005A  }
0xdb: {  	_ =	swait.ge [sflag:s29], $0x1  }
0xdc: {  	[sflag:s29] =	ssyncadd.s32 $0xFFFFFFFF  }
0xdd: {  	_ =	strace $0x9000005A  }
0xde: {  	_ =	sfence  }
0xdf: {  	s30 =	sld [smem:$0x0];
	_ =	sdelay $0x2  }
0xe0: {  	s31 =	sshll.u32 s1, $0xD;
	s1 =	sshrl.u32 s1, $0x2  }
0xe1: {  	s4 =	sand.u32 $0x4000, s31;
	s1 =	sadd.s32 s1, s30  }
0xe2: {  	s0 =	sor.u32 s4, s0;
	s1 =	sshll.u32 s1, $0x11  }
0xe3: {  	s0 =	sor.u32 s1, s0  }
0xe4: {  	s0 =	sadd.s32 $0x8F2B, s0  }
0xe5: {  	[sflag:s0] =	ssyncadd.remote.s32 $0x1  }
0xe6: {  	_ =	sfence.sel $0xFFFF  }
0xe7: {  	[dreg:$0x0] =	wrdreg $0xFFFFFFFF;
	(pc) =	sbr.abs _section_cstart, $3  }
0xe8: {  	[dreg:$0x1] =	wrdreg $0xFFFFFFFF  }
0xe9: {  	_ =	task.clear_ibuf [dreg:s20], $0x2FFFF;
	_ =	strace $0x9FFFFFFF  }
0xea: {  	(tm) =	ssettm $0x7FFFFFFF  }
0xeb: {  	_ =	shalt  }
tec
execute0_lowered:
.L_overlay_start_1:
0x0: {  	(tag) =	ssettag $0x1  }
0x1: {  	s3 =	rddreg [dreg:$0x0]  }
0x2: {  	s2 =	rddreg [dreg:$0x1]  }
0x3: {  	s5 =	rddreg [dreg:$0x2]  }
0x4: {  	s0 =	rddreg [dreg:$0x3];
	s4 =	stileid.u32  }
0x5: {  	[bflag:$0x3] =	sbarrier.arrive $0xFFFF;
	s1 =	simm.s32 $_size_execute1_lowered;
	s29 =	srdreg.scid  }
0x6: {  	s30 =	simm.s32 $0x2;
	s13 =	simm.s32 $0x0;
	p0 =	sne.s32 s4, $0x0  }
0x7: {  	s1 =	sshll.u32 s1, $0x1;
	s6 =	simm.s32 @!p0 $0x1C3F;
	s7 =	simm.s32 @!p0 $0x4060  }
0x8: {  	[timem:s7], [sflag:s6] =	dma.local @!p0 [hbm:s3], s1  }
0x9: {  	s8 =	simm.s32 $0x20;
	s9 =	simm.s32 $0x80;
	s3 =	sshll.u32 s29, $0x9  }
.Ltmp0:
0xa: {  	s4 =	sshll.u32 s4, $0xA;
	s3 =	sand.u32 $0x200, s3;
	(pc) =	sbr.rel .LBB2_1-.Ltmp0, $4  }
0xb: {  	s11 =	simm.s32 $0x0;
	s12 =	simm.s32 $0x0;
	s3 =	sor.u32 s4, s3  }
0xc: {  	_ =	strace $0x80000056;
	s4 =	simm.s32 $0x1;
	s31 =	ssub.s32 $0x4E00, s3  }
0xd: {  	s5 =	sadd.s32 $0x18EBA00, s5;
	[sflag:s4] =	ssyncpa.u1 $0x0;
	s6 =	sshrl.u32 s31, $0xE  }
0xe: {  	s10 =	smov.u32 s3;
	[sflag:s30] =	ssyncpa.u1 $0x0;
	s7 =	sor.u32 $0x2, s6  }
.LBB2_5:
0xf: {  	_ =	sdelay $0x3  }
0x10: {  	[tilespmem:v1+s16+$0x0 ss:$0x1] =	vst.idx.msk $0xffff, v2  }
0x11: {  	[tilespmem:v1+s17+$0x0 ss:$0x1] =	vst.idx.msk $0xffff, v3  }
.LBB2_6:
0x12: {  	s16 =	sand.u32 $0x1FFFFFF, s11  }
0x13: {  	s17 =	smulhi.u32 $0x1A36E2F, s16;
	_ =	sdelay $0x1  }
0x14: {  	s17 =	sshrl.u32 s17, $0x7  }
0x15: {  	s17 =	smul.u32 $0x4E20, s17;
	_ =	sdelay $0x1  }
0x16: {  	s16 =	ssub.s32 s16, s17  }
0x17: {  	s16 =	sshll.u32 s16, $0x4  }
0x18: {  	s16 =	sadd.s32 s5, s16  }
0x19: {  	[hbm4b:s16+s8] =	stream.strided.scatter [tilespmem:s15], [sflag:$0x2], s14, s9, s8, $0x38;
	[tilespmem:$0x10000] =	vst v63  }
.LBB2_7:
0x1a: {  	p1 =	slt.u32 s12, $0x2  }
0x1b: {  	p2 =	sgt.s32 @!p1 s13, $0x4C20  }
0x1c: {  	s14 =	smov.u32 s13;
	s15 =	sshra.s32 @!p1 s13, $0x1F;
	p2 =	por !p2, p1  }
0x1d: {  	s13 =	sand.u32 @!p1 s15, s13;
	s14 =	simm.s32 @p2 $0x4C20  }
0x1e: {  	s13 =	ssub.s32 @!p1 s14, s13  }
0x1f: {  	s13 =	sadd.s32 @!p1 $0xFFFFB3E0, s13  }
0x20: {  	s14 =	sshll.u32 @!p1 s13, $0x7  }
0x21: {  	p2 =	sgt.s32 @!p1 s13, $0x1FF;
	s13 =	ssub.s32 @!p1 $0x10000, s14  }
0x22: {  	s15 =	sadd.s32 $0x4000, s10;
	p2 =	por !p2, p1;
	s13 =	sshrl.u32 @!p1 s13, $0x2  }
0x23: {  	s13 =	simm.s32 @!p2 $0x0;
	p2 =	sgt.s32 s15, $0x4E1F  }
0x24: {  	s15 =	smov.u32 @p2 s3;
	p2 =	sne.s32 s12, s7  }
.Ltmp1:
0x25: {  	_ = 	snop;
	(pc) =	sbr.rel @!p2 .LBB2_8-.Ltmp1, $4  }
0x26: {  	s14 =	simm.s32 @!p1 $0x2  }
0x27: {  	_ =	swait.ge @!p1 [sflag:s14], s13;
	s16 =	ssub.s32 @!p1 $0x0, s13  }
0x28: {  	s13 =	smov.u32 s11;
	s12 =	sadd.s32 $0x1, s12;
	[sflag:s14] =	ssyncset.done @!p1 $0x0  }
0x29: {  	s11 =	smov.u32 s10;
	s10 =	smov.u32 s15;
	[sflag:s14] =	ssyncadd.s32 @!p1 s16  }
.LBB2_1:
0x2a: {  	p1 =	sgt.u32 s12, s6  }
0x2b: {  	s15 =	smov.u32 s10;
	p2 =	sgt.s32 @!p1 s10, $0x4C20  }
0x2c: {  	s14 =	sand.u32 @!p1 $0x1FFFFFF, s10;
	s16 =	sshra.s32 @!p1 s10, $0x1F;
	p2 =	por !p2, p1  }
0x2d: {  	s17 =	smulhi.u32 @!p1 $0x1A36E2F, s14;
	s16 =	sand.u32 @!p1 s16, s10;
	s15 =	simm.s32 @p2 $0x4C20  }
0x2e: {  	s15 =	ssub.s32 @!p1 s15, s16  }
0x2f: {  	s16 =	sshrl.u32 @!p1 s17, $0x7;
	s15 =	sadd.s32 @!p1 $0xFFFFB3E0, s15  }
0x30: {  	s17 =	sxor.u32 @!p1 $0xFFFFFFFF, s12;
	s16 =	smul.u32 @!p1 $0x4E20, s16;
	s18 =	sshll.u32 @!p1 s15, $0x7  }
0x31: {  	s17 =	sshll.u32 @!p1 s17, $0xE;
	p2 =	sgt.s32 @!p1 s15, $0x1FF;
	s15 =	ssub.s32 @!p1 $0x10000, s18  }
0x32: {  	s14 =	ssub.s32 @!p1 s14, s16;
	p2 =	por !p2, p1;
	s16 =	sand.u32 @!p1 $0x4000, s17  }
0x33: {  	s17 =	simm.s32 @!p1 $0x20;
	s15 =	sshrl.u32 @!p1 s15, $0x2;
	s14 =	sshll.u32 @!p1 s14, $0x4  }
0x34: {  	s18 =	simm.s32 @!p1 $0x80;
	s15 =	simm.s32 @!p2 $0x0;
	s14 =	sadd.s32 @!p1 s2, s14  }
0x35: {  	[tilespmem:s16], [sflag:$0x1] =	stream.strided.gather @!p1 [hbm4b:s14+s17], s15, s18, s17, $0x38;
	[tilespmem:$0x10000] =	vst v63  }
0x36: {  	p1 =	seq.s32 s12, $0x0  }
0x37: {  	p2 =	sge.u32 @!p1 s12, s7  }
0x38: {  	p1 =	por p1, p2  }
.Ltmp2:
0x39: {  	_ = 	snop;
	(pc) =	sbr.rel @p1 .LBB2_7-.Ltmp2, $1  }
0x3a: {  	_ =	sdelay $0x3  }
0x3b: {  	p1 =	sgt.s32 s11, $0x4C20;
	s14 =	smov.u32 s11;
	s15 =	sshra.s32 s11, $0x1F  }
0x3c: {  	s14 =	simm.s32 @!p1 $0x4C20;
	s15 =	sand.u32 s15, s11  }
0x3d: {  	s14 =	ssub.s32 s14, s15  }
0x3e: {  	s14 =	sadd.s32 $0xFFFFB3E0, s14  }
0x3f: {  	s31 =	sshll.u32 s14, $0x7  }
0x40: {  	s15 =	ssub.s32 $0x10000, s31  }
0x41: {  	p1 =	sgt.s32 s14, $0x1FF;
	s14 =	sshrl.u32 s15, $0x2;
	s15 =	sadd.s32 $0x200, s11  }
0x42: {  	s14 =	simm.s32 @p1 $0x0;
	p1 =	slt.s32 s15, $0x4E20  }
0x43: {  	s15 =	simm.s32 @!p1 $0x4E20  }
0x44: {  	s18 =	ssub.s32 s15, s11  }
0x45: {  	p1 =	slt.s32 s18, $0x1  }
.Ltmp3:
0x46: {  	_ = 	snop;
	(pc) =	sbr.rel @p1 .LBB2_6-.Ltmp3, $4  }
0x47: {  	_ = 	snop  }
0x48: {  	s16 =	sshll.u32 s12, $0xE;
	_ =	swait.ge [sflag:s4], s14  }
0x49: {  	s16 =	sand.u32 $0x4000, s16;
	s17 =	ssub.s32 $0x0, s14;
	[sflag:s4] =	ssyncset.done $0x0  }
0x4a: {  	s15 =	sor.u32 $0x8000, s16;
	[sflag:s4] =	ssyncadd.s32 s17  }
0x4b: {  	v0 =	vmov s16;
	_ =	sdelay $0x2  }
0x4c: {  	s31 =	simm.s32 $0x0;
	p1 =	sne.s32 s18, $0x1  }
.Ltmp4:
0x4d: {  	s16 =	sand.u32 $0x3FE0, s31;
	(pc) =	sbr.rel @!p1 .LBB2_5-.Ltmp4, $3  }
0x4e: {  	v1 =	vmov s15;
	s17 =	sor.u32 $0x10, s16;
	v2 =	vld.idx.msk [tilespmem:v0+s16+$0x0 ss:$0x1], $0xffff  }
0x4f: {  	v3 =	vld.idx.msk [tilespmem:v0+s17+$0x0 ss:$0x1], $0xffff;
	_ =	sdelay $0x1  }
0x50: {  	s18 =	sadd.s32 $0xFFFFFFFF, s18;
	s19 =	simm.s32 $0x20  }
.LBB2_4:
0x51: {  	s20 =	sand.u32 $0x3FE0, s19;
	p1 =	sne.s32 s18, $0x1;
	s18 =	sadd.s32 $0xFFFFFFFF, s18  }
.Ltmp5:
0x52: {  	s21 =	sor.u32 $0x10, s20;
	[tilespmem:v1+s16+$0x0 ss:$0x1] =	vst.idx.msk $0xffff, v2;
	v2 =	vld.idx.msk [tilespmem:v0+s20+$0x0 ss:$0x1], $0xffff;
	s16 =	smov.u32 s20;
	(pc) =	sbr.rel @p1 .LBB2_4-.Ltmp5, $2  }
0x53: {  	[tilespmem:v1+s17+$0x0 ss:$0x1] =	vst.idx.msk $0xffff, v3;
	v3 =	vld.idx.msk [tilespmem:v0+s21+$0x0 ss:$0x1], $0xffff;
	s17 =	smov.u32 s21;
	_ =	sdelay $0x2  }
0x54: {  	s19 =	sadd.s32 $0x20, s19  }
.Ltmp6:
0x55: {  	_ = 	snop;
	(pc) =	sbr.rel .LBB2_5-.Ltmp6, $1  }
0x56: {  	_ =	sdelay $0x3  }
.LBB2_8:
0x57: {  	_ =	sfence.sel $0x180000  }
0x58: {  	s2 =	simm.s32 $0x1;
	[bflag:$0x0] =	sbarrier.arrive $0xFFFF  }
0x59: {  	s31 =	simm.s32 $0x2;
	[sflag:s2] =	ssyncpa.u1 $0x1  }
0x5a: {  	[sflag:s31] =	ssyncpa.u1 $0x1  }
0x5b: {  	_ =	strace $0x90000056  }
0x5c: {  	s0 =	sadd.s32 @!p0 $0x100000, s0;
	[bflag:$0x2] =	sbarrier.arrive $0xFFFF  }
0x5d: {  	[sflag:s0] =	ssyncadd.tile.s32 @!p0 $0x1;
	s0 =	simm.s32 @!p0 $0x3F  }
0x5e: {  	_ =	swait.ge @!p0 [sflag:s0], s1  }
0x5f: {  	s1 =	ssub.s32 @!p0 $0x0, s1;
	[sflag:s0] =	ssyncset.done @!p0 $0x0  }
0x60: {  	[sflag:s0] =	ssyncadd.s32 @!p0 s1  }
0x61: {  	[bflag:$0x3] =	sbarrier.arrive $0xFFFF  }
0x62: {  	_ =	shalt  }
.Lfunc_end2:
execute1_lowered:
.L_overlay_start_2:
0x63: {  	(tag) =	ssettag $0x2  }
0x64: {  	s6 =	rddreg [dreg:$0x0]  }
0x65: {  	s3 =	rddreg [dreg:$0x1]  }
0x66: {  	s2 =	rddreg [dreg:$0x2]  }
0x67: {  	s1 =	rddreg [dreg:$0x3];
	_ =	strace $0x80000059;
	s4 =	simm.s32 $0x1  }
0x68: {  	v0 =	vimm.s32 $0x0;
	[sflag:s4] =	ssyncpa.u1 $0x0  }
0x69: {  	[tilespmem:$0x48] =	vst v0  }
0x6a: {  	[tilespmem:$0x58] =	vst v0  }
0x6b: {  	[tilespmem:$0x68] =	vst v0  }
0x6c: {  	[tilespmem:$0x78] =	vst v0  }
0x6d: {  	[tilespmem:$0x88] =	vst v0  }
0x6e: {  	[tilespmem:$0x98] =	vst v0  }
0x6f: {  	[tilespmem:$0xA8] =	vst v0  }
0x70: {  	[tilespmem:$0xB8] =	vst v0  }
0x71: {  	[tilespmem:$0xC8] =	vst v0  }
0x72: {  	[tilespmem:$0xD8] =	vst v0  }
0x73: {  	[tilespmem:$0xE8] =	vst v0  }
0x74: {  	[tilespmem:$0xF8] =	vst v0  }
0x75: {  	[tilespmem:$0x108] =	vst v0  }
0x76: {  	[tilespmem:$0x118] =	vst v0  }
0x77: {  	[tilespmem:$0x128] =	vst v0  }
0x78: {  	[tilespmem:$0x138] =	vst v0  }
0x79: {  	[tilespmem:$0x148] =	vst v0  }
0x7a: {  	[tilespmem:$0x158] =	vst v0  }
0x7b: {  	[tilespmem:$0x168] =	vst v0  }
0x7c: {  	[tilespmem:$0x178] =	vst v0  }
0x7d: {  	[tilespmem:$0x188] =	vst v0  }
0x7e: {  	[tilespmem:$0x198] =	vst v0  }
0x7f: {  	[tilespmem:$0x1A8] =	vst v0  }
0x80: {  	[tilespmem:$0x1B8] =	vst v0  }
0x81: {  	[tilespmem:$0x1C8] =	vst v0  }
0x82: {  	[tilespmem:$0x1D8] =	vst v0  }
0x83: {  	[tilespmem:$0x1E8] =	vst v0  }
0x84: {  	[tilespmem:$0x1F8] =	vst v0  }
0x85: {  	[tilespmem:$0x208] =	vst v0  }
0x86: {  	[tilespmem:$0x218] =	vst v0  }
0x87: {  	[tilespmem:$0x228] =	vst v0  }
0x88: {  	[tilespmem:$0x238] =	vst v0  }
0x89: {  	[tilespmem:$0x248] =	vst v0  }
0x8a: {  	[tilespmem:$0x258] =	vst v0  }
0x8b: {  	[tilespmem:$0x268] =	vst v0  }
0x8c: {  	[tilespmem:$0x278] =	vst v0  }
0x8d: {  	[tilespmem:$0x288] =	vst v0  }
0x8e: {  	[tilespmem:$0x298] =	vst v0  }
0x8f: {  	[tilespmem:$0x2A8] =	vst v0  }
0x90: {  	[tilespmem:$0x2B8] =	vst v0  }
0x91: {  	[tilespmem:$0x2C8] =	vst v0  }
0x92: {  	[tilespmem:$0x2D8] =	vst v0  }
0x93: {  	[tilespmem:$0x2E8] =	vst v0  }
0x94: {  	[tilespmem:$0x2F8] =	vst v0  }
0x95: {  	[tilespmem:$0x308] =	vst v0  }
0x96: {  	[tilespmem:$0x318] =	vst v0  }
0x97: {  	[tilespmem:$0x328] =	vst v0  }
0x98: {  	[tilespmem:$0x338] =	vst v0  }
0x99: {  	[tilespmem:$0x348] =	vst v0  }
0x9a: {  	[tilespmem:$0x358] =	vst v0  }
0x9b: {  	[tilespmem:$0x368] =	vst v0  }
0x9c: {  	[tilespmem:$0x378] =	vst v0  }
0x9d: {  	[tilespmem:$0x388] =	vst v0  }
0x9e: {  	[tilespmem:$0x398] =	vst v0  }
0x9f: {  	[tilespmem:$0x3A8] =	vst v0  }
0xa0: {  	[tilespmem:$0x3B8] =	vst v0  }
0xa1: {  	[tilespmem:$0x3C8] =	vst v0  }
0xa2: {  	[tilespmem:$0x3D8] =	vst v0  }
0xa3: {  	[tilespmem:$0x3E8] =	vst v0  }
0xa4: {  	[tilespmem:$0x3F8] =	vst v0  }
0xa5: {  	[tilespmem:$0x408] =	vst v0  }
0xa6: {  	[tilespmem:$0x418] =	vst v0  }
0xa7: {  	[tilespmem:$0x428] =	vst v0  }
0xa8: {  	[tilespmem:$0x438] =	vst v0  }
0xa9: {  	[tilespmem:$0x448] =	vst v0  }
0xaa: {  	[tilespmem:$0x458] =	vst v0  }
0xab: {  	[tilespmem:$0x468] =	vst v0  }
0xac: {  	[tilespmem:$0x478] =	vst v0  }
0xad: {  	[tilespmem:$0x488] =	vst v0  }
0xae: {  	[tilespmem:$0x498] =	vst v0  }
0xaf: {  	[tilespmem:$0x4A8] =	vst v0  }
0xb0: {  	[tilespmem:$0x4B8] =	vst v0  }
0xb1: {  	[tilespmem:$0x4C8] =	vst v0  }
0xb2: {  	[tilespmem:$0x4D8] =	vst v0  }
0xb3: {  	[tilespmem:$0x4E8] =	vst v0  }
0xb4: {  	[tilespmem:$0x4F8] =	vst v0  }
0xb5: {  	[tilespmem:$0x508] =	vst v0  }
0xb6: {  	[tilespmem:$0x518] =	vst v0  }
0xb7: {  	[tilespmem:$0x528] =	vst v0  }
0xb8: {  	[tilespmem:$0x538] =	vst v0  }
0xb9: {  	[tilespmem:$0x548] =	vst v0  }
0xba: {  	[tilespmem:$0x558] =	vst v0  }
0xbb: {  	[tilespmem:$0x568] =	vst v0  }
0xbc: {  	[tilespmem:$0x578] =	vst v0  }
0xbd: {  	[tilespmem:$0x588] =	vst v0  }
0xbe: {  	[tilespmem:$0x598] =	vst v0  }
0xbf: {  	[tilespmem:$0x5A8] =	vst v0  }
0xc0: {  	[tilespmem:$0x5B8] =	vst v0  }
0xc1: {  	[tilespmem:$0x5C8] =	vst v0  }
0xc2: {  	[tilespmem:$0x5D8] =	vst v0  }
0xc3: {  	[tilespmem:$0x5E8] =	vst v0  }
0xc4: {  	[tilespmem:$0x5F8] =	vst v0  }
0xc5: {  	[tilespmem:$0x608] =	vst v0  }
0xc6: {  	[tilespmem:$0x618] =	vst v0  }
0xc7: {  	[tilespmem:$0x628] =	vst v0  }
0xc8: {  	[tilespmem:$0x638] =	vst v0  }
0xc9: {  	[tilespmem:$0x648] =	vst v0  }
0xca: {  	[tilespmem:$0x658] =	vst v0  }
0xcb: {  	[tilespmem:$0x668] =	vst v0  }
0xcc: {  	[tilespmem:$0x678] =	vst v0  }
0xcd: {  	[tilespmem:$0x688] =	vst v0  }
0xce: {  	[tilespmem:$0x698] =	vst v0  }
0xcf: {  	[tilespmem:$0x6A8] =	vst v0  }
0xd0: {  	[tilespmem:$0x6B8] =	vst v0  }
0xd1: {  	[tilespmem:$0x6C8] =	vst v0  }
0xd2: {  	[tilespmem:$0x6D8] =	vst v0  }
0xd3: {  	[tilespmem:$0x6E8] =	vst v0  }
0xd4: {  	[tilespmem:$0x6F8] =	vst v0  }
0xd5: {  	[tilespmem:$0x708] =	vst v0  }
0xd6: {  	[tilespmem:$0x718] =	vst v0  }
0xd7: {  	[tilespmem:$0x728] =	vst v0  }
0xd8: {  	[tilespmem:$0x738] =	vst v0  }
0xd9: {  	[tilespmem:$0x748] =	vst v0  }
0xda: {  	[tilespmem:$0x758] =	vst v0  }
0xdb: {  	[tilespmem:$0x768] =	vst v0  }
0xdc: {  	[tilespmem:$0x778] =	vst v0  }
0xdd: {  	[tilespmem:$0x788] =	vst v0  }
0xde: {  	[tilespmem:$0x798] =	vst v0  }
0xdf: {  	[tilespmem:$0x7A8] =	vst v0  }
0xe0: {  	[tilespmem:$0x7B8] =	vst v0  }
0xe1: {  	[tilespmem:$0x7C8] =	vst v0  }
0xe2: {  	[tilespmem:$0x7D8] =	vst v0  }
0xe3: {  	[tilespmem:$0x7E8] =	vst v0  }
0xe4: {  	[tilespmem:$0x7F8] =	vst v0  }
0xe5: {  	[tilespmem:$0x808] =	vst v0  }
0xe6: {  	[tilespmem:$0x818] =	vst v0  }
0xe7: {  	[tilespmem:$0x828] =	vst v0  }
0xe8: {  	[tilespmem:$0x838] =	vst v0  }
0xe9: {  	[tilespmem:$0x848] =	vst v0  }
0xea: {  	[tilespmem:$0x858] =	vst v0  }
0xeb: {  	[tilespmem:$0x868] =	vst v0  }
0xec: {  	[tilespmem:$0x878] =	vst v0  }
0xed: {  	[tilespmem:$0x888] =	vst v0  }
0xee: {  	[tilespmem:$0x898] =	vst v0  }
0xef: {  	[tilespmem:$0x8A8] =	vst v0  }
0xf0: {  	[tilespmem:$0x8B8] =	vst v0  }
0xf1: {  	[tilespmem:$0x8C8] =	vst v0  }
0xf2: {  	[tilespmem:$0x8D8] =	vst v0  }
0xf3: {  	[tilespmem:$0x8E8] =	vst v0  }
0xf4: {  	[tilespmem:$0x8F8] =	vst v0  }
0xf5: {  	[tilespmem:$0x908] =	vst v0  }
0xf6: {  	[tilespmem:$0x918] =	vst v0  }
0xf7: {  	[tilespmem:$0x928] =	vst v0  }
0xf8: {  	[tilespmem:$0x938] =	vst v0  }
0xf9: {  	[tilespmem:$0x948] =	vst v0  }
0xfa: {  	[tilespmem:$0x958] =	vst v0  }
0xfb: {  	[tilespmem:$0x968] =	vst v0  }
0xfc: {  	[tilespmem:$0x978] =	vst v0  }
0xfd: {  	[tilespmem:$0x988] =	vst v0  }
0xfe: {  	[tilespmem:$0x998] =	vst v0  }
0xff: {  	[tilespmem:$0x9A8] =	vst v0  }
0x100: {  	[tilespmem:$0x9B8] =	vst v0  }
0x101: {  	[tilespmem:$0x9C8] =	vst v0  }
0x102: {  	[tilespmem:$0x9D8] =	vst v0  }
0x103: {  	[tilespmem:$0x9E8] =	vst v0  }
0x104: {  	[tilespmem:$0x9F8] =	vst v0  }
0x105: {  	[tilespmem:$0xA08] =	vst v0  }
0x106: {  	[tilespmem:$0xA18] =	vst v0  }
0x107: {  	[tilespmem:$0xA28] =	vst v0  }
0x108: {  	[tilespmem:$0xA38] =	vst v0  }
0x109: {  	[tilespmem:$0xA48] =	vst v0  }
0x10a: {  	[tilespmem:$0xA58] =	vst v0  }
0x10b: {  	[tilespmem:$0xA68] =	vst v0  }
0x10c: {  	[tilespmem:$0xA78] =	vst v0  }
0x10d: {  	[tilespmem:$0xA88] =	vst v0  }
0x10e: {  	[tilespmem:$0xA98] =	vst v0  }
0x10f: {  	[tilespmem:$0xAA8] =	vst v0  }
0x110: {  	[tilespmem:$0xAB8] =	vst v0  }
0x111: {  	[tilespmem:$0xAC8] =	vst v0  }
0x112: {  	[tilespmem:$0xAD8] =	vst v0  }
0x113: {  	[tilespmem:$0xAE8] =	vst v0  }
0x114: {  	[tilespmem:$0xAF8] =	vst v0  }
0x115: {  	[tilespmem:$0xB08] =	vst v0  }
0x116: {  	[tilespmem:$0xB18] =	vst v0  }
0x117: {  	[tilespmem:$0xB28] =	vst v0  }
0x118: {  	[tilespmem:$0xB38] =	vst v0  }
0x119: {  	[tilespmem:$0xB48] =	vst v0  }
0x11a: {  	[tilespmem:$0xB58] =	vst v0  }
0x11b: {  	[tilespmem:$0xB68] =	vst v0  }
0x11c: {  	[tilespmem:$0xB78] =	vst v0  }
0x11d: {  	[tilespmem:$0xB88] =	vst v0  }
0x11e: {  	[tilespmem:$0xB98] =	vst v0  }
0x11f: {  	[tilespmem:$0xBA8] =	vst v0  }
0x120: {  	[tilespmem:$0xBB8] =	vst v0  }
0x121: {  	[tilespmem:$0xBC8] =	vst v0  }
0x122: {  	[tilespmem:$0xBD8] =	vst v0  }
0x123: {  	[tilespmem:$0xBE8] =	vst v0  }
0x124: {  	[tilespmem:$0xBF8] =	vst v0  }
0x125: {  	[tilespmem:$0xC08] =	vst v0  }
0x126: {  	[tilespmem:$0xC18] =	vst v0  }
0x127: {  	[tilespmem:$0xC28] =	vst v0  }
0x128: {  	[tilespmem:$0xC38] =	vst v0  }
0x129: {  	[tilespmem:$0xC48] =	vst v0  }
0x12a: {  	[tilespmem:$0xC58] =	vst v0  }
0x12b: {  	[tilespmem:$0xC68] =	vst v0  }
0x12c: {  	[tilespmem:$0xC78] =	vst v0  }
0x12d: {  	[tilespmem:$0xC88] =	vst v0  }
0x12e: {  	[tilespmem:$0xC98] =	vst v0  }
0x12f: {  	[tilespmem:$0xCA8] =	vst v0  }
0x130: {  	[tilespmem:$0xCB8] =	vst v0  }
0x131: {  	[tilespmem:$0xCC8] =	vst v0  }
0x132: {  	[tilespmem:$0xCD8] =	vst v0  }
0x133: {  	[tilespmem:$0xCE8] =	vst v0  }
0x134: {  	[tilespmem:$0xCF8] =	vst v0  }
0x135: {  	[tilespmem:$0xD08] =	vst v0  }
0x136: {  	[tilespmem:$0xD18] =	vst v0  }
0x137: {  	[tilespmem:$0xD28] =	vst v0  }
0x138: {  	[tilespmem:$0xD38] =	vst v0  }
0x139: {  	[tilespmem:$0xD48] =	vst v0  }
0x13a: {  	[tilespmem:$0xD58] =	vst v0  }
0x13b: {  	[tilespmem:$0xD68] =	vst v0  }
0x13c: {  	[tilespmem:$0xD78] =	vst v0  }
0x13d: {  	[tilespmem:$0xD88] =	vst v0  }
0x13e: {  	[tilespmem:$0xD98] =	vst v0  }
0x13f: {  	[tilespmem:$0xDA8] =	vst v0  }
0x140: {  	[tilespmem:$0xDB8] =	vst v0  }
0x141: {  	[tilespmem:$0xDC8] =	vst v0  }
0x142: {  	[tilespmem:$0xDD8] =	vst v0  }
0x143: {  	[tilespmem:$0xDE8] =	vst v0  }
0x144: {  	[tilespmem:$0xDF8] =	vst v0  }
0x145: {  	[tilespmem:$0xE08] =	vst v0  }
0x146: {  	[tilespmem:$0xE18] =	vst v0  }
0x147: {  	[tilespmem:$0xE28] =	vst v0  }
0x148: {  	[tilespmem:$0xE38] =	vst v0  }
0x149: {  	[tilespmem:$0xE48] =	vst v0  }
0x14a: {  	[tilespmem:$0xE58] =	vst v0  }
0x14b: {  	[tilespmem:$0xE68] =	vst v0  }
0x14c: {  	[tilespmem:$0xE78] =	vst v0  }
0x14d: {  	[tilespmem:$0xE88] =	vst v0  }
0x14e: {  	[tilespmem:$0xE98] =	vst v0  }
0x14f: {  	[tilespmem:$0xEA8] =	vst v0  }
0x150: {  	[tilespmem:$0xEB8] =	vst v0  }
0x151: {  	[tilespmem:$0xEC8] =	vst v0  }
0x152: {  	[tilespmem:$0xED8] =	vst v0  }
0x153: {  	[tilespmem:$0xEE8] =	vst v0  }
0x154: {  	[tilespmem:$0xEF8] =	vst v0  }
0x155: {  	[tilespmem:$0xF08] =	vst v0  }
0x156: {  	[tilespmem:$0xF18] =	vst v0  }
0x157: {  	[tilespmem:$0xF28] =	vst v0  }
0x158: {  	[tilespmem:$0xF38] =	vst v0  }
0x159: {  	[tilespmem:$0xF48] =	vst v0  }
0x15a: {  	[tilespmem:$0xF58] =	vst v0  }
0x15b: {  	[tilespmem:$0xF68] =	vst v0  }
0x15c: {  	[tilespmem:$0xF78] =	vst v0  }
0x15d: {  	[tilespmem:$0xF88] =	vst v0  }
0x15e: {  	[tilespmem:$0xF98] =	vst v0  }
0x15f: {  	[tilespmem:$0xFA8] =	vst v0  }
0x160: {  	[tilespmem:$0xFB8] =	vst v0  }
0x161: {  	[tilespmem:$0xFC8] =	vst v0  }
0x162: {  	[tilespmem:$0xFD8] =	vst v0  }
0x163: {  	[tilespmem:$0xFE8] =	vst v0  }
0x164: {  	[tilespmem:$0xFF8] =	vst v0  }
0x165: {  	[tilespmem:$0x1008] =	vst v0  }
0x166: {  	[tilespmem:$0x1018] =	vst v0  }
0x167: {  	[tilespmem:$0x1028] =	vst v0  }
0x168: {  	[tilespmem:$0x1038] =	vst v0  }
0x169: {  	[tilespmem:$0x1048] =	vst v0  }
0x16a: {  	[tilespmem:$0x1058] =	vst v0  }
0x16b: {  	[tilespmem:$0x1068] =	vst v0  }
0x16c: {  	[tilespmem:$0x1078] =	vst v0  }
0x16d: {  	[tilespmem:$0x1088] =	vst v0  }
0x16e: {  	[tilespmem:$0x1098] =	vst v0  }
0x16f: {  	[tilespmem:$0x10A8] =	vst v0  }
0x170: {  	[tilespmem:$0x10B8] =	vst v0  }
0x171: {  	[tilespmem:$0x10C8] =	vst v0  }
0x172: {  	[tilespmem:$0x10D8] =	vst v0  }
0x173: {  	[tilespmem:$0x10E8] =	vst v0  }
0x174: {  	[tilespmem:$0x10F8] =	vst v0  }
0x175: {  	[tilespmem:$0x1108] =	vst v0  }
0x176: {  	[tilespmem:$0x1118] =	vst v0  }
0x177: {  	[tilespmem:$0x1128] =	vst v0  }
0x178: {  	[tilespmem:$0x1138] =	vst v0  }
0x179: {  	[tilespmem:$0x1148] =	vst v0  }
0x17a: {  	[tilespmem:$0x1158] =	vst v0  }
0x17b: {  	[tilespmem:$0x1168] =	vst v0  }
0x17c: {  	[tilespmem:$0x1178] =	vst v0  }
0x17d: {  	[tilespmem:$0x1188] =	vst v0  }
0x17e: {  	[tilespmem:$0x1198] =	vst v0  }
0x17f: {  	[tilespmem:$0x11A8] =	vst v0  }
0x180: {  	[tilespmem:$0x11B8] =	vst v0  }
0x181: {  	[tilespmem:$0x11C8] =	vst v0  }
0x182: {  	[tilespmem:$0x11D8] =	vst v0  }
0x183: {  	[tilespmem:$0x11E8] =	vst v0  }
0x184: {  	[tilespmem:$0x11F8] =	vst v0  }
0x185: {  	[tilespmem:$0x1208] =	vst v0  }
0x186: {  	[tilespmem:$0x1218] =	vst v0  }
0x187: {  	[tilespmem:$0x1228] =	vst v0  }
0x188: {  	[tilespmem:$0x1238] =	vst v0  }
0x189: {  	[tilespmem:$0x1248] =	vst v0  }
0x18a: {  	[tilespmem:$0x1258] =	vst v0  }
0x18b: {  	[tilespmem:$0x1268] =	vst v0  }
0x18c: {  	[tilespmem:$0x1278] =	vst v0  }
0x18d: {  	[tilespmem:$0x1288] =	vst v0  }
0x18e: {  	[tilespmem:$0x1298] =	vst v0  }
0x18f: {  	[tilespmem:$0x12A8] =	vst v0  }
0x190: {  	[tilespmem:$0x12B8] =	vst v0  }
0x191: {  	[tilespmem:$0x12C8] =	vst v0  }
0x192: {  	[tilespmem:$0x12D8] =	vst v0  }
0x193: {  	[tilespmem:$0x12E8] =	vst v0  }
0x194: {  	[tilespmem:$0x12F8] =	vst v0  }
0x195: {  	[tilespmem:$0x1308] =	vst v0  }
0x196: {  	[tilespmem:$0x1318] =	vst v0  }
0x197: {  	[tilespmem:$0x1328] =	vst v0  }
0x198: {  	[tilespmem:$0x1338] =	vst v0  }
0x199: {  	[tilespmem:$0x1348] =	vst v0  }
0x19a: {  	[tilespmem:$0x1358] =	vst v0  }
0x19b: {  	[tilespmem:$0x1368] =	vst v0  }
0x19c: {  	[tilespmem:$0x1378] =	vst v0  }
0x19d: {  	[tilespmem:$0x1388] =	vst v0  }
0x19e: {  	[tilespmem:$0x1398] =	vst v0  }
0x19f: {  	[tilespmem:$0x13A8] =	vst v0  }
0x1a0: {  	[tilespmem:$0x13B8] =	vst v0  }
0x1a1: {  	[tilespmem:$0x13C8] =	vst v0  }
0x1a2: {  	[tilespmem:$0x13D8] =	vst v0  }
0x1a3: {  	[tilespmem:$0x13E8] =	vst v0  }
0x1a4: {  	[tilespmem:$0x13F8] =	vst v0  }
0x1a5: {  	[tilespmem:$0x1408] =	vst v0  }
0x1a6: {  	[tilespmem:$0x1418] =	vst v0  }
0x1a7: {  	[tilespmem:$0x1428] =	vst v0  }
0x1a8: {  	[tilespmem:$0x1438] =	vst v0  }
0x1a9: {  	[tilespmem:$0x1448] =	vst v0  }
0x1aa: {  	[tilespmem:$0x1458] =	vst v0  }
0x1ab: {  	[tilespmem:$0x1468] =	vst v0  }
0x1ac: {  	[tilespmem:$0x1478] =	vst v0  }
0x1ad: {  	[tilespmem:$0x1488] =	vst v0  }
0x1ae: {  	[tilespmem:$0x1498] =	vst v0  }
0x1af: {  	[tilespmem:$0x14A8] =	vst v0  }
0x1b0: {  	[tilespmem:$0x14B8] =	vst v0  }
0x1b1: {  	[tilespmem:$0x14C8] =	vst v0  }
0x1b2: {  	[tilespmem:$0x14D8] =	vst v0  }
0x1b3: {  	[tilespmem:$0x14E8] =	vst v0  }
0x1b4: {  	[tilespmem:$0x14F8] =	vst v0  }
0x1b5: {  	[tilespmem:$0x1508] =	vst v0  }
0x1b6: {  	[tilespmem:$0x1518] =	vst v0  }
0x1b7: {  	[tilespmem:$0x1528] =	vst v0  }
0x1b8: {  	[tilespmem:$0x1538] =	vst v0  }
0x1b9: {  	[tilespmem:$0x1548] =	vst v0  }
0x1ba: {  	[tilespmem:$0x1558] =	vst v0  }
0x1bb: {  	[tilespmem:$0x1568] =	vst v0  }
0x1bc: {  	[tilespmem:$0x1578] =	vst v0  }
0x1bd: {  	[tilespmem:$0x1588] =	vst v0  }
0x1be: {  	[tilespmem:$0x1598] =	vst v0  }
0x1bf: {  	[tilespmem:$0x15A8] =	vst v0  }
0x1c0: {  	[tilespmem:$0x15B8] =	vst v0  }
0x1c1: {  	[tilespmem:$0x15C8] =	vst v0  }
0x1c2: {  	[tilespmem:$0x15D8] =	vst v0  }
0x1c3: {  	[tilespmem:$0x15E8] =	vst v0  }
0x1c4: {  	[tilespmem:$0x15F8] =	vst v0  }
0x1c5: {  	[tilespmem:$0x1608] =	vst v0  }
0x1c6: {  	[tilespmem:$0x1618] =	vst v0  }
0x1c7: {  	[tilespmem:$0x1628] =	vst v0  }
0x1c8: {  	[tilespmem:$0x1638] =	vst v0  }
0x1c9: {  	[tilespmem:$0x1648] =	vst v0  }
0x1ca: {  	[tilespmem:$0x1658] =	vst v0  }
0x1cb: {  	[tilespmem:$0x1668] =	vst v0  }
0x1cc: {  	[tilespmem:$0x1678] =	vst v0  }
0x1cd: {  	[tilespmem:$0x1688] =	vst v0  }
0x1ce: {  	[tilespmem:$0x1698] =	vst v0  }
0x1cf: {  	[tilespmem:$0x16A8] =	vst v0  }
0x1d0: {  	[tilespmem:$0x16B8] =	vst v0  }
0x1d1: {  	[tilespmem:$0x16C8] =	vst v0  }
0x1d2: {  	[tilespmem:$0x16D8] =	vst v0  }
0x1d3: {  	[tilespmem:$0x16E8] =	vst v0  }
0x1d4: {  	[tilespmem:$0x16F8] =	vst v0  }
0x1d5: {  	[tilespmem:$0x1708] =	vst v0  }
0x1d6: {  	[tilespmem:$0x1718] =	vst v0  }
0x1d7: {  	[tilespmem:$0x1728] =	vst v0  }
0x1d8: {  	[tilespmem:$0x1738] =	vst v0  }
0x1d9: {  	[tilespmem:$0x1748] =	vst v0  }
0x1da: {  	[tilespmem:$0x1758] =	vst v0  }
0x1db: {  	[tilespmem:$0x1768] =	vst v0  }
0x1dc: {  	[tilespmem:$0x1778] =	vst v0  }
0x1dd: {  	[tilespmem:$0x1788] =	vst v0  }
0x1de: {  	[tilespmem:$0x1798] =	vst v0  }
0x1df: {  	[tilespmem:$0x17A8] =	vst v0  }
0x1e0: {  	[tilespmem:$0x17B8] =	vst v0  }
0x1e1: {  	[tilespmem:$0x17C8] =	vst v0  }
0x1e2: {  	[tilespmem:$0x17D8] =	vst v0  }
0x1e3: {  	[tilespmem:$0x17E8] =	vst v0  }
0x1e4: {  	[tilespmem:$0x17F8] =	vst v0  }
0x1e5: {  	[tilespmem:$0x1808] =	vst v0  }
0x1e6: {  	[tilespmem:$0x1818] =	vst v0  }
0x1e7: {  	[tilespmem:$0x1828] =	vst v0  }
0x1e8: {  	[tilespmem:$0x1838] =	vst v0  }
0x1e9: {  	[tilespmem:$0x1848] =	vst v0  }
0x1ea: {  	[tilespmem:$0x1858] =	vst v0  }
0x1eb: {  	[tilespmem:$0x1868] =	vst v0  }
0x1ec: {  	[tilespmem:$0x1878] =	vst v0  }
0x1ed: {  	[tilespmem:$0x1888] =	vst v0  }
0x1ee: {  	[tilespmem:$0x1898] =	vst v0  }
0x1ef: {  	[tilespmem:$0x18A8] =	vst v0  }
0x1f0: {  	[tilespmem:$0x18B8] =	vst v0  }
0x1f1: {  	[tilespmem:$0x18C8] =	vst v0  }
0x1f2: {  	[tilespmem:$0x18D8] =	vst v0  }
0x1f3: {  	[tilespmem:$0x18E8] =	vst v0  }
0x1f4: {  	[tilespmem:$0x18F8] =	vst v0  }
0x1f5: {  	[tilespmem:$0x1908] =	vst v0  }
0x1f6: {  	[tilespmem:$0x1918] =	vst v0  }
0x1f7: {  	[tilespmem:$0x1928] =	vst v0  }
0x1f8: {  	[tilespmem:$0x1938] =	vst v0  }
0x1f9: {  	[tilespmem:$0x1948] =	vst v0  }
0x1fa: {  	[tilespmem:$0x1958] =	vst v0  }
0x1fb: {  	[tilespmem:$0x1968] =	vst v0  }
0x1fc: {  	[tilespmem:$0x1978] =	vst v0  }
0x1fd: {  	[tilespmem:$0x1988] =	vst v0  }
0x1fe: {  	[tilespmem:$0x1998] =	vst v0  }
0x1ff: {  	[tilespmem:$0x19A8] =	vst v0  }
0x200: {  	[tilespmem:$0x19B8] =	vst v0  }
0x201: {  	[tilespmem:$0x19C8] =	vst v0  }
0x202: {  	[tilespmem:$0x19D8] =	vst v0  }
0x203: {  	[tilespmem:$0x19E8] =	vst v0  }
0x204: {  	[tilespmem:$0x19F8] =	vst v0  }
0x205: {  	[tilespmem:$0x1A08] =	vst v0  }
0x206: {  	[tilespmem:$0x1A18] =	vst v0  }
0x207: {  	[tilespmem:$0x1A28] =	vst v0  }
0x208: {  	[tilespmem:$0x1A38] =	vst v0  }
0x209: {  	[tilespmem:$0x1A48] =	vst v0  }
0x20a: {  	[tilespmem:$0x1A58] =	vst v0  }
0x20b: {  	[tilespmem:$0x1A68] =	vst v0  }
0x20c: {  	[tilespmem:$0x1A78] =	vst v0  }
0x20d: {  	[tilespmem:$0x1A88] =	vst v0  }
0x20e: {  	[tilespmem:$0x1A98] =	vst v0  }
0x20f: {  	[tilespmem:$0x1AA8] =	vst v0  }
0x210: {  	[tilespmem:$0x1AB8] =	vst v0  }
0x211: {  	[tilespmem:$0x1AC8] =	vst v0  }
0x212: {  	[tilespmem:$0x1AD8] =	vst v0  }
0x213: {  	[tilespmem:$0x1AE8] =	vst v0  }
0x214: {  	[tilespmem:$0x1AF8] =	vst v0  }
0x215: {  	[tilespmem:$0x1B08] =	vst v0  }
0x216: {  	[tilespmem:$0x1B18] =	vst v0  }
0x217: {  	[tilespmem:$0x1B28] =	vst v0  }
0x218: {  	[tilespmem:$0x1B38] =	vst v0  }
0x219: {  	[tilespmem:$0x1B48] =	vst v0  }
0x21a: {  	[tilespmem:$0x1B58] =	vst v0  }
0x21b: {  	[tilespmem:$0x1B68] =	vst v0  }
0x21c: {  	[tilespmem:$0x1B78] =	vst v0  }
0x21d: {  	[tilespmem:$0x1B88] =	vst v0  }
0x21e: {  	[tilespmem:$0x1B98] =	vst v0  }
0x21f: {  	[tilespmem:$0x1BA8] =	vst v0  }
0x220: {  	[tilespmem:$0x1BB8] =	vst v0  }
0x221: {  	[tilespmem:$0x1BC8] =	vst v0  }
0x222: {  	[tilespmem:$0x1BD8] =	vst v0  }
0x223: {  	[tilespmem:$0x1BE8] =	vst v0  }
0x224: {  	[tilespmem:$0x1BF8] =	vst v0  }
0x225: {  	[tilespmem:$0x1C08] =	vst v0  }
0x226: {  	[tilespmem:$0x1C18] =	vst v0  }
0x227: {  	[tilespmem:$0x1C28] =	vst v0  }
0x228: {  	[tilespmem:$0x1C38] =	vst v0  }
0x229: {  	[tilespmem:$0x1C48] =	vst v0  }
0x22a: {  	[tilespmem:$0x1C58] =	vst v0  }
0x22b: {  	[tilespmem:$0x1C68] =	vst v0  }
0x22c: {  	[tilespmem:$0x1C78] =	vst v0  }
0x22d: {  	[tilespmem:$0x1C88] =	vst v0  }
0x22e: {  	[tilespmem:$0x1C98] =	vst v0  }
0x22f: {  	[tilespmem:$0x1CA8] =	vst v0  }
0x230: {  	[tilespmem:$0x1CB8] =	vst v0  }
0x231: {  	[tilespmem:$0x1CC8] =	vst v0  }
0x232: {  	[tilespmem:$0x1CD8] =	vst v0  }
0x233: {  	[tilespmem:$0x1CE8] =	vst v0  }
0x234: {  	[tilespmem:$0x1CF8] =	vst v0  }
0x235: {  	[tilespmem:$0x1D08] =	vst v0  }
0x236: {  	[tilespmem:$0x1D18] =	vst v0  }
0x237: {  	[tilespmem:$0x1D28] =	vst v0  }
0x238: {  	[tilespmem:$0x1D38] =	vst v0  }
0x239: {  	[tilespmem:$0x1D48] =	vst v0  }
0x23a: {  	[tilespmem:$0x1D58] =	vst v0  }
0x23b: {  	[tilespmem:$0x1D68] =	vst v0  }
0x23c: {  	[tilespmem:$0x1D78] =	vst v0  }
0x23d: {  	[tilespmem:$0x1D88] =	vst v0  }
0x23e: {  	[tilespmem:$0x1D98] =	vst v0  }
0x23f: {  	[tilespmem:$0x1DA8] =	vst v0  }
0x240: {  	[tilespmem:$0x1DB8] =	vst v0  }
0x241: {  	[tilespmem:$0x1DC8] =	vst v0  }
0x242: {  	[tilespmem:$0x1DD8] =	vst v0  }
0x243: {  	[tilespmem:$0x1DE8] =	vst v0  }
0x244: {  	[tilespmem:$0x1DF8] =	vst v0  }
0x245: {  	[tilespmem:$0x1E08] =	vst v0  }
0x246: {  	[tilespmem:$0x1E18] =	vst v0  }
0x247: {  	[tilespmem:$0x1E28] =	vst v0  }
0x248: {  	[tilespmem:$0x1E38] =	vst v0  }
0x249: {  	[tilespmem:$0x1E48] =	vst v0  }
0x24a: {  	[tilespmem:$0x1E58] =	vst v0  }
0x24b: {  	[tilespmem:$0x1E68] =	vst v0  }
0x24c: {  	[tilespmem:$0x1E78] =	vst v0  }
0x24d: {  	[tilespmem:$0x1E88] =	vst v0  }
0x24e: {  	[tilespmem:$0x1E98] =	vst v0  }
0x24f: {  	[tilespmem:$0x1EA8] =	vst v0  }
0x250: {  	[tilespmem:$0x1EB8] =	vst v0  }
0x251: {  	[tilespmem:$0x1EC8] =	vst v0  }
0x252: {  	[tilespmem:$0x1ED8] =	vst v0  }
0x253: {  	[tilespmem:$0x1EE8] =	vst v0  }
0x254: {  	[tilespmem:$0x1EF8] =	vst v0  }
0x255: {  	[tilespmem:$0x1F08] =	vst v0  }
0x256: {  	[tilespmem:$0x1F18] =	vst v0  }
0x257: {  	[tilespmem:$0x1F28] =	vst v0  }
0x258: {  	[tilespmem:$0x1F38] =	vst v0  }
0x259: {  	[tilespmem:$0x1F48] =	vst v0  }
0x25a: {  	[tilespmem:$0x1F58] =	vst v0  }
0x25b: {  	[tilespmem:$0x1F68] =	vst v0  }
0x25c: {  	[tilespmem:$0x1F78] =	vst v0  }
0x25d: {  	[tilespmem:$0x1F88] =	vst v0  }
0x25e: {  	[tilespmem:$0x1F98] =	vst v0  }
0x25f: {  	[tilespmem:$0x1FA8] =	vst v0  }
0x260: {  	[tilespmem:$0x1FB8] =	vst v0  }
0x261: {  	[tilespmem:$0x1FC8] =	vst v0  }
0x262: {  	[tilespmem:$0x1FD8] =	vst v0  }
0x263: {  	[tilespmem:$0x1FE8] =	vst v0  }
0x264: {  	[tilespmem:$0x1FF8] =	vst v0  }
0x265: {  	[tilespmem:$0x2008] =	vst v0  }
0x266: {  	[tilespmem:$0x2018] =	vst v0  }
0x267: {  	[tilespmem:$0x2028] =	vst v0  }
0x268: {  	[tilespmem:$0x2038] =	vst v0  }
0x269: {  	[tilespmem:$0x2048] =	vst v0  }
0x26a: {  	[tilespmem:$0x2058] =	vst v0  }
0x26b: {  	[tilespmem:$0x2068] =	vst v0  }
0x26c: {  	[tilespmem:$0x2078] =	vst v0  }
0x26d: {  	[tilespmem:$0x2088] =	vst v0  }
0x26e: {  	[tilespmem:$0x2098] =	vst v0  }
0x26f: {  	[tilespmem:$0x20A8] =	vst v0  }
0x270: {  	[tilespmem:$0x20B8] =	vst v0  }
0x271: {  	[tilespmem:$0x20C8] =	vst v0  }
0x272: {  	[tilespmem:$0x20D8] =	vst v0  }
0x273: {  	[tilespmem:$0x20E8] =	vst v0  }
0x274: {  	[tilespmem:$0x20F8] =	vst v0  }
0x275: {  	[tilespmem:$0x2108] =	vst v0  }
0x276: {  	[tilespmem:$0x2118] =	vst v0  }
0x277: {  	[tilespmem:$0x2128] =	vst v0  }
0x278: {  	[tilespmem:$0x2138] =	vst v0  }
0x279: {  	[tilespmem:$0x2148] =	vst v0  }
0x27a: {  	[tilespmem:$0x2158] =	vst v0  }
0x27b: {  	[tilespmem:$0x2168] =	vst v0  }
0x27c: {  	[tilespmem:$0x2178] =	vst v0  }
0x27d: {  	[tilespmem:$0x2188] =	vst v0  }
0x27e: {  	[tilespmem:$0x2198] =	vst v0  }
0x27f: {  	[tilespmem:$0x21A8] =	vst v0  }
0x280: {  	[tilespmem:$0x21B8] =	vst v0  }
0x281: {  	[tilespmem:$0x21C8] =	vst v0  }
0x282: {  	[tilespmem:$0x21D8] =	vst v0  }
0x283: {  	[tilespmem:$0x21E8] =	vst v0  }
0x284: {  	[tilespmem:$0x21F8] =	vst v0  }
0x285: {  	[tilespmem:$0x2208] =	vst v0  }
0x286: {  	[tilespmem:$0x2218] =	vst v0  }
0x287: {  	[tilespmem:$0x2228] =	vst v0  }
0x288: {  	[tilespmem:$0x2238] =	vst v0  }
0x289: {  	[tilespmem:$0x2248] =	vst v0  }
0x28a: {  	[tilespmem:$0x2258] =	vst v0  }
0x28b: {  	[tilespmem:$0x2268] =	vst v0  }
0x28c: {  	[tilespmem:$0x2278] =	vst v0  }
0x28d: {  	[tilespmem:$0x2288] =	vst v0  }
0x28e: {  	[tilespmem:$0x2298] =	vst v0  }
0x28f: {  	[tilespmem:$0x22A8] =	vst v0  }
0x290: {  	[tilespmem:$0x22B8] =	vst v0  }
0x291: {  	[tilespmem:$0x22C8] =	vst v0  }
0x292: {  	[tilespmem:$0x22D8] =	vst v0  }
0x293: {  	[tilespmem:$0x22E8] =	vst v0  }
0x294: {  	[tilespmem:$0x22F8] =	vst v0  }
0x295: {  	[tilespmem:$0x2308] =	vst v0  }
0x296: {  	[tilespmem:$0x2318] =	vst v0  }
0x297: {  	[tilespmem:$0x2328] =	vst v0  }
0x298: {  	[tilespmem:$0x2338] =	vst v0  }
0x299: {  	[tilespmem:$0x2348] =	vst v0  }
0x29a: {  	[tilespmem:$0x2428] =	vst v0  }
0x29b: {  	[tilespmem:$0x3258] =	vst v0  }
0x29c: {  	[tilespmem:$0x3248] =	vst v0  }
0x29d: {  	[tilespmem:$0x3238] =	vst v0  }
0x29e: {  	[tilespmem:$0x3228] =	vst v0  }
0x29f: {  	[tilespmem:$0x3218] =	vst v0  }
0x2a0: {  	[tilespmem:$0x3208] =	vst v0  }
0x2a1: {  	[tilespmem:$0x31F8] =	vst v0  }
0x2a2: {  	[tilespmem:$0x31E8] =	vst v0  }
0x2a3: {  	[tilespmem:$0x31D8] =	vst v0  }
0x2a4: {  	[tilespmem:$0x31C8] =	vst v0  }
0x2a5: {  	[tilespmem:$0x31B8] =	vst v0  }
0x2a6: {  	[tilespmem:$0x31A8] =	vst v0  }
0x2a7: {  	[tilespmem:$0x3198] =	vst v0  }
0x2a8: {  	[tilespmem:$0x3188] =	vst v0  }
0x2a9: {  	[tilespmem:$0x3178] =	vst v0  }
0x2aa: {  	[tilespmem:$0x3168] =	vst v0  }
0x2ab: {  	[tilespmem:$0x3158] =	vst v0  }
0x2ac: {  	[tilespmem:$0x3148] =	vst v0  }
0x2ad: {  	[tilespmem:$0x3138] =	vst v0  }
0x2ae: {  	[tilespmem:$0x3128] =	vst v0  }
0x2af: {  	[tilespmem:$0x3118] =	vst v0  }
0x2b0: {  	[tilespmem:$0x3108] =	vst v0  }
0x2b1: {  	[tilespmem:$0x30F8] =	vst v0  }
0x2b2: {  	[tilespmem:$0x30E8] =	vst v0  }
0x2b3: {  	[tilespmem:$0x30D8] =	vst v0  }
0x2b4: {  	[tilespmem:$0x30C8] =	vst v0  }
0x2b5: {  	[tilespmem:$0x30B8] =	vst v0  }
0x2b6: {  	[tilespmem:$0x30A8] =	vst v0  }
0x2b7: {  	[tilespmem:$0x3098] =	vst v0  }
0x2b8: {  	[tilespmem:$0x3088] =	vst v0  }
0x2b9: {  	[tilespmem:$0x3078] =	vst v0  }
0x2ba: {  	[tilespmem:$0x3068] =	vst v0  }
0x2bb: {  	[tilespmem:$0x3058] =	vst v0  }
0x2bc: {  	[tilespmem:$0x3048] =	vst v0  }
0x2bd: {  	[tilespmem:$0x3038] =	vst v0  }
0x2be: {  	[tilespmem:$0x3028] =	vst v0  }
0x2bf: {  	[tilespmem:$0x3018] =	vst v0  }
0x2c0: {  	[tilespmem:$0x3008] =	vst v0  }
0x2c1: {  	[tilespmem:$0x2FF8] =	vst v0  }
0x2c2: {  	[tilespmem:$0x2FE8] =	vst v0  }
0x2c3: {  	[tilespmem:$0x2FD8] =	vst v0  }
0x2c4: {  	[tilespmem:$0x2FC8] =	vst v0  }
0x2c5: {  	[tilespmem:$0x2FB8] =	vst v0  }
0x2c6: {  	[tilespmem:$0x2FA8] =	vst v0  }
0x2c7: {  	[tilespmem:$0x2F98] =	vst v0  }
0x2c8: {  	[tilespmem:$0x2F88] =	vst v0  }
0x2c9: {  	[tilespmem:$0x2F78] =	vst v0  }
0x2ca: {  	[tilespmem:$0x2F68] =	vst v0  }
0x2cb: {  	[tilespmem:$0x2F58] =	vst v0  }
0x2cc: {  	[tilespmem:$0x2F48] =	vst v0  }
0x2cd: {  	[tilespmem:$0x2F38] =	vst v0  }
0x2ce: {  	[tilespmem:$0x2F28] =	vst v0  }
0x2cf: {  	[tilespmem:$0x2F18] =	vst v0  }
0x2d0: {  	[tilespmem:$0x2F08] =	vst v0  }
0x2d1: {  	[tilespmem:$0x2EF8] =	vst v0  }
0x2d2: {  	[tilespmem:$0x2EE8] =	vst v0  }
0x2d3: {  	[tilespmem:$0x2ED8] =	vst v0  }
0x2d4: {  	[tilespmem:$0x2EC8] =	vst v0  }
0x2d5: {  	[tilespmem:$0x2EB8] =	vst v0  }
0x2d6: {  	[tilespmem:$0x2EA8] =	vst v0  }
0x2d7: {  	[tilespmem:$0x2E98] =	vst v0  }
0x2d8: {  	[tilespmem:$0x2E88] =	vst v0  }
0x2d9: {  	[tilespmem:$0x2E78] =	vst v0  }
0x2da: {  	[tilespmem:$0x2E68] =	vst v0  }
0x2db: {  	[tilespmem:$0x2E58] =	vst v0  }
0x2dc: {  	[tilespmem:$0x2E48] =	vst v0  }
0x2dd: {  	[tilespmem:$0x2E38] =	vst v0  }
0x2de: {  	[tilespmem:$0x2E28] =	vst v0  }
0x2df: {  	[tilespmem:$0x2E18] =	vst v0  }
0x2e0: {  	[tilespmem:$0x2E08] =	vst v0  }
0x2e1: {  	[tilespmem:$0x2DF8] =	vst v0  }
0x2e2: {  	[tilespmem:$0x2DE8] =	vst v0  }
0x2e3: {  	[tilespmem:$0x2DD8] =	vst v0  }
0x2e4: {  	[tilespmem:$0x2DC8] =	vst v0  }
0x2e5: {  	[tilespmem:$0x2DB8] =	vst v0  }
0x2e6: {  	[tilespmem:$0x2DA8] =	vst v0  }
0x2e7: {  	[tilespmem:$0x2D98] =	vst v0  }
0x2e8: {  	[tilespmem:$0x2D88] =	vst v0  }
0x2e9: {  	[tilespmem:$0x2D78] =	vst v0  }
0x2ea: {  	[tilespmem:$0x2D68] =	vst v0  }
0x2eb: {  	[tilespmem:$0x2D58] =	vst v0  }
0x2ec: {  	[tilespmem:$0x2D48] =	vst v0  }
0x2ed: {  	[tilespmem:$0x2D38] =	vst v0  }
0x2ee: {  	[tilespmem:$0x2D28] =	vst v0  }
0x2ef: {  	[tilespmem:$0x2D18] =	vst v0  }
0x2f0: {  	[tilespmem:$0x2D08] =	vst v0  }
0x2f1: {  	[tilespmem:$0x2CF8] =	vst v0  }
0x2f2: {  	[tilespmem:$0x2CE8] =	vst v0  }
0x2f3: {  	[tilespmem:$0x2CD8] =	vst v0  }
0x2f4: {  	[tilespmem:$0x2CC8] =	vst v0  }
0x2f5: {  	[tilespmem:$0x2CB8] =	vst v0  }
0x2f6: {  	[tilespmem:$0x2CA8] =	vst v0  }
0x2f7: {  	[tilespmem:$0x2C98] =	vst v0  }
0x2f8: {  	[tilespmem:$0x2C88] =	vst v0  }
0x2f9: {  	[tilespmem:$0x2C78] =	vst v0  }
0x2fa: {  	[tilespmem:$0x2C68] =	vst v0  }
0x2fb: {  	[tilespmem:$0x2C58] =	vst v0  }
0x2fc: {  	[tilespmem:$0x2C48] =	vst v0  }
0x2fd: {  	[tilespmem:$0x2C38] =	vst v0  }
0x2fe: {  	[tilespmem:$0x2C28] =	vst v0  }
0x2ff: {  	[tilespmem:$0x2C18] =	vst v0  }
0x300: {  	[tilespmem:$0x2C08] =	vst v0  }
0x301: {  	[tilespmem:$0x2BF8] =	vst v0  }
0x302: {  	[tilespmem:$0x2BE8] =	vst v0  }
0x303: {  	[tilespmem:$0x2BD8] =	vst v0  }
0x304: {  	[tilespmem:$0x2BC8] =	vst v0  }
0x305: {  	[tilespmem:$0x2BB8] =	vst v0  }
0x306: {  	[tilespmem:$0x2BA8] =	vst v0  }
0x307: {  	[tilespmem:$0x2B98] =	vst v0  }
0x308: {  	[tilespmem:$0x2B88] =	vst v0  }
0x309: {  	[tilespmem:$0x2B78] =	vst v0  }
0x30a: {  	[tilespmem:$0x2B68] =	vst v0  }
0x30b: {  	[tilespmem:$0x2B58] =	vst v0  }
0x30c: {  	[tilespmem:$0x2B48] =	vst v0  }
0x30d: {  	[tilespmem:$0x2B38] =	vst v0  }
0x30e: {  	[tilespmem:$0x2B28] =	vst v0  }
0x30f: {  	[tilespmem:$0x2B18] =	vst v0  }
0x310: {  	[tilespmem:$0x2B08] =	vst v0  }
0x311: {  	[tilespmem:$0x2AF8] =	vst v0  }
0x312: {  	[tilespmem:$0x2AE8] =	vst v0  }
0x313: {  	[tilespmem:$0x2AD8] =	vst v0  }
0x314: {  	[tilespmem:$0x2AC8] =	vst v0  }
0x315: {  	[tilespmem:$0x2AB8] =	vst v0  }
0x316: {  	[tilespmem:$0x2AA8] =	vst v0  }
0x317: {  	[tilespmem:$0x2A98] =	vst v0  }
0x318: {  	[tilespmem:$0x2A88] =	vst v0  }
0x319: {  	[tilespmem:$0x2A78] =	vst v0  }
0x31a: {  	[tilespmem:$0x2A68] =	vst v0  }
0x31b: {  	[tilespmem:$0x2A58] =	vst v0  }
0x31c: {  	[tilespmem:$0x2A48] =	vst v0  }
0x31d: {  	[tilespmem:$0x2A38] =	vst v0  }
0x31e: {  	[tilespmem:$0x2A28] =	vst v0  }
0x31f: {  	[tilespmem:$0x2A18] =	vst v0  }
0x320: {  	[tilespmem:$0x2A08] =	vst v0  }
0x321: {  	[tilespmem:$0x29F8] =	vst v0  }
0x322: {  	[tilespmem:$0x29E8] =	vst v0  }
0x323: {  	[tilespmem:$0x29D8] =	vst v0  }
0x324: {  	[tilespmem:$0x29C8] =	vst v0  }
0x325: {  	[tilespmem:$0x29B8] =	vst v0  }
0x326: {  	[tilespmem:$0x29A8] =	vst v0  }
0x327: {  	[tilespmem:$0x2998] =	vst v0  }
0x328: {  	[tilespmem:$0x2988] =	vst v0  }
0x329: {  	[tilespmem:$0x2978] =	vst v0  }
0x32a: {  	[tilespmem:$0x2968] =	vst v0  }
0x32b: {  	[tilespmem:$0x2958] =	vst v0  }
0x32c: {  	[tilespmem:$0x2948] =	vst v0  }
0x32d: {  	[tilespmem:$0x2938] =	vst v0  }
0x32e: {  	[tilespmem:$0x2928] =	vst v0  }
0x32f: {  	[tilespmem:$0x2918] =	vst v0  }
0x330: {  	[tilespmem:$0x2908] =	vst v0  }
0x331: {  	[tilespmem:$0x28F8] =	vst v0  }
0x332: {  	[tilespmem:$0x28E8] =	vst v0  }
0x333: {  	[tilespmem:$0x28D8] =	vst v0  }
0x334: {  	[tilespmem:$0x28C8] =	vst v0  }
0x335: {  	[tilespmem:$0x28B8] =	vst v0  }
0x336: {  	[tilespmem:$0x28A8] =	vst v0  }
0x337: {  	[tilespmem:$0x2898] =	vst v0  }
0x338: {  	[tilespmem:$0x2888] =	vst v0  }
0x339: {  	[tilespmem:$0x2878] =	vst v0  }
0x33a: {  	[tilespmem:$0x2868] =	vst v0  }
0x33b: {  	[tilespmem:$0x2858] =	vst v0  }
0x33c: {  	[tilespmem:$0x2848] =	vst v0  }
0x33d: {  	[tilespmem:$0x2838] =	vst v0  }
0x33e: {  	[tilespmem:$0x2828] =	vst v0  }
0x33f: {  	[tilespmem:$0x2818] =	vst v0  }
0x340: {  	[tilespmem:$0x2808] =	vst v0  }
0x341: {  	[tilespmem:$0x27F8] =	vst v0  }
0x342: {  	[tilespmem:$0x27E8] =	vst v0  }
0x343: {  	[tilespmem:$0x27D8] =	vst v0  }
0x344: {  	[tilespmem:$0x27C8] =	vst v0  }
0x345: {  	[tilespmem:$0x27B8] =	vst v0  }
0x346: {  	[tilespmem:$0x27A8] =	vst v0  }
0x347: {  	[tilespmem:$0x2798] =	vst v0  }
0x348: {  	[tilespmem:$0x2788] =	vst v0  }
0x349: {  	[tilespmem:$0x2778] =	vst v0  }
0x34a: {  	[tilespmem:$0x2768] =	vst v0  }
0x34b: {  	[tilespmem:$0x2758] =	vst v0  }
0x34c: {  	[tilespmem:$0x2748] =	vst v0  }
0x34d: {  	[tilespmem:$0x2738] =	vst v0  }
0x34e: {  	[tilespmem:$0x2728] =	vst v0  }
0x34f: {  	[tilespmem:$0x2718] =	vst v0  }
0x350: {  	[tilespmem:$0x2708] =	vst v0  }
0x351: {  	[tilespmem:$0x26F8] =	vst v0  }
0x352: {  	[tilespmem:$0x26E8] =	vst v0  }
0x353: {  	[tilespmem:$0x26D8] =	vst v0  }
0x354: {  	[tilespmem:$0x26C8] =	vst v0  }
0x355: {  	[tilespmem:$0x26B8] =	vst v0  }
0x356: {  	[tilespmem:$0x26A8] =	vst v0  }
0x357: {  	[tilespmem:$0x2698] =	vst v0  }
0x358: {  	[tilespmem:$0x2688] =	vst v0  }
0x359: {  	[tilespmem:$0x2678] =	vst v0  }
0x35a: {  	[tilespmem:$0x2668] =	vst v0  }
0x35b: {  	[tilespmem:$0x2658] =	vst v0  }
0x35c: {  	[tilespmem:$0x2648] =	vst v0  }
0x35d: {  	[tilespmem:$0x2638] =	vst v0  }
0x35e: {  	[tilespmem:$0x2628] =	vst v0  }
0x35f: {  	[tilespmem:$0x2618] =	vst v0  }
0x360: {  	[tilespmem:$0x2608] =	vst v0  }
0x361: {  	[tilespmem:$0x25F8] =	vst v0  }
0x362: {  	[tilespmem:$0x25E8] =	vst v0  }
0x363: {  	[tilespmem:$0x25D8] =	vst v0  }
0x364: {  	[tilespmem:$0x25C8] =	vst v0  }
0x365: {  	[tilespmem:$0x25B8] =	vst v0  }
0x366: {  	[tilespmem:$0x25A8] =	vst v0  }
0x367: {  	[tilespmem:$0x2598] =	vst v0  }
0x368: {  	[tilespmem:$0x2588] =	vst v0  }
0x369: {  	[tilespmem:$0x2578] =	vst v0  }
0x36a: {  	[tilespmem:$0x2568] =	vst v0  }
0x36b: {  	[tilespmem:$0x2558] =	vst v0  }
0x36c: {  	[tilespmem:$0x2548] =	vst v0  }
0x36d: {  	[tilespmem:$0x2538] =	vst v0  }
0x36e: {  	[tilespmem:$0x2528] =	vst v0  }
0x36f: {  	[tilespmem:$0x2518] =	vst v0  }
0x370: {  	[tilespmem:$0x2508] =	vst v0  }
0x371: {  	[tilespmem:$0x24F8] =	vst v0  }
0x372: {  	[tilespmem:$0x24E8] =	vst v0  }
0x373: {  	[tilespmem:$0x24D8] =	vst v0  }
0x374: {  	[tilespmem:$0x24C8] =	vst v0  }
0x375: {  	[tilespmem:$0x24B8] =	vst v0  }
0x376: {  	[tilespmem:$0x24A8] =	vst v0  }
0x377: {  	[tilespmem:$0x2498] =	vst v0  }
0x378: {  	s5 =	srdreg.scid;
	[tilespmem:$0x2488] =	vst v0  }
0x379: {  	s5 =	sshll.u32 s5, $0x4;
	[tilespmem:$0x2478] =	vst v0  }
0x37a: {  	s7 =	stileid.u32;
	s5 =	sand.u32 $0x10, s5;
	[tilespmem:$0x2468] =	vst v0  }
0x37b: {  	[tilespmem:$0x2458] =	vst v0;
	s8 =	sor.u32 s7, s5  }
0x37c: {  	[tilespmem:$0x2448] =	vst v0;
	s9 =	smul.u32 $0x3E, s8  }
0x37d: {  	s8 =	smin.u32 s8, $0x10;
	[tilespmem:$0x2438] =	vst v0;
	s5 =	sshrl.u32 s5, $0x4  }
0x37e: {  	[tilespmem:$0x2418] =	vst v0;
	s8 =	sadd.s32 s8, s9;
	s5 =	sxor.u32 $0x3F, s5  }
0x37f: {  	[tilespmem:$0x23E8] =	vst v0;
	s5 =	sadd.s32 s5, s8  }
0x380: {  	[tilespmem:$0x2408] =	vst v0;
	s5 =	smul.u32 $0x190, s5  }
0x381: {  	[tilespmem:$0x23F8] =	vst v0;
	s8 =	smul.u32 $0x190, s8  }
0x382: {  	s9 =	smin.u32 s5, $0xC3500;
	[tilespmem:$0x23D8] =	vst v0  }
0x383: {  	[tilespmem:$0x2388] =	vst v0;
	s12 =	ssub.s32 s9, s8  }
0x384: {  	[tilespmem:$0x23C8] =	vst v0;
	p0 =	sgt.s32 s12, $0x0  }
0x385: {  	[tilespmem:$0x23B8] =	vst v0;
	s12 =	simm.s32 @!p0 $0x0  }
0x386: {  	[tilespmem:$0x23A8] =	vst v0;
	s31 =	smulhi.u32 $0x51EB851F, s12  }
0x387: {  	[tilespmem:$0x2398] =	vst v0  }
0x388: {  	[tilespmem:$0x2368] =	vst v0;
	s13 =	sshrl.u32 s31, $0x7  }
0x389: {  	s10 =	simm.s32 $0x2;
	s11 =	simm.s32 $0x9;
	[tilespmem:$0x2378] =	vst v0;
	s14 =	smul.u32 $0x190, s13  }
.Ltmp7:
0x38a: {  	s17 =	simm.s32 $0x0;
	[tilespmem:$0x2358] =	vst v0;
	[sflag:s10] =	ssyncpa.u1 $0x0;
	v0 =	vimm.s32 $0xFFFFFFFF;
	(pc) =	sbr.rel .LBB3_1-.Ltmp7, $4  }
0x38b: {  	s16 =	simm.s32 $0x0;
	[tilespmem:$0x6488] =	vst v0;
	[sflag:s11] =	ssyncpa.u1 $0x0;
	s15 =	smov.u32 s8  }
0x38c: {  	s5 =	sadd.s32 $0x18EBA00, s6;
	p0 =	sne.s32 s12, s14;
	s12 =	simm.s32 $0x1  }
0x38d: {  	s6 =	sadd.s32 $0x30ED200, s6;
	s14 =	simm.s32 $0xA;
	s12 =	simm.s32 @!p0 $0x0  }
0x38e: {  	v0 =	vlaneseq.u32;
	p0 =	por $0x0, $0x0;
	s12 =	sadd.s32 s12, s13;
	s13 =	sshll.u32 s7, $0x6  }
.LBB3_16:
0x38f: {  	s18 =	sshrl.u32 s25, $0x2  }
.LBB3_18:
0x390: {  	_ =	swait.ge [sflag:s14], s18  }
0x391: {  	s0 =	ssub.s32 $0x0, s18;
	v1 =	vmov s19;
	vm0 =	veq.s32 v0, $0x0;
	[sflag:s14] =	ssyncset.done $0x0  }
0x392: {  	vm15 =	veq.s32 v0, $0x2;
	v1 =	vsel vm0, s24, v1;
	[sflag:s14] =	ssyncadd.s32 s0  }
0x393: {  	v1 =	vsel vm15, s17, v1;
	[sflag:s14] =	ssyncpa.u1 $0x1  }
0x394: {  	[tilespmem:$0x6488] =	vst v1  }
.LBB3_19:
0x395: {  	s0 =	sadd.s32 $0x190, s15  }
0x396: {  	s18 =	smov.u32 s8;
	p1 =	slt.s32 s0, s9  }
0x397: {  	s18 =	smov.u32 @p1 s0;
	p1 =	sne.s32 s16, s12  }
.Ltmp8:
0x398: {  	_ = 	snop;
	(pc) =	sbr.rel @!p1 .LBB3_20-.Ltmp8, $3  }
0x399: {  	_ =	sdelay $0x1  }
0x39a: {  	s31 =	sadd.s32 $0x1, s16;
	s17 =	smov.u32 s15  }
0x39b: {  	p0 =	por !p0, !p0;
	s16 =	smov.u32 s31;
	s15 =	smov.u32 s18  }
.LBB3_1:
0x39c: {  	p1 =	sge.u32 s16, s12  }
0x39d: {  	p2 =	sgt.s32 @!p1 s15, $0xC3370  }
0x39e: {  	s18 =	smov.u32 s15;
	s19 =	sshra.s32 @!p1 s15, $0x1F;
	p2 =	por !p2, p1  }
0x39f: {  	s19 =	sand.u32 @!p1 s19, s15;
	s18 =	simm.s32 @p2 $0xC3370  }
0x3a0: {  	s18 =	ssub.s32 @!p1 s18, s19  }
0x3a1: {  	s19 =	sxor.u32 @!p1 $0xFFFFFFFF, s16;
	s18 =	sadd.s32 @!p1 $0xFFF3CC90, s18  }
0x3a2: {  	s19 =	sand.u32 @!p1 $0x1, s19;
	s20 =	sshll.u32 @!p1 s18, $0x2  }
0x3a3: {  	p2 =	sgt.s32 @!p1 s18, $0x18F;
	s18 =	ssub.s32 @!p1 $0x640, s20;
	s20 =	smul.u32 @!p1 $0x640, s19  }
0x3a4: {  	s21 =	sshrl.u32 @!p1 s15, $0x3;
	s22 =	sand.u32 @!p1 $0x7, s15  }
0x3a5: {  	p2 =	por !p2, p1;
	s18 =	sshrl.u32 @!p1 s18, $0x2;
	s20 =	sshrl.u32 @!p1 s20, $0x2  }
0x3a6: {  	s21 =	sadd.s32 @!p1 s3, s21;
	s18 =	simm.s32 @!p2 $0x0;
	s20 =	sadd.s32 @!p1 $0x68C8, s20  }
0x3a7: {  	[tilespmem:s20], [sflag:$0x9] =	stream.linear.gather @!p1 [hbm4b:s21+s22], s18, $0x38;
	[tilespmem:$0x1FBE8] =	vst v63  }
0x3a8: {  	s18 =	ssub.s32 @!p1 $0xC3500, s15  }
0x3a9: {  	p2 =	sgt.s32 @!p1 s18, $0x0  }
0x3aa: {  	s19 =	smul.u32 @!p1 $0x32000, s19;
	p2 =	por !p2, p1  }
0x3ab: {  	s18 =	simm.s32 @p2 $0x0  }
0x3ac: {  	s19 =	sshrl.u32 @!p1 s19, $0x2;
	s20 =	sshll.u32 @!p1 s15, $0x4;
	s18 =	smin.u32 @!p1 s18, $0x190  }
0x3ad: {  	s19 =	sadd.s32 @!p1 $0x6BE8, s19;
	s20 =	sadd.s32 @!p1 s6, s20;
	s18 =	sshll.u32 @!p1 s18, $0x7  }
0x3ae: {  	[tilespmem:s19], [sflag:$0x9] =	stream.linear.gather @!p1 [hbm:s20], s18, $0x38;
	[tilespmem:$0x1FBE8] =	vst v63  }
0x3af: {  	p1 =	seq.s32 s16, $0x0  }
.Ltmp9:
0x3b0: {  	_ = 	snop;
	(pc) =	sbr.rel @p1 .LBB3_19-.Ltmp9, $1  }
0x3b1: {  	_ =	sdelay $0x3  }
0x3b2: {  	p1 =	sgt.s32 s17, $0xC3370  }
0x3b3: {  	s18 =	smov.u32 s17;
	s19 =	sshra.s32 s17, $0x1F;
	s23 =	ssub.s32 $0xC3500, s17  }
0x3b4: {  	s18 =	simm.s32 @!p1 $0xC3370;
	s19 =	sand.u32 s19, s17;
	p1 =	sgt.s32 s23, $0x0  }
0x3b5: {  	s18 =	ssub.s32 s18, s19;
	s23 =	simm.s32 @!p1 $0x0  }
0x3b6: {  	s18 =	sadd.s32 $0xFFF3CC90, s18;
	s29 =	smin.u32 s23, $0x190  }
0x3b7: {  	s20 =	sshll.u32 s18, $0x2;
	s19 =	sshll.u32 s29, $0x7  }
0x3b8: {  	p1 =	sgt.s32 s18, $0x18F;
	s30 =	ssub.s32 $0x640, s20;
	_ =	swait.ge [sflag:s11], s19  }
0x3b9: {  	s19 =	ssub.s32 $0x0, s19;
	[sflag:s11] =	ssyncset.done $0x0;
	s18 =	sshrl.u32 s30, $0x2  }
0x3ba: {  	[sflag:s11] =	ssyncadd.s32 s19;
	s18 =	simm.s32 @p1 $0x0  }
0x3bb: {  	_ =	swait.ge [sflag:s11], s18  }
0x3bc: {  	s18 =	ssub.s32 $0x0, s18;
	[sflag:s11] =	ssyncset.done $0x0  }
0x3bd: {  	[sflag:s11] =	ssyncadd.s32 s18  }
0x3be: {  	v1 =	vld [tilespmem:$0x6488];
	_ =	sdelay $0x4  }
0x3bf: {  	(v2sf) =	vpush v1, $0x0  }
0x3c0: {  	(v2sf) =	vpush v1, $0x1  }
0x3c1: {  	(v2sf) =	vpush v1, $0x2;
	_ =	sdelay $0x3  }
0x3c2: {  	s18 =	sadd.s32 $0x190, s17  }
0x3c3: {  	p1 =	slt.s32 s9, s18  }
0x3c4: {  	s18 =	smov.u32 @p1 s9  }
0x3c5: {  	s21 =	ssub.s32 s18, s17  }
0x3c6: {  	p1 =	slt.s32 s23, s21  }
0x3c7: {  	s21 =	smov.u32 @p1 s23  }
0x3c8: {  	s20 =	simm.s32 $0x1;
	p1 =	slt.s32 s21, $0x1  }
.Ltmp10:
0x3c9: {  	s20 =	simm.s32 @!p0 $0x0;
	(pc) =	sbr.rel @p1 .LBB3_6-.Ltmp10, $4  }
0x3ca: {  	s31 =	smul.u32 $0x640, s20  }
0x3cb: {  	s22 =	spop (v2sf)  }
0x3cc: {  	s17 =	sshrl.u32 s31, $0x2;
	s24 =	spop (v2sf)  }
0x3cd: {  	s18 =	sadd.s32 $0x68C8, s17;
	s17 =	spop (v2sf)  }
0x3ce: {  	s19 =	smin.u32 s21, $0x10  }
0x3cf: {  	v1 =	vmov s19  }
0x3d0: {  	p2 =	sgt.s32 s21, $0x10;
	vm1 =	vgt.u32 v1, v0  }
.Ltmp11:
0x3d1: {  	_ = 	snop;
	(pc) =	sbr.rel @!p2 .LBB3_5-.Ltmp11, $2  }
0x3d2: {  	_ =	sdelay $0x2  }
0x3d3: {  	s23 =	simm.s32 $0x10;
	s25 =	sadd.s32 $0xFFFFFFF0, s21;
	s19 =	smov.u32 s18;
	vm0 =	vmmov vm1  }
.LBB3_4:
0x3d4: {  	s26 =	smin.u32 s25, $0x10;
	s23 =	sadd.s32 $0x10, s23;
	v1 =	vld.msk [tilespmem:s19+$0x0 ss:$0x1], vm1  }
0x3d5: {  	v2 =	vmov s26;
	p2 =	slt.s32 s23, s21  }
0x3d6: {  	vm1 =	vgt.u32 v2, v0  }
.Ltmp12:
0x3d7: {  	(pc) =	sbr.rel @p2 .LBB3_4-.Ltmp12, $3  }
0x3d8: {  	_ =	sdelay $0x1  }
0x3d9: {  	v1 =	vshll.u32 v1, $0x4  }
0x3da: {  	s25 =	sadd.s32 $0xFFFFFFF0, s25;
	[tilespmem:s19+$0x0] =	vst.msk vm0, v1;
	s19 =	sadd.s32 $0x10, s19;
	vm0 =	vmmov vm1  }
.LBB3_5:
0x3db: {  	_ =	sdelay $0x4  }
0x3dc: {  	v1 =	vld.msk [tilespmem:s19+$0x0 ss:$0x1], vm1;
	_ =	sdelay $0x4  }
0x3dd: {  	v1 =	vshll.u32 v1, $0x4  }
0x3de: {  	[tilespmem:s19+$0x0] =	vst.msk vm0, v1  }
.LBB3_6:
0x3df: {  	s19 =	sand.u32 $0x1, s16  }
0x3e0: {  	s23 =	smul.u32 $0x190, s19  }
0x3e1: {  	p2 =	sne.s32 s24, $0xFFFFFFFF  }
0x3e2: {  	v1 =	vld.msk @!p2 [tilespmem:s23+$0x68C8], $0x1;
	_ =	sdelay $0x4  }
0x3e3: {  	(v2sf) =	vpush @!p2 v1, $0x0;
	_ =	sdelay $0x3  }
0x3e4: {  	s19 =	smul.u32 $0xC800, s19;
	_ =	sdelay $0x1  }
0x3e5: {  	v1 =	vld @!p2 [tilespmem:s19+$0x6BE8];
	_ =	sdelay $0x4  }
0x3e6: {  	[tilespmem:$0x48] =	vst @!p2 v1  }
0x3e7: {  	v1 =	vld @!p2 [tilespmem:s19+$0x6BF8]  }
.Ltmp13:
0x3e8: {  	_ = 	snop;
	(pc) =	sbr.rel @p1 .LBB3_17-.Ltmp13, $4  }
0x3e9: {  	_ = 	snop  }
0x3ea: {  	s23 =	spop @!p2 (v2sf)  }
0x3eb: {  	s17 =	simm.s32 @!p2 $0x0;
	s19 =	smov.u32 s23  }
0x3ec: {  	[tilespmem:$0x58] =	vst @!p2 v1;
	[sflag:s14] =	ssyncpa.u1 $0x0;
	s23 =	smov.u32 @p2 s22;
	s19 =	smov.u32 @p2 s24  }
0x3ed: {  	v1 =	vld.msk [tilespmem:s18+$0x0], $0x1;
	_ =	sdelay $0x4  }
0x3ee: {  	(v2sf) =	vpush v1, $0x0;
	_ =	sdelay $0xe  }
0x3ef: {  	s26 =	spop (v2sf)  }
0x3f0: {  	p1 =	seq.s32 s23, s26  }
0x3f1: {  	s21 =	ssub.s32 $0x0, s21;
	p2 =	sgt.s32 @!p1 s23, $0x0  }
0x3f2: {  	s25 =	smov.u32 s23;
	s24 =	sadd.s32 $0x1, s21;
	p2 =	por !p2, p1  }
0x3f3: {  	s20 =	smul.u32 $0x32000, s20;
	s25 =	simm.s32 @p2 $0x0;
	p2 =	seq.s32 s24, $0x0  }
.Ltmp14:
0x3f4: {  	_ = 	snop;
	(pc) =	sbr.rel @p2 .LBB3_9-.Ltmp14, $4  }
0x3f5: {  	s22 =	simm.s32 $0x0;
	s20 =	sshrl.u32 s20, $0x2  }
0x3f6: {  	s20 =	sadd.s32 $0x6BF8, s20;
	s28 =	simm.s32 @!p1 $0x1;
	s25 =	smin.u32 @!p1 s25, $0x4E1FC  }
0x3f7: {  	s29 =	simm.s32 @!p1 $0x3268;
	s28 =	smov.u32 @p1 s22;
	s31 =	sand.u32 @!p1 $0x7FFF8, s25  }
0x3f8: {  	s30 =	sand.u32 @!p1 $0x7, s25;
	s25 =	sadd.s32 $0x1, s18;
	s31 =	sadd.s32 @!p1 s5, s31  }
.LBB3_8:
0x3f9: {  	s0 =	smov.u32 s28  }
0x3fa: {  	[tilespmem:s29], [sflag:$0x2] =	stream.linear.gather @!p1 [hbm4b:s31+s30], $0x20, $0x38;
	[tilespmem:$0x1FBE8] =	vst v63  }
0x3fb: {  	s24 =	sadd.s32 $0x1, s24;
	s30 =	smov.u32 s26;
	v1 =	vld.msk [tilespmem:s25+$0x0], $0x1  }
0x3fc: {  	p2 =	seq.s32 s24, $0x0;
	_ =	sdelay $0x3  }
0x3fd: {  	(v2sf) =	vpush v1, $0x0;
	_ =	sdelay $0xe  }
0x3fe: {  	s26 =	spop (v2sf)  }
0x3ff: {  	p1 =	seq.s32 s30, s26  }
0x400: {  	p3 =	sgt.s32 @!p1 s30, $0x0;
	s29 =	sshll.u32 @!p1 s28, $0x7;
	s28 =	sadd.s32 @!p1 $0x1, s28  }
.Ltmp15:
0x401: {  	p3 =	por !p3, p1;
	s29 =	sshra.s32 @!p1 s29, $0x2;
	(pc) =	sbr.rel @!p2 .LBB3_8-.Ltmp15, $4  }
0x402: {  	s28 =	smov.u32 @p1 s0;
	s30 =	simm.s32 @p3 $0x0;
	s29 =	sadd.s32 @!p1 $0x3268, s29  }
0x403: {  	s0 =	smin.u32 @!p1 s30, $0x4E1FC  }
0x404: {  	s31 =	sand.u32 @!p1 $0x7FFF8, s0;
	s30 =	sand.u32 @!p1 $0x7, s0  }
0x405: {  	s25 =	sadd.s32 $0x1, s25;
	s31 =	sadd.s32 @!p1 s5, s31  }
.LBB3_9:
0x406: {  	[tilespmem:s29], [sflag:$0x2] =	stream.linear.gather @!p1 [hbm4b:s31+s30], $0x20, $0x38;
	[tilespmem:$0x1FBE8] =	vst v63  }
.Ltmp16:
0x407: {  	s0 =	sshll.u32 s28, $0x5;
	(pc) =	sbr.rel .LBB3_10-.Ltmp16, $4  }
0x408: {  	s0 =	sand.u32 $0x3FFFFFE0, s0  }
0x409: {  	_ =	swait.ge [sflag:s10], s0  }
0x40a: {  	s0 =	ssub.s32 $0x0, s0;
	[sflag:s10] =	ssyncset.done $0x0  }
0x40b: {  	s25 =	simm.s32 $0x0;
	[sflag:s10] =	ssyncadd.s32 s0  }
.LBB3_11:
0x40c: {  	s0 =	sshra.s32 s26, $0x2;
	v1 =	vld [tilespmem:s20+$0xFFFFFFF0]  }
0x40d: {  	v2 =	vld [tilespmem:s0+$0x48];
	_ =	sdelay $0x4  }
0x40e: {  	v1 =	vmax.f32 v1, v2  }
0x40f: {  	v2 =	vld [tilespmem:s0+$0x58];
	[tilespmem:s0+$0x48] =	vst v1  }
0x410: {  	v1 =	vld [tilespmem:s20+$0x0];
	_ =	sdelay $0x4  }
0x411: {  	v1 =	vmax.f32 v1, v2  }
0x412: {  	[tilespmem:s0+$0x58] =	vst v1  }
.LBB3_15:
0x413: {  	s21 =	sadd.s32 $0x1, s21  }
0x414: {  	p1 =	seq.s32 s21, $0x0  }
.Ltmp17:
0x415: {  	_ = 	snop;
	(pc) =	sbr.rel @p1 .LBB3_16-.Ltmp17, $2  }
0x416: {  	_ =	sdelay $0x2  }
0x417: {  	s20 =	sadd.s32 $0x80, s20;
	s18 =	sadd.s32 $0x1, s18;
	s23 =	smov.u32 s24  }
.LBB3_10:
0x418: {  	v1 =	vld.msk [tilespmem:s18+$0x0], $0x1;
	_ =	sdelay $0x4  }
0x419: {  	(v2sf) =	vpush v1, $0x0;
	_ =	sdelay $0xe  }
0x41a: {  	s24 =	spop (v2sf)  }
0x41b: {  	p1 =	sne.s32 s23, s24  }
.Ltmp18:
0x41c: {  	_ = 	snop;
	(pc) =	sbr.rel @!p1 .LBB3_11-.Ltmp18, $2  }
0x41d: {  	_ =	sdelay $0x2  }
0x41e: {  	s26 =	sshll.u32 s17, $0x7  }
0x41f: {  	p1 =	seq.s32 s23, s19  }
.Ltmp19:
0x420: {  	_ = 	snop;
	(pc) =	sbr.rel @!p1 .LBB3_13-.Ltmp19, $1  }
0x421: {  	_ =	sdelay $0x3  }
0x422: {  	s0 =	sshra.s32 s26, $0x2  }
.Ltmp20:
0x423: {  	s0 =	sadd.s32 $0x48, s0;
	(pc) =	sbr.rel .LBB3_14-.Ltmp20, $4  }
0x424: {  	[spmem:s13] =	stream.linear.scatter [tilespmem:s0], [sflag:$0x1], $0x20, $0x38;
	[tilespmem:$0x1FBE8] =	vst v63  }
0x425: {  	_ =	swait.ge [sflag:s4], $0x20  }
0x426: {  	[sflag:s4] =	ssyncset.done $0x0  }
0x427: {  	[sflag:s4] =	ssyncadd.s32 $0xFFFFFFE0  }
.LBB3_13:
0x428: {  	s0 =	sshll.u32 s22, $0x7;
	s26 =	sshra.s32 s26, $0x2  }
0x429: {  	s0 =	sshra.s32 s0, $0x2;
	v2 =	vld [tilespmem:s26+$0x48]  }
0x42a: {  	v1 =	vld [tilespmem:s0+$0x3268];
	_ =	sdelay $0x4  }
0x42b: {  	v1 =	vmax.f32 v1, v2  }
0x42c: {  	v2 =	vld [tilespmem:s26+$0x58];
	[tilespmem:s26+$0x48] =	vst v1  }
0x42d: {  	v1 =	vld [tilespmem:s0+$0x3278];
	_ =	sdelay $0x3  }
0x42e: {  	p1 =	sgt.u32 s23, $0x4E1FC  }
0x42f: {  	s0 =	sand.u32 @!p1 $0x7FFF8, s23;
	v1 =	vmax.f32 v1, v2  }
0x430: {  	s28 =	sadd.s32 $0x48, s26;
	s23 =	sand.u32 @!p1 $0x7, s23;
	s0 =	sadd.s32 @!p1 s5, s0;
	[tilespmem:s26+$0x58] =	vst v1  }
0x431: {  	[hbm4b:s0+s23] =	stream.linear.scatter @!p1 [tilespmem:s28], [sflag:$0xA], $0x20, $0x38;
	[tilespmem:$0x1FBE8] =	vst v63  }
0x432: {  	s23 =	simm.s32 $0x0  }
0x433: {  	s23 =	simm.s32 @!p1 $0x80  }
0x434: {  	s25 =	sadd.s32 s23, s25  }
.LBB3_14:
0x435: {  	s0 =	sadd.s32 $0x1, s17  }
0x436: {  	s17 =	smulhi.u32 $0x51EB851F, s0;
	_ =	sdelay $0x1  }
0x437: {  	v1 =	vld [tilespmem:s20+$0xFFFFFFF0];
	s17 =	sshrl.u32 s17, $0x7  }
0x438: {  	s17 =	smul.u32 $0x190, s17;
	_ =	sdelay $0x1  }
0x439: {  	s17 =	ssub.s32 s0, s17  }
0x43a: {  	s0 =	sshll.u32 s17, $0x5  }
0x43b: {  	[tilespmem:s0+$0x48] =	vst v1  }
0x43c: {  	v1 =	vld [tilespmem:s20+$0x0]  }
.Ltmp21:
0x43d: {  	_ = 	snop;
	(pc) =	sbr.rel .LBB3_15-.Ltmp21, $2  }
0x43e: {  	_ =	sdelay $0x2  }
0x43f: {  	s22 =	sadd.s32 $0x1, s22;
	[tilespmem:s0+$0x58] =	vst v1  }
.LBB3_17:
.Ltmp22:
0x440: {  	(pc) =	sbr.rel .LBB3_18-.Ltmp22, $3  }
0x441: {  	_ =	sdelay $0x1  }
0x442: {  	_ =	swait.ge [sflag:s10], $0x0  }
0x443: {  	s18 =	simm.s32 $0x0;
	s24 =	smov.u32 s23;
	[sflag:s10] =	ssyncset.done $0x0  }
.LBB3_20:
0x444: {  	_ =	sfence.sel $0x180000  }
0x445: {  	s0 =	simm.s32 $0x9;
	[bflag:$0x0] =	sbarrier.arrive $0xFFFF  }
0x446: {  	s26 =	simm.s32 $0x2;
	[sflag:s0] =	ssyncpa.u1 $0x1  }
0x447: {  	[sflag:s26] =	ssyncpa.u1 $0x1  }
0x448: {  	v0 =	vld [tilespmem:$0x6488];
	_ =	sdelay $0x4  }
0x449: {  	(v2sf) =	vpush v0, $0x0  }
0x44a: {  	(v2sf) =	vpush v0, $0x1;
	_ =	sdelay $0x1  }
0x44b: {  	(v2sf) =	vpush v0, $0x2;
	_ =	sdelay $0xb  }
0x44c: {  	s0 =	spop (v2sf)  }
0x44d: {  	s3 =	spop (v2sf)  }
0x44e: {  	s4 =	smov.u32 s0;
	p0 =	sne.s32 s0, s3  }
0x44f: {  	s6 =	spop (v2sf);
	s4 =	simm.s32 @!p0 $0xFFFFFFFF  }
0x450: {  	v2 =	vimm.s32 $0x1;
	v3 =	vlaneseq.u32;
	p0 =	seq.s32 s6, $0xFFFFFFFF;
	v1 =	vmov s4  }
0x451: {  	v0 =	vperm.xlane v0, v2;
	p1 =	sne.s32 @!p0 s0, s3;
	v1 =	vperm.xlane v1, v3  }
0x452: {  	vm0 =	vcmask $0x3F04;
	s9 =	simm.s32 $0x6488;
	s0 =	simm.s32 @!p0 $0x1;
	p1 =	por !p1, p0  }
0x453: {  	s4 =	sshll.u32 s7, $0x1;
	s3 =	sshll.u32 @!p0 s6, $0x7;
	s0 =	simm.s32 @p1 $0x0;
	v0 =	vsel vm0, v1, v0  }
0x454: {  	s8 =	sor.u32 $0x400, s4;
	s3 =	sshra.s32 @!p0 s3, $0x2;
	s0 =	sor.u32 @!p0 s0, s4;
	[tilespmem:$0x6488] =	vst v0  }
0x455: {  	[spmem:s8] =	stream.linear.scatter [tilespmem:s9], [sflag:$0x1], $0x2, $0x38;
	[tilespmem:$0x1FBE8] =	vst v63  }
0x456: {  	s3 =	sadd.s32 @!p0 $0x48, s3;
	s0 =	sshll.u32 @!p0 s0, $0x5  }
0x457: {  	[spmem:s0] =	stream.linear.scatter @!p0 [tilespmem:s3], [sflag:$0x1], $0x20, $0x38;
	[tilespmem:$0x1FBE8] =	vst v63  }
0x458: {  	s0 =	simm.s32 @!p0 $0x22  }
0x459: {  	s28 =	simm.s32 $0x1;
	s0 =	simm.s32 @p0 $0x2  }
0x45a: {  	_ =	swait.ge [sflag:s28], s0  }
0x45b: {  	s0 =	ssub.s32 $0x0, s0;
	[sflag:s28] =	ssyncset.done $0x0  }
0x45c: {  	p0 =	sne.s32 s7, $0x0;
	[sflag:s28] =	ssyncadd.s32 s0  }
.Ltmp23:
0x45d: {  	_ =	sfence.stream.spmem;
	(pc) =	sbr.rel @p0 .LBB3_37-.Ltmp23, $4  }
0x45e: {  	s29 =	simm.s32 $0x3;
	[bflag:$0x0] =	sbarrier.arrive $0xFFFF  }
0x45f: {  	s30 =	simm.s32 $0x4;
	[sflag:s29] =	ssyncpa.u1 $0x1  }
0x460: {  	s31 =	simm.s32 $0x3C;
	[sflag:s30] =	ssyncpa.u1 $0x1  }
0x461: {  	s3 =	sand.u32 $0x1, s2;
	[sflag:s31] =	ssyncpa.u1 $0x1  }
0x462: {  	_ =	sfence.stream.spmem;
	s0 =	simm.s32 $0x5  }
0x463: {  	s4 =	simm.s32 $0x400;
	s6 =	simm.s32 $0x6498;
	[sflag:s0] =	ssyncpa.u1 $0x0  }
0x464: {  	[tilespmem:s6], [sflag:$0x5] =	stream.linear.gather [spmem:s4], $0x20, $0x38;
	[tilespmem:$0x1FBE8] =	vst v63  }
0x465: {  	s26 =	simm.s32 $0x0;
	s28 =	simm.s32 $0x64B8  }
0x466: {  	[tilespmem:s28], [sflag:$0x5] =	stream.linear.gather [spmem:s26], $0x400, $0x38;
	[tilespmem:$0x1FBE8] =	vst v63  }
0x467: {  	_ =	swait.ge [sflag:s0], $0x420  }
0x468: {  	[sflag:s0] =	ssyncset.done $0x0  }
0x469: {  	s29 =	simm.s32 $0x0;
	[sflag:s0] =	ssyncadd.s32 $0xFFFFFBE0  }
0x46a: {  	v0 =	vld.msk [tilespmem:s29+$0x6498], $0x1;
	_ =	sdelay $0x1  }
0x46b: {  	s30 =	simm.s32 $0x1  }
0x46c: {  	v1 =	vld.msk [tilespmem:s30+$0x6498], $0x1;
	_ =	sdelay $0x1  }
0x46d: {  	(v2sf) =	vpush v0, $0x0;
	_ =	sdelay $0x2  }
0x46e: {  	(v2sf) =	vpush v1, $0x0;
	_ =	sdelay $0x2  }
0x46f: {  	s31 =	simm.s32 $0x2  }
0x470: {  	v0 =	vld.msk [tilespmem:s31+$0x6498], $0x1;
	_ =	sdelay $0x2  }
0x471: {  	s8 =	simm.s32 $0xFFFFFFFF;
	s6 =	simm.s32 $0xFFFFFFFF;
	s4 =	simm.s32 $0xC  }
.LBB3_22:
0x472: {  	s0 =	smov.u32 s8;
	s9 =	smov.u32 s6  }
0x473: {  	s6 =	sshra.s32 s4, $0x2;
	p1 =	sne.s32 s4, $0x7C;
	s4 =	sadd.s32 $0x4, s4;
	(v2sf) =	vpush v0, $0x0  }
0x474: {  	v0 =	vld.msk [tilespmem:s6+$0x6498], $0x1  }
.Ltmp24:
0x475: {  	(pc) =	sbr.rel @p1 .LBB3_22-.Ltmp24, $4  }
0x476: {  	s8 =	spop (v2sf)  }
0x477: {  	p2 =	sne.s32 s9, $0xFFFFFFFF;
	s6 =	smov.u32 s8  }
0x478: {  	p3 =	seq.s32 s8, $0xFFFFFFFF;
	s6 =	smov.u32 @p2 s9  }
0x479: {  	s8 =	smov.u32 @p3 s0;
	s6 =	smov.u32 @p3 s9  }
0x47a: {  	(v2sf) =	vpush v0, $0x0;
	_ =	sdelay $0x8  }
0x47b: {  	s0 =	spop (v2sf)  }
0x47c: {  	p1 =	sne.s32 s6, $0xFFFFFFFF;
	s4 =	smov.u32 s0  }
0x47d: {  	s9 =	simm.s32 $0x6;
	p2 =	seq.s32 s0, $0xFFFFFFFF;
	s4 =	smov.u32 @p1 s6  }
0x47e: {  	[sflag:s9] =	ssyncpa.u1 $0x0;
	s4 =	smov.u32 @p2 s6;
	s10 =	spop (v2sf)  }
0x47f: {  	s0 =	smov.u32 @p2 s8;
	p1 =	sne.s32 s4, $0xFFFFFFFF;
	s11 =	smov.u32 s10  }
.Ltmp25:
0x480: {  	p2 =	seq.s32 s10, $0xFFFFFFFF;
	s11 =	smov.u32 @p1 s4;
	(pc) =	sbr.rel .LBB3_24-.Ltmp25, $4  }
0x481: {  	s10 =	smov.u32 @p2 s0;
	s11 =	smov.u32 @p2 s4;
	s6 =	spop (v2sf)  }
0x482: {  	p1 =	sne.s32 s11, $0xFFFFFFFF;
	s8 =	smov.u32 s6;
	p2 =	seq.s32 s6, $0xFFFFFFFF  }
0x483: {  	s4 =	simm.s32 $0x0;
	s8 =	smov.u32 @p1 s11;
	s6 =	smov.u32 @p2 s10  }
0x484: {  	s10 =	simm.s32 $0x6468;
	s8 =	smov.u32 @p2 s11;
	s11 =	simm.s32 $0x0  }
.LBB3_30:
0x485: {  	p1 =	sgt.u32 s12, $0x4E1FC  }
0x486: {  	p2 =	seq.s32 @!p1 s12, s8  }
0x487: {  	p1 =	por p1, p2  }
0x488: {  	p2 =	sne.s32 @!p1 s12, s6  }
0x489: {  	p1 =	por p1, !p2  }
0x48a: {  	s12 =	sshll.u32 @p1 s11, $0x7  }
0x48b: {  	s0 =	sand.u32 @!p1 $0x7FFF8, s12  }
0x48c: {  	s12 =	sand.u32 @!p1 $0x7, s12;
	s0 =	sadd.s32 @!p1 s5, s0  }
0x48d: {  	[tilespmem:s10], [sflag:$0x6] =	stream.linear.gather @!p1 [hbm4b:s0+s12], $0x20, $0x38;
	[tilespmem:$0x1FBE8] =	vst v63  }
0x48e: {  	_ =	swait.ge @!p1 [sflag:s9], $0x20  }
0x48f: {  	[sflag:s9] =	ssyncset.done @!p1 $0x0  }
0x490: {  	s12 =	sshll.u32 @!p1 s11, $0x7;
	[sflag:s9] =	ssyncadd.s32 @!p1 $0xFFFFFFE0  }
0x491: {  	s0 =	sshrl.u32 @!p1 s12, $0x2;
	v1 =	vld @!p1 [tilespmem:$0x6468]  }
0x492: {  	v2 =	vld @!p1 [tilespmem:s0+$0x64B8];
	_ =	sdelay $0x4  }
0x493: {  	v1 =	vmax.f32 @!p1 v1, v2  }
0x494: {  	v2 =	vld @!p1 [tilespmem:s0+$0x64C8];
	[tilespmem:s0+$0x64B8] =	vst @!p1 v1  }
0x495: {  	v1 =	vld @!p1 [tilespmem:$0x6478];
	_ =	sdelay $0x4  }
0x496: {  	v1 =	vmax.f32 @!p1 v1, v2  }
0x497: {  	[tilespmem:s0+$0x64C8] =	vst @!p1 v1  }
0x498: {  	s30 =	sshrl.u32 s12, $0x2;
	[tilespmem:s4+$0x6498] =	vst.msk $0x1, v0  }
0x499: {  	v0 =	vld [tilespmem:s30+$0x64B8];
	_ =	sdelay $0x2  }
0x49a: {  	s31 =	sshll.u32 s4, $0x7  }
0x49b: {  	s12 =	sshra.s32 s31, $0x2  }
0x49c: {  	[tilespmem:s12+$0x64B8] =	vst v0  }
0x49d: {  	v0 =	vld [tilespmem:s30+$0x64C8];
	_ =	sdelay $0x4  }
0x49e: {  	s4 =	sadd.s32 $0x1, s4;
	[tilespmem:s12+$0x64C8] =	vst v0  }
.LBB3_31:
0x49f: {  	s11 =	sadd.s32 $0x1, s11  }
0x4a0: {  	p1 =	sne.s32 s11, $0x20  }
.Ltmp26:
0x4a1: {  	_ = 	snop;
	(pc) =	sbr.rel @!p1 .LBB3_32-.Ltmp26, $1  }
0x4a2: {  	_ =	sdelay $0x3  }
.LBB3_24:
0x4a3: {  	v0 =	vld.msk [tilespmem:s11+$0x6498], $0x1;
	_ =	sdelay $0x4  }
0x4a4: {  	(v2sf) =	vpush v0, $0x0;
	_ =	sdelay $0xe  }
0x4a5: {  	s12 =	spop (v2sf)  }
0x4a6: {  	p1 =	seq.s32 s12, $0xFFFFFFFF  }
.Ltmp27:
0x4a7: {  	_ = 	snop;
	(pc) =	sbr.rel @p1 .LBB3_31-.Ltmp27, $1  }
0x4a8: {  	_ =	sdelay $0x3  }
0x4a9: {  	p1 =	slt.s32 s4, $0x1  }
.Ltmp28:
0x4aa: {  	_ = 	snop;
	(pc) =	sbr.rel @p1 .LBB3_30-.Ltmp28, $1  }
0x4ab: {  	_ =	sdelay $0x3  }
0x4ac: {  	s13 =	simm.s32 $0x6498;
	p1 =	por $0x0, $0x0  }
0x4ad: {  	v1 =	vld.msk @!p1 [tilespmem:s13+$0x0], $0x1;
	_ =	sdelay $0x4  }
0x4ae: {  	(v2sf) =	vpush @!p1 v1, $0x0;
	_ =	sdelay $0xd  }
0x4af: {  	p3 =	sne.s32 s4, $0x1  }
.Ltmp29:
0x4b0: {  	s0 =	spop @!p1 (v2sf);
	(pc) =	sbr.rel @!p3 .LBB3_28-.Ltmp29, $4  }
0x4b1: {  	p2 =	seq.s32 @!p1 s12, s0  }
0x4b2: {  	s14 =	simm.s32 $0x0;
	p2 =	por !p2, p1  }
0x4b3: {  	s0 =	simm.s32 $0xFFFFFFFF;
	s14 =	simm.s32 @p2 $0xFFFFFFFF  }
0x4b4: {  	s15 =	simm.s32 $0x1;
	s14 =	smov.u32 @p1 s0  }
.LBB3_27:
0x4b5: {  	s0 =	smov.u32 s14;
	p1 =	sne.s32 s14, $0xFFFFFFFF  }
0x4b6: {  	s13 =	sadd.s32 $0x1, s13;
	s14 =	smov.u32 s15;
	s15 =	sadd.s32 $0x1, s15  }
0x4b7: {  	p2 =	sne.s32 s4, s15;
	v1 =	vld.msk @!p1 [tilespmem:s13+$0x0], $0x1;
	_ =	sdelay $0x4  }
0x4b8: {  	(v2sf) =	vpush @!p1 v1, $0x0;
	_ =	sdelay $0xe  }
.Ltmp30:
0x4b9: {  	s16 =	spop @!p1 (v2sf);
	(pc) =	sbr.rel @p2 .LBB3_27-.Ltmp30, $4  }
0x4ba: {  	p3 =	seq.s32 @!p1 s12, s16  }
0x4bb: {  	p3 =	por !p3, p1  }
0x4bc: {  	s14 =	simm.s32 @p3 $0xFFFFFFFF  }
0x4bd: {  	s14 =	smov.u32 @p1 s0  }
.LBB3_28:
0x4be: {  	p1 =	seq.s32 s14, $0xFFFFFFFF  }
.Ltmp31:
0x4bf: {  	_ = 	snop;
	(pc) =	sbr.rel @p1 .LBB3_30-.Ltmp31, $1  }
0x4c0: {  	_ =	sdelay $0x3  }
0x4c1: {  	s0 =	sshll.u32 s11, $0x5  }
0x4c2: {  	s12 =	sshll.u32 s14, $0x7;
	s0 =	sand.u32 $0x3FFFFFE0, s0  }
0x4c3: {  	s12 =	sshra.s32 s12, $0x2;
	v0 =	vld [tilespmem:s0+$0x64B8]  }
0x4c4: {  	v1 =	vld [tilespmem:s12+$0x64B8];
	_ =	sdelay $0x4  }
0x4c5: {  	v0 =	vmax.f32 v0, v1  }
0x4c6: {  	v63 =	vld [tilespmem:s12+$0x64C8];
	[tilespmem:s12+$0x64B8] =	vst v0  }
0x4c7: {  	v0 =	vld [tilespmem:s0+$0x64C8];
	_ =	sdelay $0x1  }
.Ltmp32:
0x4c8: {  	_ = 	snop;
	(pc) =	sbr.rel .LBB3_31-.Ltmp32, $3  }
0x4c9: {  	_ =	sdelay $0x1  }
0x4ca: {  	v0 =	vmax.f32 v0, v63  }
0x4cb: {  	[tilespmem:s12+$0x64C8] =	vst v0  }
.LBB3_32:
0x4cc: {  	s0 =	simm.s32 $0x6;
	p1 =	seq.s32 s4, $0x0  }
0x4cd: {  	[sflag:s0] =	ssyncpa.u1 $0x1;
	v0 =	vimm.s32 @p1 $0xFFFFFFFF  }
0x4ce: {  	s9 =	sadd.s32 $0xFFFFFFFF, s4;
	[tilespmem:$0x68B8] =	vst @p1 v0  }
0x4cf: {  	v0 =	vld.msk @!p1 [tilespmem:s9+$0x6498], $0x1;
	_ =	sdelay $0x1  }
0x4d0: {  	v1 =	vld.msk @!p1 [tilespmem:$0x6498], $0x1;
	_ =	sdelay $0x2  }
0x4d1: {  	p2 =	seq.s32 @!p1 s9, $0x0;
	v0 =	vbroadcast @!p1 v0, $0x0  }
0x4d2: {  	vm0 =	vmmov @!p1 $0x1;
	p2 =	por !p2, p1  }
0x4d3: {  	v1 =	vnsel @!p1 vm0, $0xFFFFFFFF, v1;
	vm0 =	vcmask @!p1 $0x308;
	v0 =	vpsel !p2, $0xFFFFFFFF, v0  }
0x4d4: {  	p2 =	sne.s32 @!p1 s8, s6;
	v0 =	vsel @!p1 vm0, v1, v0  }
0x4d5: {  	s0 =	simm.s32 @!p1 $0x64B8;
	s6 =	simm.s32 @!p1 $0x0;
	p3 =	por !p2, p1;
	[tilespmem:$0x68B8] =	vst @!p1 v0  }
0x4d6: {  	[spmem:s6] =	stream.linear.scatter @!p1 [tilespmem:s0], [sflag:$0x1], $0x20, $0x38;
	[tilespmem:$0x1FBE8] =	vst v63  }
0x4d7: {  	s0 =	sshll.u32 @!p3 s9, $0x7  }
0x4d8: {  	s0 =	sshra.s32 @!p3 s0, $0x2  }
0x4d9: {  	s6 =	simm.s32 @!p3 $0x20;
	s0 =	sadd.s32 @!p3 $0x64B8, s0  }
0x4da: {  	[spmem:s6] =	stream.linear.scatter @!p3 [tilespmem:s0], [sflag:$0x1], $0x20, $0x38;
	[tilespmem:$0x1FBE8] =	vst v63  }
0x4db: {  	s0 =	simm.s32 @!p3 $0x1  }
0x4dc: {  	_ =	swait.ge @!p3 [sflag:s0], $0x40  }
0x4dd: {  	p1 =	por p2, p1;
	[sflag:s0] =	ssyncset.done @!p3 $0x0  }
0x4de: {  	[sflag:s0] =	ssyncadd.s32 @!p3 $0xFFFFFFC0;
	s0 =	simm.s32 @!p1 $0x1  }
0x4df: {  	_ =	swait.ge @!p1 [sflag:s0], $0x20  }
0x4e0: {  	s29 =	simm.s32 $0x68B8;
	[sflag:s0] =	ssyncset.done @!p1 $0x0  }
0x4e1: {  	s30 =	simm.s32 $0x400;
	s31 =	simm.s32 $0x1;
	[sflag:s0] =	ssyncadd.s32 @!p1 $0xFFFFFFE0  }
0x4e2: {  	[spmem:s30] =	stream.linear.scatter [tilespmem:s29], [sflag:$0x1], $0x10, $0x38;
	[tilespmem:$0x1FBE8] =	vst v63  }
0x4e3: {  	p1 =	seq.s32 s3, $0x0;
	_ =	swait.ge [sflag:s31], $0x10  }
0x4e4: {  	s6 =	sshll.u32 @p1 s2, $0xE;
	[sflag:s31] =	ssyncset.done $0x0  }
0x4e5: {  	s0 =	sadd.s32 @p1 $0x15C3C, s6;
	s6 =	sshll.u32 @p1 s1, $0x11;
	[sflag:s31] =	ssyncadd.s32 $0xFFFFFFF0  }
0x4e6: {  	s0 =	sor.u32 @p1 s6, s0;
	_ =	sfence.stream.spmem  }
0x4e7: {  	[sflag:s0] =	ssyncadd.remote.s32 @p1 $0x1;
	s0 =	simm.s32 @p1 $0x4  }
0x4e8: {  	s8 =	simm.s32 @!p1 $0x3C;
	s6 =	sand.u32 $0xFFFFFFFE, s2;
	_ =	swait.ge @p1 [sflag:s0], $0xA  }
0x4e9: {  	s10 =	simm.s32 @!p1 $0x0;
	s6 =	sadd.s32 @!p1 $0x4, s6;
	[sflag:s0] =	ssyncset.done @p1 $0x0  }
0x4ea: {  	s11 =	simm.s32 @!p1 $0x40;
	[sflag:s0] =	ssyncadd.s32 @p1 $0xFFFFFFF6;
	s0 =	sshll.u32 @!p1 s6, $0x1A  }
0x4eb: {  	s6 =	sshll.u32 @!p1 s6, $0xD;
	s0 =	sor.u32 @!p1 s0, s1;
	_ =	swait.eq @!p1 [sflag:s8], $0x1  }
0x4ec: {  	s6 =	sor.u32 @!p1 $0x1C04, s6;
	s8 =	simm.s32 @!p1 $0x1C03;
	s0 =	sor.u32 @!p1 $0x80004000, s0  }
0x4ed: {  	[spmem:s11], [sflag:s6] =	dma.general @!p1 [spmem:s10], [sflag:s8], length:$0x8, [dreg:$0x0], stride_count:$0x0, ici_dest:s0, dma_misc:DstOpCode:WRITE  }
0x4ee: {  	p2 =	slt.s32 s9, $0x2;
	s10 =	simm.s32 @!p1 $0x80;
	s11 =	simm.s32 @!p1 $0x82  }
0x4ef: {  	[spmem:s11], [sflag:s6] =	dma.general @!p1 [spmem:s10], [sflag:s8], length:$0x2, [dreg:$0x0], stride_count:$0x0, ici_dest:s0, dma_misc:DstOpCode:WRITE  }
.Ltmp33:
0x4f0: {  	s0 =	simm.s32 @!p1 $0x3;
	(pc) =	sbr.rel @p2 .LBB3_36-.Ltmp33, $4  }
0x4f1: {  	s2 =	sshll.u32 @!p1 s2, $0xE;
	_ =	swait.ge @!p1 [sflag:s0], $0xA  }
0x4f2: {  	s2 =	sadd.s32 @!p1 $0x11C3C, s2;
	s1 =	sshll.u32 @!p1 s1, $0x11;
	[sflag:s0] =	ssyncset.done @!p1 $0x0  }
0x4f3: {  	[sflag:s0] =	ssyncadd.s32 @!p1 $0xFFFFFFF6;
	s0 =	sor.u32 @!p1 s1, s2  }
0x4f4: {  	s1 =	simm.s32 $0x0;
	[sflag:s0] =	ssyncadd.remote.s32 @!p1 $0xFFFFFFFF  }
0x4f5: {  	s0 =	simm.s32 $0x6499  }
0x4f6: {  	v0 =	vld.msk [tilespmem:s0+$0x0], $0x1;
	_ =	sdelay $0x4  }
0x4f7: {  	(v2sf) =	vpush v0, $0x0;
	_ =	sdelay $0xc  }
0x4f8: {  	s2 =	sadd.s32 $0xFFFFFFFE, s4  }
0x4f9: {  	s2 =	sadd.s32 $0xFFFFFFFF, s2  }
0x4fa: {  	p2 =	sne.s32 s2, $0x0;
	s0 =	spop (v2sf)  }
.Ltmp34:
0x4fb: {  	p1 =	sgt.u32 s0, $0x4E1FC;
	(pc) =	sbr.rel @!p2 .LBB3_35-.Ltmp34, $4  }
0x4fc: {  	s1 =	simm.s32 $0x64D8;
	s4 =	sand.u32 @!p1 $0x7FFF8, s0  }
0x4fd: {  	s8 =	simm.s32 $0x0;
	s0 =	sand.u32 @!p1 $0x7, s0;
	s4 =	sadd.s32 @!p1 s5, s4  }
0x4fe: {  	[hbm4b:s4+s0] =	stream.linear.scatter @!p1 [tilespmem:s1], [sflag:$0x5], $0x20, $0x38;
	[tilespmem:$0x1FBE8] =	vst v63  }
0x4ff: {  	s6 =	simm.s32 $0x649A;
	s8 =	simm.s32 @!p1 $0x80;
	s4 =	simm.s32 $0x0  }
.LBB3_34:
0x500: {  	v0 =	vld.msk [tilespmem:s6+$0x0], $0x1;
	s2 =	sadd.s32 $0xFFFFFFFF, s2;
	s4 =	sadd.s32 s4, s8  }
0x501: {  	p1 =	sne.s32 s2, $0x0;
	_ =	sdelay $0x3  }
0x502: {  	(v2sf) =	vpush v0, $0x0;
	_ =	sdelay $0xe  }
.Ltmp35:
0x503: {  	s0 =	spop (v2sf);
	(pc) =	sbr.rel @p1 .LBB3_34-.Ltmp35, $4  }
0x504: {  	s8 =	simm.s32 $0x0;
	p2 =	sgt.u32 s0, $0x4E1FC  }
0x505: {  	s1 =	sadd.s32 $0x20, s1;
	s8 =	simm.s32 @!p2 $0x80;
	s9 =	sand.u32 @!p2 $0x7FFF8, s0  }
0x506: {  	s6 =	sadd.s32 $0x1, s6;
	s0 =	sand.u32 @!p2 $0x7, s0;
	s9 =	sadd.s32 @!p2 s5, s9  }
0x507: {  	[hbm4b:s9+s0] =	stream.linear.scatter @!p2 [tilespmem:s1], [sflag:$0x5], $0x20, $0x38;
	[tilespmem:$0x1FBE8] =	vst v63  }
.LBB3_35:
0x508: {  	s0 =	sadd.s32 s4, s8  }
0x509: {  	s1 =	sshrl.u32 s0, $0x2  }
.LBB3_36:
0x50a: {  	s0 =	simm.s32 $0x5  }
0x50b: {  	_ =	swait.ge [sflag:s0], s1  }
0x50c: {  	s31 =	ssub.s32 $0x0, s1;
	[sflag:s0] =	ssyncset.done $0x0  }
0x50d: {  	[sflag:s0] =	ssyncadd.s32 s31  }
0x50e: {  	[sflag:s0] =	ssyncpa.u1 $0x1  }
.LBB3_37:
0x50f: {  	s0 =	sor.u32 s3, s7  }
0x510: {  	p1 =	sne.s32 s0, $0x0  }
.Ltmp36:
0x511: {  	_ = 	snop;
	(pc) =	sbr.rel @p1 .LBB3_52-.Ltmp36, $3  }
0x512: {  	_ =	sdelay $0x1  }
0x513: {  	[bflag:$0x0] =	sbarrier.arrive $0xFFFF  }
0x514: {  	_ =	sfence  }
0x515: {  	s0 =	simm.s32 $0x7  }
0x516: {  	s1 =	simm.s32 $0x400;
	s2 =	simm.s32 $0x6498;
	[sflag:s0] =	ssyncpa.u1 $0x0  }
0x517: {  	[tilespmem:s2], [sflag:$0x7] =	stream.linear.gather [spmem:s1], $0x20, $0x38;
	[tilespmem:$0x1FBE8] =	vst v63  }
0x518: {  	s30 =	simm.s32 $0x64B8;
	s1 =	simm.s32 $0x0  }
0x519: {  	[tilespmem:s30], [sflag:$0x7] =	stream.linear.gather [spmem:s1], $0x400, $0x38;
	[tilespmem:$0x1FBE8] =	vst v63  }
.Ltmp37:
0x51a: {  	_ = 	snop;
	(pc) =	sbr.rel .LBB3_39-.Ltmp37, $4  }
0x51b: {  	_ =	swait.ge [sflag:s0], $0x420  }
0x51c: {  	[sflag:s0] =	ssyncset.done $0x0  }
0x51d: {  	s31 =	simm.s32 $0x8;
	[sflag:s0] =	ssyncadd.s32 $0xFFFFFBE0  }
0x51e: {  	s2 =	simm.s32 $0x0;
	[sflag:s31] =	ssyncpa.u1 $0x0  }
.LBB3_45:
0x51f: {  	p1 =	slt.u32 s3, $0x4E1FD  }
0x520: {  	s0 =	sand.u32 @p1 $0x7FFF8, s3  }
0x521: {  	s3 =	sand.u32 @p1 $0x7, s3;
	s4 =	simm.s32 @p1 $0x6468;
	s0 =	sadd.s32 @p1 s5, s0  }
0x522: {  	[tilespmem:s4], [sflag:$0x8] =	stream.linear.gather @p1 [hbm4b:s0+s3], $0x20, $0x38;
	[tilespmem:$0x1FBE8] =	vst v63  }
0x523: {  	s0 =	simm.s32 @p1 $0x8  }
0x524: {  	_ =	swait.ge @p1 [sflag:s0], $0x20  }
0x525: {  	[sflag:s0] =	ssyncset.done @p1 $0x0  }
0x526: {  	[sflag:s0] =	ssyncadd.s32 @p1 $0xFFFFFFE0;
	s0 =	sshll.u32 @p1 s2, $0x7  }
0x527: {  	s3 =	sshrl.u32 @p1 s0, $0x2;
	v1 =	vld @p1 [tilespmem:$0x6468]  }
0x528: {  	v2 =	vld @p1 [tilespmem:s3+$0x64B8];
	_ =	sdelay $0x4  }
0x529: {  	v1 =	vmax.f32 @p1 v1, v2  }
0x52a: {  	v2 =	vld @p1 [tilespmem:s3+$0x64C8];
	[tilespmem:s3+$0x64B8] =	vst @p1 v1  }
0x52b: {  	v1 =	vld @p1 [tilespmem:$0x6478];
	_ =	sdelay $0x4  }
0x52c: {  	s4 =	sshll.u32 @!p1 s2, $0x7;
	v1 =	vmax.f32 @p1 v1, v2  }
0x52d: {  	s4 =	smov.u32 @p1 s0;
	[tilespmem:s3+$0x64C8] =	vst @p1 v1  }
0x52e: {  	s0 =	sshrl.u32 s4, $0x2;
	[tilespmem:s1+$0x6498] =	vst.msk $0x1, v0  }
0x52f: {  	v0 =	vld [tilespmem:s0+$0x64B8];
	_ =	sdelay $0x2  }
0x530: {  	s31 =	sshll.u32 s1, $0x7  }
0x531: {  	s3 =	sshra.s32 s31, $0x2  }
0x532: {  	[tilespmem:s3+$0x64B8] =	vst v0  }
0x533: {  	v0 =	vld [tilespmem:s0+$0x64C8];
	_ =	sdelay $0x4  }
0x534: {  	s1 =	sadd.s32 $0x1, s1;
	[tilespmem:s3+$0x64C8] =	vst v0  }
.LBB3_46:
0x535: {  	s2 =	sadd.s32 $0x1, s2  }
0x536: {  	p1 =	sne.s32 s2, $0x20  }
.Ltmp38:
0x537: {  	_ = 	snop;
	(pc) =	sbr.rel @!p1 .LBB3_47-.Ltmp38, $1  }
0x538: {  	_ =	sdelay $0x3  }
.LBB3_39:
0x539: {  	v0 =	vld.msk [tilespmem:s2+$0x6498], $0x1;
	_ =	sdelay $0x4  }
0x53a: {  	(v2sf) =	vpush v0, $0x0;
	_ =	sdelay $0xe  }
0x53b: {  	s3 =	spop (v2sf)  }
0x53c: {  	p1 =	seq.s32 s3, $0xFFFFFFFF  }
.Ltmp39:
0x53d: {  	_ = 	snop;
	(pc) =	sbr.rel @p1 .LBB3_46-.Ltmp39, $1  }
0x53e: {  	_ =	sdelay $0x3  }
0x53f: {  	p1 =	slt.s32 s1, $0x1  }
.Ltmp40:
0x540: {  	_ = 	snop;
	(pc) =	sbr.rel @p1 .LBB3_45-.Ltmp40, $1  }
0x541: {  	_ =	sdelay $0x3  }
0x542: {  	s4 =	simm.s32 $0x6498;
	p1 =	por $0x0, $0x0  }
0x543: {  	v1 =	vld.msk @!p1 [tilespmem:s4+$0x0], $0x1;
	_ =	sdelay $0x4  }
0x544: {  	(v2sf) =	vpush @!p1 v1, $0x0;
	_ =	sdelay $0xd  }
0x545: {  	p3 =	sne.s32 s1, $0x1  }
.Ltmp41:
0x546: {  	s0 =	spop @!p1 (v2sf);
	(pc) =	sbr.rel @!p3 .LBB3_43-.Ltmp41, $4  }
0x547: {  	p2 =	seq.s32 @!p1 s3, s0  }
0x548: {  	s6 =	simm.s32 $0x0;
	p2 =	por !p2, p1  }
0x549: {  	s0 =	simm.s32 $0xFFFFFFFF;
	s6 =	simm.s32 @p2 $0xFFFFFFFF  }
0x54a: {  	s7 =	simm.s32 $0x1;
	s6 =	smov.u32 @p1 s0  }
.LBB3_42:
0x54b: {  	s0 =	smov.u32 s6;
	p1 =	sne.s32 s6, $0xFFFFFFFF  }
0x54c: {  	s4 =	sadd.s32 $0x1, s4;
	s6 =	smov.u32 s7;
	s7 =	sadd.s32 $0x1, s7  }
0x54d: {  	p2 =	sne.s32 s1, s7;
	v1 =	vld.msk @!p1 [tilespmem:s4+$0x0], $0x1;
	_ =	sdelay $0x4  }
0x54e: {  	(v2sf) =	vpush @!p1 v1, $0x0;
	_ =	sdelay $0xe  }
.Ltmp42:
0x54f: {  	s8 =	spop @!p1 (v2sf);
	(pc) =	sbr.rel @p2 .LBB3_42-.Ltmp42, $4  }
0x550: {  	p3 =	seq.s32 @!p1 s3, s8  }
0x551: {  	p3 =	por !p3, p1  }
0x552: {  	s6 =	simm.s32 @p3 $0xFFFFFFFF  }
0x553: {  	s6 =	smov.u32 @p1 s0  }
.LBB3_43:
0x554: {  	p1 =	seq.s32 s6, $0xFFFFFFFF  }
.Ltmp43:
0x555: {  	_ = 	snop;
	(pc) =	sbr.rel @p1 .LBB3_45-.Ltmp43, $1  }
0x556: {  	_ =	sdelay $0x3  }
0x557: {  	s0 =	sshll.u32 s2, $0x5  }
0x558: {  	s3 =	sshll.u32 s6, $0x7;
	s0 =	sand.u32 $0x3FFFFFE0, s0  }
0x559: {  	s3 =	sshra.s32 s3, $0x2;
	v0 =	vld [tilespmem:s0+$0x64B8]  }
0x55a: {  	v1 =	vld [tilespmem:s3+$0x64B8];
	_ =	sdelay $0x4  }
0x55b: {  	v0 =	vmax.f32 v0, v1  }
0x55c: {  	v63 =	vld [tilespmem:s3+$0x64C8];
	[tilespmem:s3+$0x64B8] =	vst v0  }
0x55d: {  	v0 =	vld [tilespmem:s0+$0x64C8];
	_ =	sdelay $0x1  }
.Ltmp44:
0x55e: {  	_ = 	snop;
	(pc) =	sbr.rel .LBB3_46-.Ltmp44, $3  }
0x55f: {  	_ =	sdelay $0x1  }
0x560: {  	v0 =	vmax.f32 v0, v63  }
0x561: {  	[tilespmem:s3+$0x64C8] =	vst v0  }
.LBB3_47:
0x562: {  	p1 =	slt.s32 s1, $0x1  }
.Ltmp45:
0x563: {  	_ = 	snop;
	(pc) =	sbr.rel @p1 .LBB3_51-.Ltmp45, $3  }
0x564: {  	_ =	sdelay $0x1  }
0x565: {  	s0 =	simm.s32 $0x8  }
0x566: {  	s2 =	simm.s32 $0x0;
	[sflag:s0] =	ssyncpa.u1 $0x1  }
0x567: {  	s0 =	simm.s32 $0x6498  }
0x568: {  	v0 =	vld.msk [tilespmem:s0+$0x0], $0x1;
	_ =	sdelay $0x4  }
0x569: {  	(v2sf) =	vpush v0, $0x0;
	_ =	sdelay $0xd  }
0x56a: {  	s1 =	sadd.s32 $0xFFFFFFFF, s1  }
0x56b: {  	p2 =	sne.s32 s1, $0x0;
	s0 =	spop (v2sf)  }
.Ltmp46:
0x56c: {  	p1 =	sgt.u32 s0, $0x4E1FC;
	(pc) =	sbr.rel @!p2 .LBB3_50-.Ltmp46, $4  }
0x56d: {  	s3 =	simm.s32 $0x64B8;
	s4 =	sand.u32 @!p1 $0x7FFF8, s0  }
0x56e: {  	s6 =	simm.s32 $0x0;
	s0 =	sand.u32 @!p1 $0x7, s0;
	s4 =	sadd.s32 @!p1 s5, s4  }
0x56f: {  	[hbm4b:s4+s0] =	stream.linear.scatter @!p1 [tilespmem:s3], [sflag:$0x7], $0x20, $0x38;
	[tilespmem:$0x1FBE8] =	vst v63  }
0x570: {  	s6 =	simm.s32 @!p1 $0x80;
	s4 =	simm.s32 $0x6499  }
.LBB3_49:
0x571: {  	v0 =	vld.msk [tilespmem:s4+$0x0], $0x1;
	s1 =	sadd.s32 $0xFFFFFFFF, s1;
	s2 =	sadd.s32 s2, s6  }
0x572: {  	p1 =	sne.s32 s1, $0x0;
	_ =	sdelay $0x3  }
0x573: {  	(v2sf) =	vpush v0, $0x0;
	_ =	sdelay $0xe  }
.Ltmp47:
0x574: {  	s0 =	spop (v2sf);
	(pc) =	sbr.rel @p1 .LBB3_49-.Ltmp47, $4  }
0x575: {  	s6 =	simm.s32 $0x0;
	p2 =	sgt.u32 s0, $0x4E1FC  }
0x576: {  	s3 =	sadd.s32 $0x20, s3;
	s6 =	simm.s32 @!p2 $0x80;
	s7 =	sand.u32 @!p2 $0x7FFF8, s0  }
0x577: {  	s4 =	sadd.s32 $0x1, s4;
	s0 =	sand.u32 @!p2 $0x7, s0;
	s7 =	sadd.s32 @!p2 s5, s7  }
0x578: {  	[hbm4b:s7+s0] =	stream.linear.scatter @!p2 [tilespmem:s3], [sflag:$0x7], $0x20, $0x38;
	[tilespmem:$0x1FBE8] =	vst v63  }
.LBB3_50:
0x579: {  	s0 =	sadd.s32 s2, s6  }
0x57a: {  	s2 =	sshrl.u32 s0, $0x2  }
.LBB3_51:
0x57b: {  	s0 =	simm.s32 $0x7  }
0x57c: {  	_ =	swait.ge [sflag:s0], s2  }
0x57d: {  	s1 =	ssub.s32 $0x0, s2;
	[sflag:s0] =	ssyncset.done $0x0  }
0x57e: {  	[sflag:s0] =	ssyncadd.s32 s1  }
0x57f: {  	[sflag:s0] =	ssyncpa.u1 $0x1  }
.LBB3_52:
0x580: {  	_ =	sfence;
	s0 =	simm.s32 $0x1  }
0x581: {  	[sflag:s0] =	ssyncpa.u1 $0x1  }
0x582: {  	_ =	strace $0x90000059  }
0x583: {  	[bflag:$0x2] =	sbarrier.arrive $0xFFFF  }
0x584: {  	s0 =	rddreg [dreg:$0x4]  }
0x585: {  	s0 =	sadd.s32 @!p0 $0x100000, s0  }
0x586: {  	[sflag:s0] =	ssyncadd.tile.s32 @!p0 $0x1;
	_ =	shalt  }
.Lfunc_end3:
_tile_overlayer_lowered:
.L_overlay_start_3:
0x587: {  	(tag) =	ssettag $0x3  }
0x588: {  	s0 =	rddreg [dreg:$0x0];
	s2 =	stileid.u32  }
0x589: {  	s1 =	rddreg [dreg:$0x1];
	p0 =	sne.s32 s2, $0x0  }
0x58a: {  	s3 =	rddreg [dreg:$0x2];
	[bflag:$0x3] =	sbarrier.arrive $0xFFFF;
	s2 =	simm.s32 @!p0 $0x1C01  }
0x58b: {  	[timem:s3], [sflag:s2] =	dma.local @!p0 [hbm:s0], s1  }
0x58c: {  	s0 =	simm.s32 @!p0 $0x1  }
0x58d: {  	_ =	swait.ge @!p0 [sflag:s0], s1  }
0x58e: {  	s1 =	ssub.s32 @!p0 $0x0, s1;
	[sflag:s0] =	ssyncset.done @!p0 $0x0  }
0x58f: {  	[sflag:s0] =	ssyncadd.s32 @!p0 s1  }
0x590: {  	[bflag:$0x3] =	sbarrier.arrive $0xFFFF  }
0x591: {  	_ =	shalt  }

// kernel: scatter_offload_async_start.2
scs
__scs_entry_jumppad:
0x0: {  	(pc) =	sbr.rel $0x88, $3  }
0x1: {  	(tag) =	ssettag $0x0;
	lr =	simm.s32 $0x1  }
0x2: {  	[smem:$0x3F91] =	sst lr;
	_ =	strace $0xD0000000  }
0x3: {  	_ = 	snop  }
0x4: {  	_ = 	snop  }
0x5: {  	_ = 	snop  }
0x6: {  	_ = 	snop  }
0x7: {  	_ = 	snop  }
__scs_overlays_trampoline_lowered:
0x8: {  	[smem:$0x3FA0] =	sst s0  }
0x9: {  	[smem:$0x3FA1] =	sst s1  }
0xa: {  	[smem:$0x3FA2] =	sst s2  }
0xb: {  	[smem:$0x3FA3] =	sst s3  }
0xc: {  	[smem:$0x3FA4] =	sst s4  }
0xd: {  	[smem:$0x3FA5] =	sst s5  }
0xe: {  	[smem:$0x3FA6] =	sst s6  }
0xf: {  	[smem:$0x3FA7] =	sst s7  }
0x10: {  	[smem:$0x3FA8] =	sst s8  }
0x11: {  	[smem:$0x3FA9] =	sst s9;
	s0 =	simm.s32 @!p0 $0x0  }
0x12: {  	s1 =	sld [smem:$0x3F8F];
	s0 =	simm.s32 @p0 $0x1  }
0x13: {  	[smem:$0x3FAA] =	sst s0;
	s0 =	simm.s32 @!p1 $0x0  }
0x14: {  	s2 =	sld [smem:$0x3F8E];
	s0 =	simm.s32 @p1 $0x1  }
0x15: {  	[smem:$0x3FAB] =	sst s0;
	s0 =	simm.s32 @!p2 $0x0  }
0x16: {  	s3 =	sld [smem:$0x3FDB];
	s0 =	simm.s32 @p2 $0x1  }
0x17: {  	s4 =	simm.s32 $0x1BF5;
	[smem:$0x3FAD] =	sst s0  }
0x18: {  	s0 =	sld [smem:$0x3F90];
	_ =	swait.ge [sflag:s4], $0x0  }
0x19: {  	s7 =	sld [smem:$0x3F91]  }
0x1a: {  	s8 =	sadd.s32 $0xFFFFE003, lr  }
0x1b: {  	s9 =	sadd.s32 $0xFFFFFEF7, lr;
	s5 =	simm.s32 $0xFFFFFFFF;
	p2 =	slt.u32 s8, $0xFFFFF086  }
0x1c: {  	p1 =	slt.u32 s9, $0xF7A;
	s5 =	simm.s32 @!p2 $0x0  }
0x1d: {  	s5 =	simm.s32 @p1 $0x1;
	p0 =	seq.s32 s7, s2  }
0x1e: {  	s7 =	smul.u32 @!p0 $0xF7A, s2;
	p2 =	seq.s32 @!p0 s5, $0x0  }
0x1f: {  	s9 =	smul.u32 $0xF7A, s1;
	s8 =	simm.s32 @!p0 $0x1BF5;
	p2 =	por !p2, p0  }
0x20: {  	[sflag:s8] =	ssyncset.s32 @!p0 $0xFFFFF086;
	s6 =	sadd.s32 @!p0 s3, s7;
	s7 =	simm.s32 @!p0 $0x108  }
0x21: {  	s3 =	sadd.s32 s3, s9;
	s6 =	sadd.s32 @!p0 $0x88, s6;
	s7 =	simm.s32 @p2 $0x1082  }
0x22: {  	[simem:s7], [sflag:s8] =	dma.local @!p0 [hbm:s6], $0xF7A  }
0x23: {  	s9 =	sor.u32 $0xD0000000, s2;
	s6 =	simm.s32 $0x108;
	_ =	swait.ge @!p0 [sflag:s8], $0x0  }
0x24: {  	s3 =	sadd.s32 $0x88, s3;
	s6 =	simm.s32 @!p1 $0x1082;
	[sflag:s4] =	ssyncset.s32 $0xFFFFF086  }
0x25: {  	[simem:s6], [sflag:s4] =	dma.local [hbm:s3], $0xF7A  }
0x26: {  	[smem:$0x3F91] =	sst s1;
	(tag) =	ssettag s2;
	_ =	strace s9  }
0x27: {  	s1 =	sld [smem:$0x3FA1]  }
0x28: {  	s2 =	sld [smem:$0x3FA2]  }
0x29: {  	s4 =	sld [smem:$0x3FA4]  }
0x2a: {  	p0 =	seq.s32 s5, $0x0;
	s5 =	sld [smem:$0x3FA5]  }
0x2b: {  	s6 =	sld [smem:$0x3FA6]  }
0x2c: {  	s7 =	sld [smem:$0x3FA7]  }
0x2d: {  	s3 =	simm.s32 $0x108;
	s8 =	sld [smem:$0x3FA8]  }
0x2e: {  	s3 =	simm.s32 @!p0 $0x1082;
	s9 =	sld [smem:$0x3FA9]  }
0x2f: {  	lr =	sadd.s32 s0, s3;
	s0 =	sld [smem:$0x3FA0]  }
0x30: {  	s3 =	sld [smem:$0x3FA3]  }
0x31: {  	[smem:$0x3FAC] =	sst s10  }
0x32: {  	s10 =	sld [smem:$0x3FAA];
	_ =	sdelay $0x3  }
0x33: {  	p0 =	seq.s32 s10, $0x1;
	s10 =	sld [smem:$0x3FAC];
	_ =	sdelay $0x3  }
0x34: {  	[smem:$0x3FAC] =	sst s10  }
0x35: {  	s10 =	sld [smem:$0x3FAB];
	_ =	sdelay $0x3  }
0x36: {  	p1 =	seq.s32 s10, $0x1;
	s10 =	sld [smem:$0x3FAC];
	_ =	sdelay $0x3  }
0x37: {  	[smem:$0x3FAC] =	sst s10  }
0x38: {  	s10 =	sld [smem:$0x3FAD]  }
0x39: {  	_ = 	snop;
	(pc) =	sbr.ind lr, $3  }
0x3a: {  	_ = 	snop  }
0x3b: {  	_ = 	snop  }
0x3c: {  	p2 =	seq.s32 s10, $0x1;
	s10 =	sld [smem:$0x3FAC]  }
0x3d: {  	_ =	shalt  }
0x3e: {  	_ =	shalt  }
0x3f: {  	_ =	shalt  }
0x40: {  	_ =	shalt  }
0x41: {  	_ =	shalt  }
0x42: {  	_ =	shalt  }
0x43: {  	_ =	shalt  }
0x44: {  	_ =	shalt  }
0x45: {  	_ =	shalt  }
0x46: {  	_ =	shalt  }
0x47: {  	_ =	shalt  }
0x48: {  	_ =	shalt  }
0x49: {  	_ =	shalt  }
0x4a: {  	_ =	shalt  }
0x4b: {  	_ =	shalt  }
0x4c: {  	_ =	shalt  }
0x4d: {  	_ =	shalt  }
0x4e: {  	_ =	shalt  }
0x4f: {  	_ =	shalt  }
0x50: {  	_ =	shalt  }
0x51: {  	_ =	shalt  }
0x52: {  	_ =	shalt  }
0x53: {  	_ =	shalt  }
0x54: {  	_ =	shalt  }
0x55: {  	_ =	shalt  }
0x56: {  	_ =	shalt  }
0x57: {  	_ =	shalt  }
0x58: {  	_ =	shalt  }
0x59: {  	_ =	shalt  }
0x5a: {  	_ =	shalt  }
0x5b: {  	_ =	shalt  }
0x5c: {  	_ =	shalt  }
0x5d: {  	_ =	shalt  }
0x5e: {  	_ =	shalt  }
0x5f: {  	_ =	shalt  }
0x60: {  	_ =	shalt  }
0x61: {  	_ =	shalt  }
0x62: {  	_ =	shalt  }
0x63: {  	_ =	shalt  }
0x64: {  	_ =	shalt  }
0x65: {  	_ =	shalt  }
0x66: {  	_ =	shalt  }
0x67: {  	_ =	shalt  }
0x68: {  	_ =	shalt  }
0x69: {  	_ =	shalt  }
0x6a: {  	_ =	shalt  }
0x6b: {  	_ =	shalt  }
0x6c: {  	_ =	shalt  }
0x6d: {  	_ =	shalt  }
0x6e: {  	_ =	shalt  }
0x6f: {  	_ =	shalt  }
0x70: {  	_ =	shalt  }
0x71: {  	_ =	shalt  }
0x72: {  	_ =	shalt  }
0x73: {  	_ =	shalt  }
0x74: {  	_ =	shalt  }
0x75: {  	_ =	shalt  }
0x76: {  	_ =	shalt  }
0x77: {  	_ =	shalt  }
0x78: {  	_ =	shalt  }
0x79: {  	_ =	shalt  }
0x7a: {  	_ =	shalt  }
0x7b: {  	_ =	shalt  }
0x7c: {  	_ =	shalt  }
0x7d: {  	_ =	shalt  }
0x7e: {  	_ =	shalt  }
0x7f: {  	_ =	shalt  }
0x80: {  	_ =	shalt  }
0x81: {  	_ =	shalt  }
0x82: {  	_ =	shalt  }
0x83: {  	_ =	shalt  }
0x84: {  	_ =	shalt  }
0x85: {  	_ =	shalt  }
0x86: {  	_ =	shalt  }
0x87: {  	_ =	shalt  }
.Lfunc_end0:
.L_simem_size_0:
called_computation.2_lowered:
.L_overlay_start_0:
0x88: {  	s0 =	sld [smem:$0x3FD9]  }
0x89: {  	s1 =	sld [smem:$0x3FFE];
	_ =	sdelay $0x3  }
0x8a: {  	s0 =	sadd.s32 s1, s0  }
0x8b: {  	[smem:$0x3FB8] =	sst s0  }
0x8c: {  	_ = 	snop  }
0x8d: {  	s0 =	sld [smem:$0x3FBA]  }
0x8e: {  	s16 =	sld [smem:$0x3FD0];
	(tm) =	ssettm $0x1  }
0x8f: {  	s2 =	sld [smem:$0x3FFB];
	_ =	sdelay $0x3  }
0x90: {  	_ =	strace s2  }
0x91: {  	s2 =	sld [smem:$0x3FFC];
	_ =	sdelay $0x3  }
0x92: {  	_ =	strace s2  }
0x93: {  	s2 =	sld [smem:$0x3FFD];
	_ =	sdelay $0x3  }
0x94: {  	_ =	strace s2  }
0x95: {  	_ =	strace $0x8FFFFFFF  }
0x96: {  	s17 =	sld [smem:$0x3FDB];
	_ =	sdelay $0x1  }
0x97: {  	s3 =	simm.s32 $_scs_section_size  }
0x98: {  	s4 =	simm.s32 $_size__tile_overlayer_lowered;
	s5 =	simm.s32 $_tile_overlayer_lowered  }
0x99: {  	s20 =	simm.s32 $0x1BFF;
	s19 =	sshll.u32 s5, $0x1;
	s2 =	sadd.s32 s3, s17  }
0x9a: {  	s6 =	simm.s32 $0x0;
	s18 =	sshll.u32 s4, $0x1;
	s4 =	sadd.s32 s19, s2  }
0x9b: {  	[timem:s6], [sflag:s20] =	dma.local [hbm:s4], s18  }
0x9c: {  	_ =	swait.ge [sflag:s20], s18  }
0x9d: {  	s3 =	ssub.s32 $0x0, s18;
	[sflag:s20] =	ssyncset.done $0x0  }
0x9e: {  	[sflag:s20] =	ssyncadd.s32 s3;
	_ =	sdelay $0x1  }
0x9f: {  	s21 =	simm.s32 $0x1B8B  }
0xa0: {  	_ =	swait.ge [sflag:s21], $0x1  }
0xa1: {  	[sflag:s21] =	ssyncset.done $0x0  }
0xa2: {  	s23 =	simm.s32 $0x1B8E;
	s22 =	sld [smem:$0x3FFE];
	[sflag:s21] =	ssyncadd.s32 $0xFFFFFFFF  }
0xa3: {  	s24 =	simm.s32 $execute0_lowered;
	[smem:$0x3FD2] =	sst s23  }
0xa4: {  	s4 =	sshll.u32 s24, $0x1;
	_ =	strace $0x80000046;
	[dreg:$0x1] =	wrdreg $0xFFFFFFFF  }
0xa5: {  	s25 =	simm.s32 $_size_execute0_lowered;
	s2 =	sadd.s32 s2, s4;
	[dreg:$0x0] =	wrdreg $0x0  }
0xa6: {  	s4 =	sshll.u32 s25, $0x1;
	[dreg:$0x2] =	wrdreg s2  }
0xa7: {  	[dreg:$0x3] =	wrdreg s4  }
0xa8: {  	[dreg:$0x4] =	wrdreg $0xC0  }
0xa9: {  	_ =	task [dreg:s6], $0x5FFFF  }
0xaa: {  	[dreg:$0x1] =	wrdreg $0xFFFFFFFF  }
0xab: {  	[dreg:$0x0] =	wrdreg $0x60  }
0xac: {  	[dreg:$0x2] =	wrdreg s22  }
0xad: {  	[dreg:$0x3] =	wrdreg s0  }
0xae: {  	[dreg:$0x4] =	wrdreg s16  }
0xaf: {  	[dreg:$0x5] =	wrdreg $0xB  }
0xb0: {  	_ =	task.clear_ibuf [dreg:s6], $0x6FFFF;
	_ =	strace $0x90000046  }
0xb1: {  	s26 =	simm.s32 $0xB;
	_ =	strace $0x80000048  }
0xb2: {  	_ =	swait.ge [sflag:s26], $0x1  }
0xb3: {  	[sflag:s26] =	ssyncadd.s32 $0xFFFFFFFF  }
0xb4: {  	_ =	strace $0x90000048  }
0xb5: {  	_ =	sfence  }
0xb6: {  	s28 =	sld [smem:$0x0];
	_ =	sdelay $0x1  }
0xb7: {  	s29 =	srdreg.scid  }
0xb8: {  	s30 =	sshll.u32 s29, $0xD;
	s31 =	sshrl.u32 s29, $0x2  }
0xb9: {  	s1 =	sand.u32 $0x1, s29;
	s2 =	sand.u32 $0x4000, s30;
	s0 =	sadd.s32 s31, s28  }
0xba: {  	s1 =	sor.u32 s2, s1;
	s0 =	sshll.u32 s0, $0x11  }
0xbb: {  	s0 =	sor.u32 s0, s1  }
0xbc: {  	s0 =	sadd.s32 $0x8F2B, s0  }
0xbd: {  	[sflag:s0] =	ssyncadd.remote.s32 $0x1  }
0xbe: {  	_ =	sfence.sel $0xFFFF  }
0xbf: {  	[dreg:$0x0] =	wrdreg $0xFFFFFFFF;
	(pc) =	sbr.abs _section_cstart, $3  }
0xc0: {  	[dreg:$0x1] =	wrdreg $0xFFFFFFFF  }
0xc1: {  	_ =	task.clear_ibuf [dreg:s6], $0x2FFFF;
	_ =	strace $0x9FFFFFFF  }
0xc2: {  	(tm) =	ssettm $0x7FFFFFFF  }
0xc3: {  	_ =	shalt  }
tec
execute0_lowered:
.L_overlay_start_1:
0x0: {  	(tag) =	ssettag $0x1  }
0x1: {  	s0 =	rddreg [dreg:$0x0];
	s3 =	stileid.u32  }
0x2: {  	_ =	strace $0x80000047;
	s2 =	simm.s32 $0x1;
	s1 =	smul.u32 $0x6, s3  }
0x3: {  	v1 =	vimm.s32 $0xFFFFFFFF;
	s4 =	smin.u32 s3, $0x4;
	[sflag:s2] =	ssyncpa.u1 $0x0  }
0x4: {  	[tilespmem:$0x10] =	vst v1;
	s1 =	sadd.s32 s4, s1  }
0x5: {  	v0 =	vimm.f32 $-Inf;
	p0 =	slt.u32 s3, $0x4;
	[tilespmem:$0x20] =	vst v1;
	s5 =	smul.u32 $0x1F40, s1;
	s1 =	simm.s32 $0xDAC0  }
0x6: {  	[tilespmem:$0x30] =	vst v0;
	s1 =	simm.s32 @!p0 $0xBB80  }
0x7: {  	[tilespmem:$0x40] =	vst v0;
	s1 =	sadd.s32 s1, s5  }
0x8: {  	[tilespmem:$0x50] =	vst v0;
	s6 =	smin.u32 s1, $0xC3500  }
0x9: {  	s7 =	simm.s32 $0x2;
	[tilespmem:$0x60] =	vst v1;
	s4 =	ssub.s32 s6, s5  }
0xa: {  	s8 =	simm.s32 $0x8;
	s31 =	simm.s32 $0x9;
	[tilespmem:$0x70] =	vst v1;
	p0 =	sgt.s32 s4, $0x0  }
0xb: {  	s16 =	simm.s32 $0x0;
	s17 =	simm.s32 $0xF0;
	[tilespmem:$0x80] =	vst v1;
	s4 =	simm.s32 @!p0 $0x0  }
0xc: {  	s18 =	simm.s32 $0xFFFFFFFF;
	s19 =	simm.s32 $0xFFFFC280;
	v1 =	vimm.s32 $0x0;
	[tilespmem:$0xB0] =	vst v0;
	s30 =	smulhi.u32 $0x10624DD3, s4  }
0xd: {  	s20 =	simm.s32 $0xFFFFFFFE;
	s21 =	simm.s32 $0xF;
	s25 =	simm.s32 $0x0;
	[tilespmem:$0x90] =	vst v1  }
0xe: {  	[tilespmem:$0xA0] =	vst v1;
	[sflag:s7] =	ssyncpa.u1 $0x0;
	s7 =	simm.s32 $0x7;
	s9 =	sshrl.u32 s30, $0x9  }
0xf: {  	s24 =	simm.s32 $0x0;
	[sflag:s7] =	ssyncpa.u1 $0x0;
	s10 =	smul.u32 $0x1F40, s9  }
.Ltmp0:
0x10: {  	s14 =	sshllo.u32 s3, $0x1;
	[sflag:s8] =	ssyncpa.u1 $0x0;
	(pc) =	sbr.rel .LBB2_1-.Ltmp0, $4  }
0x11: {  	[sflag:s31] =	ssyncpa.u1 $0x0;
	s23 =	smov.u32 s5;
	p0 =	sne.s32 s4, s10  }
0x12: {  	s1 =	sadd.s32 $0xA00, s0;
	s10 =	sshll.u32 s3, $0x1;
	s2 =	simm.s32 @!p0 $0x0  }
0x13: {  	vm0 =	vmmov $0xffff;
	v2 =	vlaneseq.u32;
	vm1 =	vmxor vm1, vm1;
	s13 =	sor.u32 $0x81, s10;
	s15 =	sor.u32 $0x80, s10;
	s9 =	sadd.s32 s2, s9  }
0x14: {  	vm2 =	vmmov $0x1;
	v3 =	vimm.f32 $0.0e+00;
	vm3 =	vcmask $0x3F3C;
	p0 =	por $0x0, $0x0;
	s11 =	sadd.s32 $0x1, s9;
	s12 =	sadd.s32 $0x2, s9  }
.LBB2_9:
0x15: {  	p1 =	slt.u32 s24, $0x3  }
0x16: {  	s0 =	simm.s32 @!p1 $0x2  }
0x17: {  	_ =	swait.ge @!p1 [sflag:s0], $0x1F40  }
0x18: {  	[sflag:s0] =	ssyncset.done @!p1 $0x0  }
0x19: {  	[sflag:s0] =	ssyncadd.s32 @!p1 $0xFFFFE0C0;
	s0 =	simm.s32 @!p1 $0x9  }
0x1a: {  	_ =	swait.ge @!p1 [sflag:s0], $0x10  }
0x1b: {  	[sflag:s0] =	ssyncset.done @!p1 $0x0  }
0x1c: {  	[sflag:s0] =	ssyncadd.s32 @!p1 $0xFFFFFFF0;
	p1 =	sne.s32 s24, s12  }
.Ltmp1:
0x1d: {  	s2 =	sadd.s32 $0x1F40, s23;
	(pc) =	sbr.rel @!p1 .LBB2_10-.Ltmp1, $4  }
0x1e: {  	s3 =	smov.u32 s5;
	s31 =	sadd.s32 $0x1, s24;
	s17 =	sadd.s32 $0x1F40, s17  }
0x1f: {  	s18 =	sadd.s32 $0x1, s18;
	s25 =	smov.u32 s23;
	p2 =	slt.s32 s2, s6  }
0x20: {  	p0 =	por !p0, !p0;
	s19 =	sadd.s32 $0x1F40, s19;
	s3 =	smov.u32 @p2 s2  }
0x21: {  	s20 =	sadd.s32 $0x1, s20;
	s23 =	smov.u32 s3;
	s24 =	smov.u32 s31  }
.LBB2_1:
0x22: {  	p1 =	sge.u32 s24, s9  }
0x23: {  	s0 =	smulhi.u32 @!p1 $0xAAAAAAAB, s24;
	_ =	sdelay $0x1  }
0x24: {  	s0 =	sshrl.u32 @!p1 s0, $0x1  }
0x25: {  	s0 =	smul.u32 @!p1 $0x3, s0;
	_ =	sdelay $0x1  }
0x26: {  	s0 =	ssub.s32 @!p1 s24, s0  }
0x27: {  	s0 =	smul.u32 @!p1 $0x7D00, s0;
	_ =	sdelay $0x1  }
0x28: {  	s3 =	rddreg [dreg:$0x1];
	s2 =	sshrl.u32 @!p1 s23, $0x3;
	s0 =	sshrl.u32 @!p1 s0, $0x2  }
0x29: {  	s4 =	sand.u32 @!p1 $0x7, s23;
	s2 =	sadd.s32 @!p1 s3, s2;
	s0 =	sadd.s32 @!p1 $0x100, s0  }
0x2a: {  	[tilespmem:s0], [sflag:$0x7] =	stream.linear.gather @!p1 [hbm4b:s2+s4], $0x1F40, $0x38;
	[tilespmem:$0x11A60] =	vst v63  }
0x2b: {  	s0 =	sadd.s32 $0xFFFFFFFF, s24  }
0x2c: {  	p1 =	sge.u32 s0, s9  }
.Ltmp2:
0x2d: {  	_ = 	snop;
	(pc) =	sbr.rel @p1 .LBB2_5-.Ltmp2, $1  }
0x2e: {  	_ =	sdelay $0x3  }
0x2f: {  	s2 =	smulhi.u32 $0xAAAAAAAB, s0;
	_ =	sdelay $0x1  }
0x30: {  	s2 =	sshrl.u32 s2, $0x1  }
0x31: {  	s2 =	smul.u32 $0x3, s2;
	_ =	sdelay $0x1  }
0x32: {  	s2 =	ssub.s32 s0, s2  }
0x33: {  	s2 =	smul.u32 $0x7D00, s2  }
0x34: {  	_ =	swait.ge [sflag:s7], $0x1F40  }
0x35: {  	[sflag:s7] =	ssyncset.done $0x0;
	s2 =	sshrl.u32 s2, $0x2  }
0x36: {  	[sflag:s7] =	ssyncadd.s32 $0xFFFFE0C0;
	(ifvalue) =	ssetifvalue $0xFFFFFFFF;
	v4 =	vld.msk [tilespmem:s2+$0x100 ss:$0x1], $0xffff;
	_ =	sdelay $0x2  }
0x37: {  	s29 =	smulhi.u32 $0xAAAAAAAB, s18;
	p1 =	sne.s32 s24, $0x1  }
0x38: {  	v5 =	vimm.s32 @!p1 $0x0  }
0x39: {  	s2 =	sshrl.u32 s29, $0x1;
	v5 =	vperm.xlane @!p1 v4, v5  }
0x3a: {  	s4 =	sshll.u32 s24, $0x4;
	s2 =	smul.u32 $0xFFFE8900, s2;
	vm4 =	vlt.u32 v4, $0x5000  }
0x3b: {  	s4 =	sand.u32 $0x10, s4;
	v4 =	vnsel vm4, $0xFFFFFFFE, v4;
	vm4 =	vlt.u32 @!p1 v5, $0x5000  }
0x3c: {  	s2 =	sshra.s32 s2, $0x2;
	[tilespmem:s4+$0x60] =	vst v4;
	v4 =	vnsel @!p1 vm4, $0xFFFFFFFE, v5  }
0x3d: {  	s30 =	sadd.s32 s2, s17;
	[tilespmem:$0x80] =	vst @!p1 v4  }
0x3e: {  	v4 =	vld.msk [tilespmem:s30+$0x0 ss:$0x1], $0xffff;
	_ =	sdelay $0x4  }
0x3f: {  	(xrf1) =	vunique.msk.u32 $0xffff, v4;
	_ =	sdelay $0xd  }
0x40: {  	v5 =	vimm.s32 $0xFFFFFFFF;
	v6, _, _ =	vpop (xrf1)  }
0x41: {  	vm5 =	vne.s32 v4, v5;
	vm4 =	veq.s32 v6, v2  }
0x42: {  	vm6 =	vlt.u32 v4, $0x5000;
	vm4 =	vmand vm5, vm4  }
0x43: {  	vm4 =	vmand vm6, vm4  }
0x44: {  	v5 =	vnsel vm4, $0xFFFFFFFF, v4  }
0x45: {  	s31 =	sand.u32 $0x1, s0  }
0x46: {  	s26 =	simm.s32 $0x1F40;
	p1 =	seq.s32 s31, $0x1  }
0x47: {  	s26 =	simm.s32 @!p1 $0x0  }
0x48: {  	s28 =	sadd.s32 $0x7DF0, s26;
	(ifvalue) =	ssetifvalue $0xFFFFFFFF  }
0x49: {  	v4 =	vperm.xlane v4, v1;
	[tilespmem:s28], [sflag:$0x8] =	stream.indirect_vreg.gather [hbm4b:s1+s16], $0x1, v5, vm0, $0x4038;
	v5 =	vnsel vm6, $0xFFFFFFFE, v5;
	[tilespmem:$0x11A60] =	vst v63  }
0x4a: {  	s0 =	simm.s32 $0x0;
	s2 =	sadd.s32 $0xFFFFFFF0, s30;
	[tilespmem:s30+$0x0] =	vst v5  }
.LBB2_3:
0x4b: {  	v5 =	vld.msk [tilespmem:s2+$0x0 ss:$0x1], $0xffff;
	s0 =	sadd.s32 $0x10, s0;
	v6 =	vmov v4;
	s4 =	smov.u32 s2  }
0x4c: {  	p1 =	slt.u32 s0, $0x1F30;
	_ =	sdelay $0x4  }
0x4d: {  	v4 =	vperm.xlane v5, v1;
	(xrf1) =	vunique.msk.u32 $0xffff, v5;
	_ =	sdelay $0xd  }
0x4e: {  	v7, _, _ =	vpop (xrf1)  }
0x4f: {  	vm5 =	vne.s32 v5, v6;
	vm4 =	veq.s32 v7, v2  }
0x50: {  	vm6 =	vlt.u32 v5, $0x5000;
	vm4 =	vmand vm5, vm4  }
0x51: {  	vm4 =	vmand vm6, vm4  }
0x52: {  	v5 =	vnsel vm4, $0xFFFFFFFF, v5  }
.Ltmp3:
0x53: {  	v6 =	vnsel vm6, $0xFFFFFFFE, v5;
	(pc) =	sbr.rel @p1 .LBB2_3-.Ltmp3, $3  }
0x54: {  	_ =	sdelay $0x1  }
0x55: {  	s2 =	sadd.s32 $0xFFFFFFF0, s2;
	s28 =	sadd.s32 $0xFFFFFFF0, s28;
	(ifvalue) =	ssetifvalue $0xFFFFFFFF  }
0x56: {  	[tilespmem:s28], [sflag:$0x8] =	stream.indirect_vreg.gather [hbm4b:s1+s16], $0x1, v5, vm0, $0x4038;
	[tilespmem:s4+$0x0] =	vst v6  }
0x57: {  	s0 =	sshrl.u32 s25, $0x3;
	s2 =	rddreg [dreg:$0x2]  }
0x58: {  	s31 =	sadd.s32 $0x9D40, s26;
	s0 =	sadd.s32 s2, s0  }
0x59: {  	[tilespmem:s31], [sflag:$0x8] =	stream.linear.gather [hbm:s0], $0x1F40, $0x38;
	[tilespmem:$0x11A60] =	vst v63  }
.LBB2_5:
0x5a: {  	p1 =	slt.u32 s24, $0x2  }
0x5b: {  	p2 =	sge.u32 @!p1 s24, s12  }
0x5c: {  	p1 =	por p1, p2  }
.Ltmp4:
0x5d: {  	_ = 	snop;
	(pc) =	sbr.rel @p1 .LBB2_9-.Ltmp4, $1  }
0x5e: {  	_ =	sdelay $0x3  }
0x5f: {  	s0 =	sadd.s32 $0xFFFFFFFE, s24  }
0x60: {  	s2 =	smulhi.u32 $0xAAAAAAAB, s0;
	_ =	sdelay $0x1  }
0x61: {  	s2 =	sshrl.u32 s2, $0x1  }
0x62: {  	s2 =	smul.u32 $0x3, s2;
	_ =	sdelay $0x1  }
0x63: {  	s0 =	ssub.s32 s0, s2  }
0x64: {  	_ =	swait.ge [sflag:s8], $0x3E80;
	s0 =	smul.u32 $0x1F40, s0  }
0x65: {  	p1 =	sne.s32 s24, s11;
	[sflag:s8] =	ssyncset.done $0x0  }
0x66: {  	[sflag:s8] =	ssyncadd.s32 $0xFFFFC180;
	s2 =	sadd.s32 @!p1 $0x203F, s0  }
0x67: {  	[spmem:s13] =	stream.linear.scatter @!p1 [tilespmem:s2], [sflag:$0x1], $0x1, $0x38;
	[tilespmem:$0x11A60] =	vst v63  }
0x68: {  	s2 =	simm.s32 @!p1 $0x1  }
0x69: {  	_ =	swait.ge @!p1 [sflag:s2], $0x1  }
0x6a: {  	s4 =	sshll.u32 s24, $0x4;
	[sflag:s2] =	ssyncset.done @!p1 $0x0  }
0x6b: {  	s25 =	sand.u32 $0x10, s4;
	[sflag:s2] =	ssyncadd.s32 @!p1 $0xFFFFFFFF  }
0x6c: {  	s2 =	sxor.u32 $0x10, s25;
	v5 =	vld [tilespmem:s25+$0x10]  }
0x6d: {  	v6 =	vld [tilespmem:s2+$0x60]  }
0x6e: {  	v4 =	vld [tilespmem:$0x80];
	_ =	sdelay $0x2  }
0x6f: {  	(v2sf) =	vpush v5, $0x0  }
0x70: {  	(v2sf) =	vpush v6, $0x0  }
0x71: {  	(v2sf) =	vpush v4, $0x0;
	_ =	sdelay $0xc  }
0x72: {  	s3 =	spop (v2sf)  }
0x73: {  	s22 =	spop (v2sf)  }
0x74: {  	s28 =	spop (v2sf)  }
0x75: {  	p2 =	seq.s32 s3, s22;
	p3 =	seq.s32 s28, s3  }
0x76: {  	p3 =	por p2, p3  }
0x77: {  	s26 =	sand.u32 $0x1, s24;
	v5 =	vpsel p3, $0xFFFFFFFF, v5  }
0x78: {  	s29 =	smul.u32 $0x1F40, s26;
	[tilespmem:s25+$0x10] =	vst.msk $0x1, v5  }
0x79: {  	v5 =	vld [tilespmem:$0x30]  }
0x7a: {  	v6 =	vld [tilespmem:s29+$0x9D40]  }
0x7b: {  	v7 =	vld [tilespmem:s25+$0x40];
	_ =	sdelay $0x2  }
0x7c: {  	vm4 =	vmmov vm1  }
0x7d: {  	vm5 =	vmmov vm2;
	s4 =	sshll.u32 s26, $0x4;
	vm4 =	vmmov @p2 vm2;
	v6 =	vmax.f32 v5, v6  }
0x7e: {  	s26 =	sor.u32 $0x11A40, s4;
	vm5 =	vmmov @p3 vm1;
	v5 =	vmax.f32 v5, v7;
	[tilespmem:s29+$0x9D40] =	vst.msk vm4, v6  }
0x7f: {  	[tilespmem:s26+$0x0] =	vst.msk vm5, v5  }
0x80: {  	v5 =	vld [tilespmem:s29+$0x7DF0];
	_ =	sdelay $0x4  }
0x81: {  	v5 =	vshift.insert v5, v3, s21  }
0x82: {  	s3 =	sor.u32 $0x40, s2  }
0x83: {  	v6 =	vimm.f32 $-Inf;
	[tilespmem:s3+$0x0] =	vst.msk $0x1, v5  }
0x84: {  	[tilespmem:s29+$0x7DFF] =	vst.msk $0x1, v6  }
0x85: {  	v5 =	vld [tilespmem:s0+$0x2030]  }
0x86: {  	s22 =	smulhi.u32 $0xAAAAAAAB, s20;
	_ =	sdelay $0x1  }
0x87: {  	s4 =	simm.s32 $0x1;
	s0 =	sshrl.u32 s22, $0x1  }
0x88: {  	s4 =	simm.s32 @!p0 $0x0;
	s0 =	smul.u32 $0xFFFE8900, s0  }
0x89: {  	s4 =	smul.u32 $0x7D00, s4;
	v5 =	vshift.insert v5, v1, s21  }
0x8a: {  	s0 =	sshra.s32 s0, $0x2  }
0x8b: {  	s4 =	sshrl.u32 s4, $0x2;
	s22 =	sadd.s32 s0, s19;
	[tilespmem:s2+$0x10] =	vst.msk $0x1, v5  }
0x8c: {  	s2 =	sadd.s32 $0x9D40, s4;
	v7 =	vld [tilespmem:s22+$0x0]  }
0x8d: {  	v8 =	vld [tilespmem:s2+$0x0];
	_ =	sdelay $0x4  }
0x8e: {  	vm4 =	vne.s32 v7, $0xFFFFFFFF;
	v6 =	vmax.f32 v8, v6  }
0x8f: {  	(xrf0) =	vmax.seg.scan.f32 vm4, v6  }
0x90: {  	s3 =	sadd.s32 $0x5EC0, s4;
	v8 =	vld [tilespmem:$0xA0]  }
0x91: {  	v9 =	vld [tilespmem:s3+$0x0];
	_ =	sdelay $0x1  }
0x92: {  	v6 =	vperm.xlane v5, v1;
	_ =	sdelay $0x1  }
0x93: {  	vm6 =	veq.s32 v7, v4;
	vm7 =	veq.s32 v7, v6;
	vm5 =	veq.s32 v8, $0x1;
	v8, _, _ =	vpop (xrf0)  }
0x94: {  	vm8 =	vgt.u32 v7, $0xFFFFFFFD;
	vm7 =	vmor vm7, vm6;
	v9 =	vmax.f32 v8, v9  }
0x95: {  	s30 =	sadd.s32 $0xDBC0, s4;
	v10 =	vld [tilespmem:$0x90];
	vm7 =	vmor vm7, vm8;
	v9 =	vsel vm6, v8, v9  }
0x96: {  	[tilespmem:s30+$0x0] =	vst v9;
	v9 =	vsel vm7, $0xFFFFFFFF, v7;
	_ =	sdelay $0x1  }
0x97: {  	vm9 =	vmand vm4, vm3  }
0x98: {  	s31 =	simm.s32 $0x0;
	s4 =	sadd.s32 $0x10, s30;
	s0 =	sadd.s32 $0x10, s2;
	v11 =	vsel vm9, $0xFF800000, v8  }
0x99: {  	s2 =	sadd.s32 $0x10, s22;
	s22 =	sadd.s32 $0x10, s3;
	vm4 =	vmor vm5, vm6;
	v7 =	vsel vm6, v8, v10;
	v8 =	vshift.insert v11, v0, s21;
	(ifvalue) =	ssetifvalue $0xFFFFFFFF  }
.LBB2_7:
0x9a: {  	[hbm4b:s1+s16] =	stream.indirect_vreg.scatter [tilespmem:s30], [sflag:$0x2], $0x1, v9, vm0, $0x4038;
	[tilespmem:$0x11A60] =	vst v63  }
0x9b: {  	s31 =	sadd.s32 $0x10, s31;
	s30 =	smov.u32 s4;
	v9 =	vld [tilespmem:s2+$0x0]  }
0x9c: {  	p2 =	slt.u32 s31, $0x1F30;
	v10 =	vld [tilespmem:s0+$0x0];
	_ =	sdelay $0x4  }
0x9d: {  	vm5 =	vne.s32 v9, $0xFFFFFFFF;
	v8 =	vmax.f32 v10, v8  }
0x9e: {  	(xrf0) =	vmax.seg.scan.f32 vm5, v8;
	_ =	sdelay $0x1  }
0x9f: {  	v8 =	vld [tilespmem:s22+$0x0]  }
0xa0: {  	vm6 =	veq.s32 v9, v4;
	vm7 =	veq.s32 v9, v6  }
0xa1: {  	vm8 =	vgt.u32 v9, $0xFFFFFFFD;
	vm4 =	vmor vm4, vm6;
	vm7 =	vmor vm7, vm6  }
0xa2: {  	vm7 =	vmor vm7, vm8  }
.Ltmp5:
0xa3: {  	vm5 =	vmand vm5, vm3;
	v9 =	vsel vm7, $0xFFFFFFFF, v9;
	v10, _, _ =	vpop (xrf0);
	(pc) =	sbr.rel @p2 .LBB2_7-.Ltmp5, $4  }
0xa4: {  	v7 =	vsel vm6, v10, v7;
	v8 =	vmax.f32 v10, v8;
	v11 =	vsel vm5, $0xFF800000, v10  }
0xa5: {  	v10 =	vsel vm6, v10, v8;
	v8 =	vshift.insert v11, v0, s21  }
0xa6: {  	s2 =	sadd.s32 $0x10, s2;
	s0 =	sadd.s32 $0x10, s0;
	[tilespmem:s4+$0x0] =	vst v10  }
0xa7: {  	s22 =	sadd.s32 $0x10, s22;
	s4 =	sadd.s32 $0x10, s4;
	(ifvalue) =	ssetifvalue $0xFFFFFFFF  }
0xa8: {  	_ =	sdelay $0x3  }
0xa9: {  	[hbm4b:s1+s16] =	stream.indirect_vreg.scatter [tilespmem:s30], [sflag:$0x2], $0x1, v9, vm0, $0x4038;
	[tilespmem:$0x11A60] =	vst v63  }
0xaa: {  	v4 =	vld [tilespmem:s29+$0xFAF0];
	_ =	sdelay $0x4  }
0xab: {  	v4 =	vshift.insert v4, v3, s21  }
0xac: {  	s0 =	simm.s32 $0x30  }
0xad: {  	[tilespmem:s0+$0x0] =	vst.msk $0x1, v4  }
0xae: {  	v4 =	vsel vm4, $0x1, v1;
	[tilespmem:$0x90] =	vst v7  }
0xaf: {  	s0 =	sadd.s32 @!p1 $0xFAFF, s29;
	[tilespmem:$0xA0] =	vst v4  }
0xb0: {  	[spmem:s14] =	stream.linear.scatter @!p1 [tilespmem:s0], [sflag:$0x1], $0x1, $0x38;
	[tilespmem:$0x11A60] =	vst v63  }
0xb1: {  	s0 =	simm.s32 @!p1 $0x1  }
0xb2: {  	v4 =	vmctz.xlane @!p1 vm4;
	_ =	swait.ge @!p1 [sflag:s0], $0x1  }
0xb3: {  	(v2sf) =	vpush @!p1 v5, $0x0  }
0xb4: {  	(v2sf) =	vpush @!p1 v4, $0x0;
	_ =	sdelay $0xd  }
0xb5: {  	s2 =	spop @!p1 (v2sf)  }
0xb6: {  	s3 =	spop @!p1 (v2sf)  }
0xb7: {  	p2 =	sne.s32 @!p1 s28, s2;
	p3 =	slt.s32 @!p1 s3, $0xF  }
0xb8: {  	[sflag:s0] =	ssyncset.done @!p1 $0x0;
	p2 =	por p2, p1;
	p3 =	por !p3, p1  }
0xb9: {  	[sflag:s0] =	ssyncadd.s32 @!p1 $0xFFFFFFFF;
	v4 =	vimm.s32 @!p2 $0xFFFFFFFF;
	s3 =	simm.s32 @p3 $0xF  }
0xba: {  	[tilespmem:$0x80] =	vst @!p2 v4;
	s2 =	sadd.s32 @!p1 $0x90, s3  }
0xbb: {  	[spmem:s10] =	stream.linear.scatter @!p1 [tilespmem:s2], [sflag:$0x1], $0x1, $0x38;
	[tilespmem:$0x11A60] =	vst v63  }
0xbc: {  	_ =	swait.ge @!p1 [sflag:s0], $0x1  }
0xbd: {  	[sflag:s0] =	ssyncset.done @!p1 $0x0  }
0xbe: {  	s2 =	simm.s32 @!p1 $0x80;
	[sflag:s0] =	ssyncadd.s32 @!p1 $0xFFFFFFFF  }
0xbf: {  	[spmem:s15] =	stream.linear.scatter @!p1 [tilespmem:s2], [sflag:$0x1], $0x1, $0x38;
	[tilespmem:$0x11A60] =	vst v63  }
0xc0: {  	_ =	swait.ge @!p1 [sflag:s0], $0x1  }
0xc1: {  	[sflag:s0] =	ssyncset.done @!p1 $0x0  }
0xc2: {  	[sflag:s0] =	ssyncadd.s32 @!p1 $0xFFFFFFFF;
	(ifvalue) =	ssetifvalue $0xFFFFFFFF;
	v4 =	vld [tilespmem:s25+$0x10];
	_ =	sdelay $0x3  }
.Ltmp6:
0xc3: {  	_ = 	snop;
	(pc) =	sbr.rel .LBB2_9-.Ltmp6, $3  }
0xc4: {  	_ =	sdelay $0x1  }
0xc5: {  	(ifvalue) =	ssetifvalue $0xFFFFFFFF  }
0xc6: {  	[hbm4b:s1+s16] =	stream.indirect_vreg.scatter [tilespmem:s26], [sflag:$0x9], $0x1, v4, vm0, $0x4038;
	[tilespmem:$0x11A60] =	vst v63  }
.LBB2_10:
0xc7: {  	_ =	sfence.sel $0x180000  }
0xc8: {  	s0 =	simm.s32 $0x7;
	[bflag:$0x0] =	sbarrier.arrive $0xFFFF  }
0xc9: {  	s26 =	simm.s32 $0x8;
	[sflag:s0] =	ssyncpa.u1 $0x1  }
0xca: {  	s28 =	simm.s32 $0x9;
	[sflag:s26] =	ssyncpa.u1 $0x1  }
0xcb: {  	[sflag:s28] =	ssyncpa.u1 $0x1  }
0xcc: {  	_ =	sfence.stream.spmem  }
0xcd: {  	s29 =	simm.s32 $0x3;
	[bflag:$0x0] =	sbarrier.arrive $0xFFFF  }
0xce: {  	s30 =	simm.s32 $0x4;
	[sflag:s29] =	ssyncpa.u1 $0x1  }
0xcf: {  	s31 =	simm.s32 $0x3C;
	s2 =	stileid.u32;
	[sflag:s30] =	ssyncpa.u1 $0x1  }
0xd0: {  	p0 =	sne.s32 s2, $0x0;
	[sflag:s31] =	ssyncpa.u1 $0x1  }
0xd1: {  	s0 =	simm.s32 @p0 $0x1;
	_ =	sfence @p0  }
0xd2: {  	[sflag:s0] =	ssyncpa.u1 @p0 $0x1;
	s0 =	simm.s32 @p0 $0x2  }
0xd3: {  	[sflag:s0] =	ssyncpa.u1 @p0 $0x1  }
0xd4: {  	_ =	strace @p0 $0x90000047  }
0xd5: {  	[bflag:$0x2] =	sbarrier.arrive @p0 $0xFFFF  }
0xd6: {  	_ =	shalt @p0  }
.LBB2_11:
0xd7: {  	_ =	sfence.stream.spmem;
	s0 =	simm.s32 $0x5  }
0xd8: {  	s2 =	simm.s32 $0x80;
	s3 =	simm.s32 $0xC0;
	[sflag:s0] =	ssyncpa.u1 $0x0  }
0xd9: {  	[tilespmem:s3], [sflag:$0x5] =	stream.linear.gather [spmem:s2], $0x20, $0x38;
	[tilespmem:$0x11A60] =	vst v63  }
0xda: {  	s30 =	simm.s32 $0xE0;
	s2 =	simm.s32 $0x0  }
0xdb: {  	[tilespmem:s30], [sflag:$0x5] =	stream.linear.gather [spmem:s2], $0x20, $0x38;
	[tilespmem:$0x11A60] =	vst v63  }
.Ltmp7:
0xdc: {  	_ = 	snop;
	(pc) =	sbr.rel .LBB2_12-.Ltmp7, $4  }
0xdd: {  	_ =	swait.ge [sflag:s0], $0x40  }
0xde: {  	[sflag:s0] =	ssyncset.done $0x0  }
0xdf: {  	s31 =	simm.s32 $0x6;
	[sflag:s0] =	ssyncadd.s32 $0xFFFFFFC0  }
0xe0: {  	s3 =	simm.s32 $0x0;
	[sflag:s31] =	ssyncpa.u1 $0x0  }
.LBB2_17:
0xe1: {  	p0 =	sgt.u32 s4, $0x4FFF  }
0xe2: {  	s0 =	sshrl.u32 @!p0 s4, $0x3  }
0xe3: {  	s4 =	sand.u32 @!p0 $0x7, s4;
	s5 =	simm.s32 @!p0 $0xB0;
	s0 =	sadd.s32 @!p0 s1, s0  }
0xe4: {  	[tilespmem:s5], [sflag:$0x6] =	stream.linear.gather @!p0 [hbm4b:s0+s4], $0x1, $0x38;
	[tilespmem:$0x11A60] =	vst v63  }
0xe5: {  	s0 =	simm.s32 @!p0 $0x6  }
0xe6: {  	_ =	swait.ge @!p0 [sflag:s0], $0x1  }
0xe7: {  	[sflag:s0] =	ssyncset.done @!p0 $0x0  }
0xe8: {  	[sflag:s0] =	ssyncadd.s32 @!p0 $0xFFFFFFFF  }
0xe9: {  	v1 =	vld.msk @!p0 [tilespmem:$0xB0], $0x1  }
0xea: {  	v2 =	vld.msk @!p0 [tilespmem:s3+$0xE0], $0x1;
	_ =	sdelay $0x4  }
0xeb: {  	v1 =	vmax.f32 @!p0 v2, v1  }
0xec: {  	[tilespmem:s3+$0xE0] =	vst.msk @!p0 $0x1, v1  }
0xed: {  	[tilespmem:s2+$0xC0] =	vst.msk $0x1, v0  }
0xee: {  	v0 =	vld.msk [tilespmem:s3+$0xE0], $0x1;
	_ =	sdelay $0x4  }
0xef: {  	[tilespmem:s2+$0xE0] =	vst.msk $0x1, v0;
	s2 =	sadd.s32 $0x1, s2  }
.LBB2_19:
0xf0: {  	s3 =	sadd.s32 $0x1, s3  }
0xf1: {  	p0 =	sne.s32 s3, $0x20  }
.Ltmp8:
0xf2: {  	_ = 	snop;
	(pc) =	sbr.rel @!p0 .LBB2_20-.Ltmp8, $1  }
0xf3: {  	_ =	sdelay $0x3  }
.LBB2_12:
0xf4: {  	v0 =	vld.msk [tilespmem:s3+$0xC0], $0x1;
	_ =	sdelay $0x4  }
0xf5: {  	(v2sf) =	vpush v0, $0x0;
	_ =	sdelay $0xe  }
0xf6: {  	s4 =	spop (v2sf)  }
0xf7: {  	p0 =	seq.s32 s4, $0xFFFFFFFF  }
.Ltmp9:
0xf8: {  	_ = 	snop;
	(pc) =	sbr.rel @p0 .LBB2_19-.Ltmp9, $1  }
0xf9: {  	_ =	sdelay $0x3  }
0xfa: {  	p0 =	slt.s32 s2, $0x1  }
.Ltmp10:
0xfb: {  	_ = 	snop;
	(pc) =	sbr.rel @p0 .LBB2_17-.Ltmp10, $1  }
0xfc: {  	_ =	sdelay $0x3  }
0xfd: {  	s0 =	simm.s32 $0xC0;
	p0 =	por $0x0, $0x0  }
0xfe: {  	v1 =	vld.msk @!p0 [tilespmem:s0+$0x0], $0x1;
	_ =	sdelay $0x4  }
0xff: {  	(v2sf) =	vpush @!p0 v1, $0x0;
	_ =	sdelay $0xd  }
0x100: {  	p2 =	sne.s32 s2, $0x1  }
.Ltmp11:
0x101: {  	s5 =	spop @!p0 (v2sf);
	(pc) =	sbr.rel @!p2 .LBB2_16-.Ltmp11, $4  }
0x102: {  	p1 =	seq.s32 @!p0 s4, s5  }
0x103: {  	s5 =	simm.s32 $0x0;
	p1 =	por !p1, p0  }
0x104: {  	s7 =	simm.s32 $0xFFFFFFFF;
	s5 =	simm.s32 @p1 $0xFFFFFFFF  }
0x105: {  	s6 =	simm.s32 $0x1;
	s5 =	smov.u32 @p0 s7  }
.LBB2_15:
0x106: {  	s7 =	smov.u32 s5;
	p0 =	sne.s32 s5, $0xFFFFFFFF  }
0x107: {  	s0 =	sadd.s32 $0x1, s0;
	s5 =	smov.u32 s6;
	s6 =	sadd.s32 $0x1, s6  }
0x108: {  	p1 =	sne.s32 s2, s6;
	v1 =	vld.msk @!p0 [tilespmem:s0+$0x0], $0x1;
	_ =	sdelay $0x4  }
0x109: {  	(v2sf) =	vpush @!p0 v1, $0x0;
	_ =	sdelay $0xe  }
.Ltmp12:
0x10a: {  	s8 =	spop @!p0 (v2sf);
	(pc) =	sbr.rel @p1 .LBB2_15-.Ltmp12, $4  }
0x10b: {  	p2 =	seq.s32 @!p0 s4, s8  }
0x10c: {  	p2 =	por !p2, p0  }
0x10d: {  	s5 =	simm.s32 @p2 $0xFFFFFFFF  }
0x10e: {  	s5 =	smov.u32 @p0 s7  }
.LBB2_16:
0x10f: {  	p0 =	sne.s32 s5, $0xFFFFFFFF  }
.Ltmp13:
0x110: {  	_ = 	snop;
	(pc) =	sbr.rel @!p0 .LBB2_17-.Ltmp13, $1  }
0x111: {  	_ =	sdelay $0x3  }
0x112: {  	v0 =	vld.msk [tilespmem:s3+$0xE0], $0x1  }
0x113: {  	v1 =	vld.msk [tilespmem:s5+$0xE0], $0x1;
	_ =	sdelay $0x1  }
.Ltmp14:
0x114: {  	_ = 	snop;
	(pc) =	sbr.rel .LBB2_19-.Ltmp14, $3  }
0x115: {  	_ =	sdelay $0x1  }
0x116: {  	v0 =	vmax.f32 v1, v0  }
0x117: {  	[tilespmem:s5+$0xE0] =	vst.msk $0x1, v0  }
.LBB2_20:
0x118: {  	p0 =	slt.s32 s2, $0x1  }
.Ltmp15:
0x119: {  	_ = 	snop;
	(pc) =	sbr.rel @p0 .LBB2_24-.Ltmp15, $3  }
0x11a: {  	_ =	sdelay $0x1  }
0x11b: {  	s0 =	simm.s32 $0x6  }
0x11c: {  	s3 =	simm.s32 $0x0;
	[sflag:s0] =	ssyncpa.u1 $0x1  }
0x11d: {  	s0 =	simm.s32 $0xC0  }
0x11e: {  	v0 =	vld.msk [tilespmem:s0+$0x0], $0x1;
	_ =	sdelay $0x4  }
0x11f: {  	(v2sf) =	vpush v0, $0x0;
	_ =	sdelay $0xe  }
0x120: {  	s2 =	sadd.s32 $0xFFFFFFFF, s2;
	s4 =	spop (v2sf)  }
0x121: {  	p1 =	sne.s32 s2, $0x0;
	p0 =	sgt.u32 s4, $0x4FFF  }
.Ltmp16:
0x122: {  	s5 =	sshrl.u32 @!p0 s4, $0x3;
	(pc) =	sbr.rel @!p1 .LBB2_23-.Ltmp16, $4  }
0x123: {  	s0 =	simm.s32 $0xE0;
	s4 =	sand.u32 @!p0 $0x7, s4;
	s5 =	sadd.s32 @!p0 s1, s5  }
0x124: {  	[hbm4b:s5+s4] =	stream.linear.scatter @!p0 [tilespmem:s0], [sflag:$0x5], $0x1, $0x38;
	[tilespmem:$0x11A60] =	vst v63  }
0x125: {  	s5 =	simm.s32 $0x0  }
0x126: {  	s4 =	simm.s32 $0xC1;
	s5 =	simm.s32 @!p0 $0x4  }
.LBB2_22:
0x127: {  	v0 =	vld.msk [tilespmem:s4+$0x0], $0x1;
	s2 =	sadd.s32 $0xFFFFFFFF, s2;
	s3 =	sadd.s32 s3, s5  }
0x128: {  	p0 =	sne.s32 s2, $0x0;
	_ =	sdelay $0x3  }
0x129: {  	(v2sf) =	vpush v0, $0x0;
	_ =	sdelay $0xe  }
.Ltmp17:
0x12a: {  	s6 =	spop (v2sf);
	(pc) =	sbr.rel @p0 .LBB2_22-.Ltmp17, $4  }
0x12b: {  	s5 =	simm.s32 $0x0;
	p1 =	sgt.u32 s6, $0x4FFF  }
0x12c: {  	s0 =	sadd.s32 $0x1, s0;
	s5 =	simm.s32 @!p1 $0x4;
	s7 =	sshrl.u32 @!p1 s6, $0x3  }
0x12d: {  	s4 =	sadd.s32 $0x1, s4;
	s6 =	sand.u32 @!p1 $0x7, s6;
	s7 =	sadd.s32 @!p1 s1, s7  }
0x12e: {  	[hbm4b:s7+s6] =	stream.linear.scatter @!p1 [tilespmem:s0], [sflag:$0x5], $0x1, $0x38;
	[tilespmem:$0x11A60] =	vst v63  }
.LBB2_23:
0x12f: {  	s0 =	sadd.s32 s3, s5  }
0x130: {  	s3 =	sshrl.u32 s0, $0x2  }
.LBB2_24:
0x131: {  	s0 =	simm.s32 $0x5  }
0x132: {  	_ =	swait.ge [sflag:s0], s3  }
0x133: {  	s1 =	ssub.s32 $0x0, s3;
	[sflag:s0] =	ssyncset.done $0x0  }
0x134: {  	[sflag:s0] =	ssyncadd.s32 s1  }
0x135: {  	[sflag:s0] =	ssyncpa.u1 $0x1  }
0x136: {  	s29 =	simm.s32 $0x1;
	_ =	sfence  }
0x137: {  	s30 =	simm.s32 $0x2;
	[sflag:s29] =	ssyncpa.u1 $0x1  }
0x138: {  	[sflag:s30] =	ssyncpa.u1 $0x1  }
0x139: {  	_ =	strace $0x90000047  }
0x13a: {  	[bflag:$0x2] =	sbarrier.arrive $0xFFFF  }
0x13b: {  	s31 =	rddreg [dreg:$0x3]  }
0x13c: {  	s0 =	sadd.s32 $0x100000, s31  }
0x13d: {  	[sflag:s0] =	ssyncadd.tile.s32 $0x1;
	_ =	shalt  }
.Lfunc_end2:
_tile_overlayer_lowered:
.L_overlay_start_2:
0x13e: {  	(tag) =	ssettag $0x2  }
0x13f: {  	s0 =	rddreg [dreg:$0x0];
	s2 =	stileid.u32  }
0x140: {  	s1 =	rddreg [dreg:$0x1];
	p0 =	sne.s32 s2, $0x0  }
0x141: {  	s3 =	rddreg [dreg:$0x2];
	[bflag:$0x3] =	sbarrier.arrive $0xFFFF;
	s2 =	simm.s32 @!p0 $0x1C01  }
0x142: {  	[timem:s3], [sflag:s2] =	dma.local @!p0 [hbm:s0], s1  }
0x143: {  	s0 =	simm.s32 @!p0 $0x1  }
0x144: {  	_ =	swait.ge @!p0 [sflag:s0], s1  }
0x145: {  	s1 =	ssub.s32 @!p0 $0x0, s1;
	[sflag:s0] =	ssyncset.done @!p0 $0x0  }
0x146: {  	[sflag:s0] =	ssyncadd.s32 @!p0 s1  }
0x147: {  	[bflag:$0x3] =	sbarrier.arrive $0xFFFF  }
0x148: {  	_ =	shalt  }

// kernel: scatter_offload_async_start.3
scs
__scs_entry_jumppad:
0x0: {  	(pc) =	sbr.rel $0x88, $3  }
0x1: {  	(tag) =	ssettag $0x0;
	lr =	simm.s32 $0x1  }
0x2: {  	[smem:$0x3F91] =	sst lr;
	_ =	strace $0xD0000000  }
0x3: {  	_ = 	snop  }
0x4: {  	_ = 	snop  }
0x5: {  	_ = 	snop  }
0x6: {  	_ = 	snop  }
0x7: {  	_ = 	snop  }
__scs_overlays_trampoline_lowered:
0x8: {  	[smem:$0x3FA0] =	sst s0  }
0x9: {  	[smem:$0x3FA1] =	sst s1  }
0xa: {  	[smem:$0x3FA2] =	sst s2  }
0xb: {  	[smem:$0x3FA3] =	sst s3  }
0xc: {  	[smem:$0x3FA4] =	sst s4  }
0xd: {  	[smem:$0x3FA5] =	sst s5  }
0xe: {  	[smem:$0x3FA6] =	sst s6  }
0xf: {  	[smem:$0x3FA7] =	sst s7  }
0x10: {  	[smem:$0x3FA8] =	sst s8  }
0x11: {  	[smem:$0x3FA9] =	sst s9;
	s0 =	simm.s32 @!p0 $0x0  }
0x12: {  	s1 =	sld [smem:$0x3F8F];
	s0 =	simm.s32 @p0 $0x1  }
0x13: {  	[smem:$0x3FAA] =	sst s0;
	s0 =	simm.s32 @!p1 $0x0  }
0x14: {  	s2 =	sld [smem:$0x3F8E];
	s0 =	simm.s32 @p1 $0x1  }
0x15: {  	[smem:$0x3FAB] =	sst s0;
	s0 =	simm.s32 @!p2 $0x0  }
0x16: {  	s3 =	sld [smem:$0x3FDB];
	s0 =	simm.s32 @p2 $0x1  }
0x17: {  	s4 =	simm.s32 $0x1BF5;
	[smem:$0x3FAD] =	sst s0  }
0x18: {  	s0 =	sld [smem:$0x3F90];
	_ =	swait.ge [sflag:s4], $0x0  }
0x19: {  	s7 =	sld [smem:$0x3F91]  }
0x1a: {  	s8 =	sadd.s32 $0xFFFFE003, lr  }
0x1b: {  	s9 =	sadd.s32 $0xFFFFFEF7, lr;
	s5 =	simm.s32 $0xFFFFFFFF;
	p2 =	slt.u32 s8, $0xFFFFF086  }
0x1c: {  	p1 =	slt.u32 s9, $0xF7A;
	s5 =	simm.s32 @!p2 $0x0  }
0x1d: {  	s5 =	simm.s32 @p1 $0x1;
	p0 =	seq.s32 s7, s2  }
0x1e: {  	s7 =	smul.u32 @!p0 $0xF7A, s2;
	p2 =	seq.s32 @!p0 s5, $0x0  }
0x1f: {  	s9 =	smul.u32 $0xF7A, s1;
	s8 =	simm.s32 @!p0 $0x1BF5;
	p2 =	por !p2, p0  }
0x20: {  	[sflag:s8] =	ssyncset.s32 @!p0 $0xFFFFF086;
	s6 =	sadd.s32 @!p0 s3, s7;
	s7 =	simm.s32 @!p0 $0x108  }
0x21: {  	s3 =	sadd.s32 s3, s9;
	s6 =	sadd.s32 @!p0 $0x88, s6;
	s7 =	simm.s32 @p2 $0x1082  }
0x22: {  	[simem:s7], [sflag:s8] =	dma.local @!p0 [hbm:s6], $0xF7A  }
0x23: {  	s9 =	sor.u32 $0xD0000000, s2;
	s6 =	simm.s32 $0x108;
	_ =	swait.ge @!p0 [sflag:s8], $0x0  }
0x24: {  	s3 =	sadd.s32 $0x88, s3;
	s6 =	simm.s32 @!p1 $0x1082;
	[sflag:s4] =	ssyncset.s32 $0xFFFFF086  }
0x25: {  	[simem:s6], [sflag:s4] =	dma.local [hbm:s3], $0xF7A  }
0x26: {  	[smem:$0x3F91] =	sst s1;
	(tag) =	ssettag s2;
	_ =	strace s9  }
0x27: {  	s1 =	sld [smem:$0x3FA1]  }
0x28: {  	s2 =	sld [smem:$0x3FA2]  }
0x29: {  	s4 =	sld [smem:$0x3FA4]  }
0x2a: {  	p0 =	seq.s32 s5, $0x0;
	s5 =	sld [smem:$0x3FA5]  }
0x2b: {  	s6 =	sld [smem:$0x3FA6]  }
0x2c: {  	s7 =	sld [smem:$0x3FA7]  }
0x2d: {  	s3 =	simm.s32 $0x108;
	s8 =	sld [smem:$0x3FA8]  }
0x2e: {  	s3 =	simm.s32 @!p0 $0x1082;
	s9 =	sld [smem:$0x3FA9]  }
0x2f: {  	lr =	sadd.s32 s0, s3;
	s0 =	sld [smem:$0x3FA0]  }
0x30: {  	s3 =	sld [smem:$0x3FA3]  }
0x31: {  	[smem:$0x3FAC] =	sst s10  }
0x32: {  	s10 =	sld [smem:$0x3FAA];
	_ =	sdelay $0x3  }
0x33: {  	p0 =	seq.s32 s10, $0x1;
	s10 =	sld [smem:$0x3FAC];
	_ =	sdelay $0x3  }
0x34: {  	[smem:$0x3FAC] =	sst s10  }
0x35: {  	s10 =	sld [smem:$0x3FAB];
	_ =	sdelay $0x3  }
0x36: {  	p1 =	seq.s32 s10, $0x1;
	s10 =	sld [smem:$0x3FAC];
	_ =	sdelay $0x3  }
0x37: {  	[smem:$0x3FAC] =	sst s10  }
0x38: {  	s10 =	sld [smem:$0x3FAD]  }
0x39: {  	_ = 	snop;
	(pc) =	sbr.ind lr, $3  }
0x3a: {  	_ = 	snop  }
0x3b: {  	_ = 	snop  }
0x3c: {  	p2 =	seq.s32 s10, $0x1;
	s10 =	sld [smem:$0x3FAC]  }
0x3d: {  	_ =	shalt  }
0x3e: {  	_ =	shalt  }
0x3f: {  	_ =	shalt  }
0x40: {  	_ =	shalt  }
0x41: {  	_ =	shalt  }
0x42: {  	_ =	shalt  }
0x43: {  	_ =	shalt  }
0x44: {  	_ =	shalt  }
0x45: {  	_ =	shalt  }
0x46: {  	_ =	shalt  }
0x47: {  	_ =	shalt  }
0x48: {  	_ =	shalt  }
0x49: {  	_ =	shalt  }
0x4a: {  	_ =	shalt  }
0x4b: {  	_ =	shalt  }
0x4c: {  	_ =	shalt  }
0x4d: {  	_ =	shalt  }
0x4e: {  	_ =	shalt  }
0x4f: {  	_ =	shalt  }
0x50: {  	_ =	shalt  }
0x51: {  	_ =	shalt  }
0x52: {  	_ =	shalt  }
0x53: {  	_ =	shalt  }
0x54: {  	_ =	shalt  }
0x55: {  	_ =	shalt  }
0x56: {  	_ =	shalt  }
0x57: {  	_ =	shalt  }
0x58: {  	_ =	shalt  }
0x59: {  	_ =	shalt  }
0x5a: {  	_ =	shalt  }
0x5b: {  	_ =	shalt  }
0x5c: {  	_ =	shalt  }
0x5d: {  	_ =	shalt  }
0x5e: {  	_ =	shalt  }
0x5f: {  	_ =	shalt  }
0x60: {  	_ =	shalt  }
0x61: {  	_ =	shalt  }
0x62: {  	_ =	shalt  }
0x63: {  	_ =	shalt  }
0x64: {  	_ =	shalt  }
0x65: {  	_ =	shalt  }
0x66: {  	_ =	shalt  }
0x67: {  	_ =	shalt  }
0x68: {  	_ =	shalt  }
0x69: {  	_ =	shalt  }
0x6a: {  	_ =	shalt  }
0x6b: {  	_ =	shalt  }
0x6c: {  	_ =	shalt  }
0x6d: {  	_ =	shalt  }
0x6e: {  	_ =	shalt  }
0x6f: {  	_ =	shalt  }
0x70: {  	_ =	shalt  }
0x71: {  	_ =	shalt  }
0x72: {  	_ =	shalt  }
0x73: {  	_ =	shalt  }
0x74: {  	_ =	shalt  }
0x75: {  	_ =	shalt  }
0x76: {  	_ =	shalt  }
0x77: {  	_ =	shalt  }
0x78: {  	_ =	shalt  }
0x79: {  	_ =	shalt  }
0x7a: {  	_ =	shalt  }
0x7b: {  	_ =	shalt  }
0x7c: {  	_ =	shalt  }
0x7d: {  	_ =	shalt  }
0x7e: {  	_ =	shalt  }
0x7f: {  	_ =	shalt  }
0x80: {  	_ =	shalt  }
0x81: {  	_ =	shalt  }
0x82: {  	_ =	shalt  }
0x83: {  	_ =	shalt  }
0x84: {  	_ =	shalt  }
0x85: {  	_ =	shalt  }
0x86: {  	_ =	shalt  }
0x87: {  	_ =	shalt  }
.Lfunc_end0:
.L_simem_size_0:
called_computation.3_lowered:
.L_overlay_start_0:
0x88: {  	s0 =	sld [smem:$0x3FD9]  }
0x89: {  	s1 =	sld [smem:$0x3FFE];
	_ =	sdelay $0x3  }
0x8a: {  	s0 =	sadd.s32 s1, s0  }
0x8b: {  	[smem:$0x3FB8] =	sst s0  }
0x8c: {  	_ = 	snop  }
0x8d: {  	s0 =	sld [smem:$0x3FBA]  }
0x8e: {  	s16 =	sld [smem:$0x3FD0];
	(tm) =	ssettm $0x1  }
0x8f: {  	s2 =	sld [smem:$0x3FFB];
	_ =	sdelay $0x3  }
0x90: {  	_ =	strace s2  }
0x91: {  	s2 =	sld [smem:$0x3FFC];
	_ =	sdelay $0x3  }
0x92: {  	_ =	strace s2  }
0x93: {  	s2 =	sld [smem:$0x3FFD];
	_ =	sdelay $0x3  }
0x94: {  	_ =	strace s2  }
0x95: {  	_ =	strace $0x8FFFFFFF  }
0x96: {  	s17 =	sld [smem:$0x3FDB];
	_ =	sdelay $0x1  }
0x97: {  	s3 =	simm.s32 $_scs_section_size  }
0x98: {  	s4 =	simm.s32 $_size__tile_overlayer_lowered;
	s5 =	simm.s32 $_tile_overlayer_lowered  }
0x99: {  	s20 =	simm.s32 $0x1BFF;
	s19 =	sshll.u32 s5, $0x1;
	s2 =	sadd.s32 s3, s17  }
0x9a: {  	s6 =	simm.s32 $0x0;
	s18 =	sshll.u32 s4, $0x1;
	s4 =	sadd.s32 s19, s2  }
0x9b: {  	[timem:s6], [sflag:s20] =	dma.local [hbm:s4], s18  }
0x9c: {  	_ =	swait.ge [sflag:s20], s18  }
0x9d: {  	s3 =	ssub.s32 $0x0, s18;
	[sflag:s20] =	ssyncset.done $0x0  }
0x9e: {  	[sflag:s20] =	ssyncadd.s32 s3;
	_ =	sdelay $0x1  }
0x9f: {  	s21 =	simm.s32 $0x1B8B  }
0xa0: {  	_ =	swait.ge [sflag:s21], $0x1  }
0xa1: {  	[sflag:s21] =	ssyncset.done $0x0  }
0xa2: {  	s23 =	simm.s32 $0x1B8E;
	s22 =	sld [smem:$0x3FFE];
	[sflag:s21] =	ssyncadd.s32 $0xFFFFFFFF  }
0xa3: {  	s24 =	simm.s32 $execute0_lowered;
	[smem:$0x3FD2] =	sst s23  }
0xa4: {  	s4 =	sshll.u32 s24, $0x1;
	_ =	strace $0x8000004F;
	[dreg:$0x1] =	wrdreg $0xFFFFFFFF  }
0xa5: {  	s25 =	simm.s32 $_size_execute0_lowered;
	s2 =	sadd.s32 s2, s4;
	[dreg:$0x0] =	wrdreg $0x0  }
0xa6: {  	s4 =	sshll.u32 s25, $0x1;
	[dreg:$0x2] =	wrdreg s2  }
0xa7: {  	[dreg:$0x3] =	wrdreg s4  }
0xa8: {  	[dreg:$0x4] =	wrdreg $0xC0  }
0xa9: {  	_ =	task [dreg:s6], $0x5FFFF  }
0xaa: {  	[dreg:$0x1] =	wrdreg $0xFFFFFFFF  }
0xab: {  	[dreg:$0x0] =	wrdreg $0x60  }
0xac: {  	[dreg:$0x2] =	wrdreg s22  }
0xad: {  	[dreg:$0x3] =	wrdreg s0  }
0xae: {  	[dreg:$0x4] =	wrdreg s16  }
0xaf: {  	[dreg:$0x5] =	wrdreg $0x9  }
0xb0: {  	_ =	task.clear_ibuf [dreg:s6], $0x6FFFF;
	_ =	strace $0x9000004F  }
0xb1: {  	s26 =	simm.s32 $0x9;
	_ =	strace $0x80000051  }
0xb2: {  	_ =	swait.ge [sflag:s26], $0x1  }
0xb3: {  	[sflag:s26] =	ssyncadd.s32 $0xFFFFFFFF  }
0xb4: {  	_ =	strace $0x90000051  }
0xb5: {  	_ =	sfence  }
0xb6: {  	s28 =	sld [smem:$0x0];
	_ =	sdelay $0x1  }
0xb7: {  	s29 =	srdreg.scid  }
0xb8: {  	s30 =	sshll.u32 s29, $0xD;
	s31 =	sshrl.u32 s29, $0x2  }
0xb9: {  	s1 =	sand.u32 $0x1, s29;
	s2 =	sand.u32 $0x4000, s30;
	s0 =	sadd.s32 s31, s28  }
0xba: {  	s1 =	sor.u32 s2, s1;
	s0 =	sshll.u32 s0, $0x11  }
0xbb: {  	s0 =	sor.u32 s0, s1  }
0xbc: {  	s0 =	sadd.s32 $0x8F2B, s0  }
0xbd: {  	[sflag:s0] =	ssyncadd.remote.s32 $0x1  }
0xbe: {  	_ =	sfence.sel $0xFFFF  }
0xbf: {  	[dreg:$0x0] =	wrdreg $0xFFFFFFFF;
	(pc) =	sbr.abs _section_cstart, $3  }
0xc0: {  	[dreg:$0x1] =	wrdreg $0xFFFFFFFF  }
0xc1: {  	_ =	task.clear_ibuf [dreg:s6], $0x2FFFF;
	_ =	strace $0x9FFFFFFF  }
0xc2: {  	(tm) =	ssettm $0x7FFFFFFF  }
0xc3: {  	_ =	shalt  }
tec
execute0_lowered:
.L_overlay_start_1:
0x0: {  	(tag) =	ssettag $0x1  }
0x1: {  	s0 =	rddreg [dreg:$0x0]  }
0x2: {  	s3 =	rddreg [dreg:$0x1]  }
0x3: {  	s14 =	stileid.u32;
	_ =	strace $0x80000050;
	s2 =	simm.s32 $0x1  }
0x4: {  	v1 =	vimm.s32 $0xFFFFFFFF;
	s1 =	smul.u32 $0x6, s14;
	[sflag:s2] =	ssyncpa.u1 $0x0  }
0x5: {  	s4 =	smin.u32 s14, $0x4;
	[tilespmem:$0x10] =	vst v1  }
0x6: {  	v0 =	vimm.f32 $0.0e+00;
	[tilespmem:$0x20] =	vst v1;
	s1 =	sadd.s32 s4, s1  }
0x7: {  	p0 =	slt.u32 s14, $0x4;
	[tilespmem:$0x30] =	vst v0;
	s5 =	smul.u32 $0x1F40, s1;
	s1 =	simm.s32 $0xDAC0  }
0x8: {  	[tilespmem:$0x40] =	vst v0;
	s1 =	simm.s32 @!p0 $0xBB80  }
0x9: {  	[tilespmem:$0x50] =	vst v0;
	s1 =	sadd.s32 s1, s5  }
0xa: {  	[tilespmem:$0x60] =	vst v1;
	s6 =	smin.u32 s1, $0xC3500  }
0xb: {  	s7 =	simm.s32 $0x2;
	s8 =	simm.s32 $0x8;
	[tilespmem:$0x70] =	vst v1;
	s4 =	ssub.s32 s6, s5  }
0xc: {  	s31 =	simm.s32 $0x9;
	s16 =	simm.s32 $0x0;
	[tilespmem:$0x80] =	vst v1;
	p0 =	sgt.s32 s4, $0x0  }
0xd: {  	s17 =	simm.s32 $0xF0;
	s18 =	simm.s32 $0xFFFFFFFF;
	v1 =	vimm.s32 $0x0;
	[tilespmem:$0xB0] =	vst v0;
	s4 =	simm.s32 @!p0 $0x0  }
0xe: {  	s19 =	simm.s32 $0xFFFFC280;
	s20 =	simm.s32 $0xFFFFFFFE;
	[tilespmem:$0x90] =	vst v1;
	s30 =	smulhi.u32 $0x10624DD3, s4  }
0xf: {  	s21 =	simm.s32 $0xF;
	[tilespmem:$0xA0] =	vst v1;
	[sflag:s7] =	ssyncpa.u1 $0x0;
	s7 =	simm.s32 $0x7  }
0x10: {  	s22 =	simm.s32 $0x30;
	[sflag:s7] =	ssyncpa.u1 $0x0;
	s9 =	sshrl.u32 s30, $0x9  }
0x11: {  	s25 =	simm.s32 $0x0;
	[sflag:s8] =	ssyncpa.u1 $0x0;
	s10 =	smul.u32 $0x1F40, s9  }
.Ltmp0:
0x12: {  	s24 =	simm.s32 $0x0;
	[sflag:s31] =	ssyncpa.u1 $0x0;
	(pc) =	sbr.rel .LBB2_1-.Ltmp0, $4  }
0x13: {  	s23 =	smov.u32 s5;
	s1 =	sadd.s32 $0x1400, s0;
	p0 =	sne.s32 s4, s10  }
0x14: {  	s10 =	sshll.u32 s14, $0x1;
	s14 =	sshllo.u32 s14, $0x1;
	s2 =	simm.s32 @!p0 $0x0  }
0x15: {  	vm0 =	vmmov $0xffff;
	v2 =	vlaneseq.u32;
	s13 =	sor.u32 $0x81, s10;
	s15 =	sor.u32 $0x80, s10;
	s9 =	sadd.s32 s2, s9  }
0x16: {  	vm1 =	vmxor vm1, vm1;
	vm2 =	vmmov $0x1;
	vm3 =	vcmask $0x3F3C;
	p0 =	por $0x0, $0x0;
	s11 =	sadd.s32 $0x1, s9;
	s12 =	sadd.s32 $0x2, s9  }
.LBB2_9:
0x17: {  	p1 =	slt.u32 s24, $0x3  }
0x18: {  	s0 =	simm.s32 @!p1 $0x2  }
0x19: {  	_ =	swait.ge @!p1 [sflag:s0], $0x1F40  }
0x1a: {  	[sflag:s0] =	ssyncset.done @!p1 $0x0  }
0x1b: {  	[sflag:s0] =	ssyncadd.s32 @!p1 $0xFFFFE0C0;
	s0 =	simm.s32 @!p1 $0x9  }
0x1c: {  	_ =	swait.ge @!p1 [sflag:s0], $0x10  }
0x1d: {  	[sflag:s0] =	ssyncset.done @!p1 $0x0  }
0x1e: {  	[sflag:s0] =	ssyncadd.s32 @!p1 $0xFFFFFFF0;
	p1 =	sne.s32 s24, s12  }
.Ltmp1:
0x1f: {  	s2 =	sadd.s32 $0x1F40, s23;
	(pc) =	sbr.rel @!p1 .LBB2_10-.Ltmp1, $4  }
0x20: {  	s4 =	smov.u32 s5;
	s31 =	sadd.s32 $0x1, s24;
	s17 =	sadd.s32 $0x1F40, s17  }
0x21: {  	s18 =	sadd.s32 $0x1, s18;
	s25 =	smov.u32 s23;
	p2 =	slt.s32 s2, s6  }
0x22: {  	p0 =	por !p0, !p0;
	s19 =	sadd.s32 $0x1F40, s19;
	s4 =	smov.u32 @p2 s2  }
0x23: {  	s20 =	sadd.s32 $0x1, s20;
	s23 =	smov.u32 s4;
	s24 =	smov.u32 s31  }
.LBB2_1:
0x24: {  	p1 =	sge.u32 s24, s9  }
0x25: {  	s0 =	smulhi.u32 @!p1 $0xAAAAAAAB, s24;
	_ =	sdelay $0x1  }
0x26: {  	s0 =	sshrl.u32 @!p1 s0, $0x1  }
0x27: {  	s0 =	smul.u32 @!p1 $0x3, s0;
	_ =	sdelay $0x1  }
0x28: {  	s0 =	ssub.s32 @!p1 s24, s0  }
0x29: {  	s0 =	smul.u32 @!p1 $0x7D00, s0;
	_ =	sdelay $0x1  }
0x2a: {  	s2 =	sshrl.u32 @!p1 s23, $0x3;
	s0 =	sshrl.u32 @!p1 s0, $0x2  }
0x2b: {  	s4 =	sand.u32 @!p1 $0x7, s23;
	s2 =	sadd.s32 @!p1 s3, s2;
	s0 =	sadd.s32 @!p1 $0x100, s0  }
0x2c: {  	[tilespmem:s0], [sflag:$0x7] =	stream.linear.gather @!p1 [hbm4b:s2+s4], $0x1F40, $0x38;
	[tilespmem:$0x11A60] =	vst v63  }
0x2d: {  	s0 =	sadd.s32 $0xFFFFFFFF, s24  }
0x2e: {  	p1 =	sge.u32 s0, s9  }
.Ltmp2:
0x2f: {  	_ = 	snop;
	(pc) =	sbr.rel @p1 .LBB2_5-.Ltmp2, $1  }
0x30: {  	_ =	sdelay $0x3  }
0x31: {  	s2 =	smulhi.u32 $0xAAAAAAAB, s0;
	_ =	sdelay $0x1  }
0x32: {  	s2 =	sshrl.u32 s2, $0x1  }
0x33: {  	s2 =	smul.u32 $0x3, s2;
	_ =	sdelay $0x1  }
0x34: {  	s2 =	ssub.s32 s0, s2  }
0x35: {  	s2 =	smul.u32 $0x7D00, s2  }
0x36: {  	_ =	swait.ge [sflag:s7], $0x1F40  }
0x37: {  	[sflag:s7] =	ssyncset.done $0x0;
	s2 =	sshrl.u32 s2, $0x2  }
0x38: {  	[sflag:s7] =	ssyncadd.s32 $0xFFFFE0C0;
	(ifvalue) =	ssetifvalue $0xFFFFFFFF;
	v3 =	vld.msk [tilespmem:s2+$0x100 ss:$0x1], $0xffff;
	_ =	sdelay $0x2  }
0x39: {  	s30 =	smulhi.u32 $0xAAAAAAAB, s18;
	p1 =	sne.s32 s24, $0x1  }
0x3a: {  	v4 =	vimm.s32 @!p1 $0x0  }
0x3b: {  	s2 =	sshrl.u32 s30, $0x1;
	v4 =	vperm.xlane @!p1 v3, v4  }
0x3c: {  	s4 =	sshll.u32 s24, $0x4;
	s2 =	smul.u32 $0xFFFE8900, s2;
	vm4 =	vlt.u32 v3, $0x5000  }
0x3d: {  	s4 =	sand.u32 $0x10, s4;
	v3 =	vnsel vm4, $0xFFFFFFFE, v3;
	vm4 =	vlt.u32 @!p1 v4, $0x5000  }
0x3e: {  	s2 =	sshra.s32 s2, $0x2;
	[tilespmem:s4+$0x60] =	vst v3;
	v3 =	vnsel @!p1 vm4, $0xFFFFFFFE, v4  }
0x3f: {  	s28 =	sadd.s32 s2, s17;
	[tilespmem:$0x80] =	vst @!p1 v3  }
0x40: {  	v3 =	vld.msk [tilespmem:s28+$0x0 ss:$0x1], $0xffff;
	_ =	sdelay $0x4  }
0x41: {  	(xrf1) =	vunique.msk.u32 $0xffff, v3;
	_ =	sdelay $0xd  }
0x42: {  	v4 =	vimm.s32 $0xFFFFFFFF;
	v5, _, _ =	vpop (xrf1)  }
0x43: {  	vm5 =	vne.s32 v3, v4;
	vm4 =	veq.s32 v5, v2  }
0x44: {  	vm6 =	vlt.u32 v3, $0x5000;
	vm4 =	vmand vm5, vm4  }
0x45: {  	vm4 =	vmand vm6, vm4  }
0x46: {  	v4 =	vnsel vm4, $0xFFFFFFFF, v3  }
0x47: {  	s31 =	sand.u32 $0x1, s0  }
0x48: {  	s0 =	simm.s32 $0x1F40;
	p1 =	seq.s32 s31, $0x1  }
0x49: {  	s0 =	simm.s32 @!p1 $0x0  }
0x4a: {  	s26 =	sadd.s32 $0x7DF0, s0;
	(ifvalue) =	ssetifvalue $0xFFFFFFFF  }
0x4b: {  	v3 =	vperm.xlane v3, v1;
	[tilespmem:s26], [sflag:$0x8] =	stream.indirect_vreg.gather [hbm4b:s1+s16], $0x1, v4, vm0, $0x4038;
	v4 =	vnsel vm6, $0xFFFFFFFE, v4;
	[tilespmem:$0x11A60] =	vst v63  }
0x4c: {  	s2 =	simm.s32 $0x0;
	s4 =	sadd.s32 $0xFFFFFFF0, s28;
	[tilespmem:s28+$0x0] =	vst v4  }
.LBB2_3:
0x4d: {  	v4 =	vld.msk [tilespmem:s4+$0x0 ss:$0x1], $0xffff;
	s2 =	sadd.s32 $0x10, s2;
	v5 =	vmov v3;
	s28 =	smov.u32 s4  }
0x4e: {  	p1 =	slt.u32 s2, $0x1F30;
	_ =	sdelay $0x4  }
0x4f: {  	v3 =	vperm.xlane v4, v1;
	(xrf1) =	vunique.msk.u32 $0xffff, v4;
	_ =	sdelay $0xd  }
0x50: {  	v6, _, _ =	vpop (xrf1)  }
0x51: {  	vm5 =	vne.s32 v4, v5;
	vm4 =	veq.s32 v6, v2  }
0x52: {  	vm6 =	vlt.u32 v4, $0x5000;
	vm4 =	vmand vm5, vm4  }
0x53: {  	vm4 =	vmand vm6, vm4  }
0x54: {  	v4 =	vnsel vm4, $0xFFFFFFFF, v4  }
.Ltmp3:
0x55: {  	v5 =	vnsel vm6, $0xFFFFFFFE, v4;
	(pc) =	sbr.rel @p1 .LBB2_3-.Ltmp3, $3  }
0x56: {  	_ =	sdelay $0x1  }
0x57: {  	s4 =	sadd.s32 $0xFFFFFFF0, s4;
	s26 =	sadd.s32 $0xFFFFFFF0, s26;
	(ifvalue) =	ssetifvalue $0xFFFFFFFF  }
0x58: {  	[tilespmem:s26], [sflag:$0x8] =	stream.indirect_vreg.gather [hbm4b:s1+s16], $0x1, v4, vm0, $0x4038;
	[tilespmem:s28+$0x0] =	vst v5  }
0x59: {  	s2 =	sshrl.u32 s25, $0x3;
	s4 =	rddreg [dreg:$0x2]  }
0x5a: {  	s0 =	sadd.s32 $0x9D40, s0;
	s2 =	sadd.s32 s4, s2  }
0x5b: {  	[tilespmem:s0], [sflag:$0x8] =	stream.linear.gather [hbm:s2], $0x1F40, $0x38;
	[tilespmem:$0x11A60] =	vst v63  }
.LBB2_5:
0x5c: {  	p1 =	slt.u32 s24, $0x2  }
0x5d: {  	p2 =	sge.u32 @!p1 s24, s12  }
0x5e: {  	p1 =	por p1, p2  }
.Ltmp4:
0x5f: {  	_ = 	snop;
	(pc) =	sbr.rel @p1 .LBB2_9-.Ltmp4, $1  }
0x60: {  	_ =	sdelay $0x3  }
0x61: {  	s0 =	sadd.s32 $0xFFFFFFFE, s24  }
0x62: {  	s2 =	smulhi.u32 $0xAAAAAAAB, s0;
	_ =	sdelay $0x1  }
0x63: {  	s2 =	sshrl.u32 s2, $0x1  }
0x64: {  	s2 =	smul.u32 $0x3, s2;
	_ =	sdelay $0x1  }
0x65: {  	s0 =	ssub.s32 s0, s2  }
0x66: {  	_ =	swait.ge [sflag:s8], $0x3E80;
	s0 =	smul.u32 $0x1F40, s0  }
0x67: {  	p1 =	sne.s32 s24, s11;
	[sflag:s8] =	ssyncset.done $0x0  }
0x68: {  	[sflag:s8] =	ssyncadd.s32 $0xFFFFC180;
	s2 =	sadd.s32 @!p1 $0x203F, s0  }
0x69: {  	[spmem:s13] =	stream.linear.scatter @!p1 [tilespmem:s2], [sflag:$0x1], $0x1, $0x38;
	[tilespmem:$0x11A60] =	vst v63  }
0x6a: {  	s2 =	simm.s32 @!p1 $0x1  }
0x6b: {  	_ =	swait.ge @!p1 [sflag:s2], $0x1  }
0x6c: {  	s4 =	sshll.u32 s24, $0x4;
	[sflag:s2] =	ssyncset.done @!p1 $0x0  }
0x6d: {  	s25 =	sand.u32 $0x10, s4;
	[sflag:s2] =	ssyncadd.s32 @!p1 $0xFFFFFFFF  }
0x6e: {  	s2 =	sxor.u32 $0x10, s25;
	v4 =	vld [tilespmem:s25+$0x10]  }
0x6f: {  	v5 =	vld [tilespmem:s2+$0x60]  }
0x70: {  	v3 =	vld [tilespmem:$0x80];
	_ =	sdelay $0x2  }
0x71: {  	(v2sf) =	vpush v4, $0x0  }
0x72: {  	(v2sf) =	vpush v5, $0x0  }
0x73: {  	(v2sf) =	vpush v3, $0x0;
	_ =	sdelay $0xc  }
0x74: {  	s4 =	spop (v2sf)  }
0x75: {  	s26 =	spop (v2sf)  }
0x76: {  	s28 =	spop (v2sf)  }
0x77: {  	p2 =	seq.s32 s4, s26;
	p3 =	seq.s32 s28, s4  }
0x78: {  	p3 =	por p2, p3  }
0x79: {  	s26 =	sand.u32 $0x1, s24;
	v4 =	vpsel p3, $0xFFFFFFFF, v4  }
0x7a: {  	s29 =	smul.u32 $0x1F40, s26;
	[tilespmem:s25+$0x10] =	vst.msk $0x1, v4  }
0x7b: {  	v4 =	vld [tilespmem:$0x30]  }
0x7c: {  	v5 =	vld [tilespmem:s29+$0x9D40]  }
0x7d: {  	v6 =	vld [tilespmem:s25+$0x40];
	_ =	sdelay $0x3  }
0x7e: {  	vm4 =	vmmov vm1;
	v5 =	vadd.f32 v5, v4  }
0x7f: {  	vm5 =	vmmov vm2;
	vm4 =	vmmov @p2 vm2;
	s4 =	sshll.u32 s26, $0x4;
	v4 =	vadd.f32 v6, v4  }
0x80: {  	s26 =	sor.u32 $0x11A40, s4;
	vm5 =	vmmov @p3 vm1;
	[tilespmem:s29+$0x9D40] =	vst.msk vm4, v5  }
0x81: {  	[tilespmem:s26+$0x0] =	vst.msk vm5, v4  }
0x82: {  	v4 =	vld [tilespmem:s29+$0x7DF0];
	_ =	sdelay $0x3  }
0x83: {  	v5 =	vimm.f32 $0.0e+00  }
0x84: {  	v4 =	vshift.insert v4, v5, s21  }
0x85: {  	s4 =	sor.u32 $0x40, s2  }
0x86: {  	[tilespmem:s4+$0x0] =	vst.msk $0x1, v4  }
0x87: {  	[tilespmem:s29+$0x7DFF] =	vst.msk $0x1, v5  }
0x88: {  	v4 =	vld [tilespmem:s0+$0x2030];
	_ =	sdelay $0x1  }
0x89: {  	s4 =	smulhi.u32 $0xAAAAAAAB, s20;
	s0 =	simm.s32 $0x1  }
0x8a: {  	s0 =	simm.s32 @!p0 $0x0  }
0x8b: {  	s4 =	sshrl.u32 s4, $0x1;
	s0 =	smul.u32 $0x7D00, s0  }
0x8c: {  	s4 =	smul.u32 $0xFFFE8900, s4;
	v4 =	vshift.insert v4, v1, s21  }
0x8d: {  	s0 =	sshrl.u32 s0, $0x2  }
0x8e: {  	s4 =	sshra.s32 s4, $0x2;
	s30 =	sadd.s32 $0x9D40, s0;
	[tilespmem:s2+$0x10] =	vst.msk $0x1, v4  }
0x8f: {  	s4 =	sadd.s32 s4, s19;
	v6 =	vld [tilespmem:s30+$0x0]  }
0x90: {  	v7 =	vld [tilespmem:s4+$0x0];
	_ =	sdelay $0x3  }
0x91: {  	v5 =	vadd.f32 v6, v5  }
0x92: {  	vm4 =	vne.s32 v7, $0xFFFFFFFF  }
0x93: {  	(xrf2) =	vadd.seg.scan.f32 vm4, v5;
	_ =	sdelay $0x3  }
0x94: {  	s31 =	sadd.s32 $0x5EC0, s0;
	v5 =	vperm.xlane v4, v1  }
0x95: {  	v6 =	vld [tilespmem:s31+$0x0]  }
0x96: {  	vm5 =	veq.s32 v7, v3;
	vm6 =	veq.s32 v7, v5  }
0x97: {  	vm7 =	vgt.u32 v7, $0xFFFFFFFD;
	vm6 =	vmor vm6, vm5  }
0x98: {  	vm6 =	vmor vm6, vm7  }
0x99: {  	v9 =	vld [tilespmem:$0xA0];
	v7 =	vsel vm6, $0xFFFFFFFF, v7  }
0x9a: {  	v10 =	vld [tilespmem:$0x90];
	v6 =	vsel vm5, $0x0, v6;
	v8, _, _ =	vpop (xrf2)  }
0x9b: {  	v6 =	vadd.f32 v8, v6  }
0x9c: {  	s0 =	sadd.s32 $0xDBC0, s0  }
0x9d: {  	vm4 =	vmand vm4, vm3;
	[tilespmem:s0+$0x0] =	vst v6;
	(ifvalue) =	ssetifvalue $0xFFFFFFFF  }
0x9e: {  	vm6 =	veq.s32 v9, $0x1;
	[hbm4b:s1+s16] =	stream.indirect_vreg.scatter [tilespmem:s0], [sflag:$0x2], $0x1, v7, vm0, $0x4038;
	v7 =	vsel vm4, $0x0, v8;
	[tilespmem:$0x11A60] =	vst v63  }
0x9f: {  	s2 =	simm.s32 $0x0;
	s4 =	sadd.s32 $0x10, s4;
	vm4 =	vmor vm6, vm5;
	v6 =	vsel vm5, v8, v10;
	v7 =	vshift.insert v7, v0, s21  }
.LBB2_7:
0xa0: {  	v8 =	vld [tilespmem:s4+$0x0];
	s30 =	sadd.s32 $0x10, s30  }
0xa1: {  	s31 =	sadd.s32 $0x10, s31;
	v9 =	vld [tilespmem:s30+$0x0]  }
0xa2: {  	s2 =	sadd.s32 $0x10, s2;
	v10 =	vld [tilespmem:s31+$0x0]  }
0xa3: {  	p2 =	slt.u32 s2, $0x1F30;
	_ =	sdelay $0x2  }
0xa4: {  	v7 =	vadd.f32 v9, v7  }
0xa5: {  	vm5 =	vne.s32 v8, $0xFFFFFFFF  }
0xa6: {  	vm6 =	vmand vm5, vm3;
	(xrf2) =	vadd.seg.scan.f32 vm5, v7;
	_ =	sdelay $0x5  }
0xa7: {  	vm7 =	veq.s32 v8, v5;
	vm5 =	veq.s32 v8, v3  }
0xa8: {  	vm8 =	vgt.u32 v8, $0xFFFFFFFD;
	vm4 =	vmor vm4, vm5;
	vm7 =	vmor vm7, vm5  }
0xa9: {  	vm7 =	vmor vm7, vm8  }
0xaa: {  	v8 =	vsel vm7, $0xFFFFFFFF, v8  }
.Ltmp5:
0xab: {  	v7 =	vsel vm5, $0x0, v10;
	v9, _, _ =	vpop (xrf2);
	(pc) =	sbr.rel @p2 .LBB2_7-.Ltmp5, $4  }
0xac: {  	v6 =	vsel vm5, v9, v6;
	v10 =	vadd.f32 v9, v7;
	v7 =	vsel vm6, $0x0, v9  }
0xad: {  	s0 =	sadd.s32 $0x10, s0;
	v7 =	vshift.insert v7, v0, s21  }
0xae: {  	s4 =	sadd.s32 $0x10, s4;
	[tilespmem:s0+$0x0] =	vst v10;
	(ifvalue) =	ssetifvalue $0xFFFFFFFF  }
0xaf: {  	[hbm4b:s1+s16] =	stream.indirect_vreg.scatter [tilespmem:s0], [sflag:$0x2], $0x1, v8, vm0, $0x4038;
	[tilespmem:$0x11A60] =	vst v63  }
0xb0: {  	v3 =	vld [tilespmem:s29+$0xFAF0];
	_ =	sdelay $0x4  }
0xb1: {  	v3 =	vshift.insert v3, v0, s21;
	_ =	sdelay $0x1  }
0xb2: {  	[tilespmem:s22+$0x0] =	vst.msk $0x1, v3  }
0xb3: {  	v3 =	vsel vm4, $0x1, v1;
	[tilespmem:$0x90] =	vst v6  }
0xb4: {  	s0 =	sadd.s32 @!p1 $0xFAFF, s29;
	[tilespmem:$0xA0] =	vst v3  }
0xb5: {  	[spmem:s14] =	stream.linear.scatter @!p1 [tilespmem:s0], [sflag:$0x1], $0x1, $0x38;
	[tilespmem:$0x11A60] =	vst v63  }
0xb6: {  	s0 =	simm.s32 @!p1 $0x1  }
0xb7: {  	v3 =	vmctz.xlane @!p1 vm4;
	_ =	swait.ge @!p1 [sflag:s0], $0x1  }
0xb8: {  	(v2sf) =	vpush @!p1 v4, $0x0  }
0xb9: {  	(v2sf) =	vpush @!p1 v3, $0x0;
	_ =	sdelay $0xd  }
0xba: {  	s2 =	spop @!p1 (v2sf)  }
0xbb: {  	s4 =	spop @!p1 (v2sf)  }
0xbc: {  	p2 =	sne.s32 @!p1 s28, s2;
	p3 =	slt.s32 @!p1 s4, $0xF  }
0xbd: {  	[sflag:s0] =	ssyncset.done @!p1 $0x0;
	p2 =	por p2, p1;
	p3 =	por !p3, p1  }
0xbe: {  	[sflag:s0] =	ssyncadd.s32 @!p1 $0xFFFFFFFF;
	v3 =	vimm.s32 @!p2 $0xFFFFFFFF;
	s4 =	simm.s32 @p3 $0xF  }
0xbf: {  	[tilespmem:$0x80] =	vst @!p2 v3;
	s2 =	sadd.s32 @!p1 $0x90, s4  }
0xc0: {  	[spmem:s10] =	stream.linear.scatter @!p1 [tilespmem:s2], [sflag:$0x1], $0x1, $0x38;
	[tilespmem:$0x11A60] =	vst v63  }
0xc1: {  	_ =	swait.ge @!p1 [sflag:s0], $0x1  }
0xc2: {  	[sflag:s0] =	ssyncset.done @!p1 $0x0  }
0xc3: {  	s2 =	simm.s32 @!p1 $0x80;
	[sflag:s0] =	ssyncadd.s32 @!p1 $0xFFFFFFFF  }
0xc4: {  	[spmem:s15] =	stream.linear.scatter @!p1 [tilespmem:s2], [sflag:$0x1], $0x1, $0x38;
	[tilespmem:$0x11A60] =	vst v63  }
0xc5: {  	_ =	swait.ge @!p1 [sflag:s0], $0x1  }
0xc6: {  	[sflag:s0] =	ssyncset.done @!p1 $0x0  }
0xc7: {  	[sflag:s0] =	ssyncadd.s32 @!p1 $0xFFFFFFFF;
	(ifvalue) =	ssetifvalue $0xFFFFFFFF;
	v3 =	vld [tilespmem:s25+$0x10];
	_ =	sdelay $0x3  }
.Ltmp6:
0xc8: {  	_ = 	snop;
	(pc) =	sbr.rel .LBB2_9-.Ltmp6, $3  }
0xc9: {  	_ =	sdelay $0x1  }
0xca: {  	(ifvalue) =	ssetifvalue $0xFFFFFFFF  }
0xcb: {  	[hbm4b:s1+s16] =	stream.indirect_vreg.scatter [tilespmem:s26], [sflag:$0x9], $0x1, v3, vm0, $0x4038;
	[tilespmem:$0x11A60] =	vst v63  }
.LBB2_10:
0xcc: {  	_ =	sfence.sel $0x180000  }
0xcd: {  	s0 =	simm.s32 $0x7;
	[bflag:$0x0] =	sbarrier.arrive $0xFFFF  }
0xce: {  	s26 =	simm.s32 $0x8;
	[sflag:s0] =	ssyncpa.u1 $0x1  }
0xcf: {  	s28 =	simm.s32 $0x9;
	[sflag:s26] =	ssyncpa.u1 $0x1  }
0xd0: {  	[sflag:s28] =	ssyncpa.u1 $0x1  }
0xd1: {  	_ =	sfence.stream.spmem  }
0xd2: {  	s29 =	simm.s32 $0x3;
	[bflag:$0x0] =	sbarrier.arrive $0xFFFF  }
0xd3: {  	s30 =	simm.s32 $0x4;
	[sflag:s29] =	ssyncpa.u1 $0x1  }
0xd4: {  	s31 =	simm.s32 $0x3C;
	s2 =	stileid.u32;
	[sflag:s30] =	ssyncpa.u1 $0x1  }
0xd5: {  	p0 =	sne.s32 s2, $0x0;
	[sflag:s31] =	ssyncpa.u1 $0x1  }
0xd6: {  	s0 =	simm.s32 @p0 $0x1;
	_ =	sfence @p0  }
0xd7: {  	[sflag:s0] =	ssyncpa.u1 @p0 $0x1;
	s0 =	simm.s32 @p0 $0x2  }
0xd8: {  	[sflag:s0] =	ssyncpa.u1 @p0 $0x1  }
0xd9: {  	_ =	strace @p0 $0x90000050  }
0xda: {  	[bflag:$0x2] =	sbarrier.arrive @p0 $0xFFFF  }
0xdb: {  	_ =	shalt @p0  }
.LBB2_11:
0xdc: {  	_ =	sfence.stream.spmem;
	s0 =	simm.s32 $0x5  }
0xdd: {  	s2 =	simm.s32 $0x80;
	s3 =	simm.s32 $0xC0;
	[sflag:s0] =	ssyncpa.u1 $0x0  }
0xde: {  	[tilespmem:s3], [sflag:$0x5] =	stream.linear.gather [spmem:s2], $0x20, $0x38;
	[tilespmem:$0x11A60] =	vst v63  }
0xdf: {  	s2 =	simm.s32 $0x0;
	s3 =	simm.s32 $0xE0  }
0xe0: {  	[tilespmem:s3], [sflag:$0x5] =	stream.linear.gather [spmem:s2], $0x20, $0x38;
	[tilespmem:$0x11A60] =	vst v63  }
.Ltmp7:
0xe1: {  	_ = 	snop;
	(pc) =	sbr.rel .LBB2_12-.Ltmp7, $4  }
0xe2: {  	_ =	swait.ge [sflag:s0], $0x40  }
0xe3: {  	[sflag:s0] =	ssyncset.done $0x0  }
0xe4: {  	s31 =	simm.s32 $0x6;
	[sflag:s0] =	ssyncadd.s32 $0xFFFFFFC0  }
0xe5: {  	s4 =	simm.s32 $0x0;
	[sflag:s31] =	ssyncpa.u1 $0x0  }
.LBB2_17:
0xe6: {  	p0 =	sgt.u32 s5, $0x4FFF  }
0xe7: {  	s0 =	sshrl.u32 @!p0 s5, $0x3  }
0xe8: {  	s5 =	sand.u32 @!p0 $0x7, s5;
	s6 =	simm.s32 @!p0 $0xB0;
	s0 =	sadd.s32 @!p0 s1, s0  }
0xe9: {  	[tilespmem:s6], [sflag:$0x6] =	stream.linear.gather @!p0 [hbm4b:s0+s5], $0x1, $0x38;
	[tilespmem:$0x11A60] =	vst v63  }
0xea: {  	s0 =	simm.s32 @!p0 $0x6  }
0xeb: {  	_ =	swait.ge @!p0 [sflag:s0], $0x1  }
0xec: {  	[sflag:s0] =	ssyncset.done @!p0 $0x0  }
0xed: {  	[sflag:s0] =	ssyncadd.s32 @!p0 $0xFFFFFFFF  }
0xee: {  	v2 =	vmov @!p0 s4;
	v1 =	vld.msk @!p0 [tilespmem:$0xB0], $0x1;
	_ =	sdelay $0x3  }
0xef: {  	s0 =	simm.s32 @!p0 $0xE0  }
0xf0: {  	[tilespmem:v2+s0+$0x0], v1 =	vst.idx.ret.add.f32.msk @!p0 $0x1, v1  }
0xf1: {  	[tilespmem:s2+$0xC0] =	vst.msk $0x1, v0  }
0xf2: {  	v0 =	vld.msk [tilespmem:s4+$0xE0], $0x1;
	_ =	sdelay $0x4  }
0xf3: {  	[tilespmem:s2+$0xE0] =	vst.msk $0x1, v0;
	s2 =	sadd.s32 $0x1, s2  }
.LBB2_19:
0xf4: {  	s4 =	sadd.s32 $0x1, s4  }
0xf5: {  	p0 =	sne.s32 s4, $0x20  }
.Ltmp8:
0xf6: {  	_ = 	snop;
	(pc) =	sbr.rel @!p0 .LBB2_20-.Ltmp8, $1  }
0xf7: {  	_ =	sdelay $0x3  }
.LBB2_12:
0xf8: {  	v0 =	vld.msk [tilespmem:s4+$0xC0], $0x1;
	_ =	sdelay $0x4  }
0xf9: {  	(v2sf) =	vpush v0, $0x0;
	_ =	sdelay $0xe  }
0xfa: {  	s5 =	spop (v2sf)  }
0xfb: {  	p0 =	seq.s32 s5, $0xFFFFFFFF  }
.Ltmp9:
0xfc: {  	_ = 	snop;
	(pc) =	sbr.rel @p0 .LBB2_19-.Ltmp9, $1  }
0xfd: {  	_ =	sdelay $0x3  }
0xfe: {  	p0 =	slt.s32 s2, $0x1  }
.Ltmp10:
0xff: {  	_ = 	snop;
	(pc) =	sbr.rel @p0 .LBB2_17-.Ltmp10, $1  }
0x100: {  	_ =	sdelay $0x3  }
0x101: {  	s0 =	simm.s32 $0xC0;
	p0 =	por $0x0, $0x0  }
0x102: {  	v1 =	vld.msk @!p0 [tilespmem:s0+$0x0], $0x1;
	_ =	sdelay $0x4  }
0x103: {  	(v2sf) =	vpush @!p0 v1, $0x0;
	_ =	sdelay $0xd  }
0x104: {  	p2 =	sne.s32 s2, $0x1  }
.Ltmp11:
0x105: {  	s6 =	spop @!p0 (v2sf);
	(pc) =	sbr.rel @!p2 .LBB2_16-.Ltmp11, $4  }
0x106: {  	p1 =	seq.s32 @!p0 s5, s6  }
0x107: {  	s6 =	simm.s32 $0x0;
	p1 =	por !p1, p0  }
0x108: {  	s8 =	simm.s32 $0xFFFFFFFF;
	s6 =	simm.s32 @p1 $0xFFFFFFFF  }
0x109: {  	s7 =	simm.s32 $0x1;
	s6 =	smov.u32 @p0 s8  }
.LBB2_15:
0x10a: {  	s8 =	smov.u32 s6;
	p0 =	sne.s32 s6, $0xFFFFFFFF  }
0x10b: {  	s0 =	sadd.s32 $0x1, s0;
	s6 =	smov.u32 s7;
	s7 =	sadd.s32 $0x1, s7  }
0x10c: {  	p1 =	sne.s32 s2, s7;
	v1 =	vld.msk @!p0 [tilespmem:s0+$0x0], $0x1;
	_ =	sdelay $0x4  }
0x10d: {  	(v2sf) =	vpush @!p0 v1, $0x0;
	_ =	sdelay $0xe  }
.Ltmp12:
0x10e: {  	s9 =	spop @!p0 (v2sf);
	(pc) =	sbr.rel @p1 .LBB2_15-.Ltmp12, $4  }
0x10f: {  	p2 =	seq.s32 @!p0 s5, s9  }
0x110: {  	p2 =	por !p2, p0  }
0x111: {  	s6 =	simm.s32 @p2 $0xFFFFFFFF  }
0x112: {  	s6 =	smov.u32 @p0 s8  }
.LBB2_16:
0x113: {  	p0 =	sne.s32 s6, $0xFFFFFFFF  }
.Ltmp13:
0x114: {  	_ = 	snop;
	(pc) =	sbr.rel @!p0 .LBB2_17-.Ltmp13, $1  }
0x115: {  	_ =	sdelay $0x3  }
0x116: {  	v0 =	vld.msk [tilespmem:s4+$0xE0], $0x1;
	v1 =	vmov s6  }
.Ltmp14:
0x117: {  	_ = 	snop;
	(pc) =	sbr.rel .LBB2_19-.Ltmp14, $2  }
0x118: {  	_ =	sdelay $0x2  }
0x119: {  	[tilespmem:v1+s3+$0x0], v0 =	vst.idx.ret.add.f32.msk $0x1, v0  }
.LBB2_20:
0x11a: {  	p0 =	slt.s32 s2, $0x1  }
.Ltmp15:
0x11b: {  	_ = 	snop;
	(pc) =	sbr.rel @p0 .LBB2_24-.Ltmp15, $3  }
0x11c: {  	_ =	sdelay $0x1  }
0x11d: {  	s0 =	simm.s32 $0x6  }
0x11e: {  	s3 =	simm.s32 $0x0;
	[sflag:s0] =	ssyncpa.u1 $0x1  }
0x11f: {  	s0 =	simm.s32 $0xC0  }
0x120: {  	v0 =	vld.msk [tilespmem:s0+$0x0], $0x1;
	_ =	sdelay $0x4  }
0x121: {  	(v2sf) =	vpush v0, $0x0;
	_ =	sdelay $0xe  }
0x122: {  	s2 =	sadd.s32 $0xFFFFFFFF, s2;
	s4 =	spop (v2sf)  }
0x123: {  	p1 =	sne.s32 s2, $0x0;
	p0 =	sgt.u32 s4, $0x4FFF  }
.Ltmp16:
0x124: {  	s5 =	sshrl.u32 @!p0 s4, $0x3;
	(pc) =	sbr.rel @!p1 .LBB2_23-.Ltmp16, $4  }
0x125: {  	s0 =	simm.s32 $0xE0;
	s4 =	sand.u32 @!p0 $0x7, s4;
	s5 =	sadd.s32 @!p0 s1, s5  }
0x126: {  	[hbm4b:s5+s4] =	stream.linear.scatter @!p0 [tilespmem:s0], [sflag:$0x5], $0x1, $0x38;
	[tilespmem:$0x11A60] =	vst v63  }
0x127: {  	s5 =	simm.s32 $0x0  }
0x128: {  	s4 =	simm.s32 $0xC1;
	s5 =	simm.s32 @!p0 $0x4  }
.LBB2_22:
0x129: {  	v0 =	vld.msk [tilespmem:s4+$0x0], $0x1;
	s2 =	sadd.s32 $0xFFFFFFFF, s2;
	s3 =	sadd.s32 s3, s5  }
0x12a: {  	p0 =	sne.s32 s2, $0x0;
	_ =	sdelay $0x3  }
0x12b: {  	(v2sf) =	vpush v0, $0x0;
	_ =	sdelay $0xe  }
.Ltmp17:
0x12c: {  	s6 =	spop (v2sf);
	(pc) =	sbr.rel @p0 .LBB2_22-.Ltmp17, $4  }
0x12d: {  	s5 =	simm.s32 $0x0;
	p1 =	sgt.u32 s6, $0x4FFF  }
0x12e: {  	s0 =	sadd.s32 $0x1, s0;
	s5 =	simm.s32 @!p1 $0x4;
	s7 =	sshrl.u32 @!p1 s6, $0x3  }
0x12f: {  	s4 =	sadd.s32 $0x1, s4;
	s6 =	sand.u32 @!p1 $0x7, s6;
	s7 =	sadd.s32 @!p1 s1, s7  }
0x130: {  	[hbm4b:s7+s6] =	stream.linear.scatter @!p1 [tilespmem:s0], [sflag:$0x5], $0x1, $0x38;
	[tilespmem:$0x11A60] =	vst v63  }
.LBB2_23:
0x131: {  	s0 =	sadd.s32 s3, s5  }
0x132: {  	s3 =	sshrl.u32 s0, $0x2  }
.LBB2_24:
0x133: {  	s0 =	simm.s32 $0x5  }
0x134: {  	_ =	swait.ge [sflag:s0], s3  }
0x135: {  	s1 =	ssub.s32 $0x0, s3;
	[sflag:s0] =	ssyncset.done $0x0  }
0x136: {  	[sflag:s0] =	ssyncadd.s32 s1  }
0x137: {  	[sflag:s0] =	ssyncpa.u1 $0x1  }
0x138: {  	s29 =	simm.s32 $0x1;
	_ =	sfence  }
0x139: {  	s30 =	simm.s32 $0x2;
	[sflag:s29] =	ssyncpa.u1 $0x1  }
0x13a: {  	[sflag:s30] =	ssyncpa.u1 $0x1  }
0x13b: {  	_ =	strace $0x90000050  }
0x13c: {  	[bflag:$0x2] =	sbarrier.arrive $0xFFFF  }
0x13d: {  	s31 =	rddreg [dreg:$0x3]  }
0x13e: {  	s0 =	sadd.s32 $0x100000, s31  }
0x13f: {  	[sflag:s0] =	ssyncadd.tile.s32 $0x1;
	_ =	shalt  }
.Lfunc_end2:
_tile_overlayer_lowered:
.L_overlay_start_2:
0x140: {  	(tag) =	ssettag $0x2  }
0x141: {  	s0 =	rddreg [dreg:$0x0];
	s2 =	stileid.u32  }
0x142: {  	s1 =	rddreg [dreg:$0x1];
	p0 =	sne.s32 s2, $0x0  }
0x143: {  	s3 =	rddreg [dreg:$0x2];
	[bflag:$0x3] =	sbarrier.arrive $0xFFFF;
	s2 =	simm.s32 @!p0 $0x1C01  }
0x144: {  	[timem:s3], [sflag:s2] =	dma.local @!p0 [hbm:s0], s1  }
0x145: {  	s0 =	simm.s32 @!p0 $0x1  }
0x146: {  	_ =	swait.ge @!p0 [sflag:s0], s1  }
0x147: {  	s1 =	ssub.s32 @!p0 $0x0, s1;
	[sflag:s0] =	ssyncset.done @!p0 $0x0  }
0x148: {  	[sflag:s0] =	ssyncadd.s32 @!p0 s1  }
0x149: {  	[bflag:$0x3] =	sbarrier.arrive $0xFFFF  }
0x14a: {  	_ =	shalt  }

// kernel: scatter_offload_async_start.4
scs
__scs_entry_jumppad:
0x0: {  	(pc) =	sbr.rel $0x88, $3  }
0x1: {  	(tag) =	ssettag $0x0;
	lr =	simm.s32 $0x1  }
0x2: {  	[smem:$0x3F91] =	sst lr;
	_ =	strace $0xD0000000  }
0x3: {  	_ = 	snop  }
0x4: {  	_ = 	snop  }
0x5: {  	_ = 	snop  }
0x6: {  	_ = 	snop  }
0x7: {  	_ = 	snop  }
__scs_overlays_trampoline_lowered:
0x8: {  	[smem:$0x3FA0] =	sst s0  }
0x9: {  	[smem:$0x3FA1] =	sst s1  }
0xa: {  	[smem:$0x3FA2] =	sst s2  }
0xb: {  	[smem:$0x3FA3] =	sst s3  }
0xc: {  	[smem:$0x3FA4] =	sst s4  }
0xd: {  	[smem:$0x3FA5] =	sst s5  }
0xe: {  	[smem:$0x3FA6] =	sst s6  }
0xf: {  	[smem:$0x3FA7] =	sst s7  }
0x10: {  	[smem:$0x3FA8] =	sst s8  }
0x11: {  	[smem:$0x3FA9] =	sst s9;
	s0 =	simm.s32 @!p0 $0x0  }
0x12: {  	s1 =	sld [smem:$0x3F8F];
	s0 =	simm.s32 @p0 $0x1  }
0x13: {  	[smem:$0x3FAA] =	sst s0;
	s0 =	simm.s32 @!p1 $0x0  }
0x14: {  	s2 =	sld [smem:$0x3F8E];
	s0 =	simm.s32 @p1 $0x1  }
0x15: {  	[smem:$0x3FAB] =	sst s0;
	s0 =	simm.s32 @!p2 $0x0  }
0x16: {  	s3 =	sld [smem:$0x3FDB];
	s0 =	simm.s32 @p2 $0x1  }
0x17: {  	s4 =	simm.s32 $0x1BF5;
	[smem:$0x3FAD] =	sst s0  }
0x18: {  	s0 =	sld [smem:$0x3F90];
	_ =	swait.ge [sflag:s4], $0x0  }
0x19: {  	s7 =	sld [smem:$0x3F91]  }
0x1a: {  	s8 =	sadd.s32 $0xFFFFE003, lr  }
0x1b: {  	s9 =	sadd.s32 $0xFFFFFEF7, lr;
	s5 =	simm.s32 $0xFFFFFFFF;
	p2 =	slt.u32 s8, $0xFFFFF086  }
0x1c: {  	p1 =	slt.u32 s9, $0xF7A;
	s5 =	simm.s32 @!p2 $0x0  }
0x1d: {  	s5 =	simm.s32 @p1 $0x1;
	p0 =	seq.s32 s7, s2  }
0x1e: {  	s7 =	smul.u32 @!p0 $0xF7A, s2;
	p2 =	seq.s32 @!p0 s5, $0x0  }
0x1f: {  	s9 =	smul.u32 $0xF7A, s1;
	s8 =	simm.s32 @!p0 $0x1BF5;
	p2 =	por !p2, p0  }
0x20: {  	[sflag:s8] =	ssyncset.s32 @!p0 $0xFFFFF086;
	s6 =	sadd.s32 @!p0 s3, s7;
	s7 =	simm.s32 @!p0 $0x108  }
0x21: {  	s3 =	sadd.s32 s3, s9;
	s6 =	sadd.s32 @!p0 $0x88, s6;
	s7 =	simm.s32 @p2 $0x1082  }
0x22: {  	[simem:s7], [sflag:s8] =	dma.local @!p0 [hbm:s6], $0xF7A  }
0x23: {  	s9 =	sor.u32 $0xD0000000, s2;
	s6 =	simm.s32 $0x108;
	_ =	swait.ge @!p0 [sflag:s8], $0x0  }
0x24: {  	s3 =	sadd.s32 $0x88, s3;
	s6 =	simm.s32 @!p1 $0x1082;
	[sflag:s4] =	ssyncset.s32 $0xFFFFF086  }
0x25: {  	[simem:s6], [sflag:s4] =	dma.local [hbm:s3], $0xF7A  }
0x26: {  	[smem:$0x3F91] =	sst s1;
	(tag) =	ssettag s2;
	_ =	strace s9  }
0x27: {  	s1 =	sld [smem:$0x3FA1]  }
0x28: {  	s2 =	sld [smem:$0x3FA2]  }
0x29: {  	s4 =	sld [smem:$0x3FA4]  }
0x2a: {  	p0 =	seq.s32 s5, $0x0;
	s5 =	sld [smem:$0x3FA5]  }
0x2b: {  	s6 =	sld [smem:$0x3FA6]  }
0x2c: {  	s7 =	sld [smem:$0x3FA7]  }
0x2d: {  	s3 =	simm.s32 $0x108;
	s8 =	sld [smem:$0x3FA8]  }
0x2e: {  	s3 =	simm.s32 @!p0 $0x1082;
	s9 =	sld [smem:$0x3FA9]  }
0x2f: {  	lr =	sadd.s32 s0, s3;
	s0 =	sld [smem:$0x3FA0]  }
0x30: {  	s3 =	sld [smem:$0x3FA3]  }
0x31: {  	[smem:$0x3FAC] =	sst s10  }
0x32: {  	s10 =	sld [smem:$0x3FAA];
	_ =	sdelay $0x3  }
0x33: {  	p0 =	seq.s32 s10, $0x1;
	s10 =	sld [smem:$0x3FAC];
	_ =	sdelay $0x3  }
0x34: {  	[smem:$0x3FAC] =	sst s10  }
0x35: {  	s10 =	sld [smem:$0x3FAB];
	_ =	sdelay $0x3  }
0x36: {  	p1 =	seq.s32 s10, $0x1;
	s10 =	sld [smem:$0x3FAC];
	_ =	sdelay $0x3  }
0x37: {  	[smem:$0x3FAC] =	sst s10  }
0x38: {  	s10 =	sld [smem:$0x3FAD]  }
0x39: {  	_ = 	snop;
	(pc) =	sbr.ind lr, $3  }
0x3a: {  	_ = 	snop  }
0x3b: {  	_ = 	snop  }
0x3c: {  	p2 =	seq.s32 s10, $0x1;
	s10 =	sld [smem:$0x3FAC]  }
0x3d: {  	_ =	shalt  }
0x3e: {  	_ =	shalt  }
0x3f: {  	_ =	shalt  }
0x40: {  	_ =	shalt  }
0x41: {  	_ =	shalt  }
0x42: {  	_ =	shalt  }
0x43: {  	_ =	shalt  }
0x44: {  	_ =	shalt  }
0x45: {  	_ =	shalt  }
0x46: {  	_ =	shalt  }
0x47: {  	_ =	shalt  }
0x48: {  	_ =	shalt  }
0x49: {  	_ =	shalt  }
0x4a: {  	_ =	shalt  }
0x4b: {  	_ =	shalt  }
0x4c: {  	_ =	shalt  }
0x4d: {  	_ =	shalt  }
0x4e: {  	_ =	shalt  }
0x4f: {  	_ =	shalt  }
0x50: {  	_ =	shalt  }
0x51: {  	_ =	shalt  }
0x52: {  	_ =	shalt  }
0x53: {  	_ =	shalt  }
0x54: {  	_ =	shalt  }
0x55: {  	_ =	shalt  }
0x56: {  	_ =	shalt  }
0x57: {  	_ =	shalt  }
0x58: {  	_ =	shalt  }
0x59: {  	_ =	shalt  }
0x5a: {  	_ =	shalt  }
0x5b: {  	_ =	shalt  }
0x5c: {  	_ =	shalt  }
0x5d: {  	_ =	shalt  }
0x5e: {  	_ =	shalt  }
0x5f: {  	_ =	shalt  }
0x60: {  	_ =	shalt  }
0x61: {  	_ =	shalt  }
0x62: {  	_ =	shalt  }
0x63: {  	_ =	shalt  }
0x64: {  	_ =	shalt  }
0x65: {  	_ =	shalt  }
0x66: {  	_ =	shalt  }
0x67: {  	_ =	shalt  }
0x68: {  	_ =	shalt  }
0x69: {  	_ =	shalt  }
0x6a: {  	_ =	shalt  }
0x6b: {  	_ =	shalt  }
0x6c: {  	_ =	shalt  }
0x6d: {  	_ =	shalt  }
0x6e: {  	_ =	shalt  }
0x6f: {  	_ =	shalt  }
0x70: {  	_ =	shalt  }
0x71: {  	_ =	shalt  }
0x72: {  	_ =	shalt  }
0x73: {  	_ =	shalt  }
0x74: {  	_ =	shalt  }
0x75: {  	_ =	shalt  }
0x76: {  	_ =	shalt  }
0x77: {  	_ =	shalt  }
0x78: {  	_ =	shalt  }
0x79: {  	_ =	shalt  }
0x7a: {  	_ =	shalt  }
0x7b: {  	_ =	shalt  }
0x7c: {  	_ =	shalt  }
0x7d: {  	_ =	shalt  }
0x7e: {  	_ =	shalt  }
0x7f: {  	_ =	shalt  }
0x80: {  	_ =	shalt  }
0x81: {  	_ =	shalt  }
0x82: {  	_ =	shalt  }
0x83: {  	_ =	shalt  }
0x84: {  	_ =	shalt  }
0x85: {  	_ =	shalt  }
0x86: {  	_ =	shalt  }
0x87: {  	_ =	shalt  }
.Lfunc_end0:
.L_simem_size_0:
called_computation.4_lowered:
.L_overlay_start_0:
0x88: {  	s2 =	sld [smem:$0x3FD9]  }
0x89: {  	s3 =	sld [smem:$0x3FFE];
	_ =	sdelay $0x1  }
0x8a: {  	s1 =	srdreg.scid  }
0x8b: {  	s0 =	sand.u32 $0x1, s1  }
0x8c: {  	s16 =	sshll.u32 s0, $0xA;
	s2 =	sadd.s32 s3, s2  }
0x8d: {  	s2 =	sadd.s32 s2, s16  }
0x8e: {  	[smem:$0x3FB8] =	sst s2  }
0x8f: {  	_ = 	snop  }
0x90: {  	s2 =	sld [smem:$0x3FBA];
	(tm) =	ssettm $0x1  }
0x91: {  	s17 =	sld [smem:$0x3FFB];
	_ =	sdelay $0x3  }
0x92: {  	_ =	strace s17  }
0x93: {  	s3 =	sld [smem:$0x3FFC];
	_ =	sdelay $0x3  }
0x94: {  	_ =	strace s3  }
0x95: {  	s3 =	sld [smem:$0x3FFD];
	_ =	sdelay $0x3  }
0x96: {  	_ =	strace s3  }
0x97: {  	_ =	strace $0x8FFFFFFF  }
0x98: {  	s18 =	sld [smem:$0x3FDB];
	_ =	sdelay $0x1  }
0x99: {  	s4 =	simm.s32 $_scs_section_size  }
0x9a: {  	s5 =	simm.s32 $_size__tile_overlayer_lowered;
	s6 =	simm.s32 $_tile_overlayer_lowered  }
0x9b: {  	s21 =	simm.s32 $0x1BFF;
	s20 =	sshll.u32 s6, $0x1;
	s3 =	sadd.s32 s4, s18  }
0x9c: {  	s7 =	simm.s32 $0x0;
	s19 =	sshll.u32 s5, $0x1;
	s5 =	sadd.s32 s20, s3  }
0x9d: {  	[timem:s7], [sflag:s21] =	dma.local [hbm:s5], s19  }
0x9e: {  	_ =	swait.ge [sflag:s21], s19  }
0x9f: {  	s4 =	ssub.s32 $0x0, s19;
	[sflag:s21] =	ssyncset.done $0x0  }
0xa0: {  	[sflag:s21] =	ssyncadd.s32 s4;
	_ =	sdelay $0x1  }
0xa1: {  	s22 =	simm.s32 $0x1B8B  }
0xa2: {  	_ =	swait.ge [sflag:s22], $0x1  }
0xa3: {  	[sflag:s22] =	ssyncset.done $0x0  }
0xa4: {  	s23 =	sld [smem:$0x3FFE];
	[sflag:s22] =	ssyncadd.s32 $0xFFFFFFFF  }
0xa5: {  	s25 =	simm.s32 $0x1B8E;
	s24 =	sld [smem:$0x0]  }
0xa6: {  	s26 =	simm.s32 $execute0_lowered;
	[smem:$0x3FD2] =	sst s25  }
0xa7: {  	s6 =	sshll.u32 s26, $0x1;
	_ =	strace $0x80000052;
	[dreg:$0x1] =	wrdreg $0xFFFFFFFF  }
0xa8: {  	s28 =	simm.s32 $_size_execute0_lowered;
	s3 =	sadd.s32 s3, s6;
	[dreg:$0x0] =	wrdreg $0x0  }
0xa9: {  	s6 =	sshll.u32 s28, $0x1;
	[dreg:$0x2] =	wrdreg s3  }
0xaa: {  	[dreg:$0x3] =	wrdreg s6  }
0xab: {  	[dreg:$0x4] =	wrdreg $0xC0  }
0xac: {  	_ =	task [dreg:s7], $0x5FFFF  }
0xad: {  	[dreg:$0x1] =	wrdreg $0xFFFFFFFF  }
0xae: {  	[dreg:$0x0] =	wrdreg $0x60  }
0xaf: {  	[dreg:$0x2] =	wrdreg s23  }
0xb0: {  	[dreg:$0x3] =	wrdreg s2  }
0xb1: {  	[dreg:$0x4] =	wrdreg s1  }
0xb2: {  	[dreg:$0x5] =	wrdreg s24  }
0xb3: {  	[dreg:$0x6] =	wrdreg $0xB  }
0xb4: {  	_ =	task.clear_ibuf [dreg:s7], $0x7FFFF;
	_ =	strace $0x90000052  }
0xb5: {  	s29 =	simm.s32 $0xB;
	_ =	strace $0x80000054  }
0xb6: {  	_ =	swait.ge [sflag:s29], $0x1  }
0xb7: {  	[sflag:s29] =	ssyncadd.s32 $0xFFFFFFFF  }
0xb8: {  	_ =	strace $0x90000054  }
0xb9: {  	_ =	sfence  }
0xba: {  	s30 =	sld [smem:$0x0];
	_ =	sdelay $0x2  }
0xbb: {  	s31 =	sshll.u32 s1, $0xD;
	s1 =	sshrl.u32 s1, $0x2  }
0xbc: {  	s3 =	sand.u32 $0x4000, s31;
	s1 =	sadd.s32 s1, s30  }
0xbd: {  	s0 =	sor.u32 s3, s0;
	s1 =	sshll.u32 s1, $0x11  }
0xbe: {  	s0 =	sor.u32 s1, s0  }
0xbf: {  	s0 =	sadd.s32 $0x8F2B, s0  }
0xc0: {  	[sflag:s0] =	ssyncadd.remote.s32 $0x1  }
0xc1: {  	_ =	sfence.sel $0xFFFF  }
0xc2: {  	[dreg:$0x0] =	wrdreg $0xFFFFFFFF;
	(pc) =	sbr.abs _section_cstart, $3  }
0xc3: {  	[dreg:$0x1] =	wrdreg $0xFFFFFFFF  }
0xc4: {  	_ =	task.clear_ibuf [dreg:s7], $0x2FFFF;
	_ =	strace $0x9FFFFFFF  }
0xc5: {  	(tm) =	ssettm $0x7FFFFFFF  }
tec
execute0_lowered:
.L_overlay_start_1:
0x0: {  	(tag) =	ssettag $0x1  }
0x1: {  	s6 =	rddreg [dreg:$0x0]  }
0x2: {  	s3 =	rddreg [dreg:$0x1]  }
0x3: {  	s2 =	rddreg [dreg:$0x2]  }
0x4: {  	s1 =	rddreg [dreg:$0x3];
	_ =	strace $0x80000053;
	s4 =	simm.s32 $0x1  }
0x5: {  	v0 =	vimm.s32 $0x0;
	[sflag:s4] =	ssyncpa.u1 $0x0  }
0x6: {  	[tilespmem:$0x48] =	vst v0  }
0x7: {  	[tilespmem:$0x58] =	vst v0  }
0x8: {  	[tilespmem:$0x68] =	vst v0  }
0x9: {  	[tilespmem:$0x78] =	vst v0  }
0xa: {  	[tilespmem:$0x88] =	vst v0  }
0xb: {  	[tilespmem:$0x98] =	vst v0  }
0xc: {  	[tilespmem:$0xA8] =	vst v0  }
0xd: {  	[tilespmem:$0xB8] =	vst v0  }
0xe: {  	[tilespmem:$0xC8] =	vst v0  }
0xf: {  	[tilespmem:$0xD8] =	vst v0  }
0x10: {  	[tilespmem:$0xE8] =	vst v0  }
0x11: {  	[tilespmem:$0xF8] =	vst v0  }
0x12: {  	[tilespmem:$0x108] =	vst v0  }
0x13: {  	[tilespmem:$0x118] =	vst v0  }
0x14: {  	[tilespmem:$0x128] =	vst v0  }
0x15: {  	[tilespmem:$0x138] =	vst v0  }
0x16: {  	[tilespmem:$0x148] =	vst v0  }
0x17: {  	[tilespmem:$0x158] =	vst v0  }
0x18: {  	[tilespmem:$0x168] =	vst v0  }
0x19: {  	[tilespmem:$0x178] =	vst v0  }
0x1a: {  	[tilespmem:$0x188] =	vst v0  }
0x1b: {  	[tilespmem:$0x198] =	vst v0  }
0x1c: {  	[tilespmem:$0x1A8] =	vst v0  }
0x1d: {  	[tilespmem:$0x1B8] =	vst v0  }
0x1e: {  	[tilespmem:$0x1C8] =	vst v0  }
0x1f: {  	[tilespmem:$0x1D8] =	vst v0  }
0x20: {  	[tilespmem:$0x1E8] =	vst v0  }
0x21: {  	[tilespmem:$0x1F8] =	vst v0  }
0x22: {  	[tilespmem:$0x208] =	vst v0  }
0x23: {  	[tilespmem:$0x218] =	vst v0  }
0x24: {  	[tilespmem:$0x228] =	vst v0  }
0x25: {  	[tilespmem:$0x238] =	vst v0  }
0x26: {  	[tilespmem:$0x248] =	vst v0  }
0x27: {  	[tilespmem:$0x258] =	vst v0  }
0x28: {  	[tilespmem:$0x268] =	vst v0  }
0x29: {  	[tilespmem:$0x278] =	vst v0  }
0x2a: {  	[tilespmem:$0x288] =	vst v0  }
0x2b: {  	[tilespmem:$0x298] =	vst v0  }
0x2c: {  	[tilespmem:$0x2A8] =	vst v0  }
0x2d: {  	[tilespmem:$0x2B8] =	vst v0  }
0x2e: {  	[tilespmem:$0x2C8] =	vst v0  }
0x2f: {  	[tilespmem:$0x2D8] =	vst v0  }
0x30: {  	[tilespmem:$0x2E8] =	vst v0  }
0x31: {  	[tilespmem:$0x2F8] =	vst v0  }
0x32: {  	[tilespmem:$0x308] =	vst v0  }
0x33: {  	[tilespmem:$0x318] =	vst v0  }
0x34: {  	[tilespmem:$0x328] =	vst v0  }
0x35: {  	[tilespmem:$0x338] =	vst v0  }
0x36: {  	[tilespmem:$0x348] =	vst v0  }
0x37: {  	[tilespmem:$0x358] =	vst v0  }
0x38: {  	[tilespmem:$0x368] =	vst v0  }
0x39: {  	[tilespmem:$0x378] =	vst v0  }
0x3a: {  	[tilespmem:$0x388] =	vst v0  }
0x3b: {  	[tilespmem:$0x398] =	vst v0  }
0x3c: {  	[tilespmem:$0x3A8] =	vst v0  }
0x3d: {  	[tilespmem:$0x3B8] =	vst v0  }
0x3e: {  	[tilespmem:$0x3C8] =	vst v0  }
0x3f: {  	[tilespmem:$0x3D8] =	vst v0  }
0x40: {  	[tilespmem:$0x3E8] =	vst v0  }
0x41: {  	[tilespmem:$0x3F8] =	vst v0  }
0x42: {  	[tilespmem:$0x408] =	vst v0  }
0x43: {  	[tilespmem:$0x418] =	vst v0  }
0x44: {  	[tilespmem:$0x428] =	vst v0  }
0x45: {  	[tilespmem:$0x438] =	vst v0  }
0x46: {  	[tilespmem:$0x448] =	vst v0  }
0x47: {  	[tilespmem:$0x458] =	vst v0  }
0x48: {  	[tilespmem:$0x468] =	vst v0  }
0x49: {  	[tilespmem:$0x478] =	vst v0  }
0x4a: {  	[tilespmem:$0x488] =	vst v0  }
0x4b: {  	[tilespmem:$0x498] =	vst v0  }
0x4c: {  	[tilespmem:$0x4A8] =	vst v0  }
0x4d: {  	[tilespmem:$0x4B8] =	vst v0  }
0x4e: {  	[tilespmem:$0x4C8] =	vst v0  }
0x4f: {  	[tilespmem:$0x4D8] =	vst v0  }
0x50: {  	[tilespmem:$0x4E8] =	vst v0  }
0x51: {  	[tilespmem:$0x4F8] =	vst v0  }
0x52: {  	[tilespmem:$0x508] =	vst v0  }
0x53: {  	[tilespmem:$0x518] =	vst v0  }
0x54: {  	[tilespmem:$0x528] =	vst v0  }
0x55: {  	[tilespmem:$0x538] =	vst v0  }
0x56: {  	[tilespmem:$0x548] =	vst v0  }
0x57: {  	[tilespmem:$0x558] =	vst v0  }
0x58: {  	[tilespmem:$0x568] =	vst v0  }
0x59: {  	[tilespmem:$0x578] =	vst v0  }
0x5a: {  	[tilespmem:$0x588] =	vst v0  }
0x5b: {  	[tilespmem:$0x598] =	vst v0  }
0x5c: {  	[tilespmem:$0x5A8] =	vst v0  }
0x5d: {  	[tilespmem:$0x5B8] =	vst v0  }
0x5e: {  	[tilespmem:$0x5C8] =	vst v0  }
0x5f: {  	[tilespmem:$0x5D8] =	vst v0  }
0x60: {  	[tilespmem:$0x5E8] =	vst v0  }
0x61: {  	[tilespmem:$0x5F8] =	vst v0  }
0x62: {  	[tilespmem:$0x608] =	vst v0  }
0x63: {  	[tilespmem:$0x618] =	vst v0  }
0x64: {  	[tilespmem:$0x628] =	vst v0  }
0x65: {  	[tilespmem:$0x638] =	vst v0  }
0x66: {  	[tilespmem:$0x648] =	vst v0  }
0x67: {  	[tilespmem:$0x658] =	vst v0  }
0x68: {  	[tilespmem:$0x668] =	vst v0  }
0x69: {  	[tilespmem:$0x678] =	vst v0  }
0x6a: {  	[tilespmem:$0x688] =	vst v0  }
0x6b: {  	[tilespmem:$0x698] =	vst v0  }
0x6c: {  	[tilespmem:$0x6A8] =	vst v0  }
0x6d: {  	[tilespmem:$0x6B8] =	vst v0  }
0x6e: {  	[tilespmem:$0x6C8] =	vst v0  }
0x6f: {  	[tilespmem:$0x6D8] =	vst v0  }
0x70: {  	[tilespmem:$0x6E8] =	vst v0  }
0x71: {  	[tilespmem:$0x6F8] =	vst v0  }
0x72: {  	[tilespmem:$0x708] =	vst v0  }
0x73: {  	[tilespmem:$0x718] =	vst v0  }
0x74: {  	[tilespmem:$0x728] =	vst v0  }
0x75: {  	[tilespmem:$0x738] =	vst v0  }
0x76: {  	[tilespmem:$0x748] =	vst v0  }
0x77: {  	[tilespmem:$0x758] =	vst v0  }
0x78: {  	[tilespmem:$0x768] =	vst v0  }
0x79: {  	[tilespmem:$0x778] =	vst v0  }
0x7a: {  	[tilespmem:$0x788] =	vst v0  }
0x7b: {  	[tilespmem:$0x798] =	vst v0  }
0x7c: {  	[tilespmem:$0x7A8] =	vst v0  }
0x7d: {  	[tilespmem:$0x7B8] =	vst v0  }
0x7e: {  	[tilespmem:$0x7C8] =	vst v0  }
0x7f: {  	[tilespmem:$0x7D8] =	vst v0  }
0x80: {  	[tilespmem:$0x7E8] =	vst v0  }
0x81: {  	[tilespmem:$0x7F8] =	vst v0  }
0x82: {  	[tilespmem:$0x808] =	vst v0  }
0x83: {  	[tilespmem:$0x818] =	vst v0  }
0x84: {  	[tilespmem:$0x828] =	vst v0  }
0x85: {  	[tilespmem:$0x838] =	vst v0  }
0x86: {  	[tilespmem:$0x848] =	vst v0  }
0x87: {  	[tilespmem:$0x858] =	vst v0  }
0x88: {  	[tilespmem:$0x868] =	vst v0  }
0x89: {  	[tilespmem:$0x878] =	vst v0  }
0x8a: {  	[tilespmem:$0x888] =	vst v0  }
0x8b: {  	[tilespmem:$0x898] =	vst v0  }
0x8c: {  	[tilespmem:$0x8A8] =	vst v0  }
0x8d: {  	[tilespmem:$0x8B8] =	vst v0  }
0x8e: {  	[tilespmem:$0x8C8] =	vst v0  }
0x8f: {  	[tilespmem:$0x8D8] =	vst v0  }
0x90: {  	[tilespmem:$0x8E8] =	vst v0  }
0x91: {  	[tilespmem:$0x8F8] =	vst v0  }
0x92: {  	[tilespmem:$0x908] =	vst v0  }
0x93: {  	[tilespmem:$0x918] =	vst v0  }
0x94: {  	[tilespmem:$0x928] =	vst v0  }
0x95: {  	[tilespmem:$0x938] =	vst v0  }
0x96: {  	[tilespmem:$0x948] =	vst v0  }
0x97: {  	[tilespmem:$0x958] =	vst v0  }
0x98: {  	[tilespmem:$0x968] =	vst v0  }
0x99: {  	[tilespmem:$0x978] =	vst v0  }
0x9a: {  	[tilespmem:$0x988] =	vst v0  }
0x9b: {  	[tilespmem:$0x998] =	vst v0  }
0x9c: {  	[tilespmem:$0x9A8] =	vst v0  }
0x9d: {  	[tilespmem:$0x9B8] =	vst v0  }
0x9e: {  	[tilespmem:$0x9C8] =	vst v0  }
0x9f: {  	[tilespmem:$0x9D8] =	vst v0  }
0xa0: {  	[tilespmem:$0x9E8] =	vst v0  }
0xa1: {  	[tilespmem:$0x9F8] =	vst v0  }
0xa2: {  	[tilespmem:$0xA08] =	vst v0  }
0xa3: {  	[tilespmem:$0xA18] =	vst v0  }
0xa4: {  	[tilespmem:$0xA28] =	vst v0  }
0xa5: {  	[tilespmem:$0xA38] =	vst v0  }
0xa6: {  	[tilespmem:$0xA48] =	vst v0  }
0xa7: {  	[tilespmem:$0xA58] =	vst v0  }
0xa8: {  	[tilespmem:$0xA68] =	vst v0  }
0xa9: {  	[tilespmem:$0xA78] =	vst v0  }
0xaa: {  	[tilespmem:$0xA88] =	vst v0  }
0xab: {  	[tilespmem:$0xA98] =	vst v0  }
0xac: {  	[tilespmem:$0xAA8] =	vst v0  }
0xad: {  	[tilespmem:$0xAB8] =	vst v0  }
0xae: {  	[tilespmem:$0xAC8] =	vst v0  }
0xaf: {  	[tilespmem:$0xAD8] =	vst v0  }
0xb0: {  	[tilespmem:$0xAE8] =	vst v0  }
0xb1: {  	[tilespmem:$0xAF8] =	vst v0  }
0xb2: {  	[tilespmem:$0xB08] =	vst v0  }
0xb3: {  	[tilespmem:$0xB18] =	vst v0  }
0xb4: {  	[tilespmem:$0xB28] =	vst v0  }
0xb5: {  	[tilespmem:$0xB38] =	vst v0  }
0xb6: {  	[tilespmem:$0xB48] =	vst v0  }
0xb7: {  	[tilespmem:$0xB58] =	vst v0  }
0xb8: {  	[tilespmem:$0xB68] =	vst v0  }
0xb9: {  	[tilespmem:$0xB78] =	vst v0  }
0xba: {  	[tilespmem:$0xB88] =	vst v0  }
0xbb: {  	[tilespmem:$0xB98] =	vst v0  }
0xbc: {  	[tilespmem:$0xBA8] =	vst v0  }
0xbd: {  	[tilespmem:$0xBB8] =	vst v0  }
0xbe: {  	[tilespmem:$0xBC8] =	vst v0  }
0xbf: {  	[tilespmem:$0xBD8] =	vst v0  }
0xc0: {  	[tilespmem:$0xBE8] =	vst v0  }
0xc1: {  	[tilespmem:$0xBF8] =	vst v0  }
0xc2: {  	[tilespmem:$0xC08] =	vst v0  }
0xc3: {  	[tilespmem:$0xC18] =	vst v0  }
0xc4: {  	[tilespmem:$0xC28] =	vst v0  }
0xc5: {  	[tilespmem:$0xC38] =	vst v0  }
0xc6: {  	[tilespmem:$0xC48] =	vst v0  }
0xc7: {  	[tilespmem:$0xC58] =	vst v0  }
0xc8: {  	[tilespmem:$0xC68] =	vst v0  }
0xc9: {  	[tilespmem:$0xC78] =	vst v0  }
0xca: {  	[tilespmem:$0xC88] =	vst v0  }
0xcb: {  	[tilespmem:$0xC98] =	vst v0  }
0xcc: {  	[tilespmem:$0xCA8] =	vst v0  }
0xcd: {  	[tilespmem:$0xCB8] =	vst v0  }
0xce: {  	[tilespmem:$0xCC8] =	vst v0  }
0xcf: {  	[tilespmem:$0xCD8] =	vst v0  }
0xd0: {  	[tilespmem:$0xCE8] =	vst v0  }
0xd1: {  	[tilespmem:$0xCF8] =	vst v0  }
0xd2: {  	[tilespmem:$0xD08] =	vst v0  }
0xd3: {  	[tilespmem:$0xD18] =	vst v0  }
0xd4: {  	[tilespmem:$0xD28] =	vst v0  }
0xd5: {  	[tilespmem:$0xD38] =	vst v0  }
0xd6: {  	[tilespmem:$0xD48] =	vst v0  }
0xd7: {  	[tilespmem:$0xD58] =	vst v0  }
0xd8: {  	[tilespmem:$0xD68] =	vst v0  }
0xd9: {  	[tilespmem:$0xD78] =	vst v0  }
0xda: {  	[tilespmem:$0xD88] =	vst v0  }
0xdb: {  	[tilespmem:$0xD98] =	vst v0  }
0xdc: {  	[tilespmem:$0xDA8] =	vst v0  }
0xdd: {  	[tilespmem:$0xDB8] =	vst v0  }
0xde: {  	[tilespmem:$0xDC8] =	vst v0  }
0xdf: {  	[tilespmem:$0xDD8] =	vst v0  }
0xe0: {  	[tilespmem:$0xDE8] =	vst v0  }
0xe1: {  	[tilespmem:$0xDF8] =	vst v0  }
0xe2: {  	[tilespmem:$0xE08] =	vst v0  }
0xe3: {  	[tilespmem:$0xE18] =	vst v0  }
0xe4: {  	[tilespmem:$0xE28] =	vst v0  }
0xe5: {  	[tilespmem:$0xE38] =	vst v0  }
0xe6: {  	[tilespmem:$0xE48] =	vst v0  }
0xe7: {  	[tilespmem:$0xE58] =	vst v0  }
0xe8: {  	[tilespmem:$0xE68] =	vst v0  }
0xe9: {  	[tilespmem:$0xE78] =	vst v0  }
0xea: {  	[tilespmem:$0xE88] =	vst v0  }
0xeb: {  	[tilespmem:$0xE98] =	vst v0  }
0xec: {  	[tilespmem:$0xEA8] =	vst v0  }
0xed: {  	[tilespmem:$0xEB8] =	vst v0  }
0xee: {  	[tilespmem:$0xEC8] =	vst v0  }
0xef: {  	[tilespmem:$0xED8] =	vst v0  }
0xf0: {  	[tilespmem:$0xEE8] =	vst v0  }
0xf1: {  	[tilespmem:$0xEF8] =	vst v0  }
0xf2: {  	[tilespmem:$0xF08] =	vst v0  }
0xf3: {  	[tilespmem:$0xF18] =	vst v0  }
0xf4: {  	[tilespmem:$0xF28] =	vst v0  }
0xf5: {  	[tilespmem:$0xF38] =	vst v0  }
0xf6: {  	[tilespmem:$0xF48] =	vst v0  }
0xf7: {  	[tilespmem:$0xF58] =	vst v0  }
0xf8: {  	[tilespmem:$0xF68] =	vst v0  }
0xf9: {  	[tilespmem:$0xF78] =	vst v0  }
0xfa: {  	[tilespmem:$0xF88] =	vst v0  }
0xfb: {  	[tilespmem:$0xF98] =	vst v0  }
0xfc: {  	[tilespmem:$0xFA8] =	vst v0  }
0xfd: {  	[tilespmem:$0xFB8] =	vst v0  }
0xfe: {  	[tilespmem:$0xFC8] =	vst v0  }
0xff: {  	[tilespmem:$0xFD8] =	vst v0  }
0x100: {  	[tilespmem:$0xFE8] =	vst v0  }
0x101: {  	[tilespmem:$0xFF8] =	vst v0  }
0x102: {  	[tilespmem:$0x1008] =	vst v0  }
0x103: {  	[tilespmem:$0x1018] =	vst v0  }
0x104: {  	[tilespmem:$0x1028] =	vst v0  }
0x105: {  	[tilespmem:$0x1038] =	vst v0  }
0x106: {  	[tilespmem:$0x1048] =	vst v0  }
0x107: {  	[tilespmem:$0x1058] =	vst v0  }
0x108: {  	[tilespmem:$0x1068] =	vst v0  }
0x109: {  	[tilespmem:$0x1078] =	vst v0  }
0x10a: {  	[tilespmem:$0x1088] =	vst v0  }
0x10b: {  	[tilespmem:$0x1098] =	vst v0  }
0x10c: {  	[tilespmem:$0x10A8] =	vst v0  }
0x10d: {  	[tilespmem:$0x10B8] =	vst v0  }
0x10e: {  	[tilespmem:$0x10C8] =	vst v0  }
0x10f: {  	[tilespmem:$0x10D8] =	vst v0  }
0x110: {  	[tilespmem:$0x10E8] =	vst v0  }
0x111: {  	[tilespmem:$0x10F8] =	vst v0  }
0x112: {  	[tilespmem:$0x1108] =	vst v0  }
0x113: {  	[tilespmem:$0x1118] =	vst v0  }
0x114: {  	[tilespmem:$0x1128] =	vst v0  }
0x115: {  	[tilespmem:$0x1138] =	vst v0  }
0x116: {  	[tilespmem:$0x1148] =	vst v0  }
0x117: {  	[tilespmem:$0x1158] =	vst v0  }
0x118: {  	[tilespmem:$0x1168] =	vst v0  }
0x119: {  	[tilespmem:$0x1178] =	vst v0  }
0x11a: {  	[tilespmem:$0x1188] =	vst v0  }
0x11b: {  	[tilespmem:$0x1198] =	vst v0  }
0x11c: {  	[tilespmem:$0x11A8] =	vst v0  }
0x11d: {  	[tilespmem:$0x11B8] =	vst v0  }
0x11e: {  	[tilespmem:$0x11C8] =	vst v0  }
0x11f: {  	[tilespmem:$0x11D8] =	vst v0  }
0x120: {  	[tilespmem:$0x11E8] =	vst v0  }
0x121: {  	[tilespmem:$0x11F8] =	vst v0  }
0x122: {  	[tilespmem:$0x1208] =	vst v0  }
0x123: {  	[tilespmem:$0x1218] =	vst v0  }
0x124: {  	[tilespmem:$0x1228] =	vst v0  }
0x125: {  	[tilespmem:$0x1238] =	vst v0  }
0x126: {  	[tilespmem:$0x1248] =	vst v0  }
0x127: {  	[tilespmem:$0x1258] =	vst v0  }
0x128: {  	[tilespmem:$0x1268] =	vst v0  }
0x129: {  	[tilespmem:$0x1278] =	vst v0  }
0x12a: {  	[tilespmem:$0x1288] =	vst v0  }
0x12b: {  	[tilespmem:$0x1298] =	vst v0  }
0x12c: {  	[tilespmem:$0x12A8] =	vst v0  }
0x12d: {  	[tilespmem:$0x12B8] =	vst v0  }
0x12e: {  	[tilespmem:$0x12C8] =	vst v0  }
0x12f: {  	[tilespmem:$0x12D8] =	vst v0  }
0x130: {  	[tilespmem:$0x12E8] =	vst v0  }
0x131: {  	[tilespmem:$0x12F8] =	vst v0  }
0x132: {  	[tilespmem:$0x1308] =	vst v0  }
0x133: {  	[tilespmem:$0x1318] =	vst v0  }
0x134: {  	[tilespmem:$0x1328] =	vst v0  }
0x135: {  	[tilespmem:$0x1338] =	vst v0  }
0x136: {  	[tilespmem:$0x1348] =	vst v0  }
0x137: {  	[tilespmem:$0x1358] =	vst v0  }
0x138: {  	[tilespmem:$0x1368] =	vst v0  }
0x139: {  	[tilespmem:$0x1378] =	vst v0  }
0x13a: {  	[tilespmem:$0x1388] =	vst v0  }
0x13b: {  	[tilespmem:$0x1398] =	vst v0  }
0x13c: {  	[tilespmem:$0x13A8] =	vst v0  }
0x13d: {  	[tilespmem:$0x13B8] =	vst v0  }
0x13e: {  	[tilespmem:$0x13C8] =	vst v0  }
0x13f: {  	[tilespmem:$0x13D8] =	vst v0  }
0x140: {  	[tilespmem:$0x13E8] =	vst v0  }
0x141: {  	[tilespmem:$0x13F8] =	vst v0  }
0x142: {  	[tilespmem:$0x1408] =	vst v0  }
0x143: {  	[tilespmem:$0x1418] =	vst v0  }
0x144: {  	[tilespmem:$0x1428] =	vst v0  }
0x145: {  	[tilespmem:$0x1438] =	vst v0  }
0x146: {  	[tilespmem:$0x1448] =	vst v0  }
0x147: {  	[tilespmem:$0x1458] =	vst v0  }
0x148: {  	[tilespmem:$0x1468] =	vst v0  }
0x149: {  	[tilespmem:$0x1478] =	vst v0  }
0x14a: {  	[tilespmem:$0x1488] =	vst v0  }
0x14b: {  	[tilespmem:$0x1498] =	vst v0  }
0x14c: {  	[tilespmem:$0x14A8] =	vst v0  }
0x14d: {  	[tilespmem:$0x14B8] =	vst v0  }
0x14e: {  	[tilespmem:$0x14C8] =	vst v0  }
0x14f: {  	[tilespmem:$0x14D8] =	vst v0  }
0x150: {  	[tilespmem:$0x14E8] =	vst v0  }
0x151: {  	[tilespmem:$0x14F8] =	vst v0  }
0x152: {  	[tilespmem:$0x1508] =	vst v0  }
0x153: {  	[tilespmem:$0x1518] =	vst v0  }
0x154: {  	[tilespmem:$0x1528] =	vst v0  }
0x155: {  	[tilespmem:$0x1538] =	vst v0  }
0x156: {  	[tilespmem:$0x1548] =	vst v0  }
0x157: {  	[tilespmem:$0x1558] =	vst v0  }
0x158: {  	[tilespmem:$0x1568] =	vst v0  }
0x159: {  	[tilespmem:$0x1578] =	vst v0  }
0x15a: {  	[tilespmem:$0x1588] =	vst v0  }
0x15b: {  	[tilespmem:$0x1598] =	vst v0  }
0x15c: {  	[tilespmem:$0x15A8] =	vst v0  }
0x15d: {  	[tilespmem:$0x15B8] =	vst v0  }
0x15e: {  	[tilespmem:$0x15C8] =	vst v0  }
0x15f: {  	[tilespmem:$0x15D8] =	vst v0  }
0x160: {  	[tilespmem:$0x15E8] =	vst v0  }
0x161: {  	[tilespmem:$0x15F8] =	vst v0  }
0x162: {  	[tilespmem:$0x1608] =	vst v0  }
0x163: {  	[tilespmem:$0x1618] =	vst v0  }
0x164: {  	[tilespmem:$0x1628] =	vst v0  }
0x165: {  	[tilespmem:$0x1638] =	vst v0  }
0x166: {  	[tilespmem:$0x1648] =	vst v0  }
0x167: {  	[tilespmem:$0x1658] =	vst v0  }
0x168: {  	[tilespmem:$0x1668] =	vst v0  }
0x169: {  	[tilespmem:$0x1678] =	vst v0  }
0x16a: {  	[tilespmem:$0x1688] =	vst v0  }
0x16b: {  	[tilespmem:$0x1698] =	vst v0  }
0x16c: {  	[tilespmem:$0x16A8] =	vst v0  }
0x16d: {  	[tilespmem:$0x16B8] =	vst v0  }
0x16e: {  	[tilespmem:$0x16C8] =	vst v0  }
0x16f: {  	[tilespmem:$0x16D8] =	vst v0  }
0x170: {  	[tilespmem:$0x16E8] =	vst v0  }
0x171: {  	[tilespmem:$0x16F8] =	vst v0  }
0x172: {  	[tilespmem:$0x1708] =	vst v0  }
0x173: {  	[tilespmem:$0x1718] =	vst v0  }
0x174: {  	[tilespmem:$0x1728] =	vst v0  }
0x175: {  	[tilespmem:$0x1738] =	vst v0  }
0x176: {  	[tilespmem:$0x1748] =	vst v0  }
0x177: {  	[tilespmem:$0x1758] =	vst v0  }
0x178: {  	[tilespmem:$0x1768] =	vst v0  }
0x179: {  	[tilespmem:$0x1778] =	vst v0  }
0x17a: {  	[tilespmem:$0x1788] =	vst v0  }
0x17b: {  	[tilespmem:$0x1798] =	vst v0  }
0x17c: {  	[tilespmem:$0x17A8] =	vst v0  }
0x17d: {  	[tilespmem:$0x17B8] =	vst v0  }
0x17e: {  	[tilespmem:$0x17C8] =	vst v0  }
0x17f: {  	[tilespmem:$0x17D8] =	vst v0  }
0x180: {  	[tilespmem:$0x17E8] =	vst v0  }
0x181: {  	[tilespmem:$0x17F8] =	vst v0  }
0x182: {  	[tilespmem:$0x1808] =	vst v0  }
0x183: {  	[tilespmem:$0x1818] =	vst v0  }
0x184: {  	[tilespmem:$0x1828] =	vst v0  }
0x185: {  	[tilespmem:$0x1838] =	vst v0  }
0x186: {  	[tilespmem:$0x1848] =	vst v0  }
0x187: {  	[tilespmem:$0x1858] =	vst v0  }
0x188: {  	[tilespmem:$0x1868] =	vst v0  }
0x189: {  	[tilespmem:$0x1878] =	vst v0  }
0x18a: {  	[tilespmem:$0x1888] =	vst v0  }
0x18b: {  	[tilespmem:$0x1898] =	vst v0  }
0x18c: {  	[tilespmem:$0x18A8] =	vst v0  }
0x18d: {  	[tilespmem:$0x18B8] =	vst v0  }
0x18e: {  	[tilespmem:$0x18C8] =	vst v0  }
0x18f: {  	[tilespmem:$0x18D8] =	vst v0  }
0x190: {  	[tilespmem:$0x18E8] =	vst v0  }
0x191: {  	[tilespmem:$0x18F8] =	vst v0  }
0x192: {  	[tilespmem:$0x1908] =	vst v0  }
0x193: {  	[tilespmem:$0x1918] =	vst v0  }
0x194: {  	[tilespmem:$0x1928] =	vst v0  }
0x195: {  	[tilespmem:$0x1938] =	vst v0  }
0x196: {  	[tilespmem:$0x1948] =	vst v0  }
0x197: {  	[tilespmem:$0x1958] =	vst v0  }
0x198: {  	[tilespmem:$0x1968] =	vst v0  }
0x199: {  	[tilespmem:$0x1978] =	vst v0  }
0x19a: {  	[tilespmem:$0x1988] =	vst v0  }
0x19b: {  	[tilespmem:$0x1998] =	vst v0  }
0x19c: {  	[tilespmem:$0x19A8] =	vst v0  }
0x19d: {  	[tilespmem:$0x19B8] =	vst v0  }
0x19e: {  	[tilespmem:$0x19C8] =	vst v0  }
0x19f: {  	[tilespmem:$0x19D8] =	vst v0  }
0x1a0: {  	[tilespmem:$0x19E8] =	vst v0  }
0x1a1: {  	[tilespmem:$0x19F8] =	vst v0  }
0x1a2: {  	[tilespmem:$0x1A08] =	vst v0  }
0x1a3: {  	[tilespmem:$0x1A18] =	vst v0  }
0x1a4: {  	[tilespmem:$0x1A28] =	vst v0  }
0x1a5: {  	[tilespmem:$0x1A38] =	vst v0  }
0x1a6: {  	[tilespmem:$0x1A48] =	vst v0  }
0x1a7: {  	[tilespmem:$0x1A58] =	vst v0  }
0x1a8: {  	[tilespmem:$0x1A68] =	vst v0  }
0x1a9: {  	[tilespmem:$0x1A78] =	vst v0  }
0x1aa: {  	[tilespmem:$0x1A88] =	vst v0  }
0x1ab: {  	[tilespmem:$0x1A98] =	vst v0  }
0x1ac: {  	[tilespmem:$0x1AA8] =	vst v0  }
0x1ad: {  	[tilespmem:$0x1AB8] =	vst v0  }
0x1ae: {  	[tilespmem:$0x1AC8] =	vst v0  }
0x1af: {  	[tilespmem:$0x1AD8] =	vst v0  }
0x1b0: {  	[tilespmem:$0x1AE8] =	vst v0  }
0x1b1: {  	[tilespmem:$0x1AF8] =	vst v0  }
0x1b2: {  	[tilespmem:$0x1B08] =	vst v0  }
0x1b3: {  	[tilespmem:$0x1B18] =	vst v0  }
0x1b4: {  	[tilespmem:$0x1B28] =	vst v0  }
0x1b5: {  	[tilespmem:$0x1B38] =	vst v0  }
0x1b6: {  	[tilespmem:$0x1B48] =	vst v0  }
0x1b7: {  	[tilespmem:$0x1B58] =	vst v0  }
0x1b8: {  	[tilespmem:$0x1B68] =	vst v0  }
0x1b9: {  	[tilespmem:$0x1B78] =	vst v0  }
0x1ba: {  	[tilespmem:$0x1B88] =	vst v0  }
0x1bb: {  	[tilespmem:$0x1B98] =	vst v0  }
0x1bc: {  	[tilespmem:$0x1BA8] =	vst v0  }
0x1bd: {  	[tilespmem:$0x1BB8] =	vst v0  }
0x1be: {  	[tilespmem:$0x1BC8] =	vst v0  }
0x1bf: {  	[tilespmem:$0x1BD8] =	vst v0  }
0x1c0: {  	[tilespmem:$0x1BE8] =	vst v0  }
0x1c1: {  	[tilespmem:$0x1BF8] =	vst v0  }
0x1c2: {  	[tilespmem:$0x1C08] =	vst v0  }
0x1c3: {  	[tilespmem:$0x1C18] =	vst v0  }
0x1c4: {  	[tilespmem:$0x1C28] =	vst v0  }
0x1c5: {  	[tilespmem:$0x1C38] =	vst v0  }
0x1c6: {  	[tilespmem:$0x1C48] =	vst v0  }
0x1c7: {  	[tilespmem:$0x1C58] =	vst v0  }
0x1c8: {  	[tilespmem:$0x1C68] =	vst v0  }
0x1c9: {  	[tilespmem:$0x1C78] =	vst v0  }
0x1ca: {  	[tilespmem:$0x1C88] =	vst v0  }
0x1cb: {  	[tilespmem:$0x1C98] =	vst v0  }
0x1cc: {  	[tilespmem:$0x1CA8] =	vst v0  }
0x1cd: {  	[tilespmem:$0x1CB8] =	vst v0  }
0x1ce: {  	[tilespmem:$0x1CC8] =	vst v0  }
0x1cf: {  	[tilespmem:$0x1CD8] =	vst v0  }
0x1d0: {  	[tilespmem:$0x1CE8] =	vst v0  }
0x1d1: {  	[tilespmem:$0x1CF8] =	vst v0  }
0x1d2: {  	[tilespmem:$0x1D08] =	vst v0  }
0x1d3: {  	[tilespmem:$0x1D18] =	vst v0  }
0x1d4: {  	[tilespmem:$0x1D28] =	vst v0  }
0x1d5: {  	[tilespmem:$0x1D38] =	vst v0  }
0x1d6: {  	[tilespmem:$0x1D48] =	vst v0  }
0x1d7: {  	[tilespmem:$0x1D58] =	vst v0  }
0x1d8: {  	[tilespmem:$0x1D68] =	vst v0  }
0x1d9: {  	[tilespmem:$0x1D78] =	vst v0  }
0x1da: {  	[tilespmem:$0x1D88] =	vst v0  }
0x1db: {  	[tilespmem:$0x1D98] =	vst v0  }
0x1dc: {  	[tilespmem:$0x1DA8] =	vst v0  }
0x1dd: {  	[tilespmem:$0x1DB8] =	vst v0  }
0x1de: {  	[tilespmem:$0x1DC8] =	vst v0  }
0x1df: {  	[tilespmem:$0x1DD8] =	vst v0  }
0x1e0: {  	[tilespmem:$0x1DE8] =	vst v0  }
0x1e1: {  	[tilespmem:$0x1DF8] =	vst v0  }
0x1e2: {  	[tilespmem:$0x1E08] =	vst v0  }
0x1e3: {  	[tilespmem:$0x1E18] =	vst v0  }
0x1e4: {  	[tilespmem:$0x1E28] =	vst v0  }
0x1e5: {  	[tilespmem:$0x1E38] =	vst v0  }
0x1e6: {  	[tilespmem:$0x1E48] =	vst v0  }
0x1e7: {  	[tilespmem:$0x1E58] =	vst v0  }
0x1e8: {  	[tilespmem:$0x1E68] =	vst v0  }
0x1e9: {  	[tilespmem:$0x1E78] =	vst v0  }
0x1ea: {  	[tilespmem:$0x1E88] =	vst v0  }
0x1eb: {  	[tilespmem:$0x1E98] =	vst v0  }
0x1ec: {  	[tilespmem:$0x1EA8] =	vst v0  }
0x1ed: {  	[tilespmem:$0x1EB8] =	vst v0  }
0x1ee: {  	[tilespmem:$0x1EC8] =	vst v0  }
0x1ef: {  	[tilespmem:$0x1ED8] =	vst v0  }
0x1f0: {  	[tilespmem:$0x1EE8] =	vst v0  }
0x1f1: {  	[tilespmem:$0x1EF8] =	vst v0  }
0x1f2: {  	[tilespmem:$0x1F08] =	vst v0  }
0x1f3: {  	[tilespmem:$0x1F18] =	vst v0  }
0x1f4: {  	[tilespmem:$0x1F28] =	vst v0  }
0x1f5: {  	[tilespmem:$0x1F38] =	vst v0  }
0x1f6: {  	[tilespmem:$0x1F48] =	vst v0  }
0x1f7: {  	[tilespmem:$0x1F58] =	vst v0  }
0x1f8: {  	[tilespmem:$0x1F68] =	vst v0  }
0x1f9: {  	[tilespmem:$0x1F78] =	vst v0  }
0x1fa: {  	[tilespmem:$0x1F88] =	vst v0  }
0x1fb: {  	[tilespmem:$0x1F98] =	vst v0  }
0x1fc: {  	[tilespmem:$0x1FA8] =	vst v0  }
0x1fd: {  	[tilespmem:$0x1FB8] =	vst v0  }
0x1fe: {  	[tilespmem:$0x1FC8] =	vst v0  }
0x1ff: {  	[tilespmem:$0x1FD8] =	vst v0  }
0x200: {  	[tilespmem:$0x1FE8] =	vst v0  }
0x201: {  	[tilespmem:$0x1FF8] =	vst v0  }
0x202: {  	[tilespmem:$0x2008] =	vst v0  }
0x203: {  	[tilespmem:$0x2018] =	vst v0  }
0x204: {  	[tilespmem:$0x2028] =	vst v0  }
0x205: {  	[tilespmem:$0x2038] =	vst v0  }
0x206: {  	[tilespmem:$0x2048] =	vst v0  }
0x207: {  	[tilespmem:$0x2058] =	vst v0  }
0x208: {  	[tilespmem:$0x2068] =	vst v0  }
0x209: {  	[tilespmem:$0x2078] =	vst v0  }
0x20a: {  	[tilespmem:$0x2088] =	vst v0  }
0x20b: {  	[tilespmem:$0x2098] =	vst v0  }
0x20c: {  	[tilespmem:$0x20A8] =	vst v0  }
0x20d: {  	[tilespmem:$0x20B8] =	vst v0  }
0x20e: {  	[tilespmem:$0x20C8] =	vst v0  }
0x20f: {  	[tilespmem:$0x20D8] =	vst v0  }
0x210: {  	[tilespmem:$0x20E8] =	vst v0  }
0x211: {  	[tilespmem:$0x20F8] =	vst v0  }
0x212: {  	[tilespmem:$0x2108] =	vst v0  }
0x213: {  	[tilespmem:$0x2118] =	vst v0  }
0x214: {  	[tilespmem:$0x2128] =	vst v0  }
0x215: {  	[tilespmem:$0x2138] =	vst v0  }
0x216: {  	[tilespmem:$0x2148] =	vst v0  }
0x217: {  	[tilespmem:$0x2158] =	vst v0  }
0x218: {  	[tilespmem:$0x2168] =	vst v0  }
0x219: {  	[tilespmem:$0x2178] =	vst v0  }
0x21a: {  	[tilespmem:$0x2188] =	vst v0  }
0x21b: {  	[tilespmem:$0x2198] =	vst v0  }
0x21c: {  	[tilespmem:$0x21A8] =	vst v0  }
0x21d: {  	[tilespmem:$0x21B8] =	vst v0  }
0x21e: {  	[tilespmem:$0x21C8] =	vst v0  }
0x21f: {  	[tilespmem:$0x21D8] =	vst v0  }
0x220: {  	[tilespmem:$0x21E8] =	vst v0  }
0x221: {  	[tilespmem:$0x21F8] =	vst v0  }
0x222: {  	[tilespmem:$0x2208] =	vst v0  }
0x223: {  	[tilespmem:$0x2218] =	vst v0  }
0x224: {  	[tilespmem:$0x2228] =	vst v0  }
0x225: {  	[tilespmem:$0x2238] =	vst v0  }
0x226: {  	[tilespmem:$0x2248] =	vst v0  }
0x227: {  	[tilespmem:$0x2258] =	vst v0  }
0x228: {  	[tilespmem:$0x2268] =	vst v0  }
0x229: {  	[tilespmem:$0x2278] =	vst v0  }
0x22a: {  	[tilespmem:$0x2288] =	vst v0  }
0x22b: {  	[tilespmem:$0x2298] =	vst v0  }
0x22c: {  	[tilespmem:$0x22A8] =	vst v0  }
0x22d: {  	[tilespmem:$0x22B8] =	vst v0  }
0x22e: {  	[tilespmem:$0x22C8] =	vst v0  }
0x22f: {  	[tilespmem:$0x22D8] =	vst v0  }
0x230: {  	[tilespmem:$0x22E8] =	vst v0  }
0x231: {  	[tilespmem:$0x22F8] =	vst v0  }
0x232: {  	[tilespmem:$0x2308] =	vst v0  }
0x233: {  	[tilespmem:$0x2318] =	vst v0  }
0x234: {  	[tilespmem:$0x2328] =	vst v0  }
0x235: {  	[tilespmem:$0x2338] =	vst v0  }
0x236: {  	[tilespmem:$0x2348] =	vst v0  }
0x237: {  	[tilespmem:$0x2428] =	vst v0  }
0x238: {  	[tilespmem:$0x3258] =	vst v0  }
0x239: {  	[tilespmem:$0x3248] =	vst v0  }
0x23a: {  	[tilespmem:$0x3238] =	vst v0  }
0x23b: {  	[tilespmem:$0x3228] =	vst v0  }
0x23c: {  	[tilespmem:$0x3218] =	vst v0  }
0x23d: {  	[tilespmem:$0x3208] =	vst v0  }
0x23e: {  	[tilespmem:$0x31F8] =	vst v0  }
0x23f: {  	[tilespmem:$0x31E8] =	vst v0  }
0x240: {  	[tilespmem:$0x31D8] =	vst v0  }
0x241: {  	[tilespmem:$0x31C8] =	vst v0  }
0x242: {  	[tilespmem:$0x31B8] =	vst v0  }
0x243: {  	[tilespmem:$0x31A8] =	vst v0  }
0x244: {  	[tilespmem:$0x3198] =	vst v0  }
0x245: {  	[tilespmem:$0x3188] =	vst v0  }
0x246: {  	[tilespmem:$0x3178] =	vst v0  }
0x247: {  	[tilespmem:$0x3168] =	vst v0  }
0x248: {  	[tilespmem:$0x3158] =	vst v0  }
0x249: {  	[tilespmem:$0x3148] =	vst v0  }
0x24a: {  	[tilespmem:$0x3138] =	vst v0  }
0x24b: {  	[tilespmem:$0x3128] =	vst v0  }
0x24c: {  	[tilespmem:$0x3118] =	vst v0  }
0x24d: {  	[tilespmem:$0x3108] =	vst v0  }
0x24e: {  	[tilespmem:$0x30F8] =	vst v0  }
0x24f: {  	[tilespmem:$0x30E8] =	vst v0  }
0x250: {  	[tilespmem:$0x30D8] =	vst v0  }
0x251: {  	[tilespmem:$0x30C8] =	vst v0  }
0x252: {  	[tilespmem:$0x30B8] =	vst v0  }
0x253: {  	[tilespmem:$0x30A8] =	vst v0  }
0x254: {  	[tilespmem:$0x3098] =	vst v0  }
0x255: {  	[tilespmem:$0x3088] =	vst v0  }
0x256: {  	[tilespmem:$0x3078] =	vst v0  }
0x257: {  	[tilespmem:$0x3068] =	vst v0  }
0x258: {  	[tilespmem:$0x3058] =	vst v0  }
0x259: {  	[tilespmem:$0x3048] =	vst v0  }
0x25a: {  	[tilespmem:$0x3038] =	vst v0  }
0x25b: {  	[tilespmem:$0x3028] =	vst v0  }
0x25c: {  	[tilespmem:$0x3018] =	vst v0  }
0x25d: {  	[tilespmem:$0x3008] =	vst v0  }
0x25e: {  	[tilespmem:$0x2FF8] =	vst v0  }
0x25f: {  	[tilespmem:$0x2FE8] =	vst v0  }
0x260: {  	[tilespmem:$0x2FD8] =	vst v0  }
0x261: {  	[tilespmem:$0x2FC8] =	vst v0  }
0x262: {  	[tilespmem:$0x2FB8] =	vst v0  }
0x263: {  	[tilespmem:$0x2FA8] =	vst v0  }
0x264: {  	[tilespmem:$0x2F98] =	vst v0  }
0x265: {  	[tilespmem:$0x2F88] =	vst v0  }
0x266: {  	[tilespmem:$0x2F78] =	vst v0  }
0x267: {  	[tilespmem:$0x2F68] =	vst v0  }
0x268: {  	[tilespmem:$0x2F58] =	vst v0  }
0x269: {  	[tilespmem:$0x2F48] =	vst v0  }
0x26a: {  	[tilespmem:$0x2F38] =	vst v0  }
0x26b: {  	[tilespmem:$0x2F28] =	vst v0  }
0x26c: {  	[tilespmem:$0x2F18] =	vst v0  }
0x26d: {  	[tilespmem:$0x2F08] =	vst v0  }
0x26e: {  	[tilespmem:$0x2EF8] =	vst v0  }
0x26f: {  	[tilespmem:$0x2EE8] =	vst v0  }
0x270: {  	[tilespmem:$0x2ED8] =	vst v0  }
0x271: {  	[tilespmem:$0x2EC8] =	vst v0  }
0x272: {  	[tilespmem:$0x2EB8] =	vst v0  }
0x273: {  	[tilespmem:$0x2EA8] =	vst v0  }
0x274: {  	[tilespmem:$0x2E98] =	vst v0  }
0x275: {  	[tilespmem:$0x2E88] =	vst v0  }
0x276: {  	[tilespmem:$0x2E78] =	vst v0  }
0x277: {  	[tilespmem:$0x2E68] =	vst v0  }
0x278: {  	[tilespmem:$0x2E58] =	vst v0  }
0x279: {  	[tilespmem:$0x2E48] =	vst v0  }
0x27a: {  	[tilespmem:$0x2E38] =	vst v0  }
0x27b: {  	[tilespmem:$0x2E28] =	vst v0  }
0x27c: {  	[tilespmem:$0x2E18] =	vst v0  }
0x27d: {  	[tilespmem:$0x2E08] =	vst v0  }
0x27e: {  	[tilespmem:$0x2DF8] =	vst v0  }
0x27f: {  	[tilespmem:$0x2DE8] =	vst v0  }
0x280: {  	[tilespmem:$0x2DD8] =	vst v0  }
0x281: {  	[tilespmem:$0x2DC8] =	vst v0  }
0x282: {  	[tilespmem:$0x2DB8] =	vst v0  }
0x283: {  	[tilespmem:$0x2DA8] =	vst v0  }
0x284: {  	[tilespmem:$0x2D98] =	vst v0  }
0x285: {  	[tilespmem:$0x2D88] =	vst v0  }
0x286: {  	[tilespmem:$0x2D78] =	vst v0  }
0x287: {  	[tilespmem:$0x2D68] =	vst v0  }
0x288: {  	[tilespmem:$0x2D58] =	vst v0  }
0x289: {  	[tilespmem:$0x2D48] =	vst v0  }
0x28a: {  	[tilespmem:$0x2D38] =	vst v0  }
0x28b: {  	[tilespmem:$0x2D28] =	vst v0  }
0x28c: {  	[tilespmem:$0x2D18] =	vst v0  }
0x28d: {  	[tilespmem:$0x2D08] =	vst v0  }
0x28e: {  	[tilespmem:$0x2CF8] =	vst v0  }
0x28f: {  	[tilespmem:$0x2CE8] =	vst v0  }
0x290: {  	[tilespmem:$0x2CD8] =	vst v0  }
0x291: {  	[tilespmem:$0x2CC8] =	vst v0  }
0x292: {  	[tilespmem:$0x2CB8] =	vst v0  }
0x293: {  	[tilespmem:$0x2CA8] =	vst v0  }
0x294: {  	[tilespmem:$0x2C98] =	vst v0  }
0x295: {  	[tilespmem:$0x2C88] =	vst v0  }
0x296: {  	[tilespmem:$0x2C78] =	vst v0  }
0x297: {  	[tilespmem:$0x2C68] =	vst v0  }
0x298: {  	[tilespmem:$0x2C58] =	vst v0  }
0x299: {  	[tilespmem:$0x2C48] =	vst v0  }
0x29a: {  	[tilespmem:$0x2C38] =	vst v0  }
0x29b: {  	[tilespmem:$0x2C28] =	vst v0  }
0x29c: {  	[tilespmem:$0x2C18] =	vst v0  }
0x29d: {  	[tilespmem:$0x2C08] =	vst v0  }
0x29e: {  	[tilespmem:$0x2BF8] =	vst v0  }
0x29f: {  	[tilespmem:$0x2BE8] =	vst v0  }
0x2a0: {  	[tilespmem:$0x2BD8] =	vst v0  }
0x2a1: {  	[tilespmem:$0x2BC8] =	vst v0  }
0x2a2: {  	[tilespmem:$0x2BB8] =	vst v0  }
0x2a3: {  	[tilespmem:$0x2BA8] =	vst v0  }
0x2a4: {  	[tilespmem:$0x2B98] =	vst v0  }
0x2a5: {  	[tilespmem:$0x2B88] =	vst v0  }
0x2a6: {  	[tilespmem:$0x2B78] =	vst v0  }
0x2a7: {  	[tilespmem:$0x2B68] =	vst v0  }
0x2a8: {  	[tilespmem:$0x2B58] =	vst v0  }
0x2a9: {  	[tilespmem:$0x2B48] =	vst v0  }
0x2aa: {  	[tilespmem:$0x2B38] =	vst v0  }
0x2ab: {  	[tilespmem:$0x2B28] =	vst v0  }
0x2ac: {  	[tilespmem:$0x2B18] =	vst v0  }
0x2ad: {  	[tilespmem:$0x2B08] =	vst v0  }
0x2ae: {  	[tilespmem:$0x2AF8] =	vst v0  }
0x2af: {  	[tilespmem:$0x2AE8] =	vst v0  }
0x2b0: {  	[tilespmem:$0x2AD8] =	vst v0  }
0x2b1: {  	[tilespmem:$0x2AC8] =	vst v0  }
0x2b2: {  	[tilespmem:$0x2AB8] =	vst v0  }
0x2b3: {  	[tilespmem:$0x2AA8] =	vst v0  }
0x2b4: {  	[tilespmem:$0x2A98] =	vst v0  }
0x2b5: {  	[tilespmem:$0x2A88] =	vst v0  }
0x2b6: {  	[tilespmem:$0x2A78] =	vst v0  }
0x2b7: {  	[tilespmem:$0x2A68] =	vst v0  }
0x2b8: {  	[tilespmem:$0x2A58] =	vst v0  }
0x2b9: {  	[tilespmem:$0x2A48] =	vst v0  }
0x2ba: {  	[tilespmem:$0x2A38] =	vst v0  }
0x2bb: {  	[tilespmem:$0x2A28] =	vst v0  }
0x2bc: {  	[tilespmem:$0x2A18] =	vst v0  }
0x2bd: {  	[tilespmem:$0x2A08] =	vst v0  }
0x2be: {  	[tilespmem:$0x29F8] =	vst v0  }
0x2bf: {  	[tilespmem:$0x29E8] =	vst v0  }
0x2c0: {  	[tilespmem:$0x29D8] =	vst v0  }
0x2c1: {  	[tilespmem:$0x29C8] =	vst v0  }
0x2c2: {  	[tilespmem:$0x29B8] =	vst v0  }
0x2c3: {  	[tilespmem:$0x29A8] =	vst v0  }
0x2c4: {  	[tilespmem:$0x2998] =	vst v0  }
0x2c5: {  	[tilespmem:$0x2988] =	vst v0  }
0x2c6: {  	[tilespmem:$0x2978] =	vst v0  }
0x2c7: {  	[tilespmem:$0x2968] =	vst v0  }
0x2c8: {  	[tilespmem:$0x2958] =	vst v0  }
0x2c9: {  	[tilespmem:$0x2948] =	vst v0  }
0x2ca: {  	[tilespmem:$0x2938] =	vst v0  }
0x2cb: {  	[tilespmem:$0x2928] =	vst v0  }
0x2cc: {  	[tilespmem:$0x2918] =	vst v0  }
0x2cd: {  	[tilespmem:$0x2908] =	vst v0  }
0x2ce: {  	[tilespmem:$0x28F8] =	vst v0  }
0x2cf: {  	[tilespmem:$0x28E8] =	vst v0  }
0x2d0: {  	[tilespmem:$0x28D8] =	vst v0  }
0x2d1: {  	[tilespmem:$0x28C8] =	vst v0  }
0x2d2: {  	[tilespmem:$0x28B8] =	vst v0  }
0x2d3: {  	[tilespmem:$0x28A8] =	vst v0  }
0x2d4: {  	[tilespmem:$0x2898] =	vst v0  }
0x2d5: {  	[tilespmem:$0x2888] =	vst v0  }
0x2d6: {  	[tilespmem:$0x2878] =	vst v0  }
0x2d7: {  	[tilespmem:$0x2868] =	vst v0  }
0x2d8: {  	[tilespmem:$0x2858] =	vst v0  }
0x2d9: {  	[tilespmem:$0x2848] =	vst v0  }
0x2da: {  	[tilespmem:$0x2838] =	vst v0  }
0x2db: {  	[tilespmem:$0x2828] =	vst v0  }
0x2dc: {  	[tilespmem:$0x2818] =	vst v0  }
0x2dd: {  	[tilespmem:$0x2808] =	vst v0  }
0x2de: {  	[tilespmem:$0x27F8] =	vst v0  }
0x2df: {  	[tilespmem:$0x27E8] =	vst v0  }
0x2e0: {  	[tilespmem:$0x27D8] =	vst v0  }
0x2e1: {  	[tilespmem:$0x27C8] =	vst v0  }
0x2e2: {  	[tilespmem:$0x27B8] =	vst v0  }
0x2e3: {  	[tilespmem:$0x27A8] =	vst v0  }
0x2e4: {  	[tilespmem:$0x2798] =	vst v0  }
0x2e5: {  	[tilespmem:$0x2788] =	vst v0  }
0x2e6: {  	[tilespmem:$0x2778] =	vst v0  }
0x2e7: {  	[tilespmem:$0x2768] =	vst v0  }
0x2e8: {  	[tilespmem:$0x2758] =	vst v0  }
0x2e9: {  	[tilespmem:$0x2748] =	vst v0  }
0x2ea: {  	[tilespmem:$0x2738] =	vst v0  }
0x2eb: {  	[tilespmem:$0x2728] =	vst v0  }
0x2ec: {  	[tilespmem:$0x2718] =	vst v0  }
0x2ed: {  	[tilespmem:$0x2708] =	vst v0  }
0x2ee: {  	[tilespmem:$0x26F8] =	vst v0  }
0x2ef: {  	[tilespmem:$0x26E8] =	vst v0  }
0x2f0: {  	[tilespmem:$0x26D8] =	vst v0  }
0x2f1: {  	[tilespmem:$0x26C8] =	vst v0  }
0x2f2: {  	[tilespmem:$0x26B8] =	vst v0  }
0x2f3: {  	[tilespmem:$0x26A8] =	vst v0  }
0x2f4: {  	[tilespmem:$0x2698] =	vst v0  }
0x2f5: {  	[tilespmem:$0x2688] =	vst v0  }
0x2f6: {  	[tilespmem:$0x2678] =	vst v0  }
0x2f7: {  	[tilespmem:$0x2668] =	vst v0  }
0x2f8: {  	[tilespmem:$0x2658] =	vst v0  }
0x2f9: {  	[tilespmem:$0x2648] =	vst v0  }
0x2fa: {  	[tilespmem:$0x2638] =	vst v0  }
0x2fb: {  	[tilespmem:$0x2628] =	vst v0  }
0x2fc: {  	[tilespmem:$0x2618] =	vst v0  }
0x2fd: {  	[tilespmem:$0x2608] =	vst v0  }
0x2fe: {  	[tilespmem:$0x25F8] =	vst v0  }
0x2ff: {  	[tilespmem:$0x25E8] =	vst v0  }
0x300: {  	[tilespmem:$0x25D8] =	vst v0  }
0x301: {  	[tilespmem:$0x25C8] =	vst v0  }
0x302: {  	[tilespmem:$0x25B8] =	vst v0  }
0x303: {  	[tilespmem:$0x25A8] =	vst v0  }
0x304: {  	[tilespmem:$0x2598] =	vst v0  }
0x305: {  	[tilespmem:$0x2588] =	vst v0  }
0x306: {  	[tilespmem:$0x2578] =	vst v0  }
0x307: {  	[tilespmem:$0x2568] =	vst v0  }
0x308: {  	[tilespmem:$0x2558] =	vst v0  }
0x309: {  	[tilespmem:$0x2548] =	vst v0  }
0x30a: {  	[tilespmem:$0x2538] =	vst v0  }
0x30b: {  	[tilespmem:$0x2528] =	vst v0  }
0x30c: {  	[tilespmem:$0x2518] =	vst v0  }
0x30d: {  	[tilespmem:$0x2508] =	vst v0  }
0x30e: {  	[tilespmem:$0x24F8] =	vst v0  }
0x30f: {  	[tilespmem:$0x24E8] =	vst v0  }
0x310: {  	[tilespmem:$0x24D8] =	vst v0  }
0x311: {  	[tilespmem:$0x24C8] =	vst v0  }
0x312: {  	[tilespmem:$0x24B8] =	vst v0  }
0x313: {  	[tilespmem:$0x24A8] =	vst v0  }
0x314: {  	[tilespmem:$0x2498] =	vst v0  }
0x315: {  	s5 =	srdreg.scid;
	[tilespmem:$0x2488] =	vst v0  }
0x316: {  	s5 =	sshll.u32 s5, $0x4;
	[tilespmem:$0x2478] =	vst v0  }
0x317: {  	s7 =	stileid.u32;
	s5 =	sand.u32 $0x10, s5;
	[tilespmem:$0x2468] =	vst v0  }
0x318: {  	[tilespmem:$0x2458] =	vst v0;
	s8 =	sor.u32 s7, s5  }
0x319: {  	[tilespmem:$0x2448] =	vst v0;
	s9 =	smul.u32 $0x3E, s8  }
0x31a: {  	s8 =	smin.u32 s8, $0x10;
	[tilespmem:$0x2438] =	vst v0;
	s5 =	sshrl.u32 s5, $0x4  }
0x31b: {  	[tilespmem:$0x2418] =	vst v0;
	s8 =	sadd.s32 s8, s9;
	s5 =	sxor.u32 $0x3F, s5  }
0x31c: {  	[tilespmem:$0x23E8] =	vst v0;
	s5 =	sadd.s32 s5, s8  }
0x31d: {  	[tilespmem:$0x2408] =	vst v0;
	s5 =	smul.u32 $0x190, s5  }
0x31e: {  	[tilespmem:$0x23F8] =	vst v0;
	s8 =	smul.u32 $0x190, s8  }
0x31f: {  	s9 =	smin.u32 s5, $0xC3500;
	[tilespmem:$0x23D8] =	vst v0  }
0x320: {  	[tilespmem:$0x2388] =	vst v0;
	s12 =	ssub.s32 s9, s8  }
0x321: {  	[tilespmem:$0x23C8] =	vst v0;
	p0 =	sgt.s32 s12, $0x0  }
0x322: {  	[tilespmem:$0x23B8] =	vst v0;
	s12 =	simm.s32 @!p0 $0x0  }
0x323: {  	[tilespmem:$0x23A8] =	vst v0;
	s31 =	smulhi.u32 $0x51EB851F, s12  }
0x324: {  	[tilespmem:$0x2398] =	vst v0  }
0x325: {  	[tilespmem:$0x2368] =	vst v0;
	s13 =	sshrl.u32 s31, $0x7  }
0x326: {  	s10 =	simm.s32 $0x2;
	s11 =	simm.s32 $0x9;
	[tilespmem:$0x2378] =	vst v0;
	s14 =	smul.u32 $0x190, s13  }
.Ltmp0:
0x327: {  	s17 =	simm.s32 $0x0;
	[tilespmem:$0x2358] =	vst v0;
	[sflag:s10] =	ssyncpa.u1 $0x0;
	v0 =	vimm.s32 $0xFFFFFFFF;
	(pc) =	sbr.rel .LBB2_1-.Ltmp0, $4  }
0x328: {  	s16 =	simm.s32 $0x0;
	[tilespmem:$0x6488] =	vst v0;
	[sflag:s11] =	ssyncpa.u1 $0x0;
	s15 =	smov.u32 s8  }
0x329: {  	s5 =	sadd.s32 $0xC68800, s6;
	p0 =	sne.s32 s12, s14;
	s12 =	simm.s32 $0x1  }
0x32a: {  	s6 =	sadd.s32 $0x33800, s6;
	s14 =	simm.s32 $0xA;
	s12 =	simm.s32 @!p0 $0x0  }
0x32b: {  	v0 =	vlaneseq.u32;
	p0 =	por $0x0, $0x0;
	s12 =	sadd.s32 s12, s13;
	s13 =	sshll.u32 s7, $0x6  }
.LBB2_16:
0x32c: {  	s18 =	sshrl.u32 s25, $0x2  }
.LBB2_18:
0x32d: {  	_ =	swait.ge [sflag:s14], s18  }
0x32e: {  	s0 =	ssub.s32 $0x0, s18;
	v1 =	vmov s19;
	vm0 =	veq.s32 v0, $0x0;
	[sflag:s14] =	ssyncset.done $0x0  }
0x32f: {  	vm15 =	veq.s32 v0, $0x2;
	v1 =	vsel vm0, s24, v1;
	[sflag:s14] =	ssyncadd.s32 s0  }
0x330: {  	v1 =	vsel vm15, s17, v1;
	[sflag:s14] =	ssyncpa.u1 $0x1  }
0x331: {  	[tilespmem:$0x6488] =	vst v1  }
.LBB2_19:
0x332: {  	s0 =	sadd.s32 $0x190, s15  }
0x333: {  	s18 =	smov.u32 s8;
	p1 =	slt.s32 s0, s9  }
0x334: {  	s18 =	smov.u32 @p1 s0;
	p1 =	sne.s32 s16, s12  }
.Ltmp1:
0x335: {  	_ = 	snop;
	(pc) =	sbr.rel @!p1 .LBB2_20-.Ltmp1, $3  }
0x336: {  	_ =	sdelay $0x1  }
0x337: {  	s31 =	sadd.s32 $0x1, s16;
	s17 =	smov.u32 s15  }
0x338: {  	p0 =	por !p0, !p0;
	s16 =	smov.u32 s31;
	s15 =	smov.u32 s18  }
.LBB2_1:
0x339: {  	p1 =	sge.u32 s16, s12  }
0x33a: {  	p2 =	sgt.s32 @!p1 s15, $0xC3370  }
0x33b: {  	s18 =	smov.u32 s15;
	s19 =	sshra.s32 @!p1 s15, $0x1F;
	p2 =	por !p2, p1  }
0x33c: {  	s19 =	sand.u32 @!p1 s19, s15;
	s18 =	simm.s32 @p2 $0xC3370  }
0x33d: {  	s18 =	ssub.s32 @!p1 s18, s19  }
0x33e: {  	s19 =	sxor.u32 @!p1 $0xFFFFFFFF, s16;
	s18 =	sadd.s32 @!p1 $0xFFF3CC90, s18  }
0x33f: {  	s19 =	sand.u32 @!p1 $0x1, s19;
	s20 =	sshll.u32 @!p1 s18, $0x2  }
0x340: {  	p2 =	sgt.s32 @!p1 s18, $0x18F;
	s18 =	ssub.s32 @!p1 $0x640, s20;
	s20 =	smul.u32 @!p1 $0x640, s19  }
0x341: {  	s21 =	sshrl.u32 @!p1 s15, $0x3;
	s22 =	sand.u32 @!p1 $0x7, s15  }
0x342: {  	p2 =	por !p2, p1;
	s18 =	sshrl.u32 @!p1 s18, $0x2;
	s20 =	sshrl.u32 @!p1 s20, $0x2  }
0x343: {  	s21 =	sadd.s32 @!p1 s3, s21;
	s18 =	simm.s32 @!p2 $0x0;
	s20 =	sadd.s32 @!p1 $0x68C8, s20  }
0x344: {  	[tilespmem:s20], [sflag:$0x9] =	stream.linear.gather @!p1 [hbm4b:s21+s22], s18, $0x38;
	[tilespmem:$0x1FBE8] =	vst v63  }
0x345: {  	s18 =	ssub.s32 @!p1 $0xC3500, s15  }
0x346: {  	p2 =	sgt.s32 @!p1 s18, $0x0  }
0x347: {  	s19 =	smul.u32 @!p1 $0x32000, s19;
	p2 =	por !p2, p1  }
0x348: {  	s18 =	simm.s32 @p2 $0x0  }
0x349: {  	s19 =	sshrl.u32 @!p1 s19, $0x2;
	s20 =	sshll.u32 @!p1 s15, $0x4;
	s18 =	smin.u32 @!p1 s18, $0x190  }
0x34a: {  	s19 =	sadd.s32 @!p1 $0x6BE8, s19;
	s20 =	sadd.s32 @!p1 s6, s20;
	s18 =	sshll.u32 @!p1 s18, $0x7  }
0x34b: {  	[tilespmem:s19], [sflag:$0x9] =	stream.linear.gather @!p1 [hbm:s20], s18, $0x38;
	[tilespmem:$0x1FBE8] =	vst v63  }
0x34c: {  	p1 =	seq.s32 s16, $0x0  }
.Ltmp2:
0x34d: {  	_ = 	snop;
	(pc) =	sbr.rel @p1 .LBB2_19-.Ltmp2, $1  }
0x34e: {  	_ =	sdelay $0x3  }
0x34f: {  	p1 =	sgt.s32 s17, $0xC3370  }
0x350: {  	s18 =	smov.u32 s17;
	s19 =	sshra.s32 s17, $0x1F;
	s23 =	ssub.s32 $0xC3500, s17  }
0x351: {  	s18 =	simm.s32 @!p1 $0xC3370;
	s19 =	sand.u32 s19, s17;
	p1 =	sgt.s32 s23, $0x0  }
0x352: {  	s18 =	ssub.s32 s18, s19;
	s23 =	simm.s32 @!p1 $0x0  }
0x353: {  	s18 =	sadd.s32 $0xFFF3CC90, s18;
	s29 =	smin.u32 s23, $0x190  }
0x354: {  	s20 =	sshll.u32 s18, $0x2;
	s19 =	sshll.u32 s29, $0x7  }
0x355: {  	p1 =	sgt.s32 s18, $0x18F;
	s30 =	ssub.s32 $0x640, s20;
	_ =	swait.ge [sflag:s11], s19  }
0x356: {  	s19 =	ssub.s32 $0x0, s19;
	[sflag:s11] =	ssyncset.done $0x0;
	s18 =	sshrl.u32 s30, $0x2  }
0x357: {  	[sflag:s11] =	ssyncadd.s32 s19;
	s18 =	simm.s32 @p1 $0x0  }
0x358: {  	_ =	swait.ge [sflag:s11], s18  }
0x359: {  	s18 =	ssub.s32 $0x0, s18;
	[sflag:s11] =	ssyncset.done $0x0  }
0x35a: {  	[sflag:s11] =	ssyncadd.s32 s18  }
0x35b: {  	v1 =	vld [tilespmem:$0x6488];
	_ =	sdelay $0x4  }
0x35c: {  	(v2sf) =	vpush v1, $0x0  }
0x35d: {  	(v2sf) =	vpush v1, $0x1  }
0x35e: {  	(v2sf) =	vpush v1, $0x2;
	_ =	sdelay $0x3  }
0x35f: {  	s18 =	sadd.s32 $0x190, s17  }
0x360: {  	p1 =	slt.s32 s9, s18  }
0x361: {  	s18 =	smov.u32 @p1 s9  }
0x362: {  	s21 =	ssub.s32 s18, s17  }
0x363: {  	p1 =	slt.s32 s23, s21  }
0x364: {  	s21 =	smov.u32 @p1 s23  }
0x365: {  	s20 =	simm.s32 $0x1;
	p1 =	slt.s32 s21, $0x1  }
.Ltmp3:
0x366: {  	s20 =	simm.s32 @!p0 $0x0;
	(pc) =	sbr.rel @p1 .LBB2_6-.Ltmp3, $4  }
0x367: {  	s31 =	smul.u32 $0x640, s20  }
0x368: {  	s22 =	spop (v2sf)  }
0x369: {  	s17 =	sshrl.u32 s31, $0x2;
	s24 =	spop (v2sf)  }
0x36a: {  	s18 =	sadd.s32 $0x68C8, s17;
	s17 =	spop (v2sf)  }
0x36b: {  	s19 =	smin.u32 s21, $0x10  }
0x36c: {  	v1 =	vmov s19  }
0x36d: {  	p2 =	sgt.s32 s21, $0x10;
	vm1 =	vgt.u32 v1, v0  }
.Ltmp4:
0x36e: {  	_ = 	snop;
	(pc) =	sbr.rel @!p2 .LBB2_5-.Ltmp4, $2  }
0x36f: {  	_ =	sdelay $0x2  }
0x370: {  	s23 =	simm.s32 $0x10;
	s25 =	sadd.s32 $0xFFFFFFF0, s21;
	s19 =	smov.u32 s18;
	vm0 =	vmmov vm1  }
.LBB2_4:
0x371: {  	s26 =	smin.u32 s25, $0x10;
	s23 =	sadd.s32 $0x10, s23;
	v1 =	vld.msk [tilespmem:s19+$0x0 ss:$0x1], vm1  }
0x372: {  	v2 =	vmov s26;
	p2 =	slt.s32 s23, s21  }
0x373: {  	vm1 =	vgt.u32 v2, v0  }
.Ltmp5:
0x374: {  	(pc) =	sbr.rel @p2 .LBB2_4-.Ltmp5, $3  }
0x375: {  	_ =	sdelay $0x1  }
0x376: {  	v1 =	vshll.u32 v1, $0x4  }
0x377: {  	s25 =	sadd.s32 $0xFFFFFFF0, s25;
	[tilespmem:s19+$0x0] =	vst.msk vm0, v1;
	s19 =	sadd.s32 $0x10, s19;
	vm0 =	vmmov vm1  }
.LBB2_5:
0x378: {  	_ =	sdelay $0x4  }
0x379: {  	v1 =	vld.msk [tilespmem:s19+$0x0 ss:$0x1], vm1;
	_ =	sdelay $0x4  }
0x37a: {  	v1 =	vshll.u32 v1, $0x4  }
0x37b: {  	[tilespmem:s19+$0x0] =	vst.msk vm0, v1  }
.LBB2_6:
0x37c: {  	s19 =	sand.u32 $0x1, s16  }
0x37d: {  	s19 =	smul.u32 $0x190, s19  }
0x37e: {  	p2 =	sne.s32 s24, $0xFFFFFFFF  }
0x37f: {  	v1 =	vld.msk @!p2 [tilespmem:s19+$0x68C8], $0x1;
	_ =	sdelay $0x4  }
0x380: {  	(v2sf) =	vpush @!p2 v1, $0x0;
	_ =	sdelay $0xc  }
.Ltmp6:
0x381: {  	_ = 	snop;
	(pc) =	sbr.rel @p1 .LBB2_17-.Ltmp6, $4  }
0x382: {  	_ = 	snop  }
0x383: {  	s23 =	spop @!p2 (v2sf)  }
0x384: {  	s17 =	simm.s32 @!p2 $0x0;
	s19 =	smov.u32 s23  }
0x385: {  	[sflag:s14] =	ssyncpa.u1 $0x0;
	s23 =	smov.u32 @p2 s22;
	s19 =	smov.u32 @p2 s24  }
0x386: {  	v1 =	vld.msk [tilespmem:s18+$0x0], $0x1;
	_ =	sdelay $0x4  }
0x387: {  	(v2sf) =	vpush v1, $0x0;
	_ =	sdelay $0xe  }
0x388: {  	s26 =	spop (v2sf)  }
0x389: {  	p1 =	seq.s32 s23, s26  }
0x38a: {  	s21 =	ssub.s32 $0x0, s21;
	p2 =	sgt.s32 @!p1 s23, $0x0  }
0x38b: {  	s25 =	smov.u32 s23;
	s24 =	sadd.s32 $0x1, s21;
	p2 =	por !p2, p1  }
0x38c: {  	s20 =	smul.u32 $0x32000, s20;
	s25 =	simm.s32 @p2 $0x0;
	p2 =	seq.s32 s24, $0x0  }
.Ltmp7:
0x38d: {  	_ = 	snop;
	(pc) =	sbr.rel @p2 .LBB2_9-.Ltmp7, $4  }
0x38e: {  	s22 =	simm.s32 $0x0;
	s20 =	sshrl.u32 s20, $0x2  }
0x38f: {  	s20 =	sadd.s32 $0x6BF8, s20;
	s28 =	simm.s32 @!p1 $0x1;
	s25 =	smin.u32 @!p1 s25, $0x4E1FC  }
0x390: {  	s29 =	simm.s32 @!p1 $0x3268;
	s28 =	smov.u32 @p1 s22;
	s31 =	sand.u32 @!p1 $0x7FFF8, s25  }
0x391: {  	s30 =	sand.u32 @!p1 $0x7, s25;
	s25 =	sadd.s32 $0x1, s18;
	s31 =	sadd.s32 @!p1 s5, s31  }
.LBB2_8:
0x392: {  	s0 =	smov.u32 s28  }
0x393: {  	[tilespmem:s29], [sflag:$0x2] =	stream.linear.gather @!p1 [hbm4b:s31+s30], $0x20, $0x38;
	[tilespmem:$0x1FBE8] =	vst v63  }
0x394: {  	s24 =	sadd.s32 $0x1, s24;
	s30 =	smov.u32 s26;
	v1 =	vld.msk [tilespmem:s25+$0x0], $0x1  }
0x395: {  	p2 =	seq.s32 s24, $0x0;
	_ =	sdelay $0x3  }
0x396: {  	(v2sf) =	vpush v1, $0x0;
	_ =	sdelay $0xe  }
0x397: {  	s26 =	spop (v2sf)  }
0x398: {  	p1 =	seq.s32 s30, s26  }
0x399: {  	p3 =	sgt.s32 @!p1 s30, $0x0;
	s29 =	sshll.u32 @!p1 s28, $0x7;
	s28 =	sadd.s32 @!p1 $0x1, s28  }
.Ltmp8:
0x39a: {  	p3 =	por !p3, p1;
	s29 =	sshra.s32 @!p1 s29, $0x2;
	(pc) =	sbr.rel @!p2 .LBB2_8-.Ltmp8, $4  }
0x39b: {  	s28 =	smov.u32 @p1 s0;
	s30 =	simm.s32 @p3 $0x0;
	s29 =	sadd.s32 @!p1 $0x3268, s29  }
0x39c: {  	s0 =	smin.u32 @!p1 s30, $0x4E1FC  }
0x39d: {  	s31 =	sand.u32 @!p1 $0x7FFF8, s0;
	s30 =	sand.u32 @!p1 $0x7, s0  }
0x39e: {  	s25 =	sadd.s32 $0x1, s25;
	s31 =	sadd.s32 @!p1 s5, s31  }
.LBB2_9:
0x39f: {  	[tilespmem:s29], [sflag:$0x2] =	stream.linear.gather @!p1 [hbm4b:s31+s30], $0x20, $0x38;
	[tilespmem:$0x1FBE8] =	vst v63  }
.Ltmp9:
0x3a0: {  	s0 =	sshll.u32 s28, $0x5;
	(pc) =	sbr.rel .LBB2_10-.Ltmp9, $4  }
0x3a1: {  	s0 =	sand.u32 $0x3FFFFFE0, s0  }
0x3a2: {  	_ =	swait.ge [sflag:s10], s0  }
0x3a3: {  	s0 =	ssub.s32 $0x0, s0;
	[sflag:s10] =	ssyncset.done $0x0  }
0x3a4: {  	s25 =	simm.s32 $0x0;
	[sflag:s10] =	ssyncadd.s32 s0  }
.LBB2_11:
0x3a5: {  	v1 =	vld [tilespmem:s20+$0xFFFFFFF0];
	_ =	sdelay $0x3  }
0x3a6: {  	s0 =	sshra.s32 s26, $0x2  }
0x3a7: {  	[tilespmem:s0+$0x48] =	vst.add.f32.msk $0xffff, v1  }
0x3a8: {  	v1 =	vld [tilespmem:s20+$0x0];
	_ =	sdelay $0x4  }
0x3a9: {  	[tilespmem:s0+$0x58] =	vst.add.f32.msk $0xffff, v1  }
.LBB2_15:
0x3aa: {  	s21 =	sadd.s32 $0x1, s21  }
0x3ab: {  	p1 =	seq.s32 s21, $0x0  }
.Ltmp10:
0x3ac: {  	_ = 	snop;
	(pc) =	sbr.rel @p1 .LBB2_16-.Ltmp10, $2  }
0x3ad: {  	_ =	sdelay $0x2  }
0x3ae: {  	s20 =	sadd.s32 $0x80, s20;
	s18 =	sadd.s32 $0x1, s18;
	s23 =	smov.u32 s24  }
.LBB2_10:
0x3af: {  	v1 =	vld.msk [tilespmem:s18+$0x0], $0x1;
	_ =	sdelay $0x4  }
0x3b0: {  	(v2sf) =	vpush v1, $0x0;
	_ =	sdelay $0xe  }
0x3b1: {  	s24 =	spop (v2sf)  }
0x3b2: {  	p1 =	sne.s32 s23, s24  }
.Ltmp11:
0x3b3: {  	_ = 	snop;
	(pc) =	sbr.rel @!p1 .LBB2_11-.Ltmp11, $2  }
0x3b4: {  	_ =	sdelay $0x2  }
0x3b5: {  	s26 =	sshll.u32 s17, $0x7  }
0x3b6: {  	p1 =	seq.s32 s23, s19  }
.Ltmp12:
0x3b7: {  	_ = 	snop;
	(pc) =	sbr.rel @!p1 .LBB2_13-.Ltmp12, $1  }
0x3b8: {  	_ =	sdelay $0x3  }
0x3b9: {  	s0 =	sshra.s32 s26, $0x2  }
.Ltmp13:
0x3ba: {  	s0 =	sadd.s32 $0x48, s0;
	(pc) =	sbr.rel .LBB2_14-.Ltmp13, $4  }
0x3bb: {  	[spmem:s13] =	stream.linear.scatter [tilespmem:s0], [sflag:$0x1], $0x20, $0x38;
	[tilespmem:$0x1FBE8] =	vst v63  }
0x3bc: {  	_ =	swait.ge [sflag:s4], $0x20  }
0x3bd: {  	[sflag:s4] =	ssyncset.done $0x0  }
0x3be: {  	[sflag:s4] =	ssyncadd.s32 $0xFFFFFFE0  }
.LBB2_13:
0x3bf: {  	s0 =	sshll.u32 s22, $0x7  }
0x3c0: {  	s0 =	sshra.s32 s0, $0x2  }
0x3c1: {  	v1 =	vld [tilespmem:s0+$0x3268];
	_ =	sdelay $0x3  }
0x3c2: {  	s26 =	sshra.s32 s26, $0x2  }
0x3c3: {  	[tilespmem:s26+$0x48] =	vst.add.f32.msk $0xffff, v1  }
0x3c4: {  	v1 =	vld [tilespmem:s0+$0x3278];
	_ =	sdelay $0x2  }
0x3c5: {  	p1 =	sgt.u32 s23, $0x4E1FC  }
0x3c6: {  	s0 =	sand.u32 @!p1 $0x7FFF8, s23  }
0x3c7: {  	s28 =	sadd.s32 $0x48, s26;
	s23 =	sand.u32 @!p1 $0x7, s23;
	s0 =	sadd.s32 @!p1 s5, s0;
	[tilespmem:s26+$0x58] =	vst.add.f32.msk $0xffff, v1  }
0x3c8: {  	[hbm4b:s0+s23] =	stream.linear.scatter @!p1 [tilespmem:s28], [sflag:$0xA], $0x20, $0x38;
	[tilespmem:$0x1FBE8] =	vst v63  }
0x3c9: {  	s23 =	simm.s32 $0x0  }
0x3ca: {  	s23 =	simm.s32 @!p1 $0x80  }
0x3cb: {  	s25 =	sadd.s32 s23, s25  }
.LBB2_14:
0x3cc: {  	s0 =	sadd.s32 $0x1, s17  }
0x3cd: {  	s17 =	smulhi.u32 $0x51EB851F, s0;
	_ =	sdelay $0x1  }
0x3ce: {  	v1 =	vld [tilespmem:s20+$0xFFFFFFF0];
	s17 =	sshrl.u32 s17, $0x7  }
0x3cf: {  	s17 =	smul.u32 $0x190, s17;
	_ =	sdelay $0x1  }
0x3d0: {  	s17 =	ssub.s32 s0, s17  }
0x3d1: {  	s0 =	sshll.u32 s17, $0x5  }
0x3d2: {  	[tilespmem:s0+$0x48] =	vst v1  }
0x3d3: {  	v1 =	vld [tilespmem:s20+$0x0]  }
.Ltmp14:
0x3d4: {  	_ = 	snop;
	(pc) =	sbr.rel .LBB2_15-.Ltmp14, $2  }
0x3d5: {  	_ =	sdelay $0x2  }
0x3d6: {  	s22 =	sadd.s32 $0x1, s22;
	[tilespmem:s0+$0x58] =	vst v1  }
.LBB2_17:
.Ltmp15:
0x3d7: {  	(pc) =	sbr.rel .LBB2_18-.Ltmp15, $3  }
0x3d8: {  	_ =	sdelay $0x1  }
0x3d9: {  	_ =	swait.ge [sflag:s10], $0x0  }
0x3da: {  	s18 =	simm.s32 $0x0;
	s24 =	smov.u32 s23;
	[sflag:s10] =	ssyncset.done $0x0  }
.LBB2_20:
0x3db: {  	_ =	sfence.sel $0x180000  }
0x3dc: {  	s0 =	simm.s32 $0x9;
	[bflag:$0x0] =	sbarrier.arrive $0xFFFF  }
0x3dd: {  	s26 =	simm.s32 $0x2;
	[sflag:s0] =	ssyncpa.u1 $0x1  }
0x3de: {  	[sflag:s26] =	ssyncpa.u1 $0x1  }
0x3df: {  	v0 =	vld [tilespmem:$0x6488];
	_ =	sdelay $0x4  }
0x3e0: {  	(v2sf) =	vpush v0, $0x0  }
0x3e1: {  	(v2sf) =	vpush v0, $0x1;
	_ =	sdelay $0x1  }
0x3e2: {  	(v2sf) =	vpush v0, $0x2;
	_ =	sdelay $0xb  }
0x3e3: {  	s0 =	spop (v2sf)  }
0x3e4: {  	s3 =	spop (v2sf)  }
0x3e5: {  	s4 =	smov.u32 s0;
	p0 =	sne.s32 s0, s3  }
0x3e6: {  	s6 =	spop (v2sf);
	s4 =	simm.s32 @!p0 $0xFFFFFFFF  }
0x3e7: {  	v2 =	vimm.s32 $0x1;
	v3 =	vlaneseq.u32;
	p0 =	seq.s32 s6, $0xFFFFFFFF;
	v1 =	vmov s4  }
0x3e8: {  	v0 =	vperm.xlane v0, v2;
	p1 =	sne.s32 @!p0 s0, s3;
	v1 =	vperm.xlane v1, v3  }
0x3e9: {  	vm0 =	vcmask $0x3F04;
	s9 =	simm.s32 $0x6488;
	s0 =	simm.s32 @!p0 $0x1;
	p1 =	por !p1, p0  }
0x3ea: {  	s4 =	sshll.u32 s7, $0x1;
	s3 =	sshll.u32 @!p0 s6, $0x7;
	s0 =	simm.s32 @p1 $0x0;
	v0 =	vsel vm0, v1, v0  }
0x3eb: {  	s8 =	sor.u32 $0x400, s4;
	s3 =	sshra.s32 @!p0 s3, $0x2;
	s0 =	sor.u32 @!p0 s0, s4;
	[tilespmem:$0x6488] =	vst v0  }
0x3ec: {  	[spmem:s8] =	stream.linear.scatter [tilespmem:s9], [sflag:$0x1], $0x2, $0x38;
	[tilespmem:$0x1FBE8] =	vst v63  }
0x3ed: {  	s3 =	sadd.s32 @!p0 $0x48, s3;
	s0 =	sshll.u32 @!p0 s0, $0x5  }
0x3ee: {  	[spmem:s0] =	stream.linear.scatter @!p0 [tilespmem:s3], [sflag:$0x1], $0x20, $0x38;
	[tilespmem:$0x1FBE8] =	vst v63  }
0x3ef: {  	s0 =	simm.s32 @!p0 $0x22  }
0x3f0: {  	s28 =	simm.s32 $0x1;
	s0 =	simm.s32 @p0 $0x2  }
0x3f1: {  	_ =	swait.ge [sflag:s28], s0  }
0x3f2: {  	s0 =	ssub.s32 $0x0, s0;
	[sflag:s28] =	ssyncset.done $0x0  }
0x3f3: {  	p0 =	sne.s32 s7, $0x0;
	[sflag:s28] =	ssyncadd.s32 s0  }
.Ltmp16:
0x3f4: {  	_ =	sfence.stream.spmem;
	(pc) =	sbr.rel @p0 .LBB2_37-.Ltmp16, $4  }
0x3f5: {  	s29 =	simm.s32 $0x3;
	[bflag:$0x0] =	sbarrier.arrive $0xFFFF  }
0x3f6: {  	s30 =	simm.s32 $0x4;
	[sflag:s29] =	ssyncpa.u1 $0x1  }
0x3f7: {  	s31 =	simm.s32 $0x3C;
	[sflag:s30] =	ssyncpa.u1 $0x1  }
0x3f8: {  	s3 =	sand.u32 $0x1, s2;
	[sflag:s31] =	ssyncpa.u1 $0x1  }
0x3f9: {  	_ =	sfence.stream.spmem;
	s0 =	simm.s32 $0x5  }
0x3fa: {  	s4 =	simm.s32 $0x400;
	s6 =	simm.s32 $0x6498;
	[sflag:s0] =	ssyncpa.u1 $0x0  }
0x3fb: {  	[tilespmem:s6], [sflag:$0x5] =	stream.linear.gather [spmem:s4], $0x20, $0x38;
	[tilespmem:$0x1FBE8] =	vst v63  }
0x3fc: {  	s26 =	simm.s32 $0x0;
	s28 =	simm.s32 $0x64B8  }
0x3fd: {  	[tilespmem:s28], [sflag:$0x5] =	stream.linear.gather [spmem:s26], $0x400, $0x38;
	[tilespmem:$0x1FBE8] =	vst v63  }
0x3fe: {  	_ =	swait.ge [sflag:s0], $0x420  }
0x3ff: {  	[sflag:s0] =	ssyncset.done $0x0  }
0x400: {  	s29 =	simm.s32 $0x0;
	[sflag:s0] =	ssyncadd.s32 $0xFFFFFBE0  }
0x401: {  	v0 =	vld.msk [tilespmem:s29+$0x6498], $0x1;
	_ =	sdelay $0x1  }
0x402: {  	s30 =	simm.s32 $0x1  }
0x403: {  	v1 =	vld.msk [tilespmem:s30+$0x6498], $0x1;
	_ =	sdelay $0x1  }
0x404: {  	(v2sf) =	vpush v0, $0x0;
	_ =	sdelay $0x2  }
0x405: {  	(v2sf) =	vpush v1, $0x0;
	_ =	sdelay $0x2  }
0x406: {  	s31 =	simm.s32 $0x2  }
0x407: {  	v0 =	vld.msk [tilespmem:s31+$0x6498], $0x1;
	_ =	sdelay $0x2  }
0x408: {  	s8 =	simm.s32 $0xFFFFFFFF;
	s6 =	simm.s32 $0xFFFFFFFF;
	s4 =	simm.s32 $0xC  }
.LBB2_22:
0x409: {  	s0 =	smov.u32 s8;
	s9 =	smov.u32 s6  }
0x40a: {  	s6 =	sshra.s32 s4, $0x2;
	p1 =	sne.s32 s4, $0x7C;
	s4 =	sadd.s32 $0x4, s4;
	(v2sf) =	vpush v0, $0x0  }
0x40b: {  	v0 =	vld.msk [tilespmem:s6+$0x6498], $0x1  }
.Ltmp17:
0x40c: {  	(pc) =	sbr.rel @p1 .LBB2_22-.Ltmp17, $4  }
0x40d: {  	s8 =	spop (v2sf)  }
0x40e: {  	p2 =	sne.s32 s9, $0xFFFFFFFF;
	s6 =	smov.u32 s8  }
0x40f: {  	p3 =	seq.s32 s8, $0xFFFFFFFF;
	s6 =	smov.u32 @p2 s9  }
0x410: {  	s8 =	smov.u32 @p3 s0;
	s6 =	smov.u32 @p3 s9  }
0x411: {  	(v2sf) =	vpush v0, $0x0;
	_ =	sdelay $0x8  }
0x412: {  	s0 =	spop (v2sf)  }
0x413: {  	p1 =	sne.s32 s6, $0xFFFFFFFF;
	s4 =	smov.u32 s0  }
0x414: {  	s9 =	simm.s32 $0x6;
	p2 =	seq.s32 s0, $0xFFFFFFFF;
	s4 =	smov.u32 @p1 s6  }
0x415: {  	[sflag:s9] =	ssyncpa.u1 $0x0;
	s4 =	smov.u32 @p2 s6;
	s10 =	spop (v2sf)  }
0x416: {  	s0 =	smov.u32 @p2 s8;
	p1 =	sne.s32 s4, $0xFFFFFFFF;
	s11 =	smov.u32 s10  }
.Ltmp18:
0x417: {  	p2 =	seq.s32 s10, $0xFFFFFFFF;
	s11 =	smov.u32 @p1 s4;
	(pc) =	sbr.rel .LBB2_24-.Ltmp18, $4  }
0x418: {  	s10 =	smov.u32 @p2 s0;
	s11 =	smov.u32 @p2 s4;
	s6 =	spop (v2sf)  }
0x419: {  	p1 =	sne.s32 s11, $0xFFFFFFFF;
	s8 =	smov.u32 s6;
	p2 =	seq.s32 s6, $0xFFFFFFFF  }
0x41a: {  	s4 =	simm.s32 $0x0;
	s8 =	smov.u32 @p1 s11;
	s6 =	smov.u32 @p2 s10  }
0x41b: {  	s10 =	simm.s32 $0x6468;
	s8 =	smov.u32 @p2 s11;
	s11 =	simm.s32 $0x0  }
.LBB2_30:
0x41c: {  	p1 =	sgt.u32 s12, $0x4E1FC  }
0x41d: {  	p2 =	seq.s32 @!p1 s12, s8  }
0x41e: {  	p1 =	por p1, p2  }
0x41f: {  	p2 =	sne.s32 @!p1 s12, s6  }
0x420: {  	p1 =	por p1, !p2  }
0x421: {  	s12 =	sshll.u32 @p1 s11, $0x7  }
0x422: {  	s0 =	sand.u32 @!p1 $0x7FFF8, s12  }
0x423: {  	s12 =	sand.u32 @!p1 $0x7, s12;
	s0 =	sadd.s32 @!p1 s5, s0  }
0x424: {  	[tilespmem:s10], [sflag:$0x6] =	stream.linear.gather @!p1 [hbm4b:s0+s12], $0x20, $0x38;
	[tilespmem:$0x1FBE8] =	vst v63  }
0x425: {  	_ =	swait.ge @!p1 [sflag:s9], $0x20  }
0x426: {  	[sflag:s9] =	ssyncset.done @!p1 $0x0  }
0x427: {  	[sflag:s9] =	ssyncadd.s32 @!p1 $0xFFFFFFE0  }
0x428: {  	v1 =	vld @!p1 [tilespmem:$0x6468];
	_ =	sdelay $0x2  }
0x429: {  	s12 =	sshll.u32 @!p1 s11, $0x7  }
0x42a: {  	s0 =	sshrl.u32 @!p1 s12, $0x2  }
0x42b: {  	[tilespmem:s0+$0x64B8] =	vst.add.f32.msk @!p1 $0xffff, v1  }
0x42c: {  	v1 =	vld @!p1 [tilespmem:$0x6478];
	_ =	sdelay $0x4  }
0x42d: {  	[tilespmem:s0+$0x64C8] =	vst.add.f32.msk @!p1 $0xffff, v1  }
0x42e: {  	s30 =	sshrl.u32 s12, $0x2;
	[tilespmem:s4+$0x6498] =	vst.msk $0x1, v0  }
0x42f: {  	v0 =	vld [tilespmem:s30+$0x64B8];
	_ =	sdelay $0x2  }
0x430: {  	s31 =	sshll.u32 s4, $0x7  }
0x431: {  	s12 =	sshra.s32 s31, $0x2  }
0x432: {  	[tilespmem:s12+$0x64B8] =	vst v0  }
0x433: {  	v0 =	vld [tilespmem:s30+$0x64C8];
	_ =	sdelay $0x4  }
0x434: {  	s4 =	sadd.s32 $0x1, s4;
	[tilespmem:s12+$0x64C8] =	vst v0  }
.LBB2_31:
0x435: {  	s11 =	sadd.s32 $0x1, s11  }
0x436: {  	p1 =	sne.s32 s11, $0x20  }
.Ltmp19:
0x437: {  	_ = 	snop;
	(pc) =	sbr.rel @!p1 .LBB2_32-.Ltmp19, $1  }
0x438: {  	_ =	sdelay $0x3  }
.LBB2_24:
0x439: {  	v0 =	vld.msk [tilespmem:s11+$0x6498], $0x1;
	_ =	sdelay $0x4  }
0x43a: {  	(v2sf) =	vpush v0, $0x0;
	_ =	sdelay $0xe  }
0x43b: {  	s12 =	spop (v2sf)  }
0x43c: {  	p1 =	seq.s32 s12, $0xFFFFFFFF  }
.Ltmp20:
0x43d: {  	_ = 	snop;
	(pc) =	sbr.rel @p1 .LBB2_31-.Ltmp20, $1  }
0x43e: {  	_ =	sdelay $0x3  }
0x43f: {  	p1 =	slt.s32 s4, $0x1  }
.Ltmp21:
0x440: {  	_ = 	snop;
	(pc) =	sbr.rel @p1 .LBB2_30-.Ltmp21, $1  }
0x441: {  	_ =	sdelay $0x3  }
0x442: {  	s13 =	simm.s32 $0x6498;
	p1 =	por $0x0, $0x0  }
0x443: {  	v1 =	vld.msk @!p1 [tilespmem:s13+$0x0], $0x1;
	_ =	sdelay $0x4  }
0x444: {  	(v2sf) =	vpush @!p1 v1, $0x0;
	_ =	sdelay $0xd  }
0x445: {  	p3 =	sne.s32 s4, $0x1  }
.Ltmp22:
0x446: {  	s0 =	spop @!p1 (v2sf);
	(pc) =	sbr.rel @!p3 .LBB2_28-.Ltmp22, $4  }
0x447: {  	p2 =	seq.s32 @!p1 s12, s0  }
0x448: {  	s14 =	simm.s32 $0x0;
	p2 =	por !p2, p1  }
0x449: {  	s0 =	simm.s32 $0xFFFFFFFF;
	s14 =	simm.s32 @p2 $0xFFFFFFFF  }
0x44a: {  	s15 =	simm.s32 $0x1;
	s14 =	smov.u32 @p1 s0  }
.LBB2_27:
0x44b: {  	s0 =	smov.u32 s14;
	p1 =	sne.s32 s14, $0xFFFFFFFF  }
0x44c: {  	s13 =	sadd.s32 $0x1, s13;
	s14 =	smov.u32 s15;
	s15 =	sadd.s32 $0x1, s15  }
0x44d: {  	p2 =	sne.s32 s4, s15;
	v1 =	vld.msk @!p1 [tilespmem:s13+$0x0], $0x1;
	_ =	sdelay $0x4  }
0x44e: {  	(v2sf) =	vpush @!p1 v1, $0x0;
	_ =	sdelay $0xe  }
.Ltmp23:
0x44f: {  	s16 =	spop @!p1 (v2sf);
	(pc) =	sbr.rel @p2 .LBB2_27-.Ltmp23, $4  }
0x450: {  	p3 =	seq.s32 @!p1 s12, s16  }
0x451: {  	p3 =	por !p3, p1  }
0x452: {  	s14 =	simm.s32 @p3 $0xFFFFFFFF  }
0x453: {  	s14 =	smov.u32 @p1 s0  }
.LBB2_28:
0x454: {  	p1 =	seq.s32 s14, $0xFFFFFFFF  }
.Ltmp24:
0x455: {  	_ = 	snop;
	(pc) =	sbr.rel @p1 .LBB2_30-.Ltmp24, $1  }
0x456: {  	_ =	sdelay $0x3  }
0x457: {  	s0 =	sshll.u32 s11, $0x5  }
0x458: {  	s0 =	sand.u32 $0x3FFFFFE0, s0  }
0x459: {  	v0 =	vld [tilespmem:s0+$0x64B8];
	_ =	sdelay $0x2  }
0x45a: {  	s12 =	sshll.u32 s14, $0x7  }
0x45b: {  	s12 =	sshra.s32 s12, $0x2  }
0x45c: {  	[tilespmem:s12+$0x64B8] =	vst.add.f32.msk $0xffff, v0  }
0x45d: {  	v0 =	vld [tilespmem:s0+$0x64C8]  }
.Ltmp25:
0x45e: {  	_ = 	snop;
	(pc) =	sbr.rel .LBB2_31-.Ltmp25, $2  }
0x45f: {  	_ =	sdelay $0x2  }
0x460: {  	[tilespmem:s12+$0x64C8] =	vst.add.f32.msk $0xffff, v0  }
.LBB2_32:
0x461: {  	s0 =	simm.s32 $0x6;
	p1 =	seq.s32 s4, $0x0  }
0x462: {  	[sflag:s0] =	ssyncpa.u1 $0x1;
	v0 =	vimm.s32 @p1 $0xFFFFFFFF  }
0x463: {  	s9 =	sadd.s32 $0xFFFFFFFF, s4;
	[tilespmem:$0x68B8] =	vst @p1 v0  }
0x464: {  	v0 =	vld.msk @!p1 [tilespmem:s9+$0x6498], $0x1;
	_ =	sdelay $0x1  }
0x465: {  	v1 =	vld.msk @!p1 [tilespmem:$0x6498], $0x1;
	_ =	sdelay $0x2  }
0x466: {  	p2 =	seq.s32 @!p1 s9, $0x0;
	v0 =	vbroadcast @!p1 v0, $0x0  }
0x467: {  	vm0 =	vmmov @!p1 $0x1;
	p2 =	por !p2, p1  }
0x468: {  	v1 =	vnsel @!p1 vm0, $0xFFFFFFFF, v1;
	vm0 =	vcmask @!p1 $0x308;
	v0 =	vpsel !p2, $0xFFFFFFFF, v0  }
0x469: {  	p2 =	sne.s32 @!p1 s8, s6;
	v0 =	vsel @!p1 vm0, v1, v0  }
0x46a: {  	s0 =	simm.s32 @!p1 $0x64B8;
	s6 =	simm.s32 @!p1 $0x0;
	p3 =	por !p2, p1;
	[tilespmem:$0x68B8] =	vst @!p1 v0  }
0x46b: {  	[spmem:s6] =	stream.linear.scatter @!p1 [tilespmem:s0], [sflag:$0x1], $0x20, $0x38;
	[tilespmem:$0x1FBE8] =	vst v63  }
0x46c: {  	s0 =	sshll.u32 @!p3 s9, $0x7  }
0x46d: {  	s0 =	sshra.s32 @!p3 s0, $0x2  }
0x46e: {  	s6 =	simm.s32 @!p3 $0x20;
	s0 =	sadd.s32 @!p3 $0x64B8, s0  }
0x46f: {  	[spmem:s6] =	stream.linear.scatter @!p3 [tilespmem:s0], [sflag:$0x1], $0x20, $0x38;
	[tilespmem:$0x1FBE8] =	vst v63  }
0x470: {  	s0 =	simm.s32 @!p3 $0x1  }
0x471: {  	_ =	swait.ge @!p3 [sflag:s0], $0x40  }
0x472: {  	p1 =	por p2, p1;
	[sflag:s0] =	ssyncset.done @!p3 $0x0  }
0x473: {  	[sflag:s0] =	ssyncadd.s32 @!p3 $0xFFFFFFC0;
	s0 =	simm.s32 @!p1 $0x1  }
0x474: {  	_ =	swait.ge @!p1 [sflag:s0], $0x20  }
0x475: {  	s29 =	simm.s32 $0x68B8;
	[sflag:s0] =	ssyncset.done @!p1 $0x0  }
0x476: {  	s30 =	simm.s32 $0x400;
	s31 =	simm.s32 $0x1;
	[sflag:s0] =	ssyncadd.s32 @!p1 $0xFFFFFFE0  }
0x477: {  	[spmem:s30] =	stream.linear.scatter [tilespmem:s29], [sflag:$0x1], $0x10, $0x38;
	[tilespmem:$0x1FBE8] =	vst v63  }
0x478: {  	p1 =	seq.s32 s3, $0x0;
	_ =	swait.ge [sflag:s31], $0x10  }
0x479: {  	s6 =	sshll.u32 @p1 s2, $0xE;
	[sflag:s31] =	ssyncset.done $0x0  }
0x47a: {  	s0 =	sadd.s32 @p1 $0x15C3C, s6;
	s6 =	sshll.u32 @p1 s1, $0x11;
	[sflag:s31] =	ssyncadd.s32 $0xFFFFFFF0  }
0x47b: {  	s0 =	sor.u32 @p1 s6, s0;
	_ =	sfence.stream.spmem  }
0x47c: {  	[sflag:s0] =	ssyncadd.remote.s32 @p1 $0x1;
	s0 =	simm.s32 @p1 $0x4  }
0x47d: {  	s8 =	simm.s32 @!p1 $0x3C;
	s6 =	sand.u32 $0xFFFFFFFE, s2;
	_ =	swait.ge @p1 [sflag:s0], $0xA  }
0x47e: {  	s10 =	simm.s32 @!p1 $0x0;
	s6 =	sadd.s32 @!p1 $0x4, s6;
	[sflag:s0] =	ssyncset.done @p1 $0x0  }
0x47f: {  	s11 =	simm.s32 @!p1 $0x40;
	[sflag:s0] =	ssyncadd.s32 @p1 $0xFFFFFFF6;
	s0 =	sshll.u32 @!p1 s6, $0x1A  }
0x480: {  	s6 =	sshll.u32 @!p1 s6, $0xD;
	s0 =	sor.u32 @!p1 s0, s1;
	_ =	swait.eq @!p1 [sflag:s8], $0x1  }
0x481: {  	s6 =	sor.u32 @!p1 $0x1C04, s6;
	s8 =	simm.s32 @!p1 $0x1C03;
	s0 =	sor.u32 @!p1 $0x80004000, s0  }
0x482: {  	[spmem:s11], [sflag:s6] =	dma.general @!p1 [spmem:s10], [sflag:s8], length:$0x8, [dreg:$0x0], stride_count:$0x0, ici_dest:s0, dma_misc:DstOpCode:WRITE  }
0x483: {  	p2 =	slt.s32 s9, $0x2;
	s10 =	simm.s32 @!p1 $0x80;
	s11 =	simm.s32 @!p1 $0x82  }
0x484: {  	[spmem:s11], [sflag:s6] =	dma.general @!p1 [spmem:s10], [sflag:s8], length:$0x2, [dreg:$0x0], stride_count:$0x0, ici_dest:s0, dma_misc:DstOpCode:WRITE  }
.Ltmp26:
0x485: {  	s0 =	simm.s32 @!p1 $0x3;
	(pc) =	sbr.rel @p2 .LBB2_36-.Ltmp26, $4  }
0x486: {  	s2 =	sshll.u32 @!p1 s2, $0xE;
	_ =	swait.ge @!p1 [sflag:s0], $0xA  }
0x487: {  	s2 =	sadd.s32 @!p1 $0x11C3C, s2;
	s1 =	sshll.u32 @!p1 s1, $0x11;
	[sflag:s0] =	ssyncset.done @!p1 $0x0  }
0x488: {  	[sflag:s0] =	ssyncadd.s32 @!p1 $0xFFFFFFF6;
	s0 =	sor.u32 @!p1 s1, s2  }
0x489: {  	s1 =	simm.s32 $0x0;
	[sflag:s0] =	ssyncadd.remote.s32 @!p1 $0xFFFFFFFF  }
0x48a: {  	s0 =	simm.s32 $0x6499  }
0x48b: {  	v0 =	vld.msk [tilespmem:s0+$0x0], $0x1;
	_ =	sdelay $0x4  }
0x48c: {  	(v2sf) =	vpush v0, $0x0;
	_ =	sdelay $0xc  }
0x48d: {  	s2 =	sadd.s32 $0xFFFFFFFE, s4  }
0x48e: {  	s2 =	sadd.s32 $0xFFFFFFFF, s2  }
0x48f: {  	p2 =	sne.s32 s2, $0x0;
	s0 =	spop (v2sf)  }
.Ltmp27:
0x490: {  	p1 =	sgt.u32 s0, $0x4E1FC;
	(pc) =	sbr.rel @!p2 .LBB2_35-.Ltmp27, $4  }
0x491: {  	s1 =	simm.s32 $0x64D8;
	s4 =	sand.u32 @!p1 $0x7FFF8, s0  }
0x492: {  	s8 =	simm.s32 $0x0;
	s0 =	sand.u32 @!p1 $0x7, s0;
	s4 =	sadd.s32 @!p1 s5, s4  }
0x493: {  	[hbm4b:s4+s0] =	stream.linear.scatter @!p1 [tilespmem:s1], [sflag:$0x5], $0x20, $0x38;
	[tilespmem:$0x1FBE8] =	vst v63  }
0x494: {  	s6 =	simm.s32 $0x649A;
	s8 =	simm.s32 @!p1 $0x80;
	s4 =	simm.s32 $0x0  }
.LBB2_34:
0x495: {  	v0 =	vld.msk [tilespmem:s6+$0x0], $0x1;
	s2 =	sadd.s32 $0xFFFFFFFF, s2;
	s4 =	sadd.s32 s4, s8  }
0x496: {  	p1 =	sne.s32 s2, $0x0;
	_ =	sdelay $0x3  }
0x497: {  	(v2sf) =	vpush v0, $0x0;
	_ =	sdelay $0xe  }
.Ltmp28:
0x498: {  	s0 =	spop (v2sf);
	(pc) =	sbr.rel @p1 .LBB2_34-.Ltmp28, $4  }
0x499: {  	s8 =	simm.s32 $0x0;
	p2 =	sgt.u32 s0, $0x4E1FC  }
0x49a: {  	s1 =	sadd.s32 $0x20, s1;
	s8 =	simm.s32 @!p2 $0x80;
	s9 =	sand.u32 @!p2 $0x7FFF8, s0  }
0x49b: {  	s6 =	sadd.s32 $0x1, s6;
	s0 =	sand.u32 @!p2 $0x7, s0;
	s9 =	sadd.s32 @!p2 s5, s9  }
0x49c: {  	[hbm4b:s9+s0] =	stream.linear.scatter @!p2 [tilespmem:s1], [sflag:$0x5], $0x20, $0x38;
	[tilespmem:$0x1FBE8] =	vst v63  }
.LBB2_35:
0x49d: {  	s0 =	sadd.s32 s4, s8  }
0x49e: {  	s1 =	sshrl.u32 s0, $0x2  }
.LBB2_36:
0x49f: {  	s0 =	simm.s32 $0x5  }
0x4a0: {  	_ =	swait.ge [sflag:s0], s1  }
0x4a1: {  	s31 =	ssub.s32 $0x0, s1;
	[sflag:s0] =	ssyncset.done $0x0  }
0x4a2: {  	[sflag:s0] =	ssyncadd.s32 s31  }
0x4a3: {  	[sflag:s0] =	ssyncpa.u1 $0x1  }
.LBB2_37:
0x4a4: {  	s0 =	sor.u32 s3, s7  }
0x4a5: {  	p1 =	sne.s32 s0, $0x0  }
.Ltmp29:
0x4a6: {  	_ = 	snop;
	(pc) =	sbr.rel @p1 .LBB2_52-.Ltmp29, $3  }
0x4a7: {  	_ =	sdelay $0x1  }
0x4a8: {  	[bflag:$0x0] =	sbarrier.arrive $0xFFFF  }
0x4a9: {  	_ =	sfence  }
0x4aa: {  	s0 =	simm.s32 $0x7  }
0x4ab: {  	s1 =	simm.s32 $0x400;
	s2 =	simm.s32 $0x6498;
	[sflag:s0] =	ssyncpa.u1 $0x0  }
0x4ac: {  	[tilespmem:s2], [sflag:$0x7] =	stream.linear.gather [spmem:s1], $0x20, $0x38;
	[tilespmem:$0x1FBE8] =	vst v63  }
0x4ad: {  	s30 =	simm.s32 $0x64B8;
	s1 =	simm.s32 $0x0  }
0x4ae: {  	[tilespmem:s30], [sflag:$0x7] =	stream.linear.gather [spmem:s1], $0x400, $0x38;
	[tilespmem:$0x1FBE8] =	vst v63  }
.Ltmp30:
0x4af: {  	_ = 	snop;
	(pc) =	sbr.rel .LBB2_39-.Ltmp30, $4  }
0x4b0: {  	_ =	swait.ge [sflag:s0], $0x420  }
0x4b1: {  	[sflag:s0] =	ssyncset.done $0x0  }
0x4b2: {  	s31 =	simm.s32 $0x8;
	[sflag:s0] =	ssyncadd.s32 $0xFFFFFBE0  }
0x4b3: {  	s2 =	simm.s32 $0x0;
	[sflag:s31] =	ssyncpa.u1 $0x0  }
.LBB2_45:
0x4b4: {  	p1 =	slt.u32 s3, $0x4E1FD  }
0x4b5: {  	s0 =	sand.u32 @p1 $0x7FFF8, s3  }
0x4b6: {  	s3 =	sand.u32 @p1 $0x7, s3;
	s4 =	simm.s32 @p1 $0x6468;
	s0 =	sadd.s32 @p1 s5, s0  }
0x4b7: {  	[tilespmem:s4], [sflag:$0x8] =	stream.linear.gather @p1 [hbm4b:s0+s3], $0x20, $0x38;
	[tilespmem:$0x1FBE8] =	vst v63  }
0x4b8: {  	s0 =	simm.s32 @p1 $0x8  }
0x4b9: {  	_ =	swait.ge @p1 [sflag:s0], $0x20  }
0x4ba: {  	[sflag:s0] =	ssyncset.done @p1 $0x0  }
0x4bb: {  	[sflag:s0] =	ssyncadd.s32 @p1 $0xFFFFFFE0  }
0x4bc: {  	v1 =	vld @p1 [tilespmem:$0x6468];
	_ =	sdelay $0x2  }
0x4bd: {  	s0 =	sshll.u32 @p1 s2, $0x7  }
0x4be: {  	s3 =	sshrl.u32 @p1 s0, $0x2  }
0x4bf: {  	[tilespmem:s3+$0x64B8] =	vst.add.f32.msk @p1 $0xffff, v1  }
0x4c0: {  	v1 =	vld @p1 [tilespmem:$0x6478];
	_ =	sdelay $0x3  }
0x4c1: {  	s4 =	sshll.u32 @!p1 s2, $0x7  }
0x4c2: {  	s4 =	smov.u32 @p1 s0;
	[tilespmem:s3+$0x64C8] =	vst.add.f32.msk @p1 $0xffff, v1  }
0x4c3: {  	s0 =	sshrl.u32 s4, $0x2;
	[tilespmem:s1+$0x6498] =	vst.msk $0x1, v0  }
0x4c4: {  	v0 =	vld [tilespmem:s0+$0x64B8];
	_ =	sdelay $0x2  }
0x4c5: {  	s31 =	sshll.u32 s1, $0x7  }
0x4c6: {  	s3 =	sshra.s32 s31, $0x2  }
0x4c7: {  	[tilespmem:s3+$0x64B8] =	vst v0  }
0x4c8: {  	v0 =	vld [tilespmem:s0+$0x64C8];
	_ =	sdelay $0x4  }
0x4c9: {  	s1 =	sadd.s32 $0x1, s1;
	[tilespmem:s3+$0x64C8] =	vst v0  }
.LBB2_46:
0x4ca: {  	s2 =	sadd.s32 $0x1, s2  }
0x4cb: {  	p1 =	sne.s32 s2, $0x20  }
.Ltmp31:
0x4cc: {  	_ = 	snop;
	(pc) =	sbr.rel @!p1 .LBB2_47-.Ltmp31, $1  }
0x4cd: {  	_ =	sdelay $0x3  }
.LBB2_39:
0x4ce: {  	v0 =	vld.msk [tilespmem:s2+$0x6498], $0x1;
	_ =	sdelay $0x4  }
0x4cf: {  	(v2sf) =	vpush v0, $0x0;
	_ =	sdelay $0xe  }
0x4d0: {  	s3 =	spop (v2sf)  }
0x4d1: {  	p1 =	seq.s32 s3, $0xFFFFFFFF  }
.Ltmp32:
0x4d2: {  	_ = 	snop;
	(pc) =	sbr.rel @p1 .LBB2_46-.Ltmp32, $1  }
0x4d3: {  	_ =	sdelay $0x3  }
0x4d4: {  	p1 =	slt.s32 s1, $0x1  }
.Ltmp33:
0x4d5: {  	_ = 	snop;
	(pc) =	sbr.rel @p1 .LBB2_45-.Ltmp33, $1  }
0x4d6: {  	_ =	sdelay $0x3  }
0x4d7: {  	s4 =	simm.s32 $0x6498;
	p1 =	por $0x0, $0x0  }
0x4d8: {  	v1 =	vld.msk @!p1 [tilespmem:s4+$0x0], $0x1;
	_ =	sdelay $0x4  }
0x4d9: {  	(v2sf) =	vpush @!p1 v1, $0x0;
	_ =	sdelay $0xd  }
0x4da: {  	p3 =	sne.s32 s1, $0x1  }
.Ltmp34:
0x4db: {  	s0 =	spop @!p1 (v2sf);
	(pc) =	sbr.rel @!p3 .LBB2_43-.Ltmp34, $4  }
0x4dc: {  	p2 =	seq.s32 @!p1 s3, s0  }
0x4dd: {  	s6 =	simm.s32 $0x0;
	p2 =	por !p2, p1  }
0x4de: {  	s0 =	simm.s32 $0xFFFFFFFF;
	s6 =	simm.s32 @p2 $0xFFFFFFFF  }
0x4df: {  	s7 =	simm.s32 $0x1;
	s6 =	smov.u32 @p1 s0  }
.LBB2_42:
0x4e0: {  	s0 =	smov.u32 s6;
	p1 =	sne.s32 s6, $0xFFFFFFFF  }
0x4e1: {  	s4 =	sadd.s32 $0x1, s4;
	s6 =	smov.u32 s7;
	s7 =	sadd.s32 $0x1, s7  }
0x4e2: {  	p2 =	sne.s32 s1, s7;
	v1 =	vld.msk @!p1 [tilespmem:s4+$0x0], $0x1;
	_ =	sdelay $0x4  }
0x4e3: {  	(v2sf) =	vpush @!p1 v1, $0x0;
	_ =	sdelay $0xe  }
.Ltmp35:
0x4e4: {  	s8 =	spop @!p1 (v2sf);
	(pc) =	sbr.rel @p2 .LBB2_42-.Ltmp35, $4  }
0x4e5: {  	p3 =	seq.s32 @!p1 s3, s8  }
0x4e6: {  	p3 =	por !p3, p1  }
0x4e7: {  	s6 =	simm.s32 @p3 $0xFFFFFFFF  }
0x4e8: {  	s6 =	smov.u32 @p1 s0  }
.LBB2_43:
0x4e9: {  	p1 =	seq.s32 s6, $0xFFFFFFFF  }
.Ltmp36:
0x4ea: {  	_ = 	snop;
	(pc) =	sbr.rel @p1 .LBB2_45-.Ltmp36, $1  }
0x4eb: {  	_ =	sdelay $0x3  }
0x4ec: {  	s0 =	sshll.u32 s2, $0x5  }
0x4ed: {  	s0 =	sand.u32 $0x3FFFFFE0, s0  }
0x4ee: {  	v0 =	vld [tilespmem:s0+$0x64B8];
	_ =	sdelay $0x2  }
0x4ef: {  	s3 =	sshll.u32 s6, $0x7  }
0x4f0: {  	s3 =	sshra.s32 s3, $0x2  }
0x4f1: {  	[tilespmem:s3+$0x64B8] =	vst.add.f32.msk $0xffff, v0  }
0x4f2: {  	v0 =	vld [tilespmem:s0+$0x64C8]  }
.Ltmp37:
0x4f3: {  	_ = 	snop;
	(pc) =	sbr.rel .LBB2_46-.Ltmp37, $2  }
0x4f4: {  	_ =	sdelay $0x2  }
0x4f5: {  	[tilespmem:s3+$0x64C8] =	vst.add.f32.msk $0xffff, v0  }
.LBB2_47:
0x4f6: {  	p1 =	slt.s32 s1, $0x1  }
.Ltmp38:
0x4f7: {  	_ = 	snop;
	(pc) =	sbr.rel @p1 .LBB2_51-.Ltmp38, $3  }
0x4f8: {  	_ =	sdelay $0x1  }
0x4f9: {  	s0 =	simm.s32 $0x8  }
0x4fa: {  	s2 =	simm.s32 $0x0;
	[sflag:s0] =	ssyncpa.u1 $0x1  }
0x4fb: {  	s0 =	simm.s32 $0x6498  }
0x4fc: {  	v0 =	vld.msk [tilespmem:s0+$0x0], $0x1;
	_ =	sdelay $0x4  }
0x4fd: {  	(v2sf) =	vpush v0, $0x0;
	_ =	sdelay $0xd  }
0x4fe: {  	s1 =	sadd.s32 $0xFFFFFFFF, s1  }
0x4ff: {  	p2 =	sne.s32 s1, $0x0;
	s0 =	spop (v2sf)  }
.Ltmp39:
0x500: {  	p1 =	sgt.u32 s0, $0x4E1FC;
	(pc) =	sbr.rel @!p2 .LBB2_50-.Ltmp39, $4  }
0x501: {  	s3 =	simm.s32 $0x64B8;
	s4 =	sand.u32 @!p1 $0x7FFF8, s0  }
0x502: {  	s6 =	simm.s32 $0x0;
	s0 =	sand.u32 @!p1 $0x7, s0;
	s4 =	sadd.s32 @!p1 s5, s4  }
0x503: {  	[hbm4b:s4+s0] =	stream.linear.scatter @!p1 [tilespmem:s3], [sflag:$0x7], $0x20, $0x38;
	[tilespmem:$0x1FBE8] =	vst v63  }
0x504: {  	s6 =	simm.s32 @!p1 $0x80;
	s4 =	simm.s32 $0x6499  }
.LBB2_49:
0x505: {  	v0 =	vld.msk [tilespmem:s4+$0x0], $0x1;
	s1 =	sadd.s32 $0xFFFFFFFF, s1;
	s2 =	sadd.s32 s2, s6  }
0x506: {  	p1 =	sne.s32 s1, $0x0;
	_ =	sdelay $0x3  }
0x507: {  	(v2sf) =	vpush v0, $0x0;
	_ =	sdelay $0xe  }
.Ltmp40:
0x508: {  	s0 =	spop (v2sf);
	(pc) =	sbr.rel @p1 .LBB2_49-.Ltmp40, $4  }
0x509: {  	s6 =	simm.s32 $0x0;
	p2 =	sgt.u32 s0, $0x4E1FC  }
0x50a: {  	s3 =	sadd.s32 $0x20, s3;
	s6 =	simm.s32 @!p2 $0x80;
	s7 =	sand.u32 @!p2 $0x7FFF8, s0  }
0x50b: {  	s4 =	sadd.s32 $0x1, s4;
	s0 =	sand.u32 @!p2 $0x7, s0;
	s7 =	sadd.s32 @!p2 s5, s7  }
0x50c: {  	[hbm4b:s7+s0] =	stream.linear.scatter @!p2 [tilespmem:s3], [sflag:$0x7], $0x20, $0x38;
	[tilespmem:$0x1FBE8] =	vst v63  }
.LBB2_50:
0x50d: {  	s0 =	sadd.s32 s2, s6  }
0x50e: {  	s2 =	sshrl.u32 s0, $0x2  }
.LBB2_51:
0x50f: {  	s0 =	simm.s32 $0x7  }
0x510: {  	_ =	swait.ge [sflag:s0], s2  }
0x511: {  	s1 =	ssub.s32 $0x0, s2;
	[sflag:s0] =	ssyncset.done $0x0  }
0x512: {  	[sflag:s0] =	ssyncadd.s32 s1  }
0x513: {  	[sflag:s0] =	ssyncpa.u1 $0x1  }
.LBB2_52:
0x514: {  	_ =	sfence;
	s0 =	simm.s32 $0x1  }
0x515: {  	[sflag:s0] =	ssyncpa.u1 $0x1  }
0x516: {  	_ =	strace $0x90000053  }
0x517: {  	[bflag:$0x2] =	sbarrier.arrive $0xFFFF  }
0x518: {  	s0 =	rddreg [dreg:$0x4]  }
0x519: {  	s0 =	sadd.s32 @!p0 $0x100000, s0  }
0x51a: {  	[sflag:s0] =	ssyncadd.tile.s32 @!p0 $0x1;
	_ =	shalt  }
.Lfunc_end2:
_tile_overlayer_lowered:
.L_overlay_start_2:
0x51b: {  	(tag) =	ssettag $0x2  }
0x51c: {  	s0 =	rddreg [dreg:$0x0];
	s2 =	stileid.u32  }
0x51d: {  	s1 =	rddreg [dreg:$0x1];
	p0 =	sne.s32 s2, $0x0  }
0x51e: {  	s3 =	rddreg [dreg:$0x2];
	[bflag:$0x3] =	sbarrier.arrive $0xFFFF;
	s2 =	simm.s32 @!p0 $0x1C01  }
0x51f: {  	[timem:s3], [sflag:s2] =	dma.local @!p0 [hbm:s0], s1  }
0x520: {  	s0 =	simm.s32 @!p0 $0x1  }
0x521: {  	_ =	swait.ge @!p0 [sflag:s0], s1  }
0x522: {  	s1 =	ssub.s32 @!p0 $0x0, s1;
	[sflag:s0] =	ssyncset.done @!p0 $0x0  }
0x523: {  	[sflag:s0] =	ssyncadd.s32 @!p0 s1  }
0x524: {  	[bflag:$0x3] =	sbarrier.arrive $0xFFFF  }
0x525: {  	_ =	shalt  }

// kernel: scatter_offload_async_start.5
scs
__scs_entry_jumppad:
0x0: {  	(pc) =	sbr.rel $0x88, $3  }
0x1: {  	(tag) =	ssettag $0x0;
	lr =	simm.s32 $0x1  }
0x2: {  	[smem:$0x3F91] =	sst lr;
	_ =	strace $0xD0000000  }
0x3: {  	_ = 	snop  }
0x4: {  	_ = 	snop  }
0x5: {  	_ = 	snop  }
0x6: {  	_ = 	snop  }
0x7: {  	_ = 	snop  }
__scs_overlays_trampoline_lowered:
0x8: {  	[smem:$0x3FA0] =	sst s0  }
0x9: {  	[smem:$0x3FA1] =	sst s1  }
0xa: {  	[smem:$0x3FA2] =	sst s2  }
0xb: {  	[smem:$0x3FA3] =	sst s3  }
0xc: {  	[smem:$0x3FA4] =	sst s4  }
0xd: {  	[smem:$0x3FA5] =	sst s5  }
0xe: {  	[smem:$0x3FA6] =	sst s6  }
0xf: {  	[smem:$0x3FA7] =	sst s7  }
0x10: {  	[smem:$0x3FA8] =	sst s8  }
0x11: {  	[smem:$0x3FA9] =	sst s9;
	s0 =	simm.s32 @!p0 $0x0  }
0x12: {  	s1 =	sld [smem:$0x3F8F];
	s0 =	simm.s32 @p0 $0x1  }
0x13: {  	[smem:$0x3FAA] =	sst s0;
	s0 =	simm.s32 @!p1 $0x0  }
0x14: {  	s2 =	sld [smem:$0x3F8E];
	s0 =	simm.s32 @p1 $0x1  }
0x15: {  	[smem:$0x3FAB] =	sst s0;
	s0 =	simm.s32 @!p2 $0x0  }
0x16: {  	s3 =	sld [smem:$0x3FDB];
	s0 =	simm.s32 @p2 $0x1  }
0x17: {  	s4 =	simm.s32 $0x1BF5;
	[smem:$0x3FAD] =	sst s0  }
0x18: {  	s0 =	sld [smem:$0x3F90];
	_ =	swait.ge [sflag:s4], $0x0  }
0x19: {  	s7 =	sld [smem:$0x3F91]  }
0x1a: {  	s8 =	sadd.s32 $0xFFFFE003, lr  }
0x1b: {  	s9 =	sadd.s32 $0xFFFFFEF7, lr;
	s5 =	simm.s32 $0xFFFFFFFF;
	p2 =	slt.u32 s8, $0xFFFFF086  }
0x1c: {  	p1 =	slt.u32 s9, $0xF7A;
	s5 =	simm.s32 @!p2 $0x0  }
0x1d: {  	s5 =	simm.s32 @p1 $0x1;
	p0 =	seq.s32 s7, s2  }
0x1e: {  	s7 =	smul.u32 @!p0 $0xF7A, s2;
	p2 =	seq.s32 @!p0 s5, $0x0  }
0x1f: {  	s9 =	smul.u32 $0xF7A, s1;
	s8 =	simm.s32 @!p0 $0x1BF5;
	p2 =	por !p2, p0  }
0x20: {  	[sflag:s8] =	ssyncset.s32 @!p0 $0xFFFFF086;
	s6 =	sadd.s32 @!p0 s3, s7;
	s7 =	simm.s32 @!p0 $0x108  }
0x21: {  	s3 =	sadd.s32 s3, s9;
	s6 =	sadd.s32 @!p0 $0x88, s6;
	s7 =	simm.s32 @p2 $0x1082  }
0x22: {  	[simem:s7], [sflag:s8] =	dma.local @!p0 [hbm:s6], $0xF7A  }
0x23: {  	s9 =	sor.u32 $0xD0000000, s2;
	s6 =	simm.s32 $0x108;
	_ =	swait.ge @!p0 [sflag:s8], $0x0  }
0x24: {  	s3 =	sadd.s32 $0x88, s3;
	s6 =	simm.s32 @!p1 $0x1082;
	[sflag:s4] =	ssyncset.s32 $0xFFFFF086  }
0x25: {  	[simem:s6], [sflag:s4] =	dma.local [hbm:s3], $0xF7A  }
0x26: {  	[smem:$0x3F91] =	sst s1;
	(tag) =	ssettag s2;
	_ =	strace s9  }
0x27: {  	s1 =	sld [smem:$0x3FA1]  }
0x28: {  	s2 =	sld [smem:$0x3FA2]  }
0x29: {  	s4 =	sld [smem:$0x3FA4]  }
0x2a: {  	p0 =	seq.s32 s5, $0x0;
	s5 =	sld [smem:$0x3FA5]  }
0x2b: {  	s6 =	sld [smem:$0x3FA6]  }
0x2c: {  	s7 =	sld [smem:$0x3FA7]  }
0x2d: {  	s3 =	simm.s32 $0x108;
	s8 =	sld [smem:$0x3FA8]  }
0x2e: {  	s3 =	simm.s32 @!p0 $0x1082;
	s9 =	sld [smem:$0x3FA9]  }
0x2f: {  	lr =	sadd.s32 s0, s3;
	s0 =	sld [smem:$0x3FA0]  }
0x30: {  	s3 =	sld [smem:$0x3FA3]  }
0x31: {  	[smem:$0x3FAC] =	sst s10  }
0x32: {  	s10 =	sld [smem:$0x3FAA];
	_ =	sdelay $0x3  }
0x33: {  	p0 =	seq.s32 s10, $0x1;
	s10 =	sld [smem:$0x3FAC];
	_ =	sdelay $0x3  }
0x34: {  	[smem:$0x3FAC] =	sst s10  }
0x35: {  	s10 =	sld [smem:$0x3FAB];
	_ =	sdelay $0x3  }
0x36: {  	p1 =	seq.s32 s10, $0x1;
	s10 =	sld [smem:$0x3FAC];
	_ =	sdelay $0x3  }
0x37: {  	[smem:$0x3FAC] =	sst s10  }
0x38: {  	s10 =	sld [smem:$0x3FAD]  }
0x39: {  	_ = 	snop;
	(pc) =	sbr.ind lr, $3  }
0x3a: {  	_ = 	snop  }
0x3b: {  	_ = 	snop  }
0x3c: {  	p2 =	seq.s32 s10, $0x1;
	s10 =	sld [smem:$0x3FAC]  }
0x3d: {  	_ =	shalt  }
0x3e: {  	_ =	shalt  }
0x3f: {  	_ =	shalt  }
0x40: {  	_ =	shalt  }
0x41: {  	_ =	shalt  }
0x42: {  	_ =	shalt  }
0x43: {  	_ =	shalt  }
0x44: {  	_ =	shalt  }
0x45: {  	_ =	shalt  }
0x46: {  	_ =	shalt  }
0x47: {  	_ =	shalt  }
0x48: {  	_ =	shalt  }
0x49: {  	_ =	shalt  }
0x4a: {  	_ =	shalt  }
0x4b: {  	_ =	shalt  }
0x4c: {  	_ =	shalt  }
0x4d: {  	_ =	shalt  }
0x4e: {  	_ =	shalt  }
0x4f: {  	_ =	shalt  }
0x50: {  	_ =	shalt  }
0x51: {  	_ =	shalt  }
0x52: {  	_ =	shalt  }
0x53: {  	_ =	shalt  }
0x54: {  	_ =	shalt  }
0x55: {  	_ =	shalt  }
0x56: {  	_ =	shalt  }
0x57: {  	_ =	shalt  }
0x58: {  	_ =	shalt  }
0x59: {  	_ =	shalt  }
0x5a: {  	_ =	shalt  }
0x5b: {  	_ =	shalt  }
0x5c: {  	_ =	shalt  }
0x5d: {  	_ =	shalt  }
0x5e: {  	_ =	shalt  }
0x5f: {  	_ =	shalt  }
0x60: {  	_ =	shalt  }
0x61: {  	_ =	shalt  }
0x62: {  	_ =	shalt  }
0x63: {  	_ =	shalt  }
0x64: {  	_ =	shalt  }
0x65: {  	_ =	shalt  }
0x66: {  	_ =	shalt  }
0x67: {  	_ =	shalt  }
0x68: {  	_ =	shalt  }
0x69: {  	_ =	shalt  }
0x6a: {  	_ =	shalt  }
0x6b: {  	_ =	shalt  }
0x6c: {  	_ =	shalt  }
0x6d: {  	_ =	shalt  }
0x6e: {  	_ =	shalt  }
0x6f: {  	_ =	shalt  }
0x70: {  	_ =	shalt  }
0x71: {  	_ =	shalt  }
0x72: {  	_ =	shalt  }
0x73: {  	_ =	shalt  }
0x74: {  	_ =	shalt  }
0x75: {  	_ =	shalt  }
0x76: {  	_ =	shalt  }
0x77: {  	_ =	shalt  }
0x78: {  	_ =	shalt  }
0x79: {  	_ =	shalt  }
0x7a: {  	_ =	shalt  }
0x7b: {  	_ =	shalt  }
0x7c: {  	_ =	shalt  }
0x7d: {  	_ =	shalt  }
0x7e: {  	_ =	shalt  }
0x7f: {  	_ =	shalt  }
0x80: {  	_ =	shalt  }
0x81: {  	_ =	shalt  }
0x82: {  	_ =	shalt  }
0x83: {  	_ =	shalt  }
0x84: {  	_ =	shalt  }
0x85: {  	_ =	shalt  }
0x86: {  	_ =	shalt  }
0x87: {  	_ =	shalt  }
.Lfunc_end0:
.L_simem_size_0:
called_computation.5_lowered:
.L_overlay_start_0:
0x88: {  	s2 =	sld [smem:$0x3FD9]  }
0x89: {  	s3 =	sld [smem:$0x3FFE];
	_ =	sdelay $0x1  }
0x8a: {  	s1 =	srdreg.scid  }
0x8b: {  	s0 =	sand.u32 $0x1, s1  }
0x8c: {  	s12 =	sshll.u32 s0, $0xA;
	s2 =	sadd.s32 s3, s2  }
0x8d: {  	s2 =	sadd.s32 s2, s12  }
0x8e: {  	[smem:$0x3FB8] =	sst s2  }
0x8f: {  	_ = 	snop  }
0x90: {  	s13 =	sld [smem:$0x3FBA]  }
0x91: {  	s5 =	sld [smem:$0x3FD0];
	(tm) =	ssettm $0x1  }
0x92: {  	s14 =	sld [smem:$0x3FFB];
	_ =	sdelay $0x3  }
0x93: {  	_ =	strace s14  }
0x94: {  	s2 =	sld [smem:$0x3FFC];
	_ =	sdelay $0x3  }
0x95: {  	_ =	strace s2  }
0x96: {  	s2 =	sld [smem:$0x3FFD];
	_ =	sdelay $0x3  }
0x97: {  	_ =	strace s2  }
0x98: {  	_ =	strace $0x8FFFFFFF  }
0x99: {  	s15 =	sld [smem:$0x3FDB];
	_ =	sdelay $0x1  }
0x9a: {  	s4 =	simm.s32 $_scs_section_size  }
0x9b: {  	s6 =	simm.s32 $_size__tile_overlayer_lowered;
	s7 =	simm.s32 $_tile_overlayer_lowered  }
0x9c: {  	s19 =	simm.s32 $0x1BFF;
	s17 =	sshll.u32 s7, $0x1;
	s8 =	sadd.s32 s4, s15  }
0x9d: {  	s20 =	simm.s32 $0x0;
	s16 =	sshll.u32 s6, $0x1;
	s18 =	sadd.s32 s17, s8  }
0x9e: {  	[timem:s20], [sflag:s19] =	dma.local [hbm:s18], s16  }
0x9f: {  	_ =	swait.ge [sflag:s19], s16  }
0xa0: {  	s4 =	ssub.s32 $0x0, s16;
	[sflag:s19] =	ssyncset.done $0x0  }
0xa1: {  	[sflag:s19] =	ssyncadd.s32 s4;
	_ =	sdelay $0x1  }
0xa2: {  	s21 =	simm.s32 $0x1B8B  }
0xa3: {  	_ =	swait.ge [sflag:s21], $0x1  }
0xa4: {  	[sflag:s21] =	ssyncset.done $0x0  }
0xa5: {  	[sflag:s21] =	ssyncadd.s32 $0xFFFFFFFF  }
0xa6: {  	s4 =	sld [smem:$0x0]  }
0xa7: {  	s6 =	sand.u32 $0xFFFFFFFE, s1  }
0xa8: {  	p0 =	sne.s32 s1, s6  }
0xa9: {  	s6 =	sshll.u32 @p0 s6, $0xE  }
0xaa: {  	s7 =	sadd.s32 @p0 $0x11B8D, s6;
	s9 =	sshll.u32 @p0 s4, $0x11  }
0xab: {  	s7 =	sor.u32 @p0 s9, s7  }
0xac: {  	[sflag:s7] =	ssyncadd.remote.s32 @p0 $0x1;
	_ =	sdelay $0x1  }
0xad: {  	s7 =	simm.s32 @p0 $0x1B8D  }
0xae: {  	_ =	swait.eq @p0 [sflag:s7], $0x1  }
0xaf: {  	[sflag:s7] =	ssyncadd.s32 @p0 $0xFFFFFFFF  }
0xb0: {  	s9 =	sshll.u32 @!p0 s1, $0xE  }
0xb1: {  	s9 =	sor.u32 @!p0 $0x4000, s9;
	s7 =	simm.s32 @!p0 $0x1B8D  }
0xb2: {  	s11 =	sshll.u32 @!p0 s4, $0x11;
	s10 =	sadd.s32 @!p0 $0x11B8D, s9;
	_ =	swait.eq @!p0 [sflag:s7], $0x1  }
0xb3: {  	[sflag:s7] =	ssyncadd.s32 @!p0 $0xFFFFFFFF;
	s7 =	sor.u32 @!p0 s11, s10  }
0xb4: {  	s23 =	simm.s32 $0x1B8E;
	s22 =	sld [smem:$0x3FFE];
	[sflag:s7] =	ssyncadd.remote.s32 @!p0 $0x1  }
0xb5: {  	s24 =	simm.s32 $execute0_lowered;
	[smem:$0x3FD2] =	sst s23  }
0xb6: {  	s10 =	sshll.u32 s24, $0x1;
	_ =	strace $0x8000005B;
	[dreg:$0x1] =	wrdreg $0xFFFFFFFF  }
0xb7: {  	s25 =	simm.s32 $_size_execute0_lowered;
	s10 =	sadd.s32 s8, s10;
	[dreg:$0x0] =	wrdreg $0x0  }
0xb8: {  	s11 =	sshll.u32 s25, $0x1;
	[dreg:$0x2] =	wrdreg s10  }
0xb9: {  	[dreg:$0x3] =	wrdreg s11  }
0xba: {  	[dreg:$0x4] =	wrdreg $0xC0  }
0xbb: {  	s26 =	simm.s32 $execute1_lowered;
	_ =	task [dreg:s20], $0x5FFFF  }
0xbc: {  	s10 =	sshll.u32 s26, $0x1;
	[dreg:$0x1] =	wrdreg $0xFFFFFFFF  }
0xbd: {  	s8 =	sadd.s32 s8, s10;
	[dreg:$0x0] =	wrdreg $0x60  }
0xbe: {  	[dreg:$0x2] =	wrdreg s8  }
0xbf: {  	[dreg:$0x3] =	wrdreg s5  }
0xc0: {  	[dreg:$0x4] =	wrdreg s22  }
0xc1: {  	[dreg:$0x5] =	wrdreg $0xC  }
0xc2: {  	_ =	task.clear_ibuf [dreg:s20], $0x6FFFF;
	_ =	strace $0x9000005B  }
0xc3: {  	s28 =	simm.s32 $0xC;
	_ =	strace $0x8000005D  }
0xc4: {  	_ =	swait.ge [sflag:s28], $0x1  }
0xc5: {  	[sflag:s28] =	ssyncadd.s32 $0xFFFFFFFF  }
0xc6: {  	_ =	strace $0x9000005D  }
0xc7: {  	s5 =	sld [smem:$0x0];
	_ =	sdelay $0x3  }
0xc8: {  	s6 =	sadd.s32 @p0 $0x11BF3, s6;
	s8 =	sshll.u32 @p0 s5, $0x11  }
0xc9: {  	s6 =	sor.u32 @p0 s8, s6  }
0xca: {  	[sflag:s6] =	ssyncadd.remote.s32 @p0 $0x1;
	_ =	sdelay $0x1  }
0xcb: {  	s6 =	simm.s32 @p0 $0x1BF3  }
0xcc: {  	_ =	swait.eq @p0 [sflag:s6], $0x1  }
0xcd: {  	[sflag:s6] =	ssyncadd.s32 @p0 $0xFFFFFFFF;
	_ =	sdelay $0x1  }
0xce: {  	s6 =	simm.s32 @!p0 $0x1BF3  }
0xcf: {  	s5 =	sshll.u32 @!p0 s5, $0x11;
	s8 =	sadd.s32 @!p0 $0x11BF3, s9;
	_ =	swait.eq @!p0 [sflag:s6], $0x1  }
0xd0: {  	s5 =	sor.u32 @!p0 s5, s8;
	[sflag:s6] =	ssyncadd.s32 @!p0 $0xFFFFFFFF  }
0xd1: {  	[sflag:s5] =	ssyncadd.remote.s32 @!p0 $0x1  }
0xd2: {  	_ =	strace $0x8000005E;
	[dreg:$0x1] =	wrdreg $0xFFFFFFFF  }
0xd3: {  	[dreg:$0x0] =	wrdreg $0x2030  }
0xd4: {  	[dreg:$0x2] =	wrdreg s22  }
0xd5: {  	[dreg:$0x3] =	wrdreg s13  }
0xd6: {  	[dreg:$0x4] =	wrdreg s1  }
0xd7: {  	[dreg:$0x5] =	wrdreg s4  }
0xd8: {  	[dreg:$0x6] =	wrdreg $0xD  }
0xd9: {  	_ =	task.clear_ibuf [dreg:s20], $0x7FFFF;
	_ =	strace $0x9000005E  }
0xda: {  	s29 =	simm.s32 $0xD;
	_ =	strace $0x80000060  }
0xdb: {  	_ =	swait.ge [sflag:s29], $0x1  }
0xdc: {  	[sflag:s29] =	ssyncadd.s32 $0xFFFFFFFF  }
0xdd: {  	_ =	strace $0x90000060  }
0xde: {  	_ =	sfence  }
0xdf: {  	s30 =	sld [smem:$0x0];
	_ =	sdelay $0x2  }
0xe0: {  	s31 =	sshll.u32 s1, $0xD;
	s1 =	sshrl.u32 s1, $0x2  }
0xe1: {  	s4 =	sand.u32 $0x4000, s31;
	s1 =	sadd.s32 s1, s30  }
0xe2: {  	s0 =	sor.u32 s4, s0;
	s1 =	sshll.u32 s1, $0x11  }
0xe3: {  	s0 =	sor.u32 s1, s0  }
0xe4: {  	s0 =	sadd.s32 $0x8F2B, s0  }
0xe5: {  	[sflag:s0] =	ssyncadd.remote.s32 $0x1  }
0xe6: {  	_ =	sfence.sel $0xFFFF  }
0xe7: {  	[dreg:$0x0] =	wrdreg $0xFFFFFFFF;
	(pc) =	sbr.abs _section_cstart, $3  }
0xe8: {  	[dreg:$0x1] =	wrdreg $0xFFFFFFFF  }
0xe9: {  	_ =	task.clear_ibuf [dreg:s20], $0x2FFFF;
	_ =	strace $0x9FFFFFFF  }
0xea: {  	(tm) =	ssettm $0x7FFFFFFF  }
0xeb: {  	_ =	shalt  }
tec
execute0_lowered:
.L_overlay_start_1:
0x0: {  	(tag) =	ssettag $0x1  }
0x1: {  	s3 =	rddreg [dreg:$0x0]  }
0x2: {  	s2 =	rddreg [dreg:$0x1]  }
0x3: {  	s5 =	rddreg [dreg:$0x2]  }
0x4: {  	s0 =	rddreg [dreg:$0x3];
	s4 =	stileid.u32  }
0x5: {  	[bflag:$0x3] =	sbarrier.arrive $0xFFFF;
	s1 =	simm.s32 $_size_execute1_lowered;
	s29 =	srdreg.scid  }
0x6: {  	s30 =	simm.s32 $0x2;
	s13 =	simm.s32 $0x0;
	p0 =	sne.s32 s4, $0x0  }
0x7: {  	s1 =	sshll.u32 s1, $0x1;
	s6 =	simm.s32 @!p0 $0x1C3F;
	s7 =	simm.s32 @!p0 $0x4060  }
0x8: {  	[timem:s7], [sflag:s6] =	dma.local @!p0 [hbm:s3], s1  }
0x9: {  	s8 =	simm.s32 $0x20;
	s9 =	simm.s32 $0x80;
	s3 =	sshll.u32 s29, $0x9  }
.Ltmp0:
0xa: {  	s4 =	sshll.u32 s4, $0xA;
	s3 =	sand.u32 $0x200, s3;
	(pc) =	sbr.rel .LBB2_1-.Ltmp0, $4  }
0xb: {  	s11 =	simm.s32 $0x0;
	s12 =	simm.s32 $0x0;
	s3 =	sor.u32 s4, s3  }
0xc: {  	_ =	strace $0x8000005C;
	s4 =	simm.s32 $0x1;
	s31 =	ssub.s32 $0x4E00, s3  }
0xd: {  	s5 =	sadd.s32 $0x1939C00, s5;
	[sflag:s4] =	ssyncpa.u1 $0x0;
	s6 =	sshrl.u32 s31, $0xE  }
0xe: {  	s10 =	smov.u32 s3;
	[sflag:s30] =	ssyncpa.u1 $0x0;
	s7 =	sor.u32 $0x2, s6  }
.LBB2_5:
0xf: {  	_ =	sdelay $0x3  }
0x10: {  	[tilespmem:v1+s16+$0x0 ss:$0x1] =	vst.idx.msk $0xffff, v2  }
0x11: {  	[tilespmem:v1+s17+$0x0 ss:$0x1] =	vst.idx.msk $0xffff, v3  }
.LBB2_6:
0x12: {  	s16 =	sand.u32 $0x1FFFFFF, s11  }
0x13: {  	s17 =	smulhi.u32 $0x1A36E2F, s16;
	_ =	sdelay $0x1  }
0x14: {  	s17 =	sshrl.u32 s17, $0x7  }
0x15: {  	s17 =	smul.u32 $0x4E20, s17;
	_ =	sdelay $0x1  }
0x16: {  	s16 =	ssub.s32 s16, s17  }
0x17: {  	s16 =	sshll.u32 s16, $0x4  }
0x18: {  	s16 =	sadd.s32 s5, s16  }
0x19: {  	[hbm4b:s16+s8] =	stream.strided.scatter [tilespmem:s15], [sflag:$0x2], s14, s9, s8, $0x38;
	[tilespmem:$0x10000] =	vst v63  }
.LBB2_7:
0x1a: {  	p1 =	slt.u32 s12, $0x2  }
0x1b: {  	p2 =	sgt.s32 @!p1 s13, $0x4C20  }
0x1c: {  	s14 =	smov.u32 s13;
	s15 =	sshra.s32 @!p1 s13, $0x1F;
	p2 =	por !p2, p1  }
0x1d: {  	s13 =	sand.u32 @!p1 s15, s13;
	s14 =	simm.s32 @p2 $0x4C20  }
0x1e: {  	s13 =	ssub.s32 @!p1 s14, s13  }
0x1f: {  	s13 =	sadd.s32 @!p1 $0xFFFFB3E0, s13  }
0x20: {  	s14 =	sshll.u32 @!p1 s13, $0x7  }
0x21: {  	p2 =	sgt.s32 @!p1 s13, $0x1FF;
	s13 =	ssub.s32 @!p1 $0x10000, s14  }
0x22: {  	s15 =	sadd.s32 $0x4000, s10;
	p2 =	por !p2, p1;
	s13 =	sshrl.u32 @!p1 s13, $0x2  }
0x23: {  	s13 =	simm.s32 @!p2 $0x0;
	p2 =	sgt.s32 s15, $0x4E1F  }
0x24: {  	s15 =	smov.u32 @p2 s3;
	p2 =	sne.s32 s12, s7  }
.Ltmp1:
0x25: {  	_ = 	snop;
	(pc) =	sbr.rel @!p2 .LBB2_8-.Ltmp1, $4  }
0x26: {  	s14 =	simm.s32 @!p1 $0x2  }
0x27: {  	_ =	swait.ge @!p1 [sflag:s14], s13;
	s16 =	ssub.s32 @!p1 $0x0, s13  }
0x28: {  	s13 =	smov.u32 s11;
	s12 =	sadd.s32 $0x1, s12;
	[sflag:s14] =	ssyncset.done @!p1 $0x0  }
0x29: {  	s11 =	smov.u32 s10;
	s10 =	smov.u32 s15;
	[sflag:s14] =	ssyncadd.s32 @!p1 s16  }
.LBB2_1:
0x2a: {  	p1 =	sgt.u32 s12, s6  }
0x2b: {  	s15 =	smov.u32 s10;
	p2 =	sgt.s32 @!p1 s10, $0x4C20  }
0x2c: {  	s14 =	sand.u32 @!p1 $0x1FFFFFF, s10;
	s16 =	sshra.s32 @!p1 s10, $0x1F;
	p2 =	por !p2, p1  }
0x2d: {  	s17 =	smulhi.u32 @!p1 $0x1A36E2F, s14;
	s16 =	sand.u32 @!p1 s16, s10;
	s15 =	simm.s32 @p2 $0x4C20  }
0x2e: {  	s15 =	ssub.s32 @!p1 s15, s16  }
0x2f: {  	s16 =	sshrl.u32 @!p1 s17, $0x7;
	s15 =	sadd.s32 @!p1 $0xFFFFB3E0, s15  }
0x30: {  	s17 =	sxor.u32 @!p1 $0xFFFFFFFF, s12;
	s16 =	smul.u32 @!p1 $0x4E20, s16;
	s18 =	sshll.u32 @!p1 s15, $0x7  }
0x31: {  	s17 =	sshll.u32 @!p1 s17, $0xE;
	p2 =	sgt.s32 @!p1 s15, $0x1FF;
	s15 =	ssub.s32 @!p1 $0x10000, s18  }
0x32: {  	s14 =	ssub.s32 @!p1 s14, s16;
	p2 =	por !p2, p1;
	s16 =	sand.u32 @!p1 $0x4000, s17  }
0x33: {  	s17 =	simm.s32 @!p1 $0x20;
	s15 =	sshrl.u32 @!p1 s15, $0x2;
	s14 =	sshll.u32 @!p1 s14, $0x4  }
0x34: {  	s18 =	simm.s32 @!p1 $0x80;
	s15 =	simm.s32 @!p2 $0x0;
	s14 =	sadd.s32 @!p1 s2, s14  }
0x35: {  	[tilespmem:s16], [sflag:$0x1] =	stream.strided.gather @!p1 [hbm4b:s14+s17], s15, s18, s17, $0x38;
	[tilespmem:$0x10000] =	vst v63  }
0x36: {  	p1 =	seq.s32 s12, $0x0  }
0x37: {  	p2 =	sge.u32 @!p1 s12, s7  }
0x38: {  	p1 =	por p1, p2  }
.Ltmp2:
0x39: {  	_ = 	snop;
	(pc) =	sbr.rel @p1 .LBB2_7-.Ltmp2, $1  }
0x3a: {  	_ =	sdelay $0x3  }
0x3b: {  	p1 =	sgt.s32 s11, $0x4C20;
	s14 =	smov.u32 s11;
	s15 =	sshra.s32 s11, $0x1F  }
0x3c: {  	s14 =	simm.s32 @!p1 $0x4C20;
	s15 =	sand.u32 s15, s11  }
0x3d: {  	s14 =	ssub.s32 s14, s15  }
0x3e: {  	s14 =	sadd.s32 $0xFFFFB3E0, s14  }
0x3f: {  	s31 =	sshll.u32 s14, $0x7  }
0x40: {  	s15 =	ssub.s32 $0x10000, s31  }
0x41: {  	p1 =	sgt.s32 s14, $0x1FF;
	s14 =	sshrl.u32 s15, $0x2;
	s15 =	sadd.s32 $0x200, s11  }
0x42: {  	s14 =	simm.s32 @p1 $0x0;
	p1 =	slt.s32 s15, $0x4E20  }
0x43: {  	s15 =	simm.s32 @!p1 $0x4E20  }
0x44: {  	s18 =	ssub.s32 s15, s11  }
0x45: {  	p1 =	slt.s32 s18, $0x1  }
.Ltmp3:
0x46: {  	_ = 	snop;
	(pc) =	sbr.rel @p1 .LBB2_6-.Ltmp3, $4  }
0x47: {  	_ = 	snop  }
0x48: {  	s16 =	sshll.u32 s12, $0xE;
	_ =	swait.ge [sflag:s4], s14  }
0x49: {  	s16 =	sand.u32 $0x4000, s16;
	s17 =	ssub.s32 $0x0, s14;
	[sflag:s4] =	ssyncset.done $0x0  }
0x4a: {  	s15 =	sor.u32 $0x8000, s16;
	[sflag:s4] =	ssyncadd.s32 s17  }
0x4b: {  	v0 =	vmov s16;
	_ =	sdelay $0x2  }
0x4c: {  	s31 =	simm.s32 $0x0;
	p1 =	sne.s32 s18, $0x1  }
.Ltmp4:
0x4d: {  	s16 =	sand.u32 $0x3FE0, s31;
	(pc) =	sbr.rel @!p1 .LBB2_5-.Ltmp4, $3  }
0x4e: {  	v1 =	vmov s15;
	s17 =	sor.u32 $0x10, s16;
	v2 =	vld.idx.msk [tilespmem:v0+s16+$0x0 ss:$0x1], $0xffff  }
0x4f: {  	v3 =	vld.idx.msk [tilespmem:v0+s17+$0x0 ss:$0x1], $0xffff;
	_ =	sdelay $0x1  }
0x50: {  	s18 =	sadd.s32 $0xFFFFFFFF, s18;
	s19 =	simm.s32 $0x20  }
.LBB2_4:
0x51: {  	s20 =	sand.u32 $0x3FE0, s19;
	p1 =	sne.s32 s18, $0x1;
	s18 =	sadd.s32 $0xFFFFFFFF, s18  }
.Ltmp5:
0x52: {  	s21 =	sor.u32 $0x10, s20;
	[tilespmem:v1+s16+$0x0 ss:$0x1] =	vst.idx.msk $0xffff, v2;
	v2 =	vld.idx.msk [tilespmem:v0+s20+$0x0 ss:$0x1], $0xffff;
	s16 =	smov.u32 s20;
	(pc) =	sbr.rel @p1 .LBB2_4-.Ltmp5, $2  }
0x53: {  	[tilespmem:v1+s17+$0x0 ss:$0x1] =	vst.idx.msk $0xffff, v3;
	v3 =	vld.idx.msk [tilespmem:v0+s21+$0x0 ss:$0x1], $0xffff;
	s17 =	smov.u32 s21;
	_ =	sdelay $0x2  }
0x54: {  	s19 =	sadd.s32 $0x20, s19  }
.Ltmp6:
0x55: {  	_ = 	snop;
	(pc) =	sbr.rel .LBB2_5-.Ltmp6, $1  }
0x56: {  	_ =	sdelay $0x3  }
.LBB2_8:
0x57: {  	_ =	sfence.sel $0x180000  }
0x58: {  	s2 =	simm.s32 $0x1;
	[bflag:$0x0] =	sbarrier.arrive $0xFFFF  }
0x59: {  	s31 =	simm.s32 $0x2;
	[sflag:s2] =	ssyncpa.u1 $0x1  }
0x5a: {  	[sflag:s31] =	ssyncpa.u1 $0x1  }
0x5b: {  	_ =	strace $0x9000005C  }
0x5c: {  	s0 =	sadd.s32 @!p0 $0x100000, s0;
	[bflag:$0x2] =	sbarrier.arrive $0xFFFF  }
0x5d: {  	[sflag:s0] =	ssyncadd.tile.s32 @!p0 $0x1;
	s0 =	simm.s32 @!p0 $0x3F  }
0x5e: {  	_ =	swait.ge @!p0 [sflag:s0], s1  }
0x5f: {  	s1 =	ssub.s32 @!p0 $0x0, s1;
	[sflag:s0] =	ssyncset.done @!p0 $0x0  }
0x60: {  	[sflag:s0] =	ssyncadd.s32 @!p0 s1  }
0x61: {  	[bflag:$0x3] =	sbarrier.arrive $0xFFFF  }
0x62: {  	_ =	shalt  }
.Lfunc_end2:
execute1_lowered:
.L_overlay_start_2:
0x63: {  	(tag) =	ssettag $0x2  }
0x64: {  	s6 =	rddreg [dreg:$0x0]  }
0x65: {  	s3 =	rddreg [dreg:$0x1]  }
0x66: {  	s2 =	rddreg [dreg:$0x2]  }
0x67: {  	s1 =	rddreg [dreg:$0x3];
	_ =	strace $0x8000005F;
	s4 =	simm.s32 $0x1  }
0x68: {  	v0 =	vimm.s32 $0x0;
	[sflag:s4] =	ssyncpa.u1 $0x0  }
0x69: {  	[tilespmem:$0x48] =	vst v0  }
0x6a: {  	[tilespmem:$0x58] =	vst v0  }
0x6b: {  	[tilespmem:$0x68] =	vst v0  }
0x6c: {  	[tilespmem:$0x78] =	vst v0  }
0x6d: {  	[tilespmem:$0x88] =	vst v0  }
0x6e: {  	[tilespmem:$0x98] =	vst v0  }
0x6f: {  	[tilespmem:$0xA8] =	vst v0  }
0x70: {  	[tilespmem:$0xB8] =	vst v0  }
0x71: {  	[tilespmem:$0xC8] =	vst v0  }
0x72: {  	[tilespmem:$0xD8] =	vst v0  }
0x73: {  	[tilespmem:$0xE8] =	vst v0  }
0x74: {  	[tilespmem:$0xF8] =	vst v0  }
0x75: {  	[tilespmem:$0x108] =	vst v0  }
0x76: {  	[tilespmem:$0x118] =	vst v0  }
0x77: {  	[tilespmem:$0x128] =	vst v0  }
0x78: {  	[tilespmem:$0x138] =	vst v0  }
0x79: {  	[tilespmem:$0x148] =	vst v0  }
0x7a: {  	[tilespmem:$0x158] =	vst v0  }
0x7b: {  	[tilespmem:$0x168] =	vst v0  }
0x7c: {  	[tilespmem:$0x178] =	vst v0  }
0x7d: {  	[tilespmem:$0x188] =	vst v0  }
0x7e: {  	[tilespmem:$0x198] =	vst v0  }
0x7f: {  	[tilespmem:$0x1A8] =	vst v0  }
0x80: {  	[tilespmem:$0x1B8] =	vst v0  }
0x81: {  	[tilespmem:$0x1C8] =	vst v0  }
0x82: {  	[tilespmem:$0x1D8] =	vst v0  }
0x83: {  	[tilespmem:$0x1E8] =	vst v0  }
0x84: {  	[tilespmem:$0x1F8] =	vst v0  }
0x85: {  	[tilespmem:$0x208] =	vst v0  }
0x86: {  	[tilespmem:$0x218] =	vst v0  }
0x87: {  	[tilespmem:$0x228] =	vst v0  }
0x88: {  	[tilespmem:$0x238] =	vst v0  }
0x89: {  	[tilespmem:$0x248] =	vst v0  }
0x8a: {  	[tilespmem:$0x258] =	vst v0  }
0x8b: {  	[tilespmem:$0x268] =	vst v0  }
0x8c: {  	[tilespmem:$0x278] =	vst v0  }
0x8d: {  	[tilespmem:$0x288] =	vst v0  }
0x8e: {  	[tilespmem:$0x298] =	vst v0  }
0x8f: {  	[tilespmem:$0x2A8] =	vst v0  }
0x90: {  	[tilespmem:$0x2B8] =	vst v0  }
0x91: {  	[tilespmem:$0x2C8] =	vst v0  }
0x92: {  	[tilespmem:$0x2D8] =	vst v0  }
0x93: {  	[tilespmem:$0x2E8] =	vst v0  }
0x94: {  	[tilespmem:$0x2F8] =	vst v0  }
0x95: {  	[tilespmem:$0x308] =	vst v0  }
0x96: {  	[tilespmem:$0x318] =	vst v0  }
0x97: {  	[tilespmem:$0x328] =	vst v0  }
0x98: {  	[tilespmem:$0x338] =	vst v0  }
0x99: {  	[tilespmem:$0x348] =	vst v0  }
0x9a: {  	[tilespmem:$0x358] =	vst v0  }
0x9b: {  	[tilespmem:$0x368] =	vst v0  }
0x9c: {  	[tilespmem:$0x378] =	vst v0  }
0x9d: {  	[tilespmem:$0x388] =	vst v0  }
0x9e: {  	[tilespmem:$0x398] =	vst v0  }
0x9f: {  	[tilespmem:$0x3A8] =	vst v0  }
0xa0: {  	[tilespmem:$0x3B8] =	vst v0  }
0xa1: {  	[tilespmem:$0x3C8] =	vst v0  }
0xa2: {  	[tilespmem:$0x3D8] =	vst v0  }
0xa3: {  	[tilespmem:$0x3E8] =	vst v0  }
0xa4: {  	[tilespmem:$0x3F8] =	vst v0  }
0xa5: {  	[tilespmem:$0x408] =	vst v0  }
0xa6: {  	[tilespmem:$0x418] =	vst v0  }
0xa7: {  	[tilespmem:$0x428] =	vst v0  }
0xa8: {  	[tilespmem:$0x438] =	vst v0  }
0xa9: {  	[tilespmem:$0x448] =	vst v0  }
0xaa: {  	[tilespmem:$0x458] =	vst v0  }
0xab: {  	[tilespmem:$0x468] =	vst v0  }
0xac: {  	[tilespmem:$0x478] =	vst v0  }
0xad: {  	[tilespmem:$0x488] =	vst v0  }
0xae: {  	[tilespmem:$0x498] =	vst v0  }
0xaf: {  	[tilespmem:$0x4A8] =	vst v0  }
0xb0: {  	[tilespmem:$0x4B8] =	vst v0  }
0xb1: {  	[tilespmem:$0x4C8] =	vst v0  }
0xb2: {  	[tilespmem:$0x4D8] =	vst v0  }
0xb3: {  	[tilespmem:$0x4E8] =	vst v0  }
0xb4: {  	[tilespmem:$0x4F8] =	vst v0  }
0xb5: {  	[tilespmem:$0x508] =	vst v0  }
0xb6: {  	[tilespmem:$0x518] =	vst v0  }
0xb7: {  	[tilespmem:$0x528] =	vst v0  }
0xb8: {  	[tilespmem:$0x538] =	vst v0  }
0xb9: {  	[tilespmem:$0x548] =	vst v0  }
0xba: {  	[tilespmem:$0x558] =	vst v0  }
0xbb: {  	[tilespmem:$0x568] =	vst v0  }
0xbc: {  	[tilespmem:$0x578] =	vst v0  }
0xbd: {  	[tilespmem:$0x588] =	vst v0  }
0xbe: {  	[tilespmem:$0x598] =	vst v0  }
0xbf: {  	[tilespmem:$0x5A8] =	vst v0  }
0xc0: {  	[tilespmem:$0x5B8] =	vst v0  }
0xc1: {  	[tilespmem:$0x5C8] =	vst v0  }
0xc2: {  	[tilespmem:$0x5D8] =	vst v0  }
0xc3: {  	[tilespmem:$0x5E8] =	vst v0  }
0xc4: {  	[tilespmem:$0x5F8] =	vst v0  }
0xc5: {  	[tilespmem:$0x608] =	vst v0  }
0xc6: {  	[tilespmem:$0x618] =	vst v0  }
0xc7: {  	[tilespmem:$0x628] =	vst v0  }
0xc8: {  	[tilespmem:$0x638] =	vst v0  }
0xc9: {  	[tilespmem:$0x648] =	vst v0  }
0xca: {  	[tilespmem:$0x658] =	vst v0  }
0xcb: {  	[tilespmem:$0x668] =	vst v0  }
0xcc: {  	[tilespmem:$0x678] =	vst v0  }
0xcd: {  	[tilespmem:$0x688] =	vst v0  }
0xce: {  	[tilespmem:$0x698] =	vst v0  }
0xcf: {  	[tilespmem:$0x6A8] =	vst v0  }
0xd0: {  	[tilespmem:$0x6B8] =	vst v0  }
0xd1: {  	[tilespmem:$0x6C8] =	vst v0  }
0xd2: {  	[tilespmem:$0x6D8] =	vst v0  }
0xd3: {  	[tilespmem:$0x6E8] =	vst v0  }
0xd4: {  	[tilespmem:$0x6F8] =	vst v0  }
0xd5: {  	[tilespmem:$0x708] =	vst v0  }
0xd6: {  	[tilespmem:$0x718] =	vst v0  }
0xd7: {  	[tilespmem:$0x728] =	vst v0  }
0xd8: {  	[tilespmem:$0x738] =	vst v0  }
0xd9: {  	[tilespmem:$0x748] =	vst v0  }
0xda: {  	[tilespmem:$0x758] =	vst v0  }
0xdb: {  	[tilespmem:$0x768] =	vst v0  }
0xdc: {  	[tilespmem:$0x778] =	vst v0  }
0xdd: {  	[tilespmem:$0x788] =	vst v0  }
0xde: {  	[tilespmem:$0x798] =	vst v0  }
0xdf: {  	[tilespmem:$0x7A8] =	vst v0  }
0xe0: {  	[tilespmem:$0x7B8] =	vst v0  }
0xe1: {  	[tilespmem:$0x7C8] =	vst v0  }
0xe2: {  	[tilespmem:$0x7D8] =	vst v0  }
0xe3: {  	[tilespmem:$0x7E8] =	vst v0  }
0xe4: {  	[tilespmem:$0x7F8] =	vst v0  }
0xe5: {  	[tilespmem:$0x808] =	vst v0  }
0xe6: {  	[tilespmem:$0x818] =	vst v0  }
0xe7: {  	[tilespmem:$0x828] =	vst v0  }
0xe8: {  	[tilespmem:$0x838] =	vst v0  }
0xe9: {  	[tilespmem:$0x848] =	vst v0  }
0xea: {  	[tilespmem:$0x858] =	vst v0  }
0xeb: {  	[tilespmem:$0x868] =	vst v0  }
0xec: {  	[tilespmem:$0x878] =	vst v0  }
0xed: {  	[tilespmem:$0x888] =	vst v0  }
0xee: {  	[tilespmem:$0x898] =	vst v0  }
0xef: {  	[tilespmem:$0x8A8] =	vst v0  }
0xf0: {  	[tilespmem:$0x8B8] =	vst v0  }
0xf1: {  	[tilespmem:$0x8C8] =	vst v0  }
0xf2: {  	[tilespmem:$0x8D8] =	vst v0  }
0xf3: {  	[tilespmem:$0x8E8] =	vst v0  }
0xf4: {  	[tilespmem:$0x8F8] =	vst v0  }
0xf5: {  	[tilespmem:$0x908] =	vst v0  }
0xf6: {  	[tilespmem:$0x918] =	vst v0  }
0xf7: {  	[tilespmem:$0x928] =	vst v0  }
0xf8: {  	[tilespmem:$0x938] =	vst v0  }
0xf9: {  	[tilespmem:$0x948] =	vst v0  }
0xfa: {  	[tilespmem:$0x958] =	vst v0  }
0xfb: {  	[tilespmem:$0x968] =	vst v0  }
0xfc: {  	[tilespmem:$0x978] =	vst v0  }
0xfd: {  	[tilespmem:$0x988] =	vst v0  }
0xfe: {  	[tilespmem:$0x998] =	vst v0  }
0xff: {  	[tilespmem:$0x9A8] =	vst v0  }
0x100: {  	[tilespmem:$0x9B8] =	vst v0  }
0x101: {  	[tilespmem:$0x9C8] =	vst v0  }
0x102: {  	[tilespmem:$0x9D8] =	vst v0  }
0x103: {  	[tilespmem:$0x9E8] =	vst v0  }
0x104: {  	[tilespmem:$0x9F8] =	vst v0  }
0x105: {  	[tilespmem:$0xA08] =	vst v0  }
0x106: {  	[tilespmem:$0xA18] =	vst v0  }
0x107: {  	[tilespmem:$0xA28] =	vst v0  }
0x108: {  	[tilespmem:$0xA38] =	vst v0  }
0x109: {  	[tilespmem:$0xA48] =	vst v0  }
0x10a: {  	[tilespmem:$0xA58] =	vst v0  }
0x10b: {  	[tilespmem:$0xA68] =	vst v0  }
0x10c: {  	[tilespmem:$0xA78] =	vst v0  }
0x10d: {  	[tilespmem:$0xA88] =	vst v0  }
0x10e: {  	[tilespmem:$0xA98] =	vst v0  }
0x10f: {  	[tilespmem:$0xAA8] =	vst v0  }
0x110: {  	[tilespmem:$0xAB8] =	vst v0  }
0x111: {  	[tilespmem:$0xAC8] =	vst v0  }
0x112: {  	[tilespmem:$0xAD8] =	vst v0  }
0x113: {  	[tilespmem:$0xAE8] =	vst v0  }
0x114: {  	[tilespmem:$0xAF8] =	vst v0  }
0x115: {  	[tilespmem:$0xB08] =	vst v0  }
0x116: {  	[tilespmem:$0xB18] =	vst v0  }
0x117: {  	[tilespmem:$0xB28] =	vst v0  }
0x118: {  	[tilespmem:$0xB38] =	vst v0  }
0x119: {  	[tilespmem:$0xB48] =	vst v0  }
0x11a: {  	[tilespmem:$0xB58] =	vst v0  }
0x11b: {  	[tilespmem:$0xB68] =	vst v0  }
0x11c: {  	[tilespmem:$0xB78] =	vst v0  }
0x11d: {  	[tilespmem:$0xB88] =	vst v0  }
0x11e: {  	[tilespmem:$0xB98] =	vst v0  }
0x11f: {  	[tilespmem:$0xBA8] =	vst v0  }
0x120: {  	[tilespmem:$0xBB8] =	vst v0  }
0x121: {  	[tilespmem:$0xBC8] =	vst v0  }
0x122: {  	[tilespmem:$0xBD8] =	vst v0  }
0x123: {  	[tilespmem:$0xBE8] =	vst v0  }
0x124: {  	[tilespmem:$0xBF8] =	vst v0  }
0x125: {  	[tilespmem:$0xC08] =	vst v0  }
0x126: {  	[tilespmem:$0xC18] =	vst v0  }
0x127: {  	[tilespmem:$0xC28] =	vst v0  }
0x128: {  	[tilespmem:$0xC38] =	vst v0  }
0x129: {  	[tilespmem:$0xC48] =	vst v0  }
0x12a: {  	[tilespmem:$0xC58] =	vst v0  }
0x12b: {  	[tilespmem:$0xC68] =	vst v0  }
0x12c: {  	[tilespmem:$0xC78] =	vst v0  }
0x12d: {  	[tilespmem:$0xC88] =	vst v0  }
0x12e: {  	[tilespmem:$0xC98] =	vst v0  }
0x12f: {  	[tilespmem:$0xCA8] =	vst v0  }
0x130: {  	[tilespmem:$0xCB8] =	vst v0  }
0x131: {  	[tilespmem:$0xCC8] =	vst v0  }
0x132: {  	[tilespmem:$0xCD8] =	vst v0  }
0x133: {  	[tilespmem:$0xCE8] =	vst v0  }
0x134: {  	[tilespmem:$0xCF8] =	vst v0  }
0x135: {  	[tilespmem:$0xD08] =	vst v0  }
0x136: {  	[tilespmem:$0xD18] =	vst v0  }
0x137: {  	[tilespmem:$0xD28] =	vst v0  }
0x138: {  	[tilespmem:$0xD38] =	vst v0  }
0x139: {  	[tilespmem:$0xD48] =	vst v0  }
0x13a: {  	[tilespmem:$0xD58] =	vst v0  }
0x13b: {  	[tilespmem:$0xD68] =	vst v0  }
0x13c: {  	[tilespmem:$0xD78] =	vst v0  }
0x13d: {  	[tilespmem:$0xD88] =	vst v0  }
0x13e: {  	[tilespmem:$0xD98] =	vst v0  }
0x13f: {  	[tilespmem:$0xDA8] =	vst v0  }
0x140: {  	[tilespmem:$0xDB8] =	vst v0  }
0x141: {  	[tilespmem:$0xDC8] =	vst v0  }
0x142: {  	[tilespmem:$0xDD8] =	vst v0  }
0x143: {  	[tilespmem:$0xDE8] =	vst v0  }
0x144: {  	[tilespmem:$0xDF8] =	vst v0  }
0x145: {  	[tilespmem:$0xE08] =	vst v0  }
0x146: {  	[tilespmem:$0xE18] =	vst v0  }
0x147: {  	[tilespmem:$0xE28] =	vst v0  }
0x148: {  	[tilespmem:$0xE38] =	vst v0  }
0x149: {  	[tilespmem:$0xE48] =	vst v0  }
0x14a: {  	[tilespmem:$0xE58] =	vst v0  }
0x14b: {  	[tilespmem:$0xE68] =	vst v0  }
0x14c: {  	[tilespmem:$0xE78] =	vst v0  }
0x14d: {  	[tilespmem:$0xE88] =	vst v0  }
0x14e: {  	[tilespmem:$0xE98] =	vst v0  }
0x14f: {  	[tilespmem:$0xEA8] =	vst v0  }
0x150: {  	[tilespmem:$0xEB8] =	vst v0  }
0x151: {  	[tilespmem:$0xEC8] =	vst v0  }
0x152: {  	[tilespmem:$0xED8] =	vst v0  }
0x153: {  	[tilespmem:$0xEE8] =	vst v0  }
0x154: {  	[tilespmem:$0xEF8] =	vst v0  }
0x155: {  	[tilespmem:$0xF08] =	vst v0  }
0x156: {  	[tilespmem:$0xF18] =	vst v0  }
0x157: {  	[tilespmem:$0xF28] =	vst v0  }
0x158: {  	[tilespmem:$0xF38] =	vst v0  }
0x159: {  	[tilespmem:$0xF48] =	vst v0  }
0x15a: {  	[tilespmem:$0xF58] =	vst v0  }
0x15b: {  	[tilespmem:$0xF68] =	vst v0  }
0x15c: {  	[tilespmem:$0xF78] =	vst v0  }
0x15d: {  	[tilespmem:$0xF88] =	vst v0  }
0x15e: {  	[tilespmem:$0xF98] =	vst v0  }
0x15f: {  	[tilespmem:$0xFA8] =	vst v0  }
0x160: {  	[tilespmem:$0xFB8] =	vst v0  }
0x161: {  	[tilespmem:$0xFC8] =	vst v0  }
0x162: {  	[tilespmem:$0xFD8] =	vst v0  }
0x163: {  	[tilespmem:$0xFE8] =	vst v0  }
0x164: {  	[tilespmem:$0xFF8] =	vst v0  }
0x165: {  	[tilespmem:$0x1008] =	vst v0  }
0x166: {  	[tilespmem:$0x1018] =	vst v0  }
0x167: {  	[tilespmem:$0x1028] =	vst v0  }
0x168: {  	[tilespmem:$0x1038] =	vst v0  }
0x169: {  	[tilespmem:$0x1048] =	vst v0  }
0x16a: {  	[tilespmem:$0x1058] =	vst v0  }
0x16b: {  	[tilespmem:$0x1068] =	vst v0  }
0x16c: {  	[tilespmem:$0x1078] =	vst v0  }
0x16d: {  	[tilespmem:$0x1088] =	vst v0  }
0x16e: {  	[tilespmem:$0x1098] =	vst v0  }
0x16f: {  	[tilespmem:$0x10A8] =	vst v0  }
0x170: {  	[tilespmem:$0x10B8] =	vst v0  }
0x171: {  	[tilespmem:$0x10C8] =	vst v0  }
0x172: {  	[tilespmem:$0x10D8] =	vst v0  }
0x173: {  	[tilespmem:$0x10E8] =	vst v0  }
0x174: {  	[tilespmem:$0x10F8] =	vst v0  }
0x175: {  	[tilespmem:$0x1108] =	vst v0  }
0x176: {  	[tilespmem:$0x1118] =	vst v0  }
0x177: {  	[tilespmem:$0x1128] =	vst v0  }
0x178: {  	[tilespmem:$0x1138] =	vst v0  }
0x179: {  	[tilespmem:$0x1148] =	vst v0  }
0x17a: {  	[tilespmem:$0x1158] =	vst v0  }
0x17b: {  	[tilespmem:$0x1168] =	vst v0  }
0x17c: {  	[tilespmem:$0x1178] =	vst v0  }
0x17d: {  	[tilespmem:$0x1188] =	vst v0  }
0x17e: {  	[tilespmem:$0x1198] =	vst v0  }
0x17f: {  	[tilespmem:$0x11A8] =	vst v0  }
0x180: {  	[tilespmem:$0x11B8] =	vst v0  }
0x181: {  	[tilespmem:$0x11C8] =	vst v0  }
0x182: {  	[tilespmem:$0x11D8] =	vst v0  }
0x183: {  	[tilespmem:$0x11E8] =	vst v0  }
0x184: {  	[tilespmem:$0x11F8] =	vst v0  }
0x185: {  	[tilespmem:$0x1208] =	vst v0  }
0x186: {  	[tilespmem:$0x1218] =	vst v0  }
0x187: {  	[tilespmem:$0x1228] =	vst v0  }
0x188: {  	[tilespmem:$0x1238] =	vst v0  }
0x189: {  	[tilespmem:$0x1248] =	vst v0  }
0x18a: {  	[tilespmem:$0x1258] =	vst v0  }
0x18b: {  	[tilespmem:$0x1268] =	vst v0  }
0x18c: {  	[tilespmem:$0x1278] =	vst v0  }
0x18d: {  	[tilespmem:$0x1288] =	vst v0  }
0x18e: {  	[tilespmem:$0x1298] =	vst v0  }
0x18f: {  	[tilespmem:$0x12A8] =	vst v0  }
0x190: {  	[tilespmem:$0x12B8] =	vst v0  }
0x191: {  	[tilespmem:$0x12C8] =	vst v0  }
0x192: {  	[tilespmem:$0x12D8] =	vst v0  }
0x193: {  	[tilespmem:$0x12E8] =	vst v0  }
0x194: {  	[tilespmem:$0x12F8] =	vst v0  }
0x195: {  	[tilespmem:$0x1308] =	vst v0  }
0x196: {  	[tilespmem:$0x1318] =	vst v0  }
0x197: {  	[tilespmem:$0x1328] =	vst v0  }
0x198: {  	[tilespmem:$0x1338] =	vst v0  }
0x199: {  	[tilespmem:$0x1348] =	vst v0  }
0x19a: {  	[tilespmem:$0x1358] =	vst v0  }
0x19b: {  	[tilespmem:$0x1368] =	vst v0  }
0x19c: {  	[tilespmem:$0x1378] =	vst v0  }
0x19d: {  	[tilespmem:$0x1388] =	vst v0  }
0x19e: {  	[tilespmem:$0x1398] =	vst v0  }
0x19f: {  	[tilespmem:$0x13A8] =	vst v0  }
0x1a0: {  	[tilespmem:$0x13B8] =	vst v0  }
0x1a1: {  	[tilespmem:$0x13C8] =	vst v0  }
0x1a2: {  	[tilespmem:$0x13D8] =	vst v0  }
0x1a3: {  	[tilespmem:$0x13E8] =	vst v0  }
0x1a4: {  	[tilespmem:$0x13F8] =	vst v0  }
0x1a5: {  	[tilespmem:$0x1408] =	vst v0  }
0x1a6: {  	[tilespmem:$0x1418] =	vst v0  }
0x1a7: {  	[tilespmem:$0x1428] =	vst v0  }
0x1a8: {  	[tilespmem:$0x1438] =	vst v0  }
0x1a9: {  	[tilespmem:$0x1448] =	vst v0  }
0x1aa: {  	[tilespmem:$0x1458] =	vst v0  }
0x1ab: {  	[tilespmem:$0x1468] =	vst v0  }
0x1ac: {  	[tilespmem:$0x1478] =	vst v0  }
0x1ad: {  	[tilespmem:$0x1488] =	vst v0  }
0x1ae: {  	[tilespmem:$0x1498] =	vst v0  }
0x1af: {  	[tilespmem:$0x14A8] =	vst v0  }
0x1b0: {  	[tilespmem:$0x14B8] =	vst v0  }
0x1b1: {  	[tilespmem:$0x14C8] =	vst v0  }
0x1b2: {  	[tilespmem:$0x14D8] =	vst v0  }
0x1b3: {  	[tilespmem:$0x14E8] =	vst v0  }
0x1b4: {  	[tilespmem:$0x14F8] =	vst v0  }
0x1b5: {  	[tilespmem:$0x1508] =	vst v0  }
0x1b6: {  	[tilespmem:$0x1518] =	vst v0  }
0x1b7: {  	[tilespmem:$0x1528] =	vst v0  }
0x1b8: {  	[tilespmem:$0x1538] =	vst v0  }
0x1b9: {  	[tilespmem:$0x1548] =	vst v0  }
0x1ba: {  	[tilespmem:$0x1558] =	vst v0  }
0x1bb: {  	[tilespmem:$0x1568] =	vst v0  }
0x1bc: {  	[tilespmem:$0x1578] =	vst v0  }
0x1bd: {  	[tilespmem:$0x1588] =	vst v0  }
0x1be: {  	[tilespmem:$0x1598] =	vst v0  }
0x1bf: {  	[tilespmem:$0x15A8] =	vst v0  }
0x1c0: {  	[tilespmem:$0x15B8] =	vst v0  }
0x1c1: {  	[tilespmem:$0x15C8] =	vst v0  }
0x1c2: {  	[tilespmem:$0x15D8] =	vst v0  }
0x1c3: {  	[tilespmem:$0x15E8] =	vst v0  }
0x1c4: {  	[tilespmem:$0x15F8] =	vst v0  }
0x1c5: {  	[tilespmem:$0x1608] =	vst v0  }
0x1c6: {  	[tilespmem:$0x1618] =	vst v0  }
0x1c7: {  	[tilespmem:$0x1628] =	vst v0  }
0x1c8: {  	[tilespmem:$0x1638] =	vst v0  }
0x1c9: {  	[tilespmem:$0x1648] =	vst v0  }
0x1ca: {  	[tilespmem:$0x1658] =	vst v0  }
0x1cb: {  	[tilespmem:$0x1668] =	vst v0  }
0x1cc: {  	[tilespmem:$0x1678] =	vst v0  }
0x1cd: {  	[tilespmem:$0x1688] =	vst v0  }
0x1ce: {  	[tilespmem:$0x1698] =	vst v0  }
0x1cf: {  	[tilespmem:$0x16A8] =	vst v0  }
0x1d0: {  	[tilespmem:$0x16B8] =	vst v0  }
0x1d1: {  	[tilespmem:$0x16C8] =	vst v0  }
0x1d2: {  	[tilespmem:$0x16D8] =	vst v0  }
0x1d3: {  	[tilespmem:$0x16E8] =	vst v0  }
0x1d4: {  	[tilespmem:$0x16F8] =	vst v0  }
0x1d5: {  	[tilespmem:$0x1708] =	vst v0  }
0x1d6: {  	[tilespmem:$0x1718] =	vst v0  }
0x1d7: {  	[tilespmem:$0x1728] =	vst v0  }
0x1d8: {  	[tilespmem:$0x1738] =	vst v0  }
0x1d9: {  	[tilespmem:$0x1748] =	vst v0  }
0x1da: {  	[tilespmem:$0x1758] =	vst v0  }
0x1db: {  	[tilespmem:$0x1768] =	vst v0  }
0x1dc: {  	[tilespmem:$0x1778] =	vst v0  }
0x1dd: {  	[tilespmem:$0x1788] =	vst v0  }
0x1de: {  	[tilespmem:$0x1798] =	vst v0  }
0x1df: {  	[tilespmem:$0x17A8] =	vst v0  }
0x1e0: {  	[tilespmem:$0x17B8] =	vst v0  }
0x1e1: {  	[tilespmem:$0x17C8] =	vst v0  }
0x1e2: {  	[tilespmem:$0x17D8] =	vst v0  }
0x1e3: {  	[tilespmem:$0x17E8] =	vst v0  }
0x1e4: {  	[tilespmem:$0x17F8] =	vst v0  }
0x1e5: {  	[tilespmem:$0x1808] =	vst v0  }
0x1e6: {  	[tilespmem:$0x1818] =	vst v0  }
0x1e7: {  	[tilespmem:$0x1828] =	vst v0  }
0x1e8: {  	[tilespmem:$0x1838] =	vst v0  }
0x1e9: {  	[tilespmem:$0x1848] =	vst v0  }
0x1ea: {  	[tilespmem:$0x1858] =	vst v0  }
0x1eb: {  	[tilespmem:$0x1868] =	vst v0  }
0x1ec: {  	[tilespmem:$0x1878] =	vst v0  }
0x1ed: {  	[tilespmem:$0x1888] =	vst v0  }
0x1ee: {  	[tilespmem:$0x1898] =	vst v0  }
0x1ef: {  	[tilespmem:$0x18A8] =	vst v0  }
0x1f0: {  	[tilespmem:$0x18B8] =	vst v0  }
0x1f1: {  	[tilespmem:$0x18C8] =	vst v0  }
0x1f2: {  	[tilespmem:$0x18D8] =	vst v0  }
0x1f3: {  	[tilespmem:$0x18E8] =	vst v0  }
0x1f4: {  	[tilespmem:$0x18F8] =	vst v0  }
0x1f5: {  	[tilespmem:$0x1908] =	vst v0  }
0x1f6: {  	[tilespmem:$0x1918] =	vst v0  }
0x1f7: {  	[tilespmem:$0x1928] =	vst v0  }
0x1f8: {  	[tilespmem:$0x1938] =	vst v0  }
0x1f9: {  	[tilespmem:$0x1948] =	vst v0  }
0x1fa: {  	[tilespmem:$0x1958] =	vst v0  }
0x1fb: {  	[tilespmem:$0x1968] =	vst v0  }
0x1fc: {  	[tilespmem:$0x1978] =	vst v0  }
0x1fd: {  	[tilespmem:$0x1988] =	vst v0  }
0x1fe: {  	[tilespmem:$0x1998] =	vst v0  }
0x1ff: {  	[tilespmem:$0x19A8] =	vst v0  }
0x200: {  	[tilespmem:$0x19B8] =	vst v0  }
0x201: {  	[tilespmem:$0x19C8] =	vst v0  }
0x202: {  	[tilespmem:$0x19D8] =	vst v0  }
0x203: {  	[tilespmem:$0x19E8] =	vst v0  }
0x204: {  	[tilespmem:$0x19F8] =	vst v0  }
0x205: {  	[tilespmem:$0x1A08] =	vst v0  }
0x206: {  	[tilespmem:$0x1A18] =	vst v0  }
0x207: {  	[tilespmem:$0x1A28] =	vst v0  }
0x208: {  	[tilespmem:$0x1A38] =	vst v0  }
0x209: {  	[tilespmem:$0x1A48] =	vst v0  }
0x20a: {  	[tilespmem:$0x1A58] =	vst v0  }
0x20b: {  	[tilespmem:$0x1A68] =	vst v0  }
0x20c: {  	[tilespmem:$0x1A78] =	vst v0  }
0x20d: {  	[tilespmem:$0x1A88] =	vst v0  }
0x20e: {  	[tilespmem:$0x1A98] =	vst v0  }
0x20f: {  	[tilespmem:$0x1AA8] =	vst v0  }
0x210: {  	[tilespmem:$0x1AB8] =	vst v0  }
0x211: {  	[tilespmem:$0x1AC8] =	vst v0  }
0x212: {  	[tilespmem:$0x1AD8] =	vst v0  }
0x213: {  	[tilespmem:$0x1AE8] =	vst v0  }
0x214: {  	[tilespmem:$0x1AF8] =	vst v0  }
0x215: {  	[tilespmem:$0x1B08] =	vst v0  }
0x216: {  	[tilespmem:$0x1B18] =	vst v0  }
0x217: {  	[tilespmem:$0x1B28] =	vst v0  }
0x218: {  	[tilespmem:$0x1B38] =	vst v0  }
0x219: {  	[tilespmem:$0x1B48] =	vst v0  }
0x21a: {  	[tilespmem:$0x1B58] =	vst v0  }
0x21b: {  	[tilespmem:$0x1B68] =	vst v0  }
0x21c: {  	[tilespmem:$0x1B78] =	vst v0  }
0x21d: {  	[tilespmem:$0x1B88] =	vst v0  }
0x21e: {  	[tilespmem:$0x1B98] =	vst v0  }
0x21f: {  	[tilespmem:$0x1BA8] =	vst v0  }
0x220: {  	[tilespmem:$0x1BB8] =	vst v0  }
0x221: {  	[tilespmem:$0x1BC8] =	vst v0  }
0x222: {  	[tilespmem:$0x1BD8] =	vst v0  }
0x223: {  	[tilespmem:$0x1BE8] =	vst v0  }
0x224: {  	[tilespmem:$0x1BF8] =	vst v0  }
0x225: {  	[tilespmem:$0x1C08] =	vst v0  }
0x226: {  	[tilespmem:$0x1C18] =	vst v0  }
0x227: {  	[tilespmem:$0x1C28] =	vst v0  }
0x228: {  	[tilespmem:$0x1C38] =	vst v0  }
0x229: {  	[tilespmem:$0x1C48] =	vst v0  }
0x22a: {  	[tilespmem:$0x1C58] =	vst v0  }
0x22b: {  	[tilespmem:$0x1C68] =	vst v0  }
0x22c: {  	[tilespmem:$0x1C78] =	vst v0  }
0x22d: {  	[tilespmem:$0x1C88] =	vst v0  }
0x22e: {  	[tilespmem:$0x1C98] =	vst v0  }
0x22f: {  	[tilespmem:$0x1CA8] =	vst v0  }
0x230: {  	[tilespmem:$0x1CB8] =	vst v0  }
0x231: {  	[tilespmem:$0x1CC8] =	vst v0  }
0x232: {  	[tilespmem:$0x1CD8] =	vst v0  }
0x233: {  	[tilespmem:$0x1CE8] =	vst v0  }
0x234: {  	[tilespmem:$0x1CF8] =	vst v0  }
0x235: {  	[tilespmem:$0x1D08] =	vst v0  }
0x236: {  	[tilespmem:$0x1D18] =	vst v0  }
0x237: {  	[tilespmem:$0x1D28] =	vst v0  }
0x238: {  	[tilespmem:$0x1D38] =	vst v0  }
0x239: {  	[tilespmem:$0x1D48] =	vst v0  }
0x23a: {  	[tilespmem:$0x1D58] =	vst v0  }
0x23b: {  	[tilespmem:$0x1D68] =	vst v0  }
0x23c: {  	[tilespmem:$0x1D78] =	vst v0  }
0x23d: {  	[tilespmem:$0x1D88] =	vst v0  }
0x23e: {  	[tilespmem:$0x1D98] =	vst v0  }
0x23f: {  	[tilespmem:$0x1DA8] =	vst v0  }
0x240: {  	[tilespmem:$0x1DB8] =	vst v0  }
0x241: {  	[tilespmem:$0x1DC8] =	vst v0  }
0x242: {  	[tilespmem:$0x1DD8] =	vst v0  }
0x243: {  	[tilespmem:$0x1DE8] =	vst v0  }
0x244: {  	[tilespmem:$0x1DF8] =	vst v0  }
0x245: {  	[tilespmem:$0x1E08] =	vst v0  }
0x246: {  	[tilespmem:$0x1E18] =	vst v0  }
0x247: {  	[tilespmem:$0x1E28] =	vst v0  }
0x248: {  	[tilespmem:$0x1E38] =	vst v0  }
0x249: {  	[tilespmem:$0x1E48] =	vst v0  }
0x24a: {  	[tilespmem:$0x1E58] =	vst v0  }
0x24b: {  	[tilespmem:$0x1E68] =	vst v0  }
0x24c: {  	[tilespmem:$0x1E78] =	vst v0  }
0x24d: {  	[tilespmem:$0x1E88] =	vst v0  }
0x24e: {  	[tilespmem:$0x1E98] =	vst v0  }
0x24f: {  	[tilespmem:$0x1EA8] =	vst v0  }
0x250: {  	[tilespmem:$0x1EB8] =	vst v0  }
0x251: {  	[tilespmem:$0x1EC8] =	vst v0  }
0x252: {  	[tilespmem:$0x1ED8] =	vst v0  }
0x253: {  	[tilespmem:$0x1EE8] =	vst v0  }
0x254: {  	[tilespmem:$0x1EF8] =	vst v0  }
0x255: {  	[tilespmem:$0x1F08] =	vst v0  }
0x256: {  	[tilespmem:$0x1F18] =	vst v0  }
0x257: {  	[tilespmem:$0x1F28] =	vst v0  }
0x258: {  	[tilespmem:$0x1F38] =	vst v0  }
0x259: {  	[tilespmem:$0x1F48] =	vst v0  }
0x25a: {  	[tilespmem:$0x1F58] =	vst v0  }
0x25b: {  	[tilespmem:$0x1F68] =	vst v0  }
0x25c: {  	[tilespmem:$0x1F78] =	vst v0  }
0x25d: {  	[tilespmem:$0x1F88] =	vst v0  }
0x25e: {  	[tilespmem:$0x1F98] =	vst v0  }
0x25f: {  	[tilespmem:$0x1FA8] =	vst v0  }
0x260: {  	[tilespmem:$0x1FB8] =	vst v0  }
0x261: {  	[tilespmem:$0x1FC8] =	vst v0  }
0x262: {  	[tilespmem:$0x1FD8] =	vst v0  }
0x263: {  	[tilespmem:$0x1FE8] =	vst v0  }
0x264: {  	[tilespmem:$0x1FF8] =	vst v0  }
0x265: {  	[tilespmem:$0x2008] =	vst v0  }
0x266: {  	[tilespmem:$0x2018] =	vst v0  }
0x267: {  	[tilespmem:$0x2028] =	vst v0  }
0x268: {  	[tilespmem:$0x2038] =	vst v0  }
0x269: {  	[tilespmem:$0x2048] =	vst v0  }
0x26a: {  	[tilespmem:$0x2058] =	vst v0  }
0x26b: {  	[tilespmem:$0x2068] =	vst v0  }
0x26c: {  	[tilespmem:$0x2078] =	vst v0  }
0x26d: {  	[tilespmem:$0x2088] =	vst v0  }
0x26e: {  	[tilespmem:$0x2098] =	vst v0  }
0x26f: {  	[tilespmem:$0x20A8] =	vst v0  }
0x270: {  	[tilespmem:$0x20B8] =	vst v0  }
0x271: {  	[tilespmem:$0x20C8] =	vst v0  }
0x272: {  	[tilespmem:$0x20D8] =	vst v0  }
0x273: {  	[tilespmem:$0x20E8] =	vst v0  }
0x274: {  	[tilespmem:$0x20F8] =	vst v0  }
0x275: {  	[tilespmem:$0x2108] =	vst v0  }
0x276: {  	[tilespmem:$0x2118] =	vst v0  }
0x277: {  	[tilespmem:$0x2128] =	vst v0  }
0x278: {  	[tilespmem:$0x2138] =	vst v0  }
0x279: {  	[tilespmem:$0x2148] =	vst v0  }
0x27a: {  	[tilespmem:$0x2158] =	vst v0  }
0x27b: {  	[tilespmem:$0x2168] =	vst v0  }
0x27c: {  	[tilespmem:$0x2178] =	vst v0  }
0x27d: {  	[tilespmem:$0x2188] =	vst v0  }
0x27e: {  	[tilespmem:$0x2198] =	vst v0  }
0x27f: {  	[tilespmem:$0x21A8] =	vst v0  }
0x280: {  	[tilespmem:$0x21B8] =	vst v0  }
0x281: {  	[tilespmem:$0x21C8] =	vst v0  }
0x282: {  	[tilespmem:$0x21D8] =	vst v0  }
0x283: {  	[tilespmem:$0x21E8] =	vst v0  }
0x284: {  	[tilespmem:$0x21F8] =	vst v0  }
0x285: {  	[tilespmem:$0x2208] =	vst v0  }
0x286: {  	[tilespmem:$0x2218] =	vst v0  }
0x287: {  	[tilespmem:$0x2228] =	vst v0  }
0x288: {  	[tilespmem:$0x2238] =	vst v0  }
0x289: {  	[tilespmem:$0x2248] =	vst v0  }
0x28a: {  	[tilespmem:$0x2258] =	vst v0  }
0x28b: {  	[tilespmem:$0x2268] =	vst v0  }
0x28c: {  	[tilespmem:$0x2278] =	vst v0  }
0x28d: {  	[tilespmem:$0x2288] =	vst v0  }
0x28e: {  	[tilespmem:$0x2298] =	vst v0  }
0x28f: {  	[tilespmem:$0x22A8] =	vst v0  }
0x290: {  	[tilespmem:$0x22B8] =	vst v0  }
0x291: {  	[tilespmem:$0x22C8] =	vst v0  }
0x292: {  	[tilespmem:$0x22D8] =	vst v0  }
0x293: {  	[tilespmem:$0x22E8] =	vst v0  }
0x294: {  	[tilespmem:$0x22F8] =	vst v0  }
0x295: {  	[tilespmem:$0x2308] =	vst v0  }
0x296: {  	[tilespmem:$0x2318] =	vst v0  }
0x297: {  	[tilespmem:$0x2328] =	vst v0  }
0x298: {  	[tilespmem:$0x2338] =	vst v0  }
0x299: {  	[tilespmem:$0x2348] =	vst v0  }
0x29a: {  	[tilespmem:$0x2428] =	vst v0  }
0x29b: {  	[tilespmem:$0x3258] =	vst v0  }
0x29c: {  	[tilespmem:$0x3248] =	vst v0  }
0x29d: {  	[tilespmem:$0x3238] =	vst v0  }
0x29e: {  	[tilespmem:$0x3228] =	vst v0  }
0x29f: {  	[tilespmem:$0x3218] =	vst v0  }
0x2a0: {  	[tilespmem:$0x3208] =	vst v0  }
0x2a1: {  	[tilespmem:$0x31F8] =	vst v0  }
0x2a2: {  	[tilespmem:$0x31E8] =	vst v0  }
0x2a3: {  	[tilespmem:$0x31D8] =	vst v0  }
0x2a4: {  	[tilespmem:$0x31C8] =	vst v0  }
0x2a5: {  	[tilespmem:$0x31B8] =	vst v0  }
0x2a6: {  	[tilespmem:$0x31A8] =	vst v0  }
0x2a7: {  	[tilespmem:$0x3198] =	vst v0  }
0x2a8: {  	[tilespmem:$0x3188] =	vst v0  }
0x2a9: {  	[tilespmem:$0x3178] =	vst v0  }
0x2aa: {  	[tilespmem:$0x3168] =	vst v0  }
0x2ab: {  	[tilespmem:$0x3158] =	vst v0  }
0x2ac: {  	[tilespmem:$0x3148] =	vst v0  }
0x2ad: {  	[tilespmem:$0x3138] =	vst v0  }
0x2ae: {  	[tilespmem:$0x3128] =	vst v0  }
0x2af: {  	[tilespmem:$0x3118] =	vst v0  }
0x2b0: {  	[tilespmem:$0x3108] =	vst v0  }
0x2b1: {  	[tilespmem:$0x30F8] =	vst v0  }
0x2b2: {  	[tilespmem:$0x30E8] =	vst v0  }
0x2b3: {  	[tilespmem:$0x30D8] =	vst v0  }
0x2b4: {  	[tilespmem:$0x30C8] =	vst v0  }
0x2b5: {  	[tilespmem:$0x30B8] =	vst v0  }
0x2b6: {  	[tilespmem:$0x30A8] =	vst v0  }
0x2b7: {  	[tilespmem:$0x3098] =	vst v0  }
0x2b8: {  	[tilespmem:$0x3088] =	vst v0  }
0x2b9: {  	[tilespmem:$0x3078] =	vst v0  }
0x2ba: {  	[tilespmem:$0x3068] =	vst v0  }
0x2bb: {  	[tilespmem:$0x3058] =	vst v0  }
0x2bc: {  	[tilespmem:$0x3048] =	vst v0  }
0x2bd: {  	[tilespmem:$0x3038] =	vst v0  }
0x2be: {  	[tilespmem:$0x3028] =	vst v0  }
0x2bf: {  	[tilespmem:$0x3018] =	vst v0  }
0x2c0: {  	[tilespmem:$0x3008] =	vst v0  }
0x2c1: {  	[tilespmem:$0x2FF8] =	vst v0  }
0x2c2: {  	[tilespmem:$0x2FE8] =	vst v0  }
0x2c3: {  	[tilespmem:$0x2FD8] =	vst v0  }
0x2c4: {  	[tilespmem:$0x2FC8] =	vst v0  }
0x2c5: {  	[tilespmem:$0x2FB8] =	vst v0  }
0x2c6: {  	[tilespmem:$0x2FA8] =	vst v0  }
0x2c7: {  	[tilespmem:$0x2F98] =	vst v0  }
0x2c8: {  	[tilespmem:$0x2F88] =	vst v0  }
0x2c9: {  	[tilespmem:$0x2F78] =	vst v0  }
0x2ca: {  	[tilespmem:$0x2F68] =	vst v0  }
0x2cb: {  	[tilespmem:$0x2F58] =	vst v0  }
0x2cc: {  	[tilespmem:$0x2F48] =	vst v0  }
0x2cd: {  	[tilespmem:$0x2F38] =	vst v0  }
0x2ce: {  	[tilespmem:$0x2F28] =	vst v0  }
0x2cf: {  	[tilespmem:$0x2F18] =	vst v0  }
0x2d0: {  	[tilespmem:$0x2F08] =	vst v0  }
0x2d1: {  	[tilespmem:$0x2EF8] =	vst v0  }
0x2d2: {  	[tilespmem:$0x2EE8] =	vst v0  }
0x2d3: {  	[tilespmem:$0x2ED8] =	vst v0  }
0x2d4: {  	[tilespmem:$0x2EC8] =	vst v0  }
0x2d5: {  	[tilespmem:$0x2EB8] =	vst v0  }
0x2d6: {  	[tilespmem:$0x2EA8] =	vst v0  }
0x2d7: {  	[tilespmem:$0x2E98] =	vst v0  }
0x2d8: {  	[tilespmem:$0x2E88] =	vst v0  }
0x2d9: {  	[tilespmem:$0x2E78] =	vst v0  }
0x2da: {  	[tilespmem:$0x2E68] =	vst v0  }
0x2db: {  	[tilespmem:$0x2E58] =	vst v0  }
0x2dc: {  	[tilespmem:$0x2E48] =	vst v0  }
0x2dd: {  	[tilespmem:$0x2E38] =	vst v0  }
0x2de: {  	[tilespmem:$0x2E28] =	vst v0  }
0x2df: {  	[tilespmem:$0x2E18] =	vst v0  }
0x2e0: {  	[tilespmem:$0x2E08] =	vst v0  }
0x2e1: {  	[tilespmem:$0x2DF8] =	vst v0  }
0x2e2: {  	[tilespmem:$0x2DE8] =	vst v0  }
0x2e3: {  	[tilespmem:$0x2DD8] =	vst v0  }
0x2e4: {  	[tilespmem:$0x2DC8] =	vst v0  }
0x2e5: {  	[tilespmem:$0x2DB8] =	vst v0  }
0x2e6: {  	[tilespmem:$0x2DA8] =	vst v0  }
0x2e7: {  	[tilespmem:$0x2D98] =	vst v0  }
0x2e8: {  	[tilespmem:$0x2D88] =	vst v0  }
0x2e9: {  	[tilespmem:$0x2D78] =	vst v0  }
0x2ea: {  	[tilespmem:$0x2D68] =	vst v0  }
0x2eb: {  	[tilespmem:$0x2D58] =	vst v0  }
0x2ec: {  	[tilespmem:$0x2D48] =	vst v0  }
0x2ed: {  	[tilespmem:$0x2D38] =	vst v0  }
0x2ee: {  	[tilespmem:$0x2D28] =	vst v0  }
0x2ef: {  	[tilespmem:$0x2D18] =	vst v0  }
0x2f0: {  	[tilespmem:$0x2D08] =	vst v0  }
0x2f1: {  	[tilespmem:$0x2CF8] =	vst v0  }
0x2f2: {  	[tilespmem:$0x2CE8] =	vst v0  }
0x2f3: {  	[tilespmem:$0x2CD8] =	vst v0  }
0x2f4: {  	[tilespmem:$0x2CC8] =	vst v0  }
0x2f5: {  	[tilespmem:$0x2CB8] =	vst v0  }
0x2f6: {  	[tilespmem:$0x2CA8] =	vst v0  }
0x2f7: {  	[tilespmem:$0x2C98] =	vst v0  }
0x2f8: {  	[tilespmem:$0x2C88] =	vst v0  }
0x2f9: {  	[tilespmem:$0x2C78] =	vst v0  }
0x2fa: {  	[tilespmem:$0x2C68] =	vst v0  }
0x2fb: {  	[tilespmem:$0x2C58] =	vst v0  }
0x2fc: {  	[tilespmem:$0x2C48] =	vst v0  }
0x2fd: {  	[tilespmem:$0x2C38] =	vst v0  }
0x2fe: {  	[tilespmem:$0x2C28] =	vst v0  }
0x2ff: {  	[tilespmem:$0x2C18] =	vst v0  }
0x300: {  	[tilespmem:$0x2C08] =	vst v0  }
0x301: {  	[tilespmem:$0x2BF8] =	vst v0  }
0x302: {  	[tilespmem:$0x2BE8] =	vst v0  }
0x303: {  	[tilespmem:$0x2BD8] =	vst v0  }
0x304: {  	[tilespmem:$0x2BC8] =	vst v0  }
0x305: {  	[tilespmem:$0x2BB8] =	vst v0  }
0x306: {  	[tilespmem:$0x2BA8] =	vst v0  }
0x307: {  	[tilespmem:$0x2B98] =	vst v0  }
0x308: {  	[tilespmem:$0x2B88] =	vst v0  }
0x309: {  	[tilespmem:$0x2B78] =	vst v0  }
0x30a: {  	[tilespmem:$0x2B68] =	vst v0  }
0x30b: {  	[tilespmem:$0x2B58] =	vst v0  }
0x30c: {  	[tilespmem:$0x2B48] =	vst v0  }
0x30d: {  	[tilespmem:$0x2B38] =	vst v0  }
0x30e: {  	[tilespmem:$0x2B28] =	vst v0  }
0x30f: {  	[tilespmem:$0x2B18] =	vst v0  }
0x310: {  	[tilespmem:$0x2B08] =	vst v0  }
0x311: {  	[tilespmem:$0x2AF8] =	vst v0  }
0x312: {  	[tilespmem:$0x2AE8] =	vst v0  }
0x313: {  	[tilespmem:$0x2AD8] =	vst v0  }
0x314: {  	[tilespmem:$0x2AC8] =	vst v0  }
0x315: {  	[tilespmem:$0x2AB8] =	vst v0  }
0x316: {  	[tilespmem:$0x2AA8] =	vst v0  }
0x317: {  	[tilespmem:$0x2A98] =	vst v0  }
0x318: {  	[tilespmem:$0x2A88] =	vst v0  }
0x319: {  	[tilespmem:$0x2A78] =	vst v0  }
0x31a: {  	[tilespmem:$0x2A68] =	vst v0  }
0x31b: {  	[tilespmem:$0x2A58] =	vst v0  }
0x31c: {  	[tilespmem:$0x2A48] =	vst v0  }
0x31d: {  	[tilespmem:$0x2A38] =	vst v0  }
0x31e: {  	[tilespmem:$0x2A28] =	vst v0  }
0x31f: {  	[tilespmem:$0x2A18] =	vst v0  }
0x320: {  	[tilespmem:$0x2A08] =	vst v0  }
0x321: {  	[tilespmem:$0x29F8] =	vst v0  }
0x322: {  	[tilespmem:$0x29E8] =	vst v0  }
0x323: {  	[tilespmem:$0x29D8] =	vst v0  }
0x324: {  	[tilespmem:$0x29C8] =	vst v0  }
0x325: {  	[tilespmem:$0x29B8] =	vst v0  }
0x326: {  	[tilespmem:$0x29A8] =	vst v0  }
0x327: {  	[tilespmem:$0x2998] =	vst v0  }
0x328: {  	[tilespmem:$0x2988] =	vst v0  }
0x329: {  	[tilespmem:$0x2978] =	vst v0  }
0x32a: {  	[tilespmem:$0x2968] =	vst v0  }
0x32b: {  	[tilespmem:$0x2958] =	vst v0  }
0x32c: {  	[tilespmem:$0x2948] =	vst v0  }
0x32d: {  	[tilespmem:$0x2938] =	vst v0  }
0x32e: {  	[tilespmem:$0x2928] =	vst v0  }
0x32f: {  	[tilespmem:$0x2918] =	vst v0  }
0x330: {  	[tilespmem:$0x2908] =	vst v0  }
0x331: {  	[tilespmem:$0x28F8] =	vst v0  }
0x332: {  	[tilespmem:$0x28E8] =	vst v0  }
0x333: {  	[tilespmem:$0x28D8] =	vst v0  }
0x334: {  	[tilespmem:$0x28C8] =	vst v0  }
0x335: {  	[tilespmem:$0x28B8] =	vst v0  }
0x336: {  	[tilespmem:$0x28A8] =	vst v0  }
0x337: {  	[tilespmem:$0x2898] =	vst v0  }
0x338: {  	[tilespmem:$0x2888] =	vst v0  }
0x339: {  	[tilespmem:$0x2878] =	vst v0  }
0x33a: {  	[tilespmem:$0x2868] =	vst v0  }
0x33b: {  	[tilespmem:$0x2858] =	vst v0  }
0x33c: {  	[tilespmem:$0x2848] =	vst v0  }
0x33d: {  	[tilespmem:$0x2838] =	vst v0  }
0x33e: {  	[tilespmem:$0x2828] =	vst v0  }
0x33f: {  	[tilespmem:$0x2818] =	vst v0  }
0x340: {  	[tilespmem:$0x2808] =	vst v0  }
0x341: {  	[tilespmem:$0x27F8] =	vst v0  }
0x342: {  	[tilespmem:$0x27E8] =	vst v0  }
0x343: {  	[tilespmem:$0x27D8] =	vst v0  }
0x344: {  	[tilespmem:$0x27C8] =	vst v0  }
0x345: {  	[tilespmem:$0x27B8] =	vst v0  }
0x346: {  	[tilespmem:$0x27A8] =	vst v0  }
0x347: {  	[tilespmem:$0x2798] =	vst v0  }
0x348: {  	[tilespmem:$0x2788] =	vst v0  }
0x349: {  	[tilespmem:$0x2778] =	vst v0  }
0x34a: {  	[tilespmem:$0x2768] =	vst v0  }
0x34b: {  	[tilespmem:$0x2758] =	vst v0  }
0x34c: {  	[tilespmem:$0x2748] =	vst v0  }
0x34d: {  	[tilespmem:$0x2738] =	vst v0  }
0x34e: {  	[tilespmem:$0x2728] =	vst v0  }
0x34f: {  	[tilespmem:$0x2718] =	vst v0  }
0x350: {  	[tilespmem:$0x2708] =	vst v0  }
0x351: {  	[tilespmem:$0x26F8] =	vst v0  }
0x352: {  	[tilespmem:$0x26E8] =	vst v0  }
0x353: {  	[tilespmem:$0x26D8] =	vst v0  }
0x354: {  	[tilespmem:$0x26C8] =	vst v0  }
0x355: {  	[tilespmem:$0x26B8] =	vst v0  }
0x356: {  	[tilespmem:$0x26A8] =	vst v0  }
0x357: {  	[tilespmem:$0x2698] =	vst v0  }
0x358: {  	[tilespmem:$0x2688] =	vst v0  }
0x359: {  	[tilespmem:$0x2678] =	vst v0  }
0x35a: {  	[tilespmem:$0x2668] =	vst v0  }
0x35b: {  	[tilespmem:$0x2658] =	vst v0  }
0x35c: {  	[tilespmem:$0x2648] =	vst v0  }
0x35d: {  	[tilespmem:$0x2638] =	vst v0  }
0x35e: {  	[tilespmem:$0x2628] =	vst v0  }
0x35f: {  	[tilespmem:$0x2618] =	vst v0  }
0x360: {  	[tilespmem:$0x2608] =	vst v0  }
0x361: {  	[tilespmem:$0x25F8] =	vst v0  }
0x362: {  	[tilespmem:$0x25E8] =	vst v0  }
0x363: {  	[tilespmem:$0x25D8] =	vst v0  }
0x364: {  	[tilespmem:$0x25C8] =	vst v0  }
0x365: {  	[tilespmem:$0x25B8] =	vst v0  }
0x366: {  	[tilespmem:$0x25A8] =	vst v0  }
0x367: {  	[tilespmem:$0x2598] =	vst v0  }
0x368: {  	[tilespmem:$0x2588] =	vst v0  }
0x369: {  	[tilespmem:$0x2578] =	vst v0  }
0x36a: {  	[tilespmem:$0x2568] =	vst v0  }
0x36b: {  	[tilespmem:$0x2558] =	vst v0  }
0x36c: {  	[tilespmem:$0x2548] =	vst v0  }
0x36d: {  	[tilespmem:$0x2538] =	vst v0  }
0x36e: {  	[tilespmem:$0x2528] =	vst v0  }
0x36f: {  	[tilespmem:$0x2518] =	vst v0  }
0x370: {  	[tilespmem:$0x2508] =	vst v0  }
0x371: {  	[tilespmem:$0x24F8] =	vst v0  }
0x372: {  	[tilespmem:$0x24E8] =	vst v0  }
0x373: {  	[tilespmem:$0x24D8] =	vst v0  }
0x374: {  	[tilespmem:$0x24C8] =	vst v0  }
0x375: {  	[tilespmem:$0x24B8] =	vst v0  }
0x376: {  	[tilespmem:$0x24A8] =	vst v0  }
0x377: {  	[tilespmem:$0x2498] =	vst v0  }
0x378: {  	s5 =	srdreg.scid;
	[tilespmem:$0x2488] =	vst v0  }
0x379: {  	s5 =	sshll.u32 s5, $0x4;
	[tilespmem:$0x2478] =	vst v0  }
0x37a: {  	s7 =	stileid.u32;
	s5 =	sand.u32 $0x10, s5;
	[tilespmem:$0x2468] =	vst v0  }
0x37b: {  	[tilespmem:$0x2458] =	vst v0;
	s8 =	sor.u32 s7, s5  }
0x37c: {  	[tilespmem:$0x2448] =	vst v0;
	s9 =	smul.u32 $0x3E, s8  }
0x37d: {  	s8 =	smin.u32 s8, $0x10;
	[tilespmem:$0x2438] =	vst v0;
	s5 =	sshrl.u32 s5, $0x4  }
0x37e: {  	[tilespmem:$0x2418] =	vst v0;
	s8 =	sadd.s32 s8, s9;
	s5 =	sxor.u32 $0x3F, s5  }
0x37f: {  	[tilespmem:$0x23E8] =	vst v0;
	s5 =	sadd.s32 s5, s8  }
0x380: {  	[tilespmem:$0x2408] =	vst v0;
	s5 =	smul.u32 $0x190, s5  }
0x381: {  	[tilespmem:$0x23F8] =	vst v0;
	s8 =	smul.u32 $0x190, s8  }
0x382: {  	s9 =	smin.u32 s5, $0xC3500;
	[tilespmem:$0x23D8] =	vst v0  }
0x383: {  	[tilespmem:$0x2388] =	vst v0;
	s12 =	ssub.s32 s9, s8  }
0x384: {  	[tilespmem:$0x23C8] =	vst v0;
	p0 =	sgt.s32 s12, $0x0  }
0x385: {  	[tilespmem:$0x23B8] =	vst v0;
	s12 =	simm.s32 @!p0 $0x0  }
0x386: {  	[tilespmem:$0x23A8] =	vst v0;
	s31 =	smulhi.u32 $0x51EB851F, s12  }
0x387: {  	[tilespmem:$0x2398] =	vst v0  }
0x388: {  	[tilespmem:$0x2368] =	vst v0;
	s13 =	sshrl.u32 s31, $0x7  }
0x389: {  	s10 =	simm.s32 $0x2;
	s11 =	simm.s32 $0x9;
	[tilespmem:$0x2378] =	vst v0;
	s14 =	smul.u32 $0x190, s13  }
.Ltmp7:
0x38a: {  	s17 =	simm.s32 $0x0;
	[tilespmem:$0x2358] =	vst v0;
	[sflag:s10] =	ssyncpa.u1 $0x0;
	v0 =	vimm.s32 $0xFFFFFFFF;
	(pc) =	sbr.rel .LBB3_1-.Ltmp7, $4  }
0x38b: {  	s16 =	simm.s32 $0x0;
	[tilespmem:$0x6488] =	vst v0;
	[sflag:s11] =	ssyncpa.u1 $0x0;
	s15 =	smov.u32 s8  }
0x38c: {  	s5 =	sadd.s32 $0x1939C00, s6;
	p0 =	sne.s32 s12, s14;
	s12 =	simm.s32 $0x1  }
0x38d: {  	s6 =	sadd.s32 $0xCB6A00, s6;
	s14 =	simm.s32 $0xA;
	s12 =	simm.s32 @!p0 $0x0  }
0x38e: {  	v0 =	vlaneseq.u32;
	p0 =	por $0x0, $0x0;
	s12 =	sadd.s32 s12, s13;
	s13 =	sshll.u32 s7, $0x6  }
.LBB3_16:
0x38f: {  	s18 =	sshrl.u32 s25, $0x2  }
.LBB3_18:
0x390: {  	_ =	swait.ge [sflag:s14], s18  }
0x391: {  	s0 =	ssub.s32 $0x0, s18;
	v1 =	vmov s19;
	vm0 =	veq.s32 v0, $0x0;
	[sflag:s14] =	ssyncset.done $0x0  }
0x392: {  	vm15 =	veq.s32 v0, $0x2;
	v1 =	vsel vm0, s24, v1;
	[sflag:s14] =	ssyncadd.s32 s0  }
0x393: {  	v1 =	vsel vm15, s17, v1;
	[sflag:s14] =	ssyncpa.u1 $0x1  }
0x394: {  	[tilespmem:$0x6488] =	vst v1  }
.LBB3_19:
0x395: {  	s0 =	sadd.s32 $0x190, s15  }
0x396: {  	s18 =	smov.u32 s8;
	p1 =	slt.s32 s0, s9  }
0x397: {  	s18 =	smov.u32 @p1 s0;
	p1 =	sne.s32 s16, s12  }
.Ltmp8:
0x398: {  	_ = 	snop;
	(pc) =	sbr.rel @!p1 .LBB3_20-.Ltmp8, $3  }
0x399: {  	_ =	sdelay $0x1  }
0x39a: {  	s31 =	sadd.s32 $0x1, s16;
	s17 =	smov.u32 s15  }
0x39b: {  	p0 =	por !p0, !p0;
	s16 =	smov.u32 s31;
	s15 =	smov.u32 s18  }
.LBB3_1:
0x39c: {  	p1 =	sge.u32 s16, s12  }
0x39d: {  	p2 =	sgt.s32 @!p1 s15, $0xC3370  }
0x39e: {  	s18 =	smov.u32 s15;
	s19 =	sshra.s32 @!p1 s15, $0x1F;
	p2 =	por !p2, p1  }
0x39f: {  	s19 =	sand.u32 @!p1 s19, s15;
	s18 =	simm.s32 @p2 $0xC3370  }
0x3a0: {  	s18 =	ssub.s32 @!p1 s18, s19  }
0x3a1: {  	s19 =	sxor.u32 @!p1 $0xFFFFFFFF, s16;
	s18 =	sadd.s32 @!p1 $0xFFF3CC90, s18  }
0x3a2: {  	s19 =	sand.u32 @!p1 $0x1, s19;
	s20 =	sshll.u32 @!p1 s18, $0x2  }
0x3a3: {  	p2 =	sgt.s32 @!p1 s18, $0x18F;
	s18 =	ssub.s32 @!p1 $0x640, s20;
	s20 =	smul.u32 @!p1 $0x640, s19  }
0x3a4: {  	s21 =	sshrl.u32 @!p1 s15, $0x3;
	s22 =	sand.u32 @!p1 $0x7, s15  }
0x3a5: {  	p2 =	por !p2, p1;
	s18 =	sshrl.u32 @!p1 s18, $0x2;
	s20 =	sshrl.u32 @!p1 s20, $0x2  }
0x3a6: {  	s21 =	sadd.s32 @!p1 s3, s21;
	s18 =	simm.s32 @!p2 $0x0;
	s20 =	sadd.s32 @!p1 $0x68C8, s20  }
0x3a7: {  	[tilespmem:s20], [sflag:$0x9] =	stream.linear.gather @!p1 [hbm4b:s21+s22], s18, $0x38;
	[tilespmem:$0x1FBE8] =	vst v63  }
0x3a8: {  	s18 =	ssub.s32 @!p1 $0xC3500, s15  }
0x3a9: {  	p2 =	sgt.s32 @!p1 s18, $0x0  }
0x3aa: {  	s19 =	smul.u32 @!p1 $0x32000, s19;
	p2 =	por !p2, p1  }
0x3ab: {  	s18 =	simm.s32 @p2 $0x0  }
0x3ac: {  	s19 =	sshrl.u32 @!p1 s19, $0x2;
	s20 =	sshll.u32 @!p1 s15, $0x4;
	s18 =	smin.u32 @!p1 s18, $0x190  }
0x3ad: {  	s19 =	sadd.s32 @!p1 $0x6BE8, s19;
	s20 =	sadd.s32 @!p1 s6, s20;
	s18 =	sshll.u32 @!p1 s18, $0x7  }
0x3ae: {  	[tilespmem:s19], [sflag:$0x9] =	stream.linear.gather @!p1 [hbm:s20], s18, $0x38;
	[tilespmem:$0x1FBE8] =	vst v63  }
0x3af: {  	p1 =	seq.s32 s16, $0x0  }
.Ltmp9:
0x3b0: {  	_ = 	snop;
	(pc) =	sbr.rel @p1 .LBB3_19-.Ltmp9, $1  }
0x3b1: {  	_ =	sdelay $0x3  }
0x3b2: {  	p1 =	sgt.s32 s17, $0xC3370  }
0x3b3: {  	s18 =	smov.u32 s17;
	s19 =	sshra.s32 s17, $0x1F;
	s23 =	ssub.s32 $0xC3500, s17  }
0x3b4: {  	s18 =	simm.s32 @!p1 $0xC3370;
	s19 =	sand.u32 s19, s17;
	p1 =	sgt.s32 s23, $0x0  }
0x3b5: {  	s18 =	ssub.s32 s18, s19;
	s23 =	simm.s32 @!p1 $0x0  }
0x3b6: {  	s18 =	sadd.s32 $0xFFF3CC90, s18;
	s29 =	smin.u32 s23, $0x190  }
0x3b7: {  	s20 =	sshll.u32 s18, $0x2;
	s19 =	sshll.u32 s29, $0x7  }
0x3b8: {  	p1 =	sgt.s32 s18, $0x18F;
	s30 =	ssub.s32 $0x640, s20;
	_ =	swait.ge [sflag:s11], s19  }
0x3b9: {  	s19 =	ssub.s32 $0x0, s19;
	[sflag:s11] =	ssyncset.done $0x0;
	s18 =	sshrl.u32 s30, $0x2  }
0x3ba: {  	[sflag:s11] =	ssyncadd.s32 s19;
	s18 =	simm.s32 @p1 $0x0  }
0x3bb: {  	_ =	swait.ge [sflag:s11], s18  }
0x3bc: {  	s18 =	ssub.s32 $0x0, s18;
	[sflag:s11] =	ssyncset.done $0x0  }
0x3bd: {  	[sflag:s11] =	ssyncadd.s32 s18  }
0x3be: {  	v1 =	vld [tilespmem:$0x6488];
	_ =	sdelay $0x4  }
0x3bf: {  	(v2sf) =	vpush v1, $0x0  }
0x3c0: {  	(v2sf) =	vpush v1, $0x1  }
0x3c1: {  	(v2sf) =	vpush v1, $0x2;
	_ =	sdelay $0x3  }
0x3c2: {  	s18 =	sadd.s32 $0x190, s17  }
0x3c3: {  	p1 =	slt.s32 s9, s18  }
0x3c4: {  	s18 =	smov.u32 @p1 s9  }
0x3c5: {  	s21 =	ssub.s32 s18, s17  }
0x3c6: {  	p1 =	slt.s32 s23, s21  }
0x3c7: {  	s21 =	smov.u32 @p1 s23  }
0x3c8: {  	s20 =	simm.s32 $0x1;
	p1 =	slt.s32 s21, $0x1  }
.Ltmp10:
0x3c9: {  	s20 =	simm.s32 @!p0 $0x0;
	(pc) =	sbr.rel @p1 .LBB3_6-.Ltmp10, $4  }
0x3ca: {  	s31 =	smul.u32 $0x640, s20  }
0x3cb: {  	s22 =	spop (v2sf)  }
0x3cc: {  	s17 =	sshrl.u32 s31, $0x2;
	s24 =	spop (v2sf)  }
0x3cd: {  	s18 =	sadd.s32 $0x68C8, s17;
	s17 =	spop (v2sf)  }
0x3ce: {  	s19 =	smin.u32 s21, $0x10  }
0x3cf: {  	v1 =	vmov s19  }
0x3d0: {  	p2 =	sgt.s32 s21, $0x10;
	vm1 =	vgt.u32 v1, v0  }
.Ltmp11:
0x3d1: {  	_ = 	snop;
	(pc) =	sbr.rel @!p2 .LBB3_5-.Ltmp11, $2  }
0x3d2: {  	_ =	sdelay $0x2  }
0x3d3: {  	s23 =	simm.s32 $0x10;
	s25 =	sadd.s32 $0xFFFFFFF0, s21;
	s19 =	smov.u32 s18;
	vm0 =	vmmov vm1  }
.LBB3_4:
0x3d4: {  	s26 =	smin.u32 s25, $0x10;
	s23 =	sadd.s32 $0x10, s23;
	v1 =	vld.msk [tilespmem:s19+$0x0 ss:$0x1], vm1  }
0x3d5: {  	v2 =	vmov s26;
	p2 =	slt.s32 s23, s21  }
0x3d6: {  	vm1 =	vgt.u32 v2, v0  }
.Ltmp12:
0x3d7: {  	(pc) =	sbr.rel @p2 .LBB3_4-.Ltmp12, $3  }
0x3d8: {  	_ =	sdelay $0x1  }
0x3d9: {  	v1 =	vshll.u32 v1, $0x4  }
0x3da: {  	s25 =	sadd.s32 $0xFFFFFFF0, s25;
	[tilespmem:s19+$0x0] =	vst.msk vm0, v1;
	s19 =	sadd.s32 $0x10, s19;
	vm0 =	vmmov vm1  }
.LBB3_5:
0x3db: {  	_ =	sdelay $0x4  }
0x3dc: {  	v1 =	vld.msk [tilespmem:s19+$0x0 ss:$0x1], vm1;
	_ =	sdelay $0x4  }
0x3dd: {  	v1 =	vshll.u32 v1, $0x4  }
0x3de: {  	[tilespmem:s19+$0x0] =	vst.msk vm0, v1  }
.LBB3_6:
0x3df: {  	s19 =	sand.u32 $0x1, s16  }
0x3e0: {  	s23 =	smul.u32 $0x190, s19  }
0x3e1: {  	p2 =	sne.s32 s24, $0xFFFFFFFF  }
0x3e2: {  	v1 =	vld.msk @!p2 [tilespmem:s23+$0x68C8], $0x1;
	_ =	sdelay $0x4  }
0x3e3: {  	(v2sf) =	vpush @!p2 v1, $0x0;
	_ =	sdelay $0x3  }
0x3e4: {  	s19 =	smul.u32 $0xC800, s19;
	_ =	sdelay $0x1  }
0x3e5: {  	v1 =	vld @!p2 [tilespmem:s19+$0x6BE8];
	_ =	sdelay $0x4  }
0x3e6: {  	[tilespmem:$0x48] =	vst @!p2 v1  }
0x3e7: {  	v1 =	vld @!p2 [tilespmem:s19+$0x6BF8]  }
.Ltmp13:
0x3e8: {  	_ = 	snop;
	(pc) =	sbr.rel @p1 .LBB3_17-.Ltmp13, $4  }
0x3e9: {  	_ = 	snop  }
0x3ea: {  	s23 =	spop @!p2 (v2sf)  }
0x3eb: {  	s17 =	simm.s32 @!p2 $0x0;
	s19 =	smov.u32 s23  }
0x3ec: {  	[tilespmem:$0x58] =	vst @!p2 v1;
	[sflag:s14] =	ssyncpa.u1 $0x0;
	s23 =	smov.u32 @p2 s22;
	s19 =	smov.u32 @p2 s24  }
0x3ed: {  	v1 =	vld.msk [tilespmem:s18+$0x0], $0x1;
	_ =	sdelay $0x4  }
0x3ee: {  	(v2sf) =	vpush v1, $0x0;
	_ =	sdelay $0xe  }
0x3ef: {  	s26 =	spop (v2sf)  }
0x3f0: {  	p1 =	seq.s32 s23, s26  }
0x3f1: {  	s21 =	ssub.s32 $0x0, s21;
	p2 =	sgt.s32 @!p1 s23, $0x0  }
0x3f2: {  	s25 =	smov.u32 s23;
	s24 =	sadd.s32 $0x1, s21;
	p2 =	por !p2, p1  }
0x3f3: {  	s20 =	smul.u32 $0x32000, s20;
	s25 =	simm.s32 @p2 $0x0;
	p2 =	seq.s32 s24, $0x0  }
.Ltmp14:
0x3f4: {  	_ = 	snop;
	(pc) =	sbr.rel @p2 .LBB3_9-.Ltmp14, $4  }
0x3f5: {  	s22 =	simm.s32 $0x0;
	s20 =	sshrl.u32 s20, $0x2  }
0x3f6: {  	s20 =	sadd.s32 $0x6BF8, s20;
	s28 =	simm.s32 @!p1 $0x1;
	s25 =	smin.u32 @!p1 s25, $0x4E1FC  }
0x3f7: {  	s29 =	simm.s32 @!p1 $0x3268;
	s28 =	smov.u32 @p1 s22;
	s31 =	sand.u32 @!p1 $0x7FFF8, s25  }
0x3f8: {  	s30 =	sand.u32 @!p1 $0x7, s25;
	s25 =	sadd.s32 $0x1, s18;
	s31 =	sadd.s32 @!p1 s5, s31  }
.LBB3_8:
0x3f9: {  	s0 =	smov.u32 s28  }
0x3fa: {  	[tilespmem:s29], [sflag:$0x2] =	stream.linear.gather @!p1 [hbm4b:s31+s30], $0x20, $0x38;
	[tilespmem:$0x1FBE8] =	vst v63  }
0x3fb: {  	s24 =	sadd.s32 $0x1, s24;
	s30 =	smov.u32 s26;
	v1 =	vld.msk [tilespmem:s25+$0x0], $0x1  }
0x3fc: {  	p2 =	seq.s32 s24, $0x0;
	_ =	sdelay $0x3  }
0x3fd: {  	(v2sf) =	vpush v1, $0x0;
	_ =	sdelay $0xe  }
0x3fe: {  	s26 =	spop (v2sf)  }
0x3ff: {  	p1 =	seq.s32 s30, s26  }
0x400: {  	p3 =	sgt.s32 @!p1 s30, $0x0;
	s29 =	sshll.u32 @!p1 s28, $0x7;
	s28 =	sadd.s32 @!p1 $0x1, s28  }
.Ltmp15:
0x401: {  	p3 =	por !p3, p1;
	s29 =	sshra.s32 @!p1 s29, $0x2;
	(pc) =	sbr.rel @!p2 .LBB3_8-.Ltmp15, $4  }
0x402: {  	s28 =	smov.u32 @p1 s0;
	s30 =	simm.s32 @p3 $0x0;
	s29 =	sadd.s32 @!p1 $0x3268, s29  }
0x403: {  	s0 =	smin.u32 @!p1 s30, $0x4E1FC  }
0x404: {  	s31 =	sand.u32 @!p1 $0x7FFF8, s0;
	s30 =	sand.u32 @!p1 $0x7, s0  }
0x405: {  	s25 =	sadd.s32 $0x1, s25;
	s31 =	sadd.s32 @!p1 s5, s31  }
.LBB3_9:
0x406: {  	[tilespmem:s29], [sflag:$0x2] =	stream.linear.gather @!p1 [hbm4b:s31+s30], $0x20, $0x38;
	[tilespmem:$0x1FBE8] =	vst v63  }
.Ltmp16:
0x407: {  	s0 =	sshll.u32 s28, $0x5;
	(pc) =	sbr.rel .LBB3_10-.Ltmp16, $4  }
0x408: {  	s0 =	sand.u32 $0x3FFFFFE0, s0  }
0x409: {  	_ =	swait.ge [sflag:s10], s0  }
0x40a: {  	s0 =	ssub.s32 $0x0, s0;
	[sflag:s10] =	ssyncset.done $0x0  }
0x40b: {  	s25 =	simm.s32 $0x0;
	[sflag:s10] =	ssyncadd.s32 s0  }
.LBB3_11:
0x40c: {  	s0 =	sshra.s32 s26, $0x2;
	v1 =	vld [tilespmem:s20+$0xFFFFFFF0]  }
0x40d: {  	v2 =	vld [tilespmem:s0+$0x48];
	_ =	sdelay $0x4  }
0x40e: {  	v1 =	vmax.f32 v1, v2  }
0x40f: {  	v2 =	vld [tilespmem:s0+$0x58];
	[tilespmem:s0+$0x48] =	vst v1  }
0x410: {  	v1 =	vld [tilespmem:s20+$0x0];
	_ =	sdelay $0x4  }
0x411: {  	v1 =	vmax.f32 v1, v2  }
0x412: {  	[tilespmem:s0+$0x58] =	vst v1  }
.LBB3_15:
0x413: {  	s21 =	sadd.s32 $0x1, s21  }
0x414: {  	p1 =	seq.s32 s21, $0x0  }
.Ltmp17:
0x415: {  	_ = 	snop;
	(pc) =	sbr.rel @p1 .LBB3_16-.Ltmp17, $2  }
0x416: {  	_ =	sdelay $0x2  }
0x417: {  	s20 =	sadd.s32 $0x80, s20;
	s18 =	sadd.s32 $0x1, s18;
	s23 =	smov.u32 s24  }
.LBB3_10:
0x418: {  	v1 =	vld.msk [tilespmem:s18+$0x0], $0x1;
	_ =	sdelay $0x4  }
0x419: {  	(v2sf) =	vpush v1, $0x0;
	_ =	sdelay $0xe  }
0x41a: {  	s24 =	spop (v2sf)  }
0x41b: {  	p1 =	sne.s32 s23, s24  }
.Ltmp18:
0x41c: {  	_ = 	snop;
	(pc) =	sbr.rel @!p1 .LBB3_11-.Ltmp18, $2  }
0x41d: {  	_ =	sdelay $0x2  }
0x41e: {  	s26 =	sshll.u32 s17, $0x7  }
0x41f: {  	p1 =	seq.s32 s23, s19  }
.Ltmp19:
0x420: {  	_ = 	snop;
	(pc) =	sbr.rel @!p1 .LBB3_13-.Ltmp19, $1  }
0x421: {  	_ =	sdelay $0x3  }
0x422: {  	s0 =	sshra.s32 s26, $0x2  }
.Ltmp20:
0x423: {  	s0 =	sadd.s32 $0x48, s0;
	(pc) =	sbr.rel .LBB3_14-.Ltmp20, $4  }
0x424: {  	[spmem:s13] =	stream.linear.scatter [tilespmem:s0], [sflag:$0x1], $0x20, $0x38;
	[tilespmem:$0x1FBE8] =	vst v63  }
0x425: {  	_ =	swait.ge [sflag:s4], $0x20  }
0x426: {  	[sflag:s4] =	ssyncset.done $0x0  }
0x427: {  	[sflag:s4] =	ssyncadd.s32 $0xFFFFFFE0  }
.LBB3_13:
0x428: {  	s0 =	sshll.u32 s22, $0x7;
	s26 =	sshra.s32 s26, $0x2  }
0x429: {  	s0 =	sshra.s32 s0, $0x2;
	v2 =	vld [tilespmem:s26+$0x48]  }
0x42a: {  	v1 =	vld [tilespmem:s0+$0x3268];
	_ =	sdelay $0x4  }
0x42b: {  	v1 =	vmax.f32 v1, v2  }
0x42c: {  	v2 =	vld [tilespmem:s26+$0x58];
	[tilespmem:s26+$0x48] =	vst v1  }
0x42d: {  	v1 =	vld [tilespmem:s0+$0x3278];
	_ =	sdelay $0x3  }
0x42e: {  	p1 =	sgt.u32 s23, $0x4E1FC  }
0x42f: {  	s0 =	sand.u32 @!p1 $0x7FFF8, s23;
	v1 =	vmax.f32 v1, v2  }
0x430: {  	s28 =	sadd.s32 $0x48, s26;
	s23 =	sand.u32 @!p1 $0x7, s23;
	s0 =	sadd.s32 @!p1 s5, s0;
	[tilespmem:s26+$0x58] =	vst v1  }
0x431: {  	[hbm4b:s0+s23] =	stream.linear.scatter @!p1 [tilespmem:s28], [sflag:$0xA], $0x20, $0x38;
	[tilespmem:$0x1FBE8] =	vst v63  }
0x432: {  	s23 =	simm.s32 $0x0  }
0x433: {  	s23 =	simm.s32 @!p1 $0x80  }
0x434: {  	s25 =	sadd.s32 s23, s25  }
.LBB3_14:
0x435: {  	s0 =	sadd.s32 $0x1, s17  }
0x436: {  	s17 =	smulhi.u32 $0x51EB851F, s0;
	_ =	sdelay $0x1  }
0x437: {  	v1 =	vld [tilespmem:s20+$0xFFFFFFF0];
	s17 =	sshrl.u32 s17, $0x7  }
0x438: {  	s17 =	smul.u32 $0x190, s17;
	_ =	sdelay $0x1  }
0x439: {  	s17 =	ssub.s32 s0, s17  }
0x43a: {  	s0 =	sshll.u32 s17, $0x5  }
0x43b: {  	[tilespmem:s0+$0x48] =	vst v1  }
0x43c: {  	v1 =	vld [tilespmem:s20+$0x0]  }
.Ltmp21:
0x43d: {  	_ = 	snop;
	(pc) =	sbr.rel .LBB3_15-.Ltmp21, $2  }
0x43e: {  	_ =	sdelay $0x2  }
0x43f: {  	s22 =	sadd.s32 $0x1, s22;
	[tilespmem:s0+$0x58] =	vst v1  }
.LBB3_17:
.Ltmp22:
0x440: {  	(pc) =	sbr.rel .LBB3_18-.Ltmp22, $3  }
0x441: {  	_ =	sdelay $0x1  }
0x442: {  	_ =	swait.ge [sflag:s10], $0x0  }
0x443: {  	s18 =	simm.s32 $0x0;
	s24 =	smov.u32 s23;
	[sflag:s10] =	ssyncset.done $0x0  }
.LBB3_20:
0x444: {  	_ =	sfence.sel $0x180000  }
0x445: {  	s0 =	simm.s32 $0x9;
	[bflag:$0x0] =	sbarrier.arrive $0xFFFF  }
0x446: {  	s26 =	simm.s32 $0x2;
	[sflag:s0] =	ssyncpa.u1 $0x1  }
0x447: {  	[sflag:s26] =	ssyncpa.u1 $0x1  }
0x448: {  	v0 =	vld [tilespmem:$0x6488];
	_ =	sdelay $0x4  }
0x449: {  	(v2sf) =	vpush v0, $0x0  }
0x44a: {  	(v2sf) =	vpush v0, $0x1;
	_ =	sdelay $0x1  }
0x44b: {  	(v2sf) =	vpush v0, $0x2;
	_ =	sdelay $0xb  }
0x44c: {  	s0 =	spop (v2sf)  }
0x44d: {  	s3 =	spop (v2sf)  }
0x44e: {  	s4 =	smov.u32 s0;
	p0 =	sne.s32 s0, s3  }
0x44f: {  	s6 =	spop (v2sf);
	s4 =	simm.s32 @!p0 $0xFFFFFFFF  }
0x450: {  	v2 =	vimm.s32 $0x1;
	v3 =	vlaneseq.u32;
	p0 =	seq.s32 s6, $0xFFFFFFFF;
	v1 =	vmov s4  }
0x451: {  	v0 =	vperm.xlane v0, v2;
	p1 =	sne.s32 @!p0 s0, s3;
	v1 =	vperm.xlane v1, v3  }
0x452: {  	vm0 =	vcmask $0x3F04;
	s9 =	simm.s32 $0x6488;
	s0 =	simm.s32 @!p0 $0x1;
	p1 =	por !p1, p0  }
0x453: {  	s4 =	sshll.u32 s7, $0x1;
	s3 =	sshll.u32 @!p0 s6, $0x7;
	s0 =	simm.s32 @p1 $0x0;
	v0 =	vsel vm0, v1, v0  }
0x454: {  	s8 =	sor.u32 $0x400, s4;
	s3 =	sshra.s32 @!p0 s3, $0x2;
	s0 =	sor.u32 @!p0 s0, s4;
	[tilespmem:$0x6488] =	vst v0  }
0x455: {  	[spmem:s8] =	stream.linear.scatter [tilespmem:s9], [sflag:$0x1], $0x2, $0x38;
	[tilespmem:$0x1FBE8] =	vst v63  }
0x456: {  	s3 =	sadd.s32 @!p0 $0x48, s3;
	s0 =	sshll.u32 @!p0 s0, $0x5  }
0x457: {  	[spmem:s0] =	stream.linear.scatter @!p0 [tilespmem:s3], [sflag:$0x1], $0x20, $0x38;
	[tilespmem:$0x1FBE8] =	vst v63  }
0x458: {  	s0 =	simm.s32 @!p0 $0x22  }
0x459: {  	s28 =	simm.s32 $0x1;
	s0 =	simm.s32 @p0 $0x2  }
0x45a: {  	_ =	swait.ge [sflag:s28], s0  }
0x45b: {  	s0 =	ssub.s32 $0x0, s0;
	[sflag:s28] =	ssyncset.done $0x0  }
0x45c: {  	p0 =	sne.s32 s7, $0x0;
	[sflag:s28] =	ssyncadd.s32 s0  }
.Ltmp23:
0x45d: {  	_ =	sfence.stream.spmem;
	(pc) =	sbr.rel @p0 .LBB3_37-.Ltmp23, $4  }
0x45e: {  	s29 =	simm.s32 $0x3;
	[bflag:$0x0] =	sbarrier.arrive $0xFFFF  }
0x45f: {  	s30 =	simm.s32 $0x4;
	[sflag:s29] =	ssyncpa.u1 $0x1  }
0x460: {  	s31 =	simm.s32 $0x3C;
	[sflag:s30] =	ssyncpa.u1 $0x1  }
0x461: {  	s3 =	sand.u32 $0x1, s2;
	[sflag:s31] =	ssyncpa.u1 $0x1  }
0x462: {  	_ =	sfence.stream.spmem;
	s0 =	simm.s32 $0x5  }
0x463: {  	s4 =	simm.s32 $0x400;
	s6 =	simm.s32 $0x6498;
	[sflag:s0] =	ssyncpa.u1 $0x0  }
0x464: {  	[tilespmem:s6], [sflag:$0x5] =	stream.linear.gather [spmem:s4], $0x20, $0x38;
	[tilespmem:$0x1FBE8] =	vst v63  }
0x465: {  	s26 =	simm.s32 $0x0;
	s28 =	simm.s32 $0x64B8  }
0x466: {  	[tilespmem:s28], [sflag:$0x5] =	stream.linear.gather [spmem:s26], $0x400, $0x38;
	[tilespmem:$0x1FBE8] =	vst v63  }
0x467: {  	_ =	swait.ge [sflag:s0], $0x420  }
0x468: {  	[sflag:s0] =	ssyncset.done $0x0  }
0x469: {  	s29 =	simm.s32 $0x0;
	[sflag:s0] =	ssyncadd.s32 $0xFFFFFBE0  }
0x46a: {  	v0 =	vld.msk [tilespmem:s29+$0x6498], $0x1;
	_ =	sdelay $0x1  }
0x46b: {  	s30 =	simm.s32 $0x1  }
0x46c: {  	v1 =	vld.msk [tilespmem:s30+$0x6498], $0x1;
	_ =	sdelay $0x1  }
0x46d: {  	(v2sf) =	vpush v0, $0x0;
	_ =	sdelay $0x2  }
0x46e: {  	(v2sf) =	vpush v1, $0x0;
	_ =	sdelay $0x2  }
0x46f: {  	s31 =	simm.s32 $0x2  }
0x470: {  	v0 =	vld.msk [tilespmem:s31+$0x6498], $0x1;
	_ =	sdelay $0x2  }
0x471: {  	s8 =	simm.s32 $0xFFFFFFFF;
	s6 =	simm.s32 $0xFFFFFFFF;
	s4 =	simm.s32 $0xC  }
.LBB3_22:
0x472: {  	s0 =	smov.u32 s8;
	s9 =	smov.u32 s6  }
0x473: {  	s6 =	sshra.s32 s4, $0x2;
	p1 =	sne.s32 s4, $0x7C;
	s4 =	sadd.s32 $0x4, s4;
	(v2sf) =	vpush v0, $0x0  }
0x474: {  	v0 =	vld.msk [tilespmem:s6+$0x6498], $0x1  }
.Ltmp24:
0x475: {  	(pc) =	sbr.rel @p1 .LBB3_22-.Ltmp24, $4  }
0x476: {  	s8 =	spop (v2sf)  }
0x477: {  	p2 =	sne.s32 s9, $0xFFFFFFFF;
	s6 =	smov.u32 s8  }
0x478: {  	p3 =	seq.s32 s8, $0xFFFFFFFF;
	s6 =	smov.u32 @p2 s9  }
0x479: {  	s8 =	smov.u32 @p3 s0;
	s6 =	smov.u32 @p3 s9  }
0x47a: {  	(v2sf) =	vpush v0, $0x0;
	_ =	sdelay $0x8  }
0x47b: {  	s0 =	spop (v2sf)  }
0x47c: {  	p1 =	sne.s32 s6, $0xFFFFFFFF;
	s4 =	smov.u32 s0  }
0x47d: {  	s9 =	simm.s32 $0x6;
	p2 =	seq.s32 s0, $0xFFFFFFFF;
	s4 =	smov.u32 @p1 s6  }
0x47e: {  	[sflag:s9] =	ssyncpa.u1 $0x0;
	s4 =	smov.u32 @p2 s6;
	s10 =	spop (v2sf)  }
0x47f: {  	s0 =	smov.u32 @p2 s8;
	p1 =	sne.s32 s4, $0xFFFFFFFF;
	s11 =	smov.u32 s10  }
.Ltmp25:
0x480: {  	p2 =	seq.s32 s10, $0xFFFFFFFF;
	s11 =	smov.u32 @p1 s4;
	(pc) =	sbr.rel .LBB3_24-.Ltmp25, $4  }
0x481: {  	s10 =	smov.u32 @p2 s0;
	s11 =	smov.u32 @p2 s4;
	s6 =	spop (v2sf)  }
0x482: {  	p1 =	sne.s32 s11, $0xFFFFFFFF;
	s8 =	smov.u32 s6;
	p2 =	seq.s32 s6, $0xFFFFFFFF  }
0x483: {  	s4 =	simm.s32 $0x0;
	s8 =	smov.u32 @p1 s11;
	s6 =	smov.u32 @p2 s10  }
0x484: {  	s10 =	simm.s32 $0x6468;
	s8 =	smov.u32 @p2 s11;
	s11 =	simm.s32 $0x0  }
.LBB3_30:
0x485: {  	p1 =	sgt.u32 s12, $0x4E1FC  }
0x486: {  	p2 =	seq.s32 @!p1 s12, s8  }
0x487: {  	p1 =	por p1, p2  }
0x488: {  	p2 =	sne.s32 @!p1 s12, s6  }
0x489: {  	p1 =	por p1, !p2  }
0x48a: {  	s12 =	sshll.u32 @p1 s11, $0x7  }
0x48b: {  	s0 =	sand.u32 @!p1 $0x7FFF8, s12  }
0x48c: {  	s12 =	sand.u32 @!p1 $0x7, s12;
	s0 =	sadd.s32 @!p1 s5, s0  }
0x48d: {  	[tilespmem:s10], [sflag:$0x6] =	stream.linear.gather @!p1 [hbm4b:s0+s12], $0x20, $0x38;
	[tilespmem:$0x1FBE8] =	vst v63  }
0x48e: {  	_ =	swait.ge @!p1 [sflag:s9], $0x20  }
0x48f: {  	[sflag:s9] =	ssyncset.done @!p1 $0x0  }
0x490: {  	s12 =	sshll.u32 @!p1 s11, $0x7;
	[sflag:s9] =	ssyncadd.s32 @!p1 $0xFFFFFFE0  }
0x491: {  	s0 =	sshrl.u32 @!p1 s12, $0x2;
	v1 =	vld @!p1 [tilespmem:$0x6468]  }
0x492: {  	v2 =	vld @!p1 [tilespmem:s0+$0x64B8];
	_ =	sdelay $0x4  }
0x493: {  	v1 =	vmax.f32 @!p1 v1, v2  }
0x494: {  	v2 =	vld @!p1 [tilespmem:s0+$0x64C8];
	[tilespmem:s0+$0x64B8] =	vst @!p1 v1  }
0x495: {  	v1 =	vld @!p1 [tilespmem:$0x6478];
	_ =	sdelay $0x4  }
0x496: {  	v1 =	vmax.f32 @!p1 v1, v2  }
0x497: {  	[tilespmem:s0+$0x64C8] =	vst @!p1 v1  }
0x498: {  	s30 =	sshrl.u32 s12, $0x2;
	[tilespmem:s4+$0x6498] =	vst.msk $0x1, v0  }
0x499: {  	v0 =	vld [tilespmem:s30+$0x64B8];
	_ =	sdelay $0x2  }
0x49a: {  	s31 =	sshll.u32 s4, $0x7  }
0x49b: {  	s12 =	sshra.s32 s31, $0x2  }
0x49c: {  	[tilespmem:s12+$0x64B8] =	vst v0  }
0x49d: {  	v0 =	vld [tilespmem:s30+$0x64C8];
	_ =	sdelay $0x4  }
0x49e: {  	s4 =	sadd.s32 $0x1, s4;
	[tilespmem:s12+$0x64C8] =	vst v0  }
.LBB3_31:
0x49f: {  	s11 =	sadd.s32 $0x1, s11  }
0x4a0: {  	p1 =	sne.s32 s11, $0x20  }
.Ltmp26:
0x4a1: {  	_ = 	snop;
	(pc) =	sbr.rel @!p1 .LBB3_32-.Ltmp26, $1  }
0x4a2: {  	_ =	sdelay $0x3  }
.LBB3_24:
0x4a3: {  	v0 =	vld.msk [tilespmem:s11+$0x6498], $0x1;
	_ =	sdelay $0x4  }
0x4a4: {  	(v2sf) =	vpush v0, $0x0;
	_ =	sdelay $0xe  }
0x4a5: {  	s12 =	spop (v2sf)  }
0x4a6: {  	p1 =	seq.s32 s12, $0xFFFFFFFF  }
.Ltmp27:
0x4a7: {  	_ = 	snop;
	(pc) =	sbr.rel @p1 .LBB3_31-.Ltmp27, $1  }
0x4a8: {  	_ =	sdelay $0x3  }
0x4a9: {  	p1 =	slt.s32 s4, $0x1  }
.Ltmp28:
0x4aa: {  	_ = 	snop;
	(pc) =	sbr.rel @p1 .LBB3_30-.Ltmp28, $1  }
0x4ab: {  	_ =	sdelay $0x3  }
0x4ac: {  	s13 =	simm.s32 $0x6498;
	p1 =	por $0x0, $0x0  }
0x4ad: {  	v1 =	vld.msk @!p1 [tilespmem:s13+$0x0], $0x1;
	_ =	sdelay $0x4  }
0x4ae: {  	(v2sf) =	vpush @!p1 v1, $0x0;
	_ =	sdelay $0xd  }
0x4af: {  	p3 =	sne.s32 s4, $0x1  }
.Ltmp29:
0x4b0: {  	s0 =	spop @!p1 (v2sf);
	(pc) =	sbr.rel @!p3 .LBB3_28-.Ltmp29, $4  }
0x4b1: {  	p2 =	seq.s32 @!p1 s12, s0  }
0x4b2: {  	s14 =	simm.s32 $0x0;
	p2 =	por !p2, p1  }
0x4b3: {  	s0 =	simm.s32 $0xFFFFFFFF;
	s14 =	simm.s32 @p2 $0xFFFFFFFF  }
0x4b4: {  	s15 =	simm.s32 $0x1;
	s14 =	smov.u32 @p1 s0  }
.LBB3_27:
0x4b5: {  	s0 =	smov.u32 s14;
	p1 =	sne.s32 s14, $0xFFFFFFFF  }
0x4b6: {  	s13 =	sadd.s32 $0x1, s13;
	s14 =	smov.u32 s15;
	s15 =	sadd.s32 $0x1, s15  }
0x4b7: {  	p2 =	sne.s32 s4, s15;
	v1 =	vld.msk @!p1 [tilespmem:s13+$0x0], $0x1;
	_ =	sdelay $0x4  }
0x4b8: {  	(v2sf) =	vpush @!p1 v1, $0x0;
	_ =	sdelay $0xe  }
.Ltmp30:
0x4b9: {  	s16 =	spop @!p1 (v2sf);
	(pc) =	sbr.rel @p2 .LBB3_27-.Ltmp30, $4  }
0x4ba: {  	p3 =	seq.s32 @!p1 s12, s16  }
0x4bb: {  	p3 =	por !p3, p1  }
0x4bc: {  	s14 =	simm.s32 @p3 $0xFFFFFFFF  }
0x4bd: {  	s14 =	smov.u32 @p1 s0  }
.LBB3_28:
0x4be: {  	p1 =	seq.s32 s14, $0xFFFFFFFF  }
.Ltmp31:
0x4bf: {  	_ = 	snop;
	(pc) =	sbr.rel @p1 .LBB3_30-.Ltmp31, $1  }
0x4c0: {  	_ =	sdelay $0x3  }
0x4c1: {  	s0 =	sshll.u32 s11, $0x5  }
0x4c2: {  	s12 =	sshll.u32 s14, $0x7;
	s0 =	sand.u32 $0x3FFFFFE0, s0  }
0x4c3: {  	s12 =	sshra.s32 s12, $0x2;
	v0 =	vld [tilespmem:s0+$0x64B8]  }
0x4c4: {  	v1 =	vld [tilespmem:s12+$0x64B8];
	_ =	sdelay $0x4  }
0x4c5: {  	v0 =	vmax.f32 v0, v1  }
0x4c6: {  	v63 =	vld [tilespmem:s12+$0x64C8];
	[tilespmem:s12+$0x64B8] =	vst v0  }
0x4c7: {  	v0 =	vld [tilespmem:s0+$0x64C8];
	_ =	sdelay $0x1  }
.Ltmp32:
0x4c8: {  	_ = 	snop;
	(pc) =	sbr.rel .LBB3_31-.Ltmp32, $3  }
0x4c9: {  	_ =	sdelay $0x1  }
0x4ca: {  	v0 =	vmax.f32 v0, v63  }
0x4cb: {  	[tilespmem:s12+$0x64C8] =	vst v0  }
.LBB3_32:
0x4cc: {  	s0 =	simm.s32 $0x6;
	p1 =	seq.s32 s4, $0x0  }
0x4cd: {  	[sflag:s0] =	ssyncpa.u1 $0x1;
	v0 =	vimm.s32 @p1 $0xFFFFFFFF  }
0x4ce: {  	s9 =	sadd.s32 $0xFFFFFFFF, s4;
	[tilespmem:$0x68B8] =	vst @p1 v0  }
0x4cf: {  	v0 =	vld.msk @!p1 [tilespmem:s9+$0x6498], $0x1;
	_ =	sdelay $0x1  }
0x4d0: {  	v1 =	vld.msk @!p1 [tilespmem:$0x6498], $0x1;
	_ =	sdelay $0x2  }
0x4d1: {  	p2 =	seq.s32 @!p1 s9, $0x0;
	v0 =	vbroadcast @!p1 v0, $0x0  }
0x4d2: {  	vm0 =	vmmov @!p1 $0x1;
	p2 =	por !p2, p1  }
0x4d3: {  	v1 =	vnsel @!p1 vm0, $0xFFFFFFFF, v1;
	vm0 =	vcmask @!p1 $0x308;
	v0 =	vpsel !p2, $0xFFFFFFFF, v0  }
0x4d4: {  	p2 =	sne.s32 @!p1 s8, s6;
	v0 =	vsel @!p1 vm0, v1, v0  }
0x4d5: {  	s0 =	simm.s32 @!p1 $0x64B8;
	s6 =	simm.s32 @!p1 $0x0;
	p3 =	por !p2, p1;
	[tilespmem:$0x68B8] =	vst @!p1 v0  }
0x4d6: {  	[spmem:s6] =	stream.linear.scatter @!p1 [tilespmem:s0], [sflag:$0x1], $0x20, $0x38;
	[tilespmem:$0x1FBE8] =	vst v63  }
0x4d7: {  	s0 =	sshll.u32 @!p3 s9, $0x7  }
0x4d8: {  	s0 =	sshra.s32 @!p3 s0, $0x2  }
0x4d9: {  	s6 =	simm.s32 @!p3 $0x20;
	s0 =	sadd.s32 @!p3 $0x64B8, s0  }
0x4da: {  	[spmem:s6] =	stream.linear.scatter @!p3 [tilespmem:s0], [sflag:$0x1], $0x20, $0x38;
	[tilespmem:$0x1FBE8] =	vst v63  }
0x4db: {  	s0 =	simm.s32 @!p3 $0x1  }
0x4dc: {  	_ =	swait.ge @!p3 [sflag:s0], $0x40  }
0x4dd: {  	p1 =	por p2, p1;
	[sflag:s0] =	ssyncset.done @!p3 $0x0  }
0x4de: {  	[sflag:s0] =	ssyncadd.s32 @!p3 $0xFFFFFFC0;
	s0 =	simm.s32 @!p1 $0x1  }
0x4df: {  	_ =	swait.ge @!p1 [sflag:s0], $0x20  }
0x4e0: {  	s29 =	simm.s32 $0x68B8;
	[sflag:s0] =	ssyncset.done @!p1 $0x0  }
0x4e1: {  	s30 =	simm.s32 $0x400;
	s31 =	simm.s32 $0x1;
	[sflag:s0] =	ssyncadd.s32 @!p1 $0xFFFFFFE0  }
0x4e2: {  	[spmem:s30] =	stream.linear.scatter [tilespmem:s29], [sflag:$0x1], $0x10, $0x38;
	[tilespmem:$0x1FBE8] =	vst v63  }
0x4e3: {  	p1 =	seq.s32 s3, $0x0;
	_ =	swait.ge [sflag:s31], $0x10  }
0x4e4: {  	s6 =	sshll.u32 @p1 s2, $0xE;
	[sflag:s31] =	ssyncset.done $0x0  }
0x4e5: {  	s0 =	sadd.s32 @p1 $0x15C3C, s6;
	s6 =	sshll.u32 @p1 s1, $0x11;
	[sflag:s31] =	ssyncadd.s32 $0xFFFFFFF0  }
0x4e6: {  	s0 =	sor.u32 @p1 s6, s0;
	_ =	sfence.stream.spmem  }
0x4e7: {  	[sflag:s0] =	ssyncadd.remote.s32 @p1 $0x1;
	s0 =	simm.s32 @p1 $0x4  }
0x4e8: {  	s8 =	simm.s32 @!p1 $0x3C;
	s6 =	sand.u32 $0xFFFFFFFE, s2;
	_ =	swait.ge @p1 [sflag:s0], $0xA  }
0x4e9: {  	s10 =	simm.s32 @!p1 $0x0;
	s6 =	sadd.s32 @!p1 $0x4, s6;
	[sflag:s0] =	ssyncset.done @p1 $0x0  }
0x4ea: {  	s11 =	simm.s32 @!p1 $0x40;
	[sflag:s0] =	ssyncadd.s32 @p1 $0xFFFFFFF6;
	s0 =	sshll.u32 @!p1 s6, $0x1A  }
0x4eb: {  	s6 =	sshll.u32 @!p1 s6, $0xD;
	s0 =	sor.u32 @!p1 s0, s1;
	_ =	swait.eq @!p1 [sflag:s8], $0x1  }
0x4ec: {  	s6 =	sor.u32 @!p1 $0x1C04, s6;
	s8 =	simm.s32 @!p1 $0x1C03;
	s0 =	sor.u32 @!p1 $0x80004000, s0  }
0x4ed: {  	[spmem:s11], [sflag:s6] =	dma.general @!p1 [spmem:s10], [sflag:s8], length:$0x8, [dreg:$0x0], stride_count:$0x0, ici_dest:s0, dma_misc:DstOpCode:WRITE  }
0x4ee: {  	p2 =	slt.s32 s9, $0x2;
	s10 =	simm.s32 @!p1 $0x80;
	s11 =	simm.s32 @!p1 $0x82  }
0x4ef: {  	[spmem:s11], [sflag:s6] =	dma.general @!p1 [spmem:s10], [sflag:s8], length:$0x2, [dreg:$0x0], stride_count:$0x0, ici_dest:s0, dma_misc:DstOpCode:WRITE  }
.Ltmp33:
0x4f0: {  	s0 =	simm.s32 @!p1 $0x3;
	(pc) =	sbr.rel @p2 .LBB3_36-.Ltmp33, $4  }
0x4f1: {  	s2 =	sshll.u32 @!p1 s2, $0xE;
	_ =	swait.ge @!p1 [sflag:s0], $0xA  }
0x4f2: {  	s2 =	sadd.s32 @!p1 $0x11C3C, s2;
	s1 =	sshll.u32 @!p1 s1, $0x11;
	[sflag:s0] =	ssyncset.done @!p1 $0x0  }
0x4f3: {  	[sflag:s0] =	ssyncadd.s32 @!p1 $0xFFFFFFF6;
	s0 =	sor.u32 @!p1 s1, s2  }
0x4f4: {  	s1 =	simm.s32 $0x0;
	[sflag:s0] =	ssyncadd.remote.s32 @!p1 $0xFFFFFFFF  }
0x4f5: {  	s0 =	simm.s32 $0x6499  }
0x4f6: {  	v0 =	vld.msk [tilespmem:s0+$0x0], $0x1;
	_ =	sdelay $0x4  }
0x4f7: {  	(v2sf) =	vpush v0, $0x0;
	_ =	sdelay $0xc  }
0x4f8: {  	s2 =	sadd.s32 $0xFFFFFFFE, s4  }
0x4f9: {  	s2 =	sadd.s32 $0xFFFFFFFF, s2  }
0x4fa: {  	p2 =	sne.s32 s2, $0x0;
	s0 =	spop (v2sf)  }
.Ltmp34:
0x4fb: {  	p1 =	sgt.u32 s0, $0x4E1FC;
	(pc) =	sbr.rel @!p2 .LBB3_35-.Ltmp34, $4  }
0x4fc: {  	s1 =	simm.s32 $0x64D8;
	s4 =	sand.u32 @!p1 $0x7FFF8, s0  }
0x4fd: {  	s8 =	simm.s32 $0x0;
	s0 =	sand.u32 @!p1 $0x7, s0;
	s4 =	sadd.s32 @!p1 s5, s4  }
0x4fe: {  	[hbm4b:s4+s0] =	stream.linear.scatter @!p1 [tilespmem:s1], [sflag:$0x5], $0x20, $0x38;
	[tilespmem:$0x1FBE8] =	vst v63  }
0x4ff: {  	s6 =	simm.s32 $0x649A;
	s8 =	simm.s32 @!p1 $0x80;
	s4 =	simm.s32 $0x0  }
.LBB3_34:
0x500: {  	v0 =	vld.msk [tilespmem:s6+$0x0], $0x1;
	s2 =	sadd.s32 $0xFFFFFFFF, s2;
	s4 =	sadd.s32 s4, s8  }
0x501: {  	p1 =	sne.s32 s2, $0x0;
	_ =	sdelay $0x3  }
0x502: {  	(v2sf) =	vpush v0, $0x0;
	_ =	sdelay $0xe  }
.Ltmp35:
0x503: {  	s0 =	spop (v2sf);
	(pc) =	sbr.rel @p1 .LBB3_34-.Ltmp35, $4  }
0x504: {  	s8 =	simm.s32 $0x0;
	p2 =	sgt.u32 s0, $0x4E1FC  }
0x505: {  	s1 =	sadd.s32 $0x20, s1;
	s8 =	simm.s32 @!p2 $0x80;
	s9 =	sand.u32 @!p2 $0x7FFF8, s0  }
0x506: {  	s6 =	sadd.s32 $0x1, s6;
	s0 =	sand.u32 @!p2 $0x7, s0;
	s9 =	sadd.s32 @!p2 s5, s9  }
0x507: {  	[hbm4b:s9+s0] =	stream.linear.scatter @!p2 [tilespmem:s1], [sflag:$0x5], $0x20, $0x38;
	[tilespmem:$0x1FBE8] =	vst v63  }
.LBB3_35:
0x508: {  	s0 =	sadd.s32 s4, s8  }
0x509: {  	s1 =	sshrl.u32 s0, $0x2  }
.LBB3_36:
0x50a: {  	s0 =	simm.s32 $0x5  }
0x50b: {  	_ =	swait.ge [sflag:s0], s1  }
0x50c: {  	s31 =	ssub.s32 $0x0, s1;
	[sflag:s0] =	ssyncset.done $0x0  }
0x50d: {  	[sflag:s0] =	ssyncadd.s32 s31  }
0x50e: {  	[sflag:s0] =	ssyncpa.u1 $0x1  }
.LBB3_37:
0x50f: {  	s0 =	sor.u32 s3, s7  }
0x510: {  	p1 =	sne.s32 s0, $0x0  }
.Ltmp36:
0x511: {  	_ = 	snop;
	(pc) =	sbr.rel @p1 .LBB3_52-.Ltmp36, $3  }
0x512: {  	_ =	sdelay $0x1  }
0x513: {  	[bflag:$0x0] =	sbarrier.arrive $0xFFFF  }
0x514: {  	_ =	sfence  }
0x515: {  	s0 =	simm.s32 $0x7  }
0x516: {  	s1 =	simm.s32 $0x400;
	s2 =	simm.s32 $0x6498;
	[sflag:s0] =	ssyncpa.u1 $0x0  }
0x517: {  	[tilespmem:s2], [sflag:$0x7] =	stream.linear.gather [spmem:s1], $0x20, $0x38;
	[tilespmem:$0x1FBE8] =	vst v63  }
0x518: {  	s30 =	simm.s32 $0x64B8;
	s1 =	simm.s32 $0x0  }
0x519: {  	[tilespmem:s30], [sflag:$0x7] =	stream.linear.gather [spmem:s1], $0x400, $0x38;
	[tilespmem:$0x1FBE8] =	vst v63  }
.Ltmp37:
0x51a: {  	_ = 	snop;
	(pc) =	sbr.rel .LBB3_39-.Ltmp37, $4  }
0x51b: {  	_ =	swait.ge [sflag:s0], $0x420  }
0x51c: {  	[sflag:s0] =	ssyncset.done $0x0  }
0x51d: {  	s31 =	simm.s32 $0x8;
	[sflag:s0] =	ssyncadd.s32 $0xFFFFFBE0  }
0x51e: {  	s2 =	simm.s32 $0x0;
	[sflag:s31] =	ssyncpa.u1 $0x0  }
.LBB3_45:
0x51f: {  	p1 =	slt.u32 s3, $0x4E1FD  }
0x520: {  	s0 =	sand.u32 @p1 $0x7FFF8, s3  }
0x521: {  	s3 =	sand.u32 @p1 $0x7, s3;
	s4 =	simm.s32 @p1 $0x6468;
	s0 =	sadd.s32 @p1 s5, s0  }
0x522: {  	[tilespmem:s4], [sflag:$0x8] =	stream.linear.gather @p1 [hbm4b:s0+s3], $0x20, $0x38;
	[tilespmem:$0x1FBE8] =	vst v63  }
0x523: {  	s0 =	simm.s32 @p1 $0x8  }
0x524: {  	_ =	swait.ge @p1 [sflag:s0], $0x20  }
0x525: {  	[sflag:s0] =	ssyncset.done @p1 $0x0  }
0x526: {  	[sflag:s0] =	ssyncadd.s32 @p1 $0xFFFFFFE0;
	s0 =	sshll.u32 @p1 s2, $0x7  }
0x527: {  	s3 =	sshrl.u32 @p1 s0, $0x2;
	v1 =	vld @p1 [tilespmem:$0x6468]  }
0x528: {  	v2 =	vld @p1 [tilespmem:s3+$0x64B8];
	_ =	sdelay $0x4  }
0x529: {  	v1 =	vmax.f32 @p1 v1, v2  }
0x52a: {  	v2 =	vld @p1 [tilespmem:s3+$0x64C8];
	[tilespmem:s3+$0x64B8] =	vst @p1 v1  }
0x52b: {  	v1 =	vld @p1 [tilespmem:$0x6478];
	_ =	sdelay $0x4  }
0x52c: {  	s4 =	sshll.u32 @!p1 s2, $0x7;
	v1 =	vmax.f32 @p1 v1, v2  }
0x52d: {  	s4 =	smov.u32 @p1 s0;
	[tilespmem:s3+$0x64C8] =	vst @p1 v1  }
0x52e: {  	s0 =	sshrl.u32 s4, $0x2;
	[tilespmem:s1+$0x6498] =	vst.msk $0x1, v0  }
0x52f: {  	v0 =	vld [tilespmem:s0+$0x64B8];
	_ =	sdelay $0x2  }
0x530: {  	s31 =	sshll.u32 s1, $0x7  }
0x531: {  	s3 =	sshra.s32 s31, $0x2  }
0x532: {  	[tilespmem:s3+$0x64B8] =	vst v0  }
0x533: {  	v0 =	vld [tilespmem:s0+$0x64C8];
	_ =	sdelay $0x4  }
0x534: {  	s1 =	sadd.s32 $0x1, s1;
	[tilespmem:s3+$0x64C8] =	vst v0  }
.LBB3_46:
0x535: {  	s2 =	sadd.s32 $0x1, s2  }
0x536: {  	p1 =	sne.s32 s2, $0x20  }
.Ltmp38:
0x537: {  	_ = 	snop;
	(pc) =	sbr.rel @!p1 .LBB3_47-.Ltmp38, $1  }
0x538: {  	_ =	sdelay $0x3  }
.LBB3_39:
0x539: {  	v0 =	vld.msk [tilespmem:s2+$0x6498], $0x1;
	_ =	sdelay $0x4  }
0x53a: {  	(v2sf) =	vpush v0, $0x0;
	_ =	sdelay $0xe  }
0x53b: {  	s3 =	spop (v2sf)  }
0x53c: {  	p1 =	seq.s32 s3, $0xFFFFFFFF  }
.Ltmp39:
0x53d: {  	_ = 	snop;
	(pc) =	sbr.rel @p1 .LBB3_46-.Ltmp39, $1  }
0x53e: {  	_ =	sdelay $0x3  }
0x53f: {  	p1 =	slt.s32 s1, $0x1  }
.Ltmp40:
0x540: {  	_ = 	snop;
	(pc) =	sbr.rel @p1 .LBB3_45-.Ltmp40, $1  }
0x541: {  	_ =	sdelay $0x3  }
0x542: {  	s4 =	simm.s32 $0x6498;
	p1 =	por $0x0, $0x0  }
0x543: {  	v1 =	vld.msk @!p1 [tilespmem:s4+$0x0], $0x1;
	_ =	sdelay $0x4  }
0x544: {  	(v2sf) =	vpush @!p1 v1, $0x0;
	_ =	sdelay $0xd  }
0x545: {  	p3 =	sne.s32 s1, $0x1  }
.Ltmp41:
0x546: {  	s0 =	spop @!p1 (v2sf);
	(pc) =	sbr.rel @!p3 .LBB3_43-.Ltmp41, $4  }
0x547: {  	p2 =	seq.s32 @!p1 s3, s0  }
0x548: {  	s6 =	simm.s32 $0x0;
	p2 =	por !p2, p1  }
0x549: {  	s0 =	simm.s32 $0xFFFFFFFF;
	s6 =	simm.s32 @p2 $0xFFFFFFFF  }
0x54a: {  	s7 =	simm.s32 $0x1;
	s6 =	smov.u32 @p1 s0  }
.LBB3_42:
0x54b: {  	s0 =	smov.u32 s6;
	p1 =	sne.s32 s6, $0xFFFFFFFF  }
0x54c: {  	s4 =	sadd.s32 $0x1, s4;
	s6 =	smov.u32 s7;
	s7 =	sadd.s32 $0x1, s7  }
0x54d: {  	p2 =	sne.s32 s1, s7;
	v1 =	vld.msk @!p1 [tilespmem:s4+$0x0], $0x1;
	_ =	sdelay $0x4  }
0x54e: {  	(v2sf) =	vpush @!p1 v1, $0x0;
	_ =	sdelay $0xe  }
.Ltmp42:
0x54f: {  	s8 =	spop @!p1 (v2sf);
	(pc) =	sbr.rel @p2 .LBB3_42-.Ltmp42, $4  }
0x550: {  	p3 =	seq.s32 @!p1 s3, s8  }
0x551: {  	p3 =	por !p3, p1  }
0x552: {  	s6 =	simm.s32 @p3 $0xFFFFFFFF  }
0x553: {  	s6 =	smov.u32 @p1 s0  }
.LBB3_43:
0x554: {  	p1 =	seq.s32 s6, $0xFFFFFFFF  }
.Ltmp43:
0x555: {  	_ = 	snop;
	(pc) =	sbr.rel @p1 .LBB3_45-.Ltmp43, $1  }
0x556: {  	_ =	sdelay $0x3  }
0x557: {  	s0 =	sshll.u32 s2, $0x5  }
0x558: {  	s3 =	sshll.u32 s6, $0x7;
	s0 =	sand.u32 $0x3FFFFFE0, s0  }
0x559: {  	s3 =	sshra.s32 s3, $0x2;
	v0 =	vld [tilespmem:s0+$0x64B8]  }
0x55a: {  	v1 =	vld [tilespmem:s3+$0x64B8];
	_ =	sdelay $0x4  }
0x55b: {  	v0 =	vmax.f32 v0, v1  }
0x55c: {  	v63 =	vld [tilespmem:s3+$0x64C8];
	[tilespmem:s3+$0x64B8] =	vst v0  }
0x55d: {  	v0 =	vld [tilespmem:s0+$0x64C8];
	_ =	sdelay $0x1  }
.Ltmp44:
0x55e: {  	_ = 	snop;
	(pc) =	sbr.rel .LBB3_46-.Ltmp44, $3  }
0x55f: {  	_ =	sdelay $0x1  }
0x560: {  	v0 =	vmax.f32 v0, v63  }
0x561: {  	[tilespmem:s3+$0x64C8] =	vst v0  }
.LBB3_47:
0x562: {  	p1 =	slt.s32 s1, $0x1  }
.Ltmp45:
0x563: {  	_ = 	snop;
	(pc) =	sbr.rel @p1 .LBB3_51-.Ltmp45, $3  }
0x564: {  	_ =	sdelay $0x1  }
0x565: {  	s0 =	simm.s32 $0x8  }
0x566: {  	s2 =	simm.s32 $0x0;
	[sflag:s0] =	ssyncpa.u1 $0x1  }
0x567: {  	s0 =	simm.s32 $0x6498  }
0x568: {  	v0 =	vld.msk [tilespmem:s0+$0x0], $0x1;
	_ =	sdelay $0x4  }
0x569: {  	(v2sf) =	vpush v0, $0x0;
	_ =	sdelay $0xd  }
0x56a: {  	s1 =	sadd.s32 $0xFFFFFFFF, s1  }
0x56b: {  	p2 =	sne.s32 s1, $0x0;
	s0 =	spop (v2sf)  }
.Ltmp46:
0x56c: {  	p1 =	sgt.u32 s0, $0x4E1FC;
	(pc) =	sbr.rel @!p2 .LBB3_50-.Ltmp46, $4  }
0x56d: {  	s3 =	simm.s32 $0x64B8;
	s4 =	sand.u32 @!p1 $0x7FFF8, s0  }
0x56e: {  	s6 =	simm.s32 $0x0;
	s0 =	sand.u32 @!p1 $0x7, s0;
	s4 =	sadd.s32 @!p1 s5, s4  }
0x56f: {  	[hbm4b:s4+s0] =	stream.linear.scatter @!p1 [tilespmem:s3], [sflag:$0x7], $0x20, $0x38;
	[tilespmem:$0x1FBE8] =	vst v63  }
0x570: {  	s6 =	simm.s32 @!p1 $0x80;
	s4 =	simm.s32 $0x6499  }
.LBB3_49:
0x571: {  	v0 =	vld.msk [tilespmem:s4+$0x0], $0x1;
	s1 =	sadd.s32 $0xFFFFFFFF, s1;
	s2 =	sadd.s32 s2, s6  }
0x572: {  	p1 =	sne.s32 s1, $0x0;
	_ =	sdelay $0x3  }
0x573: {  	(v2sf) =	vpush v0, $0x0;
	_ =	sdelay $0xe  }
.Ltmp47:
0x574: {  	s0 =	spop (v2sf);
	(pc) =	sbr.rel @p1 .LBB3_49-.Ltmp47, $4  }
0x575: {  	s6 =	simm.s32 $0x0;
	p2 =	sgt.u32 s0, $0x4E1FC  }
0x576: {  	s3 =	sadd.s32 $0x20, s3;
	s6 =	simm.s32 @!p2 $0x80;
	s7 =	sand.u32 @!p2 $0x7FFF8, s0  }
0x577: {  	s4 =	sadd.s32 $0x1, s4;
	s0 =	sand.u32 @!p2 $0x7, s0;
	s7 =	sadd.s32 @!p2 s5, s7  }
0x578: {  	[hbm4b:s7+s0] =	stream.linear.scatter @!p2 [tilespmem:s3], [sflag:$0x7], $0x20, $0x38;
	[tilespmem:$0x1FBE8] =	vst v63  }
.LBB3_50:
0x579: {  	s0 =	sadd.s32 s2, s6  }
0x57a: {  	s2 =	sshrl.u32 s0, $0x2  }
.LBB3_51:
0x57b: {  	s0 =	simm.s32 $0x7  }
0x57c: {  	_ =	swait.ge [sflag:s0], s2  }
0x57d: {  	s1 =	ssub.s32 $0x0, s2;
	[sflag:s0] =	ssyncset.done $0x0  }
0x57e: {  	[sflag:s0] =	ssyncadd.s32 s1  }
0x57f: {  	[sflag:s0] =	ssyncpa.u1 $0x1  }
.LBB3_52:
0x580: {  	_ =	sfence;
	s0 =	simm.s32 $0x1  }
0x581: {  	[sflag:s0] =	ssyncpa.u1 $0x1  }
0x582: {  	_ =	strace $0x9000005F  }
0x583: {  	[bflag:$0x2] =	sbarrier.arrive $0xFFFF  }
0x584: {  	s0 =	rddreg [dreg:$0x4]  }
0x585: {  	s0 =	sadd.s32 @!p0 $0x100000, s0  }
0x586: {  	[sflag:s0] =	ssyncadd.tile.s32 @!p0 $0x1;
	_ =	shalt  }
.Lfunc_end3:
_tile_overlayer_lowered:
.L_overlay_start_3:
0x587: {  	(tag) =	ssettag $0x3  }
0x588: {  	s0 =	rddreg [dreg:$0x0];
	s2 =	stileid.u32  }
0x589: {  	s1 =	rddreg [dreg:$0x1];
	p0 =	sne.s32 s2, $0x0  }
0x58a: {  	s3 =	rddreg [dreg:$0x2];
	[bflag:$0x3] =	sbarrier.arrive $0xFFFF;
	s2 =	simm.s32 @!p0 $0x1C01  }
0x58b: {  	[timem:s3], [sflag:s2] =	dma.local @!p0 [hbm:s0], s1  }
0x58c: {  	s0 =	simm.s32 @!p0 $0x1  }
0x58d: {  	_ =	swait.ge @!p0 [sflag:s0], s1  }
0x58e: {  	s1 =	ssub.s32 @!p0 $0x0, s1;
	[sflag:s0] =	ssyncset.done @!p0 $0x0  }
0x58f: {  	[sflag:s0] =	ssyncadd.s32 @!p0 s1  }
0x590: {  	[bflag:$0x3] =	sbarrier.arrive $0xFFFF  }
0x591: {  	_ =	shalt  }

// kernel: scatter_offload_async_start
scs
__scs_entry_jumppad:
0x0: {  	(pc) =	sbr.rel $0x88, $3  }
0x1: {  	(tag) =	ssettag $0x0;
	lr =	simm.s32 $0x1  }
0x2: {  	[smem:$0x3F91] =	sst lr;
	_ =	strace $0xD0000000  }
0x3: {  	_ = 	snop  }
0x4: {  	_ = 	snop  }
0x5: {  	_ = 	snop  }
0x6: {  	_ = 	snop  }
0x7: {  	_ = 	snop  }
__scs_overlays_trampoline_lowered:
0x8: {  	[smem:$0x3FA0] =	sst s0  }
0x9: {  	[smem:$0x3FA1] =	sst s1  }
0xa: {  	[smem:$0x3FA2] =	sst s2  }
0xb: {  	[smem:$0x3FA3] =	sst s3  }
0xc: {  	[smem:$0x3FA4] =	sst s4  }
0xd: {  	[smem:$0x3FA5] =	sst s5  }
0xe: {  	[smem:$0x3FA6] =	sst s6  }
0xf: {  	[smem:$0x3FA7] =	sst s7  }
0x10: {  	[smem:$0x3FA8] =	sst s8  }
0x11: {  	[smem:$0x3FA9] =	sst s9;
	s0 =	simm.s32 @!p0 $0x0  }
0x12: {  	s1 =	sld [smem:$0x3F8F];
	s0 =	simm.s32 @p0 $0x1  }
0x13: {  	[smem:$0x3FAA] =	sst s0;
	s0 =	simm.s32 @!p1 $0x0  }
0x14: {  	s2 =	sld [smem:$0x3F8E];
	s0 =	simm.s32 @p1 $0x1  }
0x15: {  	[smem:$0x3FAB] =	sst s0;
	s0 =	simm.s32 @!p2 $0x0  }
0x16: {  	s3 =	sld [smem:$0x3FDB];
	s0 =	simm.s32 @p2 $0x1  }
0x17: {  	s4 =	simm.s32 $0x1BF5;
	[smem:$0x3FAD] =	sst s0  }
0x18: {  	s0 =	sld [smem:$0x3F90];
	_ =	swait.ge [sflag:s4], $0x0  }
0x19: {  	s7 =	sld [smem:$0x3F91]  }
0x1a: {  	s8 =	sadd.s32 $0xFFFFE003, lr  }
0x1b: {  	s9 =	sadd.s32 $0xFFFFFEF7, lr;
	s5 =	simm.s32 $0xFFFFFFFF;
	p2 =	slt.u32 s8, $0xFFFFF086  }
0x1c: {  	p1 =	slt.u32 s9, $0xF7A;
	s5 =	simm.s32 @!p2 $0x0  }
0x1d: {  	s5 =	simm.s32 @p1 $0x1;
	p0 =	seq.s32 s7, s2  }
0x1e: {  	s7 =	smul.u32 @!p0 $0xF7A, s2;
	p2 =	seq.s32 @!p0 s5, $0x0  }
0x1f: {  	s9 =	smul.u32 $0xF7A, s1;
	s8 =	simm.s32 @!p0 $0x1BF5;
	p2 =	por !p2, p0  }
0x20: {  	[sflag:s8] =	ssyncset.s32 @!p0 $0xFFFFF086;
	s6 =	sadd.s32 @!p0 s3, s7;
	s7 =	simm.s32 @!p0 $0x108  }
0x21: {  	s3 =	sadd.s32 s3, s9;
	s6 =	sadd.s32 @!p0 $0x88, s6;
	s7 =	simm.s32 @p2 $0x1082  }
0x22: {  	[simem:s7], [sflag:s8] =	dma.local @!p0 [hbm:s6], $0xF7A  }
0x23: {  	s9 =	sor.u32 $0xD0000000, s2;
	s6 =	simm.s32 $0x108;
	_ =	swait.ge @!p0 [sflag:s8], $0x0  }
0x24: {  	s3 =	sadd.s32 $0x88, s3;
	s6 =	simm.s32 @!p1 $0x1082;
	[sflag:s4] =	ssyncset.s32 $0xFFFFF086  }
0x25: {  	[simem:s6], [sflag:s4] =	dma.local [hbm:s3], $0xF7A  }
0x26: {  	[smem:$0x3F91] =	sst s1;
	(tag) =	ssettag s2;
	_ =	strace s9  }
0x27: {  	s1 =	sld [smem:$0x3FA1]  }
0x28: {  	s2 =	sld [smem:$0x3FA2]  }
0x29: {  	s4 =	sld [smem:$0x3FA4]  }
0x2a: {  	p0 =	seq.s32 s5, $0x0;
	s5 =	sld [smem:$0x3FA5]  }
0x2b: {  	s6 =	sld [smem:$0x3FA6]  }
0x2c: {  	s7 =	sld [smem:$0x3FA7]  }
0x2d: {  	s3 =	simm.s32 $0x108;
	s8 =	sld [smem:$0x3FA8]  }
0x2e: {  	s3 =	simm.s32 @!p0 $0x1082;
	s9 =	sld [smem:$0x3FA9]  }
0x2f: {  	lr =	sadd.s32 s0, s3;
	s0 =	sld [smem:$0x3FA0]  }
0x30: {  	s3 =	sld [smem:$0x3FA3]  }
0x31: {  	[smem:$0x3FAC] =	sst s10  }
0x32: {  	s10 =	sld [smem:$0x3FAA];
	_ =	sdelay $0x3  }
0x33: {  	p0 =	seq.s32 s10, $0x1;
	s10 =	sld [smem:$0x3FAC];
	_ =	sdelay $0x3  }
0x34: {  	[smem:$0x3FAC] =	sst s10  }
0x35: {  	s10 =	sld [smem:$0x3FAB];
	_ =	sdelay $0x3  }
0x36: {  	p1 =	seq.s32 s10, $0x1;
	s10 =	sld [smem:$0x3FAC];
	_ =	sdelay $0x3  }
0x37: {  	[smem:$0x3FAC] =	sst s10  }
0x38: {  	s10 =	sld [smem:$0x3FAD]  }
0x39: {  	_ = 	snop;
	(pc) =	sbr.ind lr, $3  }
0x3a: {  	_ = 	snop  }
0x3b: {  	_ = 	snop  }
0x3c: {  	p2 =	seq.s32 s10, $0x1;
	s10 =	sld [smem:$0x3FAC]  }
0x3d: {  	_ =	shalt  }
0x3e: {  	_ =	shalt  }
0x3f: {  	_ =	shalt  }
0x40: {  	_ =	shalt  }
0x41: {  	_ =	shalt  }
0x42: {  	_ =	shalt  }
0x43: {  	_ =	shalt  }
0x44: {  	_ =	shalt  }
0x45: {  	_ =	shalt  }
0x46: {  	_ =	shalt  }
0x47: {  	_ =	shalt  }
0x48: {  	_ =	shalt  }
0x49: {  	_ =	shalt  }
0x4a: {  	_ =	shalt  }
0x4b: {  	_ =	shalt  }
0x4c: {  	_ =	shalt  }
0x4d: {  	_ =	shalt  }
0x4e: {  	_ =	shalt  }
0x4f: {  	_ =	shalt  }
0x50: {  	_ =	shalt  }
0x51: {  	_ =	shalt  }
0x52: {  	_ =	shalt  }
0x53: {  	_ =	shalt  }
0x54: {  	_ =	shalt  }
0x55: {  	_ =	shalt  }
0x56: {  	_ =	shalt  }
0x57: {  	_ =	shalt  }
0x58: {  	_ =	shalt  }
0x59: {  	_ =	shalt  }
0x5a: {  	_ =	shalt  }
0x5b: {  	_ =	shalt  }
0x5c: {  	_ =	shalt  }
0x5d: {  	_ =	shalt  }
0x5e: {  	_ =	shalt  }
0x5f: {  	_ =	shalt  }
0x60: {  	_ =	shalt  }
0x61: {  	_ =	shalt  }
0x62: {  	_ =	shalt  }
0x63: {  	_ =	shalt  }
0x64: {  	_ =	shalt  }
0x65: {  	_ =	shalt  }
0x66: {  	_ =	shalt  }
0x67: {  	_ =	shalt  }
0x68: {  	_ =	shalt  }
0x69: {  	_ =	shalt  }
0x6a: {  	_ =	shalt  }
0x6b: {  	_ =	shalt  }
0x6c: {  	_ =	shalt  }
0x6d: {  	_ =	shalt  }
0x6e: {  	_ =	shalt  }
0x6f: {  	_ =	shalt  }
0x70: {  	_ =	shalt  }
0x71: {  	_ =	shalt  }
0x72: {  	_ =	shalt  }
0x73: {  	_ =	shalt  }
0x74: {  	_ =	shalt  }
0x75: {  	_ =	shalt  }
0x76: {  	_ =	shalt  }
0x77: {  	_ =	shalt  }
0x78: {  	_ =	shalt  }
0x79: {  	_ =	shalt  }
0x7a: {  	_ =	shalt  }
0x7b: {  	_ =	shalt  }
0x7c: {  	_ =	shalt  }
0x7d: {  	_ =	shalt  }
0x7e: {  	_ =	shalt  }
0x7f: {  	_ =	shalt  }
0x80: {  	_ =	shalt  }
0x81: {  	_ =	shalt  }
0x82: {  	_ =	shalt  }
0x83: {  	_ =	shalt  }
0x84: {  	_ =	shalt  }
0x85: {  	_ =	shalt  }
0x86: {  	_ =	shalt  }
0x87: {  	_ =	shalt  }
.Lfunc_end0:
.L_simem_size_0:
called_computation_lowered:
.L_overlay_start_0:
0x88: {  	s0 =	sld [smem:$0x3FD9]  }
0x89: {  	s1 =	sld [smem:$0x3FFE];
	_ =	sdelay $0x3  }
0x8a: {  	s0 =	sadd.s32 s1, s0  }
0x8b: {  	[smem:$0x3FB8] =	sst s0  }
0x8c: {  	_ = 	snop  }
0x8d: {  	s14 =	sld [smem:$0x3FBA];
	(tm) =	ssettm $0x1  }
0x8e: {  	s15 =	sld [smem:$0x3FFB];
	_ =	sdelay $0x3  }
0x8f: {  	_ =	strace s15  }
0x90: {  	s0 =	sld [smem:$0x3FFC];
	_ =	sdelay $0x3  }
0x91: {  	_ =	strace s0  }
0x92: {  	s0 =	sld [smem:$0x3FFD];
	_ =	sdelay $0x3  }
0x93: {  	_ =	strace s0  }
0x94: {  	_ =	strace $0x8FFFFFFF  }
0x95: {  	s16 =	sld [smem:$0x3FDB];
	_ =	sdelay $0x1  }
0x96: {  	s2 =	simm.s32 $_scs_section_size  }
0x97: {  	s3 =	simm.s32 $_size__tile_overlayer_lowered;
	s4 =	simm.s32 $_tile_overlayer_lowered  }
0x98: {  	s5 =	simm.s32 $0x1BFF;
	s17 =	sshll.u32 s4, $0x1;
	s2 =	sadd.s32 s2, s16  }
0x99: {  	s18 =	simm.s32 $0x0;
	s3 =	sshll.u32 s3, $0x1;
	s4 =	sadd.s32 s17, s2  }
0x9a: {  	[timem:s18], [sflag:s5] =	dma.local [hbm:s4], s3  }
0x9b: {  	_ =	swait.ge [sflag:s5], s3  }
0x9c: {  	s3 =	ssub.s32 $0x0, s3;
	[sflag:s5] =	ssyncset.done $0x0  }
0x9d: {  	[sflag:s5] =	ssyncadd.s32 s3;
	_ =	sdelay $0x1  }
0x9e: {  	s19 =	simm.s32 $0x1B8B  }
0x9f: {  	_ =	swait.ge [sflag:s19], $0x1  }
0xa0: {  	[sflag:s19] =	ssyncset.done $0x0  }
0xa1: {  	s21 =	simm.s32 $0x1B8E;
	s20 =	sld [smem:$0x3FFE];
	[sflag:s19] =	ssyncadd.s32 $0xFFFFFFFF  }
0xa2: {  	s22 =	simm.s32 $execute0_lowered;
	[smem:$0x3FD2] =	sst s21  }
0xa3: {  	s4 =	sshll.u32 s22, $0x1;
	_ =	strace $0x80000049;
	[dreg:$0x1] =	wrdreg $0xFFFFFFFF  }
0xa4: {  	s23 =	simm.s32 $_size_execute0_lowered;
	s4 =	sadd.s32 s2, s4;
	[dreg:$0x0] =	wrdreg $0x0  }
0xa5: {  	s5 =	sshll.u32 s23, $0x1;
	[dreg:$0x2] =	wrdreg s4  }
0xa6: {  	[dreg:$0x3] =	wrdreg s5  }
0xa7: {  	[dreg:$0x4] =	wrdreg $0xC0  }
0xa8: {  	s24 =	simm.s32 $execute1_lowered;
	_ =	task [dreg:s18], $0x5FFFF  }
0xa9: {  	s4 =	sshll.u32 s24, $0x1;
	[dreg:$0x1] =	wrdreg $0xFFFFFFFF  }
0xaa: {  	s2 =	sadd.s32 s2, s4;
	[dreg:$0x0] =	wrdreg $0x60  }
0xab: {  	[dreg:$0x2] =	wrdreg s2  }
0xac: {  	[dreg:$0x3] =	wrdreg s20  }
0xad: {  	[dreg:$0x4] =	wrdreg $0x9  }
0xae: {  	_ =	task.clear_ibuf [dreg:s18], $0x5FFFF;
	_ =	strace $0x90000049  }
0xaf: {  	s25 =	simm.s32 $0x9;
	_ =	strace $0x8000004B  }
0xb0: {  	_ =	swait.ge [sflag:s25], $0x1  }
0xb1: {  	[sflag:s25] =	ssyncadd.s32 $0xFFFFFFFF  }
0xb2: {  	_ =	strace $0x9000004B  }
0xb3: {  	_ =	strace $0x8000004C;
	[dreg:$0x1] =	wrdreg $0xFFFFFFFF  }
0xb4: {  	[dreg:$0x0] =	wrdreg $0x2030  }
0xb5: {  	[dreg:$0x2] =	wrdreg s20  }
0xb6: {  	[dreg:$0x3] =	wrdreg s14  }
0xb7: {  	[dreg:$0x4] =	wrdreg $0xA  }
0xb8: {  	_ =	task.clear_ibuf [dreg:s18], $0x5FFFF;
	_ =	strace $0x9000004C  }
0xb9: {  	s26 =	simm.s32 $0xA;
	_ =	strace $0x8000004E  }
0xba: {  	_ =	swait.ge [sflag:s26], $0x1  }
0xbb: {  	[sflag:s26] =	ssyncadd.s32 $0xFFFFFFFF  }
0xbc: {  	_ =	strace $0x9000004E  }
0xbd: {  	_ =	sfence  }
0xbe: {  	s28 =	sld [smem:$0x0];
	_ =	sdelay $0x1  }
0xbf: {  	s29 =	srdreg.scid  }
0xc0: {  	s30 =	sshll.u32 s29, $0xD;
	s31 =	sshrl.u32 s29, $0x2  }
0xc1: {  	s3 =	sand.u32 $0x4000, s30;
	s2 =	sand.u32 $0x1, s29;
	s1 =	sadd.s32 s31, s28  }
0xc2: {  	s2 =	sor.u32 s3, s2;
	s1 =	sshll.u32 s1, $0x11  }
0xc3: {  	s1 =	sor.u32 s1, s2  }
0xc4: {  	s1 =	sadd.s32 $0x8F2B, s1  }
0xc5: {  	[sflag:s1] =	ssyncadd.remote.s32 $0x1  }
0xc6: {  	_ =	sfence.sel $0xFFFF  }
0xc7: {  	[dreg:$0x0] =	wrdreg $0xFFFFFFFF;
	(pc) =	sbr.abs _section_cstart, $3  }
0xc8: {  	[dreg:$0x1] =	wrdreg $0xFFFFFFFF  }
0xc9: {  	_ =	task.clear_ibuf [dreg:s18], $0x2FFFF;
	_ =	strace $0x9FFFFFFF  }
0xca: {  	(tm) =	ssettm $0x7FFFFFFF  }
0xcb: {  	_ =	shalt  }
tec
execute0_lowered:
.L_overlay_start_1:
0x0: {  	(tag) =	ssettag $0x1  }
0x1: {  	s2 =	rddreg [dreg:$0x0]  }
0x2: {  	s4 =	rddreg [dreg:$0x1]  }
0x3: {  	s0 =	rddreg [dreg:$0x2];
	s3 =	stileid.u32  }
0x4: {  	[bflag:$0x3] =	sbarrier.arrive $0xFFFF;
	s1 =	simm.s32 $_size_execute1_lowered;
	p0 =	sne.s32 s3, $0x0  }
0x5: {  	s1 =	sshll.u32 s1, $0x1;
	s5 =	simm.s32 @!p0 $0x1C3F;
	s6 =	simm.s32 @!p0 $0x4060  }
0x6: {  	[timem:s6], [sflag:s5] =	dma.local @!p0 [hbm:s2], s1  }
0x7: {  	s2 =	smul.u32 $0x500, s3  }
.Ltmp0:
0x8: {  	s31 =	simm.s32 $0x2;
	s7 =	simm.s32 $0x500;
	(pc) =	sbr.rel .LBB2_1-.Ltmp0, $4  }
0x9: {  	s8 =	simm.s32 $0xF00;
	s10 =	simm.s32 $0x0;
	s9 =	simm.s32 $0x0  }
0xa: {  	s3 =	simm.s32 $0x1;
	_ =	strace $0x8000004A;
	s30 =	sshrl.u32 s2, $0x3  }
0xb: {  	s6 =	simm.s32 $0x0;
	[sflag:s3] =	ssyncpa.u1 $0x0;
	s5 =	sadd.s32 s30, s4  }
0xc: {  	s4 =	sadd.s32 $0x1A600, s4;
	[sflag:s31] =	ssyncpa.u1 $0x0;
	s5 =	sadd.s32 $0x1400, s5  }
.LBB2_7:
0xd: {  	p1 =	seq.s32 s9, $0x2  }
.Ltmp1:
0xe: {  	_ = 	snop;
	(pc) =	sbr.rel @p1 .LBB2_9-.Ltmp1, $1  }
0xf: {  	_ =	sdelay $0x3  }
.LBB2_8:
0x10: {  	s9 =	sadd.s32 $0x1, s9;
	s10 =	smov.u32 s2  }
.LBB2_1:
0x11: {  	p1 =	sne.s32 s9, $0x0  }
.Ltmp2:
0x12: {  	_ = 	snop;
	(pc) =	sbr.rel @!p1 .LBB2_2-.Ltmp2, $1  }
0x13: {  	_ =	sdelay $0x3  }
0x14: {  	s11 =	sand.u32 $0x1, s9  }
0x15: {  	p1 =	seq.s32 s11, $0x0  }
.Ltmp3:
0x16: {  	_ = 	snop;
	(pc) =	sbr.rel @p1 .LBB2_7-.Ltmp3, $1  }
0x17: {  	_ =	sdelay $0x3  }
0x18: {  	_ =	swait.ge [sflag:s3], $0x500  }
0x19: {  	[sflag:s3] =	ssyncset.done $0x0  }
0x1a: {  	s13 =	simm.s32 $0x5F0;
	[sflag:s3] =	ssyncadd.s32 $0xFFFFFB00  }
0x1b: {  	v0 =	vld [tilespmem:s13+$0x0]  }
0x1c: {  	v1 =	vld [tilespmem:s13+$0xFFFFFF20]  }
0x1d: {  	v2 =	vld [tilespmem:s13+$0xFFFFFF30]  }
0x1e: {  	v3 =	vld [tilespmem:s13+$0xFFFFFF40]  }
0x1f: {  	s11 =	simm.s32 $0xFF0;
	v4 =	vld [tilespmem:s13+$0xFFFFFF50]  }
0x20: {  	v5 =	vld [tilespmem:s13+$0xFFFFFF60];
	[tilespmem:s11+$0x0] =	vst v0  }
0x21: {  	[tilespmem:s11+$0xFFFFFF20] =	vst v1;
	v0 =	vld [tilespmem:s13+$0xFFFFFF70]  }
0x22: {  	[tilespmem:s11+$0xFFFFFF30] =	vst v2;
	v1 =	vld [tilespmem:s13+$0xFFFFFF80]  }
0x23: {  	[tilespmem:s11+$0xFFFFFF40] =	vst v3;
	v2 =	vld [tilespmem:s13+$0xFFFFFF90]  }
0x24: {  	[tilespmem:s11+$0xFFFFFF50] =	vst v4;
	v3 =	vld [tilespmem:s13+$0xFFFFFFA0]  }
0x25: {  	[tilespmem:s11+$0xFFFFFF60] =	vst v5;
	v5 =	vld [tilespmem:s13+$0xFFFFFFB0]  }
0x26: {  	[tilespmem:s11+$0xFFFFFF70] =	vst v0;
	v0 =	vld [tilespmem:s13+$0xFFFFFFC0]  }
0x27: {  	[tilespmem:s11+$0xFFFFFF80] =	vst v1;
	v1 =	vld [tilespmem:s13+$0xFFFFFFD0]  }
0x28: {  	[tilespmem:s11+$0xFFFFFF90] =	vst v2;
	v2 =	vld [tilespmem:s13+$0xFFFFFFE0]  }
0x29: {  	v4 =	vld [tilespmem:s13+$0xFFFFFFF0];
	[tilespmem:s11+$0xFFFFFFA0] =	vst v3  }
0x2a: {  	s12 =	simm.s32 $0x0;
	v3 =	vld [tilespmem:s13+$0xFFFFFF10];
	[tilespmem:s11+$0xFFFFFFB0] =	vst v5;
	s13 =	simm.s32 $0x6F0  }
.LBB2_5:
0x2b: {  	v5 =	vld [tilespmem:s13+$0x0];
	s12 =	sadd.s32 $0x100, s12;
	[tilespmem:s11+$0xFFFFFFC0] =	vst v0  }
0x2c: {  	v0 =	vld [tilespmem:s13+$0xFFFFFF20];
	p1 =	slt.u32 s12, $0x400;
	[tilespmem:s11+$0xFFFFFFD0] =	vst v1  }
0x2d: {  	v1 =	vld [tilespmem:s13+$0xFFFFFF30];
	[tilespmem:s11+$0xFFFFFFE0] =	vst v2  }
0x2e: {  	v2 =	vld [tilespmem:s13+$0xFFFFFF40];
	[tilespmem:s11+$0xFFFFFFF0] =	vst v4  }
0x2f: {  	v4 =	vld [tilespmem:s13+$0xFFFFFF50];
	[tilespmem:s11+$0xFFFFFF10] =	vst v3;
	s11 =	sadd.s32 $0x100, s11  }
0x30: {  	v3 =	vld [tilespmem:s13+$0xFFFFFF60];
	[tilespmem:s11+$0x0] =	vst v5  }
0x31: {  	[tilespmem:s11+$0xFFFFFF20] =	vst v0;
	v0 =	vld [tilespmem:s13+$0xFFFFFF70]  }
0x32: {  	[tilespmem:s11+$0xFFFFFF30] =	vst v1;
	v1 =	vld [tilespmem:s13+$0xFFFFFF80]  }
0x33: {  	[tilespmem:s11+$0xFFFFFF40] =	vst v2;
	v2 =	vld [tilespmem:s13+$0xFFFFFF90]  }
0x34: {  	[tilespmem:s11+$0xFFFFFF50] =	vst v4;
	v4 =	vld [tilespmem:s13+$0xFFFFFFA0]  }
0x35: {  	[tilespmem:s11+$0xFFFFFF60] =	vst v3;
	v5 =	vld [tilespmem:s13+$0xFFFFFFB0]  }
.Ltmp4:
0x36: {  	[tilespmem:s11+$0xFFFFFF70] =	vst v0;
	v0 =	vld [tilespmem:s13+$0xFFFFFFC0];
	(pc) =	sbr.rel @p1 .LBB2_5-.Ltmp4, $4  }
0x37: {  	[tilespmem:s11+$0xFFFFFF80] =	vst v1;
	v1 =	vld [tilespmem:s13+$0xFFFFFFD0]  }
0x38: {  	[tilespmem:s11+$0xFFFFFF90] =	vst v2;
	v2 =	vld [tilespmem:s13+$0xFFFFFFE0]  }
0x39: {  	[tilespmem:s11+$0xFFFFFFA0] =	vst v4;
	v4 =	vld [tilespmem:s13+$0xFFFFFFF0]  }
0x3a: {  	v3 =	vld [tilespmem:s13+$0xFFFFFF10];
	[tilespmem:s11+$0xFFFFFFB0] =	vst v5;
	s13 =	sadd.s32 $0x100, s13  }
0x3b: {  	[tilespmem:s11+$0xFFFFFFC0] =	vst v0  }
.Ltmp5:
0x3c: {  	[tilespmem:s11+$0xFFFFFFD0] =	vst v1;
	(pc) =	sbr.rel .LBB2_7-.Ltmp5, $4  }
0x3d: {  	[tilespmem:s11+$0xFFFFFFE0] =	vst v2  }
0x3e: {  	s10 =	sshrl.u32 s10, $0x3;
	[tilespmem:s11+$0xFFFFFFF0] =	vst v4  }
0x3f: {  	s10 =	sadd.s32 s4, s10;
	[tilespmem:s11+$0xFFFFFF10] =	vst v3  }
0x40: {  	[hbm4b:s10+s6] =	stream.linear.scatter [tilespmem:s8], [sflag:$0x2], $0x500, $0x38;
	[tilespmem:$0x1400] =	vst v63  }
.LBB2_2:
.Ltmp6:
0x41: {  	(pc) =	sbr.rel .LBB2_8-.Ltmp6, $2  }
0x42: {  	_ =	sdelay $0x2  }
0x43: {  	[tilespmem:s7], [sflag:$0x1] =	stream.linear.gather [hbm4b:s5+s6], $0x500, $0x38;
	[tilespmem:$0x1400] =	vst v63  }
.LBB2_9:
0x44: {  	s2 =	simm.s32 $0x2  }
0x45: {  	_ =	swait.ge [sflag:s2], $0x500  }
0x46: {  	[sflag:s2] =	ssyncset.done $0x0  }
0x47: {  	[sflag:s2] =	ssyncadd.s32 $0xFFFFFB00  }
0x48: {  	_ =	sfence.sel $0x180000  }
0x49: {  	s3 =	simm.s32 $0x1;
	[bflag:$0x0] =	sbarrier.arrive $0xFFFF  }
0x4a: {  	[sflag:s3] =	ssyncpa.u1 $0x1  }
0x4b: {  	[sflag:s2] =	ssyncpa.u1 $0x1  }
0x4c: {  	_ =	strace $0x9000004A  }
0x4d: {  	s0 =	sadd.s32 @!p0 $0x100000, s0;
	[bflag:$0x2] =	sbarrier.arrive $0xFFFF  }
0x4e: {  	[sflag:s0] =	ssyncadd.tile.s32 @!p0 $0x1;
	s0 =	simm.s32 @!p0 $0x3F  }
0x4f: {  	_ =	swait.ge @!p0 [sflag:s0], s1  }
0x50: {  	s1 =	ssub.s32 @!p0 $0x0, s1;
	[sflag:s0] =	ssyncset.done @!p0 $0x0  }
0x51: {  	[sflag:s0] =	ssyncadd.s32 @!p0 s1  }
0x52: {  	[bflag:$0x3] =	sbarrier.arrive $0xFFFF  }
0x53: {  	_ =	shalt  }
.Lfunc_end2:
execute1_lowered:
.L_overlay_start_2:
0x54: {  	(tag) =	ssettag $0x2  }
0x55: {  	s0 =	rddreg [dreg:$0x0];
	s14 =	stileid.u32  }
0x56: {  	s3 =	rddreg [dreg:$0x1];
	s1 =	smul.u32 $0x6, s14  }
0x57: {  	_ =	strace $0x8000004D;
	s2 =	simm.s32 $0x1;
	s4 =	smin.u32 s14, $0x4  }
0x58: {  	v1 =	vimm.s32 $0xFFFFFFFF;
	[sflag:s2] =	ssyncpa.u1 $0x0;
	s1 =	sadd.s32 s4, s1  }
0x59: {  	p0 =	slt.u32 s14, $0x4;
	[tilespmem:$0x10] =	vst v1;
	s4 =	smul.u32 $0x1F40, s1;
	s1 =	simm.s32 $0xDAC0  }
0x5a: {  	v0 =	vimm.f32 $0.0e+00;
	[tilespmem:$0x20] =	vst v1;
	s1 =	simm.s32 @!p0 $0xBB80  }
0x5b: {  	[tilespmem:$0x30] =	vst v0;
	s1 =	sadd.s32 s1, s4  }
0x5c: {  	[tilespmem:$0x40] =	vst v0;
	s5 =	smin.u32 s1, $0xC3500  }
0x5d: {  	[tilespmem:$0x50] =	vst v0;
	s9 =	ssub.s32 s5, s4  }
0x5e: {  	s7 =	simm.s32 $0x2;
	[tilespmem:$0x60] =	vst v1;
	p0 =	sgt.s32 s9, $0x0  }
0x5f: {  	s8 =	simm.s32 $0x8;
	s31 =	simm.s32 $0x9;
	[tilespmem:$0x70] =	vst v1;
	s9 =	simm.s32 @!p0 $0x0  }
0x60: {  	s16 =	simm.s32 $0x0;
	s17 =	simm.s32 $0xF0;
	[tilespmem:$0x80] =	vst v1;
	s30 =	smulhi.u32 $0x10624DD3, s9  }
0x61: {  	s18 =	simm.s32 $0xFFFFFFFF;
	s19 =	simm.s32 $0xFFFFC280;
	s20 =	simm.s32 $0xFFFFFFFE;
	v1 =	vimm.s32 $0x0;
	[tilespmem:$0xB0] =	vst v0  }
0x62: {  	s21 =	simm.s32 $0xF;
	s25 =	simm.s32 $0x0;
	[tilespmem:$0x90] =	vst v1;
	s10 =	sshrl.u32 s30, $0x9  }
0x63: {  	[tilespmem:$0xA0] =	vst v1;
	[sflag:s7] =	ssyncpa.u1 $0x0;
	s7 =	simm.s32 $0x7;
	s11 =	smul.u32 $0x1F40, s10  }
0x64: {  	s24 =	simm.s32 $0x0;
	s6 =	sadd.s32 $0x1E00, s0;
	[sflag:s7] =	ssyncpa.u1 $0x0  }
.Ltmp7:
0x65: {  	[sflag:s8] =	ssyncpa.u1 $0x0;
	p0 =	sne.s32 s9, s11;
	(pc) =	sbr.rel .LBB3_1-.Ltmp7, $4  }
0x66: {  	[sflag:s31] =	ssyncpa.u1 $0x0;
	s23 =	smov.u32 s4;
	s2 =	simm.s32 @!p0 $0x0  }
0x67: {  	s1 =	sadd.s32 $0x1A600, s0;
	p0 =	por $0x0, $0x0;
	s9 =	sadd.s32 s2, s10  }
0x68: {  	vm0 =	vmmov $0xffff;
	v2 =	vlaneseq.u32;
	s10 =	sshll.u32 s14, $0x1;
	s14 =	sshllo.u32 s14, $0x1;
	s11 =	sadd.s32 $0x1, s9  }
0x69: {  	vm1 =	vmxor vm1, vm1;
	vm2 =	vmmov $0x1;
	vm3 =	vcmask $0x3F3C;
	s12 =	sadd.s32 $0x2, s9;
	s13 =	sor.u32 $0x81, s10;
	s15 =	sor.u32 $0x80, s10  }
.LBB3_9:
0x6a: {  	p1 =	slt.u32 s24, $0x3  }
0x6b: {  	s0 =	simm.s32 @!p1 $0x2  }
0x6c: {  	_ =	swait.ge @!p1 [sflag:s0], $0x1F40  }
0x6d: {  	[sflag:s0] =	ssyncset.done @!p1 $0x0  }
0x6e: {  	[sflag:s0] =	ssyncadd.s32 @!p1 $0xFFFFE0C0;
	s0 =	simm.s32 @!p1 $0x9  }
0x6f: {  	_ =	swait.ge @!p1 [sflag:s0], $0x10  }
0x70: {  	[sflag:s0] =	ssyncset.done @!p1 $0x0  }
0x71: {  	[sflag:s0] =	ssyncadd.s32 @!p1 $0xFFFFFFF0;
	p1 =	sne.s32 s24, s12  }
.Ltmp8:
0x72: {  	s2 =	sadd.s32 $0x1F40, s23;
	(pc) =	sbr.rel @!p1 .LBB3_10-.Ltmp8, $4  }
0x73: {  	s22 =	smov.u32 s4;
	s31 =	sadd.s32 $0x1, s24;
	s17 =	sadd.s32 $0x1F40, s17  }
0x74: {  	s18 =	sadd.s32 $0x1, s18;
	s25 =	smov.u32 s23;
	p2 =	slt.s32 s2, s5  }
0x75: {  	p0 =	por !p0, !p0;
	s19 =	sadd.s32 $0x1F40, s19;
	s22 =	smov.u32 @p2 s2  }
0x76: {  	s20 =	sadd.s32 $0x1, s20;
	s23 =	smov.u32 s22;
	s24 =	smov.u32 s31  }
.LBB3_1:
0x77: {  	p1 =	sge.u32 s24, s9  }
0x78: {  	s0 =	smulhi.u32 @!p1 $0xAAAAAAAB, s24;
	_ =	sdelay $0x1  }
0x79: {  	s0 =	sshrl.u32 @!p1 s0, $0x1  }
0x7a: {  	s0 =	smul.u32 @!p1 $0x3, s0;
	_ =	sdelay $0x1  }
0x7b: {  	s0 =	ssub.s32 @!p1 s24, s0  }
0x7c: {  	s0 =	smul.u32 @!p1 $0x7D00, s0;
	_ =	sdelay $0x1  }
0x7d: {  	s2 =	sshrl.u32 @!p1 s23, $0x3;
	s0 =	sshrl.u32 @!p1 s0, $0x2  }
0x7e: {  	s22 =	sand.u32 @!p1 $0x7, s23;
	s2 =	sadd.s32 @!p1 s3, s2;
	s0 =	sadd.s32 @!p1 $0x100, s0  }
0x7f: {  	[tilespmem:s0], [sflag:$0x7] =	stream.linear.gather @!p1 [hbm4b:s2+s22], $0x1F40, $0x38;
	[tilespmem:$0x11A60] =	vst v63  }
0x80: {  	s0 =	sadd.s32 $0xFFFFFFFF, s24  }
0x81: {  	p1 =	sge.u32 s0, s9  }
.Ltmp9:
0x82: {  	_ = 	snop;
	(pc) =	sbr.rel @p1 .LBB3_5-.Ltmp9, $1  }
0x83: {  	_ =	sdelay $0x3  }
0x84: {  	s2 =	smulhi.u32 $0xAAAAAAAB, s0;
	_ =	sdelay $0x1  }
0x85: {  	s2 =	sshrl.u32 s2, $0x1  }
0x86: {  	s2 =	smul.u32 $0x3, s2;
	_ =	sdelay $0x1  }
0x87: {  	s2 =	ssub.s32 s0, s2  }
0x88: {  	s2 =	smul.u32 $0x7D00, s2  }
0x89: {  	_ =	swait.ge [sflag:s7], $0x1F40  }
0x8a: {  	[sflag:s7] =	ssyncset.done $0x0;
	s2 =	sshrl.u32 s2, $0x2  }
0x8b: {  	[sflag:s7] =	ssyncadd.s32 $0xFFFFE0C0;
	(ifvalue) =	ssetifvalue $0xFFFFFFFF;
	v3 =	vld.msk [tilespmem:s2+$0x100 ss:$0x1], $0xffff;
	_ =	sdelay $0x2  }
0x8c: {  	s30 =	smulhi.u32 $0xAAAAAAAB, s18;
	p1 =	sne.s32 s24, $0x1  }
0x8d: {  	v4 =	vimm.s32 @!p1 $0x0  }
0x8e: {  	s2 =	sshrl.u32 s30, $0x1;
	v4 =	vperm.xlane @!p1 v3, v4  }
0x8f: {  	s22 =	sshll.u32 s24, $0x4;
	s2 =	smul.u32 $0xFFFE8900, s2;
	vm4 =	vlt.u32 v3, $0x5000  }
0x90: {  	s22 =	sand.u32 $0x10, s22;
	v3 =	vnsel vm4, $0xFFFFFFFE, v3;
	vm4 =	vlt.u32 @!p1 v4, $0x5000  }
0x91: {  	s2 =	sshra.s32 s2, $0x2;
	[tilespmem:s22+$0x60] =	vst v3;
	v3 =	vnsel @!p1 vm4, $0xFFFFFFFE, v4  }
0x92: {  	s28 =	sadd.s32 s2, s17;
	[tilespmem:$0x80] =	vst @!p1 v3  }
0x93: {  	v3 =	vld.msk [tilespmem:s28+$0x0 ss:$0x1], $0xffff;
	_ =	sdelay $0x4  }
0x94: {  	(xrf1) =	vunique.msk.u32 $0xffff, v3;
	_ =	sdelay $0xd  }
0x95: {  	v4 =	vimm.s32 $0xFFFFFFFF;
	v5, _, _ =	vpop (xrf1)  }
0x96: {  	vm5 =	vne.s32 v3, v4;
	vm4 =	veq.s32 v5, v2  }
0x97: {  	vm6 =	vlt.u32 v3, $0x5000;
	vm4 =	vmand vm5, vm4  }
0x98: {  	vm4 =	vmand vm6, vm4  }
0x99: {  	v4 =	vnsel vm4, $0xFFFFFFFF, v3  }
0x9a: {  	s31 =	sand.u32 $0x1, s0  }
0x9b: {  	s0 =	simm.s32 $0x1F40;
	p1 =	seq.s32 s31, $0x1  }
0x9c: {  	s0 =	simm.s32 @!p1 $0x0  }
0x9d: {  	s26 =	sadd.s32 $0x7DF0, s0;
	(ifvalue) =	ssetifvalue $0xFFFFFFFF  }
0x9e: {  	v3 =	vperm.xlane v3, v1;
	[tilespmem:s26], [sflag:$0x8] =	stream.indirect_vreg.gather [hbm4b:s1+s16], $0x1, v4, vm0, $0x4038;
	v4 =	vnsel vm6, $0xFFFFFFFE, v4;
	[tilespmem:$0x11A60] =	vst v63  }
0x9f: {  	s2 =	simm.s32 $0x0;
	s22 =	sadd.s32 $0xFFFFFFF0, s28;
	[tilespmem:s28+$0x0] =	vst v4  }
.LBB3_3:
0xa0: {  	v4 =	vld.msk [tilespmem:s22+$0x0 ss:$0x1], $0xffff;
	s2 =	sadd.s32 $0x10, s2;
	v5 =	vmov v3;
	s28 =	smov.u32 s22  }
0xa1: {  	p1 =	slt.u32 s2, $0x1F30;
	_ =	sdelay $0x4  }
0xa2: {  	v3 =	vperm.xlane v4, v1;
	(xrf1) =	vunique.msk.u32 $0xffff, v4;
	_ =	sdelay $0xd  }
0xa3: {  	v6, _, _ =	vpop (xrf1)  }
0xa4: {  	vm5 =	vne.s32 v4, v5;
	vm4 =	veq.s32 v6, v2  }
0xa5: {  	vm6 =	vlt.u32 v4, $0x5000;
	vm4 =	vmand vm5, vm4  }
0xa6: {  	vm4 =	vmand vm6, vm4  }
0xa7: {  	v4 =	vnsel vm4, $0xFFFFFFFF, v4  }
.Ltmp10:
0xa8: {  	v5 =	vnsel vm6, $0xFFFFFFFE, v4;
	(pc) =	sbr.rel @p1 .LBB3_3-.Ltmp10, $3  }
0xa9: {  	_ =	sdelay $0x1  }
0xaa: {  	s22 =	sadd.s32 $0xFFFFFFF0, s22;
	s26 =	sadd.s32 $0xFFFFFFF0, s26;
	(ifvalue) =	ssetifvalue $0xFFFFFFFF  }
0xab: {  	[tilespmem:s26], [sflag:$0x8] =	stream.indirect_vreg.gather [hbm4b:s1+s16], $0x1, v4, vm0, $0x4038;
	[tilespmem:s28+$0x0] =	vst v5  }
0xac: {  	s2 =	sshrl.u32 s25, $0x3  }
0xad: {  	s0 =	sadd.s32 $0x9D40, s0;
	s2 =	sadd.s32 s6, s2  }
0xae: {  	[tilespmem:s0], [sflag:$0x8] =	stream.linear.gather [hbm:s2], $0x1F40, $0x38;
	[tilespmem:$0x11A60] =	vst v63  }
.LBB3_5:
0xaf: {  	p1 =	slt.u32 s24, $0x2  }
0xb0: {  	p2 =	sge.u32 @!p1 s24, s12  }
0xb1: {  	p1 =	por p1, p2  }
.Ltmp11:
0xb2: {  	_ = 	snop;
	(pc) =	sbr.rel @p1 .LBB3_9-.Ltmp11, $1  }
0xb3: {  	_ =	sdelay $0x3  }
0xb4: {  	s0 =	sadd.s32 $0xFFFFFFFE, s24  }
0xb5: {  	s2 =	smulhi.u32 $0xAAAAAAAB, s0;
	_ =	sdelay $0x1  }
0xb6: {  	s2 =	sshrl.u32 s2, $0x1  }
0xb7: {  	s2 =	smul.u32 $0x3, s2;
	_ =	sdelay $0x1  }
0xb8: {  	s0 =	ssub.s32 s0, s2  }
0xb9: {  	_ =	swait.ge [sflag:s8], $0x3E80;
	s0 =	smul.u32 $0x1F40, s0  }
0xba: {  	p1 =	sne.s32 s24, s11;
	[sflag:s8] =	ssyncset.done $0x0  }
0xbb: {  	[sflag:s8] =	ssyncadd.s32 $0xFFFFC180;
	s2 =	sadd.s32 @!p1 $0x203F, s0  }
0xbc: {  	[spmem:s13] =	stream.linear.scatter @!p1 [tilespmem:s2], [sflag:$0x1], $0x1, $0x38;
	[tilespmem:$0x11A60] =	vst v63  }
0xbd: {  	s2 =	simm.s32 @!p1 $0x1  }
0xbe: {  	_ =	swait.ge @!p1 [sflag:s2], $0x1  }
0xbf: {  	s22 =	sshll.u32 s24, $0x4;
	[sflag:s2] =	ssyncset.done @!p1 $0x0  }
0xc0: {  	s25 =	sand.u32 $0x10, s22;
	[sflag:s2] =	ssyncadd.s32 @!p1 $0xFFFFFFFF  }
0xc1: {  	s2 =	sxor.u32 $0x10, s25;
	v4 =	vld [tilespmem:s25+$0x10]  }
0xc2: {  	v5 =	vld [tilespmem:s2+$0x60]  }
0xc3: {  	v3 =	vld [tilespmem:$0x80];
	_ =	sdelay $0x2  }
0xc4: {  	(v2sf) =	vpush v4, $0x0  }
0xc5: {  	(v2sf) =	vpush v5, $0x0  }
0xc6: {  	(v2sf) =	vpush v3, $0x0;
	_ =	sdelay $0xc  }
0xc7: {  	s22 =	spop (v2sf)  }
0xc8: {  	s26 =	spop (v2sf)  }
0xc9: {  	s28 =	spop (v2sf)  }
0xca: {  	p2 =	seq.s32 s22, s26;
	p3 =	seq.s32 s28, s22  }
0xcb: {  	p3 =	por p2, p3  }
0xcc: {  	s26 =	sand.u32 $0x1, s24;
	v4 =	vpsel p3, $0xFFFFFFFF, v4  }
0xcd: {  	s29 =	smul.u32 $0x1F40, s26;
	[tilespmem:s25+$0x10] =	vst.msk $0x1, v4  }
0xce: {  	v4 =	vld [tilespmem:$0x30]  }
0xcf: {  	v5 =	vld [tilespmem:s29+$0x9D40]  }
0xd0: {  	v6 =	vld [tilespmem:s25+$0x40];
	_ =	sdelay $0x3  }
0xd1: {  	vm4 =	vmmov vm1;
	v5 =	vadd.f32 v5, v4  }
0xd2: {  	vm5 =	vmmov vm2;
	vm4 =	vmmov @p2 vm2;
	s22 =	sshll.u32 s26, $0x4;
	v4 =	vadd.f32 v6, v4  }
0xd3: {  	s26 =	sor.u32 $0x11A40, s22;
	vm5 =	vmmov @p3 vm1;
	[tilespmem:s29+$0x9D40] =	vst.msk vm4, v5  }
0xd4: {  	[tilespmem:s26+$0x0] =	vst.msk vm5, v4  }
0xd5: {  	v4 =	vld [tilespmem:s29+$0x7DF0];
	_ =	sdelay $0x3  }
0xd6: {  	v5 =	vimm.f32 $0.0e+00  }
0xd7: {  	v4 =	vshift.insert v4, v5, s21  }
0xd8: {  	s22 =	sor.u32 $0x40, s2  }
0xd9: {  	[tilespmem:s22+$0x0] =	vst.msk $0x1, v4  }
0xda: {  	[tilespmem:s29+$0x7DFF] =	vst.msk $0x1, v5  }
0xdb: {  	v4 =	vld [tilespmem:s0+$0x2030];
	_ =	sdelay $0x1  }
0xdc: {  	s22 =	smulhi.u32 $0xAAAAAAAB, s20;
	s0 =	simm.s32 $0x1  }
0xdd: {  	s0 =	simm.s32 @!p0 $0x0  }
0xde: {  	s22 =	sshrl.u32 s22, $0x1;
	s0 =	smul.u32 $0x7D00, s0  }
0xdf: {  	s22 =	smul.u32 $0xFFFE8900, s22;
	v4 =	vshift.insert v4, v1, s21  }
0xe0: {  	s0 =	sshrl.u32 s0, $0x2  }
0xe1: {  	s22 =	sshra.s32 s22, $0x2;
	s30 =	sadd.s32 $0x9D40, s0;
	[tilespmem:s2+$0x10] =	vst.msk $0x1, v4  }
0xe2: {  	s22 =	sadd.s32 s22, s19;
	v6 =	vld [tilespmem:s30+$0x0]  }
0xe3: {  	v7 =	vld [tilespmem:s22+$0x0];
	_ =	sdelay $0x3  }
0xe4: {  	v5 =	vadd.f32 v6, v5  }
0xe5: {  	vm4 =	vne.s32 v7, $0xFFFFFFFF  }
0xe6: {  	(xrf2) =	vadd.seg.scan.f32 vm4, v5;
	_ =	sdelay $0x3  }
0xe7: {  	s31 =	sadd.s32 $0x5EC0, s0;
	v5 =	vperm.xlane v4, v1  }
0xe8: {  	v6 =	vld [tilespmem:s31+$0x0]  }
0xe9: {  	vm5 =	veq.s32 v7, v3;
	vm6 =	veq.s32 v7, v5  }
0xea: {  	vm7 =	vgt.u32 v7, $0xFFFFFFFD;
	vm6 =	vmor vm6, vm5  }
0xeb: {  	vm6 =	vmor vm6, vm7  }
0xec: {  	v9 =	vld [tilespmem:$0xA0];
	v7 =	vsel vm6, $0xFFFFFFFF, v7  }
0xed: {  	v10 =	vld [tilespmem:$0x90];
	v6 =	vsel vm5, $0x0, v6;
	v8, _, _ =	vpop (xrf2)  }
0xee: {  	v6 =	vadd.f32 v8, v6  }
0xef: {  	s0 =	sadd.s32 $0xDBC0, s0  }
0xf0: {  	vm4 =	vmand vm4, vm3;
	[tilespmem:s0+$0x0] =	vst v6;
	(ifvalue) =	ssetifvalue $0xFFFFFFFF  }
0xf1: {  	vm6 =	veq.s32 v9, $0x1;
	[hbm4b:s1+s16] =	stream.indirect_vreg.scatter [tilespmem:s0], [sflag:$0x2], $0x1, v7, vm0, $0x4038;
	v7 =	vsel vm4, $0x0, v8;
	[tilespmem:$0x11A60] =	vst v63  }
0xf2: {  	s2 =	simm.s32 $0x0;
	s22 =	sadd.s32 $0x10, s22;
	vm4 =	vmor vm6, vm5;
	v6 =	vsel vm5, v8, v10;
	v7 =	vshift.insert v7, v0, s21  }
.LBB3_7:
0xf3: {  	v8 =	vld [tilespmem:s22+$0x0];
	s30 =	sadd.s32 $0x10, s30  }
0xf4: {  	s31 =	sadd.s32 $0x10, s31;
	v9 =	vld [tilespmem:s30+$0x0]  }
0xf5: {  	s2 =	sadd.s32 $0x10, s2;
	v10 =	vld [tilespmem:s31+$0x0]  }
0xf6: {  	p2 =	slt.u32 s2, $0x1F30;
	_ =	sdelay $0x2  }
0xf7: {  	v7 =	vadd.f32 v9, v7  }
0xf8: {  	vm5 =	vne.s32 v8, $0xFFFFFFFF  }
0xf9: {  	vm6 =	vmand vm5, vm3;
	(xrf2) =	vadd.seg.scan.f32 vm5, v7;
	_ =	sdelay $0x5  }
0xfa: {  	vm7 =	veq.s32 v8, v5;
	vm5 =	veq.s32 v8, v3  }
0xfb: {  	vm8 =	vgt.u32 v8, $0xFFFFFFFD;
	vm4 =	vmor vm4, vm5;
	vm7 =	vmor vm7, vm5  }
0xfc: {  	vm7 =	vmor vm7, vm8  }
0xfd: {  	v8 =	vsel vm7, $0xFFFFFFFF, v8  }
.Ltmp12:
0xfe: {  	v7 =	vsel vm5, $0x0, v10;
	v9, _, _ =	vpop (xrf2);
	(pc) =	sbr.rel @p2 .LBB3_7-.Ltmp12, $4  }
0xff: {  	v6 =	vsel vm5, v9, v6;
	v10 =	vadd.f32 v9, v7;
	v7 =	vsel vm6, $0x0, v9  }
0x100: {  	s0 =	sadd.s32 $0x10, s0;
	v7 =	vshift.insert v7, v0, s21  }
0x101: {  	s22 =	sadd.s32 $0x10, s22;
	[tilespmem:s0+$0x0] =	vst v10;
	(ifvalue) =	ssetifvalue $0xFFFFFFFF  }
0x102: {  	[hbm4b:s1+s16] =	stream.indirect_vreg.scatter [tilespmem:s0], [sflag:$0x2], $0x1, v8, vm0, $0x4038;
	[tilespmem:$0x11A60] =	vst v63  }
0x103: {  	v3 =	vld [tilespmem:s29+$0xFAF0];
	_ =	sdelay $0x4  }
0x104: {  	v3 =	vshift.insert v3, v0, s21  }
0x105: {  	s0 =	simm.s32 $0x30  }
0x106: {  	[tilespmem:s0+$0x0] =	vst.msk $0x1, v3  }
0x107: {  	v3 =	vsel vm4, $0x1, v1;
	[tilespmem:$0x90] =	vst v6  }
0x108: {  	s0 =	sadd.s32 @!p1 $0xFAFF, s29;
	[tilespmem:$0xA0] =	vst v3  }
0x109: {  	[spmem:s14] =	stream.linear.scatter @!p1 [tilespmem:s0], [sflag:$0x1], $0x1, $0x38;
	[tilespmem:$0x11A60] =	vst v63  }
0x10a: {  	s0 =	simm.s32 @!p1 $0x1  }
0x10b: {  	v3 =	vmctz.xlane @!p1 vm4;
	_ =	swait.ge @!p1 [sflag:s0], $0x1  }
0x10c: {  	(v2sf) =	vpush @!p1 v4, $0x0  }
0x10d: {  	(v2sf) =	vpush @!p1 v3, $0x0;
	_ =	sdelay $0xd  }
0x10e: {  	s2 =	spop @!p1 (v2sf)  }
0x10f: {  	s22 =	spop @!p1 (v2sf)  }
0x110: {  	p2 =	sne.s32 @!p1 s28, s2;
	p3 =	slt.s32 @!p1 s22, $0xF  }
0x111: {  	[sflag:s0] =	ssyncset.done @!p1 $0x0;
	p2 =	por p2, p1;
	p3 =	por !p3, p1  }
0x112: {  	[sflag:s0] =	ssyncadd.s32 @!p1 $0xFFFFFFFF;
	v3 =	vimm.s32 @!p2 $0xFFFFFFFF;
	s22 =	simm.s32 @p3 $0xF  }
0x113: {  	[tilespmem:$0x80] =	vst @!p2 v3;
	s2 =	sadd.s32 @!p1 $0x90, s22  }
0x114: {  	[spmem:s10] =	stream.linear.scatter @!p1 [tilespmem:s2], [sflag:$0x1], $0x1, $0x38;
	[tilespmem:$0x11A60] =	vst v63  }
0x115: {  	_ =	swait.ge @!p1 [sflag:s0], $0x1  }
0x116: {  	[sflag:s0] =	ssyncset.done @!p1 $0x0  }
0x117: {  	s2 =	simm.s32 @!p1 $0x80;
	[sflag:s0] =	ssyncadd.s32 @!p1 $0xFFFFFFFF  }
0x118: {  	[spmem:s15] =	stream.linear.scatter @!p1 [tilespmem:s2], [sflag:$0x1], $0x1, $0x38;
	[tilespmem:$0x11A60] =	vst v63  }
0x119: {  	_ =	swait.ge @!p1 [sflag:s0], $0x1  }
0x11a: {  	[sflag:s0] =	ssyncset.done @!p1 $0x0  }
0x11b: {  	[sflag:s0] =	ssyncadd.s32 @!p1 $0xFFFFFFFF;
	(ifvalue) =	ssetifvalue $0xFFFFFFFF;
	v3 =	vld [tilespmem:s25+$0x10];
	_ =	sdelay $0x3  }
.Ltmp13:
0x11c: {  	_ = 	snop;
	(pc) =	sbr.rel .LBB3_9-.Ltmp13, $3  }
0x11d: {  	_ =	sdelay $0x1  }
0x11e: {  	(ifvalue) =	ssetifvalue $0xFFFFFFFF  }
0x11f: {  	[hbm4b:s1+s16] =	stream.indirect_vreg.scatter [tilespmem:s26], [sflag:$0x9], $0x1, v3, vm0, $0x4038;
	[tilespmem:$0x11A60] =	vst v63  }
.LBB3_10:
0x120: {  	_ =	sfence.sel $0x180000  }
0x121: {  	s0 =	simm.s32 $0x7;
	[bflag:$0x0] =	sbarrier.arrive $0xFFFF  }
0x122: {  	s26 =	simm.s32 $0x8;
	[sflag:s0] =	ssyncpa.u1 $0x1  }
0x123: {  	s28 =	simm.s32 $0x9;
	[sflag:s26] =	ssyncpa.u1 $0x1  }
0x124: {  	[sflag:s28] =	ssyncpa.u1 $0x1  }
0x125: {  	_ =	sfence.stream.spmem  }
0x126: {  	s29 =	simm.s32 $0x3;
	[bflag:$0x0] =	sbarrier.arrive $0xFFFF  }
0x127: {  	s30 =	simm.s32 $0x4;
	[sflag:s29] =	ssyncpa.u1 $0x1  }
0x128: {  	s31 =	simm.s32 $0x3C;
	s2 =	stileid.u32;
	[sflag:s30] =	ssyncpa.u1 $0x1  }
0x129: {  	p0 =	sne.s32 s2, $0x0;
	[sflag:s31] =	ssyncpa.u1 $0x1  }
0x12a: {  	s0 =	simm.s32 @p0 $0x1;
	_ =	sfence @p0  }
0x12b: {  	[sflag:s0] =	ssyncpa.u1 @p0 $0x1;
	s0 =	simm.s32 @p0 $0x2  }
0x12c: {  	[sflag:s0] =	ssyncpa.u1 @p0 $0x1  }
0x12d: {  	_ =	strace @p0 $0x9000004D  }
0x12e: {  	[bflag:$0x2] =	sbarrier.arrive @p0 $0xFFFF  }
0x12f: {  	_ =	shalt @p0  }
.LBB3_11:
0x130: {  	_ =	sfence.stream.spmem;
	s0 =	simm.s32 $0x5  }
0x131: {  	s2 =	simm.s32 $0x80;
	s3 =	simm.s32 $0xC0;
	[sflag:s0] =	ssyncpa.u1 $0x0  }
0x132: {  	[tilespmem:s3], [sflag:$0x5] =	stream.linear.gather [spmem:s2], $0x20, $0x38;
	[tilespmem:$0x11A60] =	vst v63  }
0x133: {  	s2 =	simm.s32 $0x0;
	s3 =	simm.s32 $0xE0  }
0x134: {  	[tilespmem:s3], [sflag:$0x5] =	stream.linear.gather [spmem:s2], $0x20, $0x38;
	[tilespmem:$0x11A60] =	vst v63  }
.Ltmp14:
0x135: {  	_ = 	snop;
	(pc) =	sbr.rel .LBB3_12-.Ltmp14, $4  }
0x136: {  	_ =	swait.ge [sflag:s0], $0x40  }
0x137: {  	[sflag:s0] =	ssyncset.done $0x0  }
0x138: {  	s31 =	simm.s32 $0x6;
	[sflag:s0] =	ssyncadd.s32 $0xFFFFFFC0  }
0x139: {  	s4 =	simm.s32 $0x0;
	[sflag:s31] =	ssyncpa.u1 $0x0  }
.LBB3_17:
0x13a: {  	p0 =	sgt.u32 s5, $0x4FFF  }
0x13b: {  	s0 =	sshrl.u32 @!p0 s5, $0x3  }
0x13c: {  	s5 =	sand.u32 @!p0 $0x7, s5;
	s6 =	simm.s32 @!p0 $0xB0;
	s0 =	sadd.s32 @!p0 s1, s0  }
0x13d: {  	[tilespmem:s6], [sflag:$0x6] =	stream.linear.gather @!p0 [hbm4b:s0+s5], $0x1, $0x38;
	[tilespmem:$0x11A60] =	vst v63  }
0x13e: {  	s0 =	simm.s32 @!p0 $0x6  }
0x13f: {  	_ =	swait.ge @!p0 [sflag:s0], $0x1  }
0x140: {  	[sflag:s0] =	ssyncset.done @!p0 $0x0  }
0x141: {  	[sflag:s0] =	ssyncadd.s32 @!p0 $0xFFFFFFFF  }
0x142: {  	v2 =	vmov @!p0 s4;
	v1 =	vld.msk @!p0 [tilespmem:$0xB0], $0x1;
	_ =	sdelay $0x3  }
0x143: {  	s0 =	simm.s32 @!p0 $0xE0  }
0x144: {  	[tilespmem:v2+s0+$0x0], v1 =	vst.idx.ret.add.f32.msk @!p0 $0x1, v1  }
0x145: {  	[tilespmem:s2+$0xC0] =	vst.msk $0x1, v0  }
0x146: {  	v0 =	vld.msk [tilespmem:s4+$0xE0], $0x1;
	_ =	sdelay $0x4  }
0x147: {  	[tilespmem:s2+$0xE0] =	vst.msk $0x1, v0;
	s2 =	sadd.s32 $0x1, s2  }
.LBB3_19:
0x148: {  	s4 =	sadd.s32 $0x1, s4  }
0x149: {  	p0 =	sne.s32 s4, $0x20  }
.Ltmp15:
0x14a: {  	_ = 	snop;
	(pc) =	sbr.rel @!p0 .LBB3_20-.Ltmp15, $1  }
0x14b: {  	_ =	sdelay $0x3  }
.LBB3_12:
0x14c: {  	v0 =	vld.msk [tilespmem:s4+$0xC0], $0x1;
	_ =	sdelay $0x4  }
0x14d: {  	(v2sf) =	vpush v0, $0x0;
	_ =	sdelay $0xe  }
0x14e: {  	s5 =	spop (v2sf)  }
0x14f: {  	p0 =	seq.s32 s5, $0xFFFFFFFF  }
.Ltmp16:
0x150: {  	_ = 	snop;
	(pc) =	sbr.rel @p0 .LBB3_19-.Ltmp16, $1  }
0x151: {  	_ =	sdelay $0x3  }
0x152: {  	p0 =	slt.s32 s2, $0x1  }
.Ltmp17:
0x153: {  	_ = 	snop;
	(pc) =	sbr.rel @p0 .LBB3_17-.Ltmp17, $1  }
0x154: {  	_ =	sdelay $0x3  }
0x155: {  	s0 =	simm.s32 $0xC0;
	p0 =	por $0x0, $0x0  }
0x156: {  	v1 =	vld.msk @!p0 [tilespmem:s0+$0x0], $0x1;
	_ =	sdelay $0x4  }
0x157: {  	(v2sf) =	vpush @!p0 v1, $0x0;
	_ =	sdelay $0xd  }
0x158: {  	p2 =	sne.s32 s2, $0x1  }
.Ltmp18:
0x159: {  	s6 =	spop @!p0 (v2sf);
	(pc) =	sbr.rel @!p2 .LBB3_16-.Ltmp18, $4  }
0x15a: {  	p1 =	seq.s32 @!p0 s5, s6  }
0x15b: {  	s6 =	simm.s32 $0x0;
	p1 =	por !p1, p0  }
0x15c: {  	s8 =	simm.s32 $0xFFFFFFFF;
	s6 =	simm.s32 @p1 $0xFFFFFFFF  }
0x15d: {  	s7 =	simm.s32 $0x1;
	s6 =	smov.u32 @p0 s8  }
.LBB3_15:
0x15e: {  	s8 =	smov.u32 s6;
	p0 =	sne.s32 s6, $0xFFFFFFFF  }
0x15f: {  	s0 =	sadd.s32 $0x1, s0;
	s6 =	smov.u32 s7;
	s7 =	sadd.s32 $0x1, s7  }
0x160: {  	p1 =	sne.s32 s2, s7;
	v1 =	vld.msk @!p0 [tilespmem:s0+$0x0], $0x1;
	_ =	sdelay $0x4  }
0x161: {  	(v2sf) =	vpush @!p0 v1, $0x0;
	_ =	sdelay $0xe  }
.Ltmp19:
0x162: {  	s9 =	spop @!p0 (v2sf);
	(pc) =	sbr.rel @p1 .LBB3_15-.Ltmp19, $4  }
0x163: {  	p2 =	seq.s32 @!p0 s5, s9  }
0x164: {  	p2 =	por !p2, p0  }
0x165: {  	s6 =	simm.s32 @p2 $0xFFFFFFFF  }
0x166: {  	s6 =	smov.u32 @p0 s8  }
.LBB3_16:
0x167: {  	p0 =	sne.s32 s6, $0xFFFFFFFF  }
.Ltmp20:
0x168: {  	_ = 	snop;
	(pc) =	sbr.rel @!p0 .LBB3_17-.Ltmp20, $1  }
0x169: {  	_ =	sdelay $0x3  }
0x16a: {  	v0 =	vld.msk [tilespmem:s4+$0xE0], $0x1;
	v1 =	vmov s6  }
.Ltmp21:
0x16b: {  	_ = 	snop;
	(pc) =	sbr.rel .LBB3_19-.Ltmp21, $2  }
0x16c: {  	_ =	sdelay $0x2  }
0x16d: {  	[tilespmem:v1+s3+$0x0], v0 =	vst.idx.ret.add.f32.msk $0x1, v0  }
.LBB3_20:
0x16e: {  	p0 =	slt.s32 s2, $0x1  }
.Ltmp22:
0x16f: {  	_ = 	snop;
	(pc) =	sbr.rel @p0 .LBB3_24-.Ltmp22, $3  }
0x170: {  	_ =	sdelay $0x1  }
0x171: {  	s0 =	simm.s32 $0x6  }
0x172: {  	s3 =	simm.s32 $0x0;
	[sflag:s0] =	ssyncpa.u1 $0x1  }
0x173: {  	s0 =	simm.s32 $0xC0  }
0x174: {  	v0 =	vld.msk [tilespmem:s0+$0x0], $0x1;
	_ =	sdelay $0x4  }
0x175: {  	(v2sf) =	vpush v0, $0x0;
	_ =	sdelay $0xe  }
0x176: {  	s2 =	sadd.s32 $0xFFFFFFFF, s2;
	s4 =	spop (v2sf)  }
0x177: {  	p1 =	sne.s32 s2, $0x0;
	p0 =	sgt.u32 s4, $0x4FFF  }
.Ltmp23:
0x178: {  	s5 =	sshrl.u32 @!p0 s4, $0x3;
	(pc) =	sbr.rel @!p1 .LBB3_23-.Ltmp23, $4  }
0x179: {  	s0 =	simm.s32 $0xE0;
	s4 =	sand.u32 @!p0 $0x7, s4;
	s5 =	sadd.s32 @!p0 s1, s5  }
0x17a: {  	[hbm4b:s5+s4] =	stream.linear.scatter @!p0 [tilespmem:s0], [sflag:$0x5], $0x1, $0x38;
	[tilespmem:$0x11A60] =	vst v63  }
0x17b: {  	s5 =	simm.s32 $0x0  }
0x17c: {  	s4 =	simm.s32 $0xC1;
	s5 =	simm.s32 @!p0 $0x4  }
.LBB3_22:
0x17d: {  	v0 =	vld.msk [tilespmem:s4+$0x0], $0x1;
	s2 =	sadd.s32 $0xFFFFFFFF, s2;
	s3 =	sadd.s32 s3, s5  }
0x17e: {  	p0 =	sne.s32 s2, $0x0;
	_ =	sdelay $0x3  }
0x17f: {  	(v2sf) =	vpush v0, $0x0;
	_ =	sdelay $0xe  }
.Ltmp24:
0x180: {  	s6 =	spop (v2sf);
	(pc) =	sbr.rel @p0 .LBB3_22-.Ltmp24, $4  }
0x181: {  	s5 =	simm.s32 $0x0;
	p1 =	sgt.u32 s6, $0x4FFF  }
0x182: {  	s0 =	sadd.s32 $0x1, s0;
	s5 =	simm.s32 @!p1 $0x4;
	s7 =	sshrl.u32 @!p1 s6, $0x3  }
0x183: {  	s4 =	sadd.s32 $0x1, s4;
	s6 =	sand.u32 @!p1 $0x7, s6;
	s7 =	sadd.s32 @!p1 s1, s7  }
0x184: {  	[hbm4b:s7+s6] =	stream.linear.scatter @!p1 [tilespmem:s0], [sflag:$0x5], $0x1, $0x38;
	[tilespmem:$0x11A60] =	vst v63  }
.LBB3_23:
0x185: {  	s0 =	sadd.s32 s3, s5  }
0x186: {  	s3 =	sshrl.u32 s0, $0x2  }
.LBB3_24:
0x187: {  	s0 =	simm.s32 $0x5  }
0x188: {  	_ =	swait.ge [sflag:s0], s3  }
0x189: {  	s1 =	ssub.s32 $0x0, s3;
	[sflag:s0] =	ssyncset.done $0x0  }
0x18a: {  	[sflag:s0] =	ssyncadd.s32 s1  }
0x18b: {  	[sflag:s0] =	ssyncpa.u1 $0x1  }
0x18c: {  	s29 =	simm.s32 $0x1;
	_ =	sfence  }
0x18d: {  	s30 =	simm.s32 $0x2;
	[sflag:s29] =	ssyncpa.u1 $0x1  }
0x18e: {  	[sflag:s30] =	ssyncpa.u1 $0x1  }
0x18f: {  	_ =	strace $0x9000004D  }
0x190: {  	[bflag:$0x2] =	sbarrier.arrive $0xFFFF  }
0x191: {  	s31 =	rddreg [dreg:$0x2]  }
0x192: {  	s0 =	sadd.s32 $0x100000, s31  }
0x193: {  	[sflag:s0] =	ssyncadd.tile.s32 $0x1;
	_ =	shalt  }
.Lfunc_end3:
_tile_overlayer_lowered:
.L_overlay_start_3:
0x194: {  	(tag) =	ssettag $0x3  }
0x195: {  	s0 =	rddreg [dreg:$0x0];
	s2 =	stileid.u32  }
0x196: {  	s1 =	rddreg [dreg:$0x1];
	p0 =	sne.s32 s2, $0x0  }
0x197: {  	s3 =	rddreg [dreg:$0x2];
	[bflag:$0x3] =	sbarrier.arrive $0xFFFF;
	s2 =	simm.s32 @!p0 $0x1C01  }
0x198: {  	[timem:s3], [sflag:s2] =	dma.local @!p0 [hbm:s0], s1  }
0x199: {  	s0 =	simm.s32 @!p0 $0x1  }
0x19a: {  	_ =	swait.ge @!p0 [sflag:s0], s1  }
0x19b: {  	s1 =	ssub.s32 @!p0 $0x0, s1;
	[sflag:s0] =	ssyncset.done @!p0 $0x0  }
0x19c: {  	[sflag:s0] =	ssyncadd.s32 @!p0 s1  }
0x19d: {  	[bflag:$0x3] =	sbarrier.arrive $0xFFFF  }
0x19e: {  	_ =	shalt  }

// kernel: sparse-core-data-format-call.cloned.1.call-start
scs
called_computation.6_lowered:
.L_overlay_start_0:
0x0: {  	s2 =	sld [smem:$0x3FD9]  }
0x1: {  	s3 =	sld [smem:$0x3FFE];
	_ =	sdelay $0x1  }
0x2: {  	s1 =	srdreg.scid  }
0x3: {  	s0 =	sand.u32 $0x1, s1  }
0x4: {  	s18 =	sshll.u32 s0, $0xA;
	s2 =	sadd.s32 s3, s2  }
0x5: {  	s2 =	sadd.s32 s2, s18  }
0x6: {  	[smem:$0x3FB8] =	sst s2  }
0x7: {  	_ = 	snop  }
0x8: {  	s2 =	sld [smem:$0x3FD0];
	(tm) =	ssettm $0x1  }
0x9: {  	s19 =	sld [smem:$0x3FFB];
	_ =	sdelay $0x3  }
0xa: {  	_ =	strace s19  }
0xb: {  	s3 =	sld [smem:$0x3FFC];
	_ =	sdelay $0x3  }
0xc: {  	_ =	strace s3  }
0xd: {  	s3 =	sld [smem:$0x3FFD];
	_ =	sdelay $0x3  }
0xe: {  	_ =	strace s3  }
0xf: {  	_ =	strace $0x8FFFFFFF  }
0x10: {  	s20 =	sld [smem:$0x3FDB];
	_ =	sdelay $0x1  }
0x11: {  	s4 =	simm.s32 $_scs_section_size  }
0x12: {  	s5 =	simm.s32 $_size__tile_overlayer_lowered;
	s6 =	simm.s32 $_tile_overlayer_lowered  }
0x13: {  	s23 =	simm.s32 $0x1BFF;
	s22 =	sshll.u32 s6, $0x1;
	s3 =	sadd.s32 s4, s20  }
0x14: {  	s7 =	simm.s32 $0x0;
	s21 =	sshll.u32 s5, $0x1;
	s5 =	sadd.s32 s22, s3  }
0x15: {  	[timem:s7], [sflag:s23] =	dma.local [hbm:s5], s21  }
0x16: {  	_ =	swait.ge [sflag:s23], s21  }
0x17: {  	s4 =	ssub.s32 $0x0, s21;
	[sflag:s23] =	ssyncset.done $0x0  }
0x18: {  	[sflag:s23] =	ssyncadd.s32 s4;
	_ =	sdelay $0x1  }
0x19: {  	s24 =	simm.s32 $0x1B8B  }
0x1a: {  	_ =	swait.ge [sflag:s24], $0x1  }
0x1b: {  	[sflag:s24] =	ssyncset.done $0x0  }
0x1c: {  	s26 =	simm.s32 $0x1B8E;
	s25 =	sld [smem:$0x3FFE];
	[sflag:s24] =	ssyncadd.s32 $0xFFFFFFFF  }
0x1d: {  	s27 =	simm.s32 $execute0_lowered;
	[smem:$0x3FD2] =	sst s26  }
0x1e: {  	s5 =	sshll.u32 s27, $0x1;
	_ =	strace $0x80000061;
	[dreg:$0x1] =	wrdreg $0xFFFFFFFF  }
0x1f: {  	s28 =	simm.s32 $_size_execute0_lowered;
	s3 =	sadd.s32 s3, s5;
	[dreg:$0x0] =	wrdreg $0x0  }
0x20: {  	s5 =	sshll.u32 s28, $0x1;
	[dreg:$0x2] =	wrdreg s3  }
0x21: {  	[dreg:$0x3] =	wrdreg s5  }
0x22: {  	[dreg:$0x4] =	wrdreg $0xC0  }
0x23: {  	_ =	task [dreg:s7], $0x5FFFF  }
0x24: {  	[dreg:$0x1] =	wrdreg $0xFFFFFFFF  }
0x25: {  	[dreg:$0x0] =	wrdreg $0x60  }
0x26: {  	[dreg:$0x2] =	wrdreg s25  }
0x27: {  	[dreg:$0x3] =	wrdreg s2  }
0x28: {  	[dreg:$0x4] =	wrdreg $0x9  }
0x29: {  	_ =	task.clear_ibuf [dreg:s7], $0x5FFFF;
	_ =	strace $0x90000061  }
0x2a: {  	s29 =	simm.s32 $0x9;
	_ =	strace $0x80000063  }
0x2b: {  	_ =	swait.ge [sflag:s29], $0x1  }
0x2c: {  	[sflag:s29] =	ssyncadd.s32 $0xFFFFFFFF  }
0x2d: {  	_ =	strace $0x90000063  }
0x2e: {  	_ =	sfence  }
0x2f: {  	s30 =	sld [smem:$0x0];
	_ =	sdelay $0x2  }
0x30: {  	s31 =	sshll.u32 s1, $0xD;
	s1 =	sshrl.u32 s1, $0x2  }
0x31: {  	s3 =	sand.u32 $0x4000, s31;
	s1 =	sadd.s32 s1, s30  }
0x32: {  	s0 =	sor.u32 s3, s0;
	s1 =	sshll.u32 s1, $0x11  }
0x33: {  	s0 =	sor.u32 s1, s0  }
0x34: {  	s0 =	sadd.s32 $0x8F2B, s0  }
0x35: {  	[sflag:s0] =	ssyncadd.remote.s32 $0x1  }
0x36: {  	_ =	sfence.sel $0xFFFF  }
0x37: {  	[dreg:$0x0] =	wrdreg $0xFFFFFFFF;
	(pc) =	sbr.abs _section_cstart, $3  }
0x38: {  	[dreg:$0x1] =	wrdreg $0xFFFFFFFF  }
0x39: {  	_ =	task.clear_ibuf [dreg:s7], $0x2FFFF;
	_ =	strace $0x9FFFFFFF  }
0x3a: {  	(tm) =	ssettm $0x7FFFFFFF  }
0x3b: {  	_ =	shalt  }
tec
execute0_lowered:
.L_overlay_start_1:
0x0: {  	(tag) =	ssettag $0x1  }
0x1: {  	s0 =	srdreg.scid  }
0x2: {  	s1 =	sshll.u32 s0, $0x4  }
0x3: {  	s4 =	rddreg [dreg:$0x0];
	s0 =	stileid.u32;
	s1 =	sand.u32 $0x10, s1  }
0x4: {  	s2 =	rddreg [dreg:$0x1];
	s7 =	simm.s32 $0x1;
	s1 =	sor.u32 s0, s1  }
0x5: {  	s8 =	simm.s32 $0x2;
	s11 =	simm.s32 $0x0;
	s3 =	sshll.u32 s1, $0x7  }
0x6: {  	s10 =	simm.s32 $0x0;
	s4 =	sadd.s32 $0xC35A00, s4;
	s6 =	ssub.s32 $0xC3500, s3  }
.Ltmp0:
0x7: {  	s1 =	rddreg [dreg:$0x2];
	s5 =	sand.u32 $0xF80, s6;
	(pc) =	sbr.rel .LBB1_1-.Ltmp0, $4  }
0x8: {  	_ =	strace $0x80000062;
	s9 =	smov.u32 s3;
	p0 =	sne.s32 s5, $0x0  }
0x9: {  	s6 =	sshrl.u32 s6, $0xC;
	s5 =	simm.s32 $0x1;
	s7 =	simm.s32 @!p0 $0x0  }
0xa: {  	[sflag:s5] =	ssyncpa.u1 $0x0;
	p0 =	por $0x0, $0x0;
	s6 =	sadd.s32 s7, s6  }
0xb: {  	[sflag:s8] =	ssyncpa.u1 $0x0;
	s8 =	simm.s32 $0x61A800;
	s7 =	sadd.s32 $0x1, s6  }
.LBB1_4:
0xc: {  	s14 =	sshll.u32 s11, $0x3  }
0xd: {  	s14 =	sand.u32 $0xFFFFFC00, s14  }
0xe: {  	s15 =	sshrl.u32 s14, $0x8  }
0xf: {  	s15 =	smulhi.u32 $0x14F8B59, s15;
	_ =	sdelay $0x1  }
0x10: {  	s15 =	sshrl.u32 s15, $0x4  }
0x11: {  	s28 =	sand.u32 $0x7F, s11;
	s16 =	smul.u32 $0xC3500, s15  }
0x12: {  	s11 =	sor.u32 s28, s14  }
0x13: {  	s29 =	sand.u32 $0x3F, s15;
	s11 =	ssub.s32 s11, s16  }
0x14: {  	[tilespmem:s13+$0x810 ss:$0x81] =	vst.msk $0xffff, v2;
	s14 =	smul.u32 $0x186A0, s29;
	s30 =	sshrl.u32 s11, $0x3;
	s11 =	sand.u32 $0x7, s11  }
0x15: {  	[tilespmem:s13+$0x1020 ss:$0x81] =	vst.msk $0xffff, v0;
	s15 =	sadd.s32 s2, s30;
	s11 =	sshll.u32 s11, $0x12  }
0x16: {  	[tilespmem:s13+$0x0 ss:$0x81] =	vst.msk $0xffff, v1;
	s31 =	sadd.s32 s14, s15;
	s11 =	sor.u32 $0x400, s11  }
0x17: {  	[hbm4b:s31+s11] =	stream.strided.scatter [tilespmem:s12], [sflag:$0x2], $0x2000, s8, s11, $0x20;
	[tilespmem:$0x8080] =	vst v63  }
.LBB1_5:
0x18: {  	s13 =	sadd.s32 $0x1000, s9  }
0x19: {  	p2 =	sgt.s32 s13, $0xC34FF  }
0x1a: {  	s13 =	smov.u32 @p2 s3;
	p2 =	sne.s32 s10, s7  }
.Ltmp1:
0x1b: {  	p1 =	slt.u32 s10, $0x2;
	(pc) =	sbr.rel @!p2 .LBB1_6-.Ltmp1, $4  }
0x1c: {  	s12 =	simm.s32 @!p1 $0x2  }
0x1d: {  	s14 =	sadd.s32 $0x1, s10;
	_ =	swait.ge @!p1 [sflag:s12], $0x2000  }
0x1e: {  	s11 =	smov.u32 s9;
	p0 =	por !p0, !p0;
	[sflag:s12] =	ssyncset.done @!p1 $0x0  }
0x1f: {  	s10 =	smov.u32 s14;
	s9 =	smov.u32 s13;
	[sflag:s12] =	ssyncadd.s32 @!p1 $0xFFFFE000  }
.LBB1_1:
0x20: {  	p1 =	sge.u32 s10, s6  }
0x21: {  	s12 =	sand.u32 @!p1 $0x1FFFFFF, s9  }
0x22: {  	s13 =	smulhi.u32 @!p1 $0x14F8B59, s12;
	_ =	sdelay $0x1  }
0x23: {  	s13 =	sshrl.u32 @!p1 s13, $0xC  }
0x24: {  	s13 =	smul.u32 @!p1 $0xC3500, s13;
	_ =	sdelay $0x1  }
0x25: {  	s31 =	sadd.s32 $0xFFFFFFFF, s10;
	s14 =	sxor.u32 @!p1 $0xFFFFFFFF, s10;
	s12 =	ssub.s32 @!p1 s12, s13  }
0x26: {  	s15 =	simm.s32 @!p1 $0x80;
	s14 =	sshll.u32 @!p1 s14, $0xD;
	s12 =	sshll.u32 @!p1 s12, $0x4  }
0x27: {  	s13 =	sand.u32 @!p1 $0x2000, s14;
	s14 =	simm.s32 @!p1 $0x40;
	s12 =	sadd.s32 @!p1 s4, s12  }
0x28: {  	[tilespmem:s13], [sflag:$0x1] =	stream.strided.gather @!p1 [hbm4b:s12+s14], $0x2000, s15, s14, $0x38;
	[tilespmem:$0x8080] =	vst v63  }
0x29: {  	p1 =	sge.u32 s31, s6  }
.Ltmp2:
0x2a: {  	_ = 	snop;
	(pc) =	sbr.rel @p1 .LBB1_5-.Ltmp2, $1  }
0x2b: {  	_ =	sdelay $0x3  }
0x2c: {  	s12 =	simm.s32 $0x1  }
0x2d: {  	_ =	swait.ge [sflag:s5], $0x2000;
	s12 =	simm.s32 @!p0 $0x0  }
0x2e: {  	[sflag:s5] =	ssyncset.done $0x0;
	s13 =	sshll.u32 s12, $0xD  }
0x2f: {  	[sflag:s5] =	ssyncadd.s32 $0xFFFFE000;
	s16 =	sor.u32 $0x20, s13  }
0x30: {  	s12 =	smul.u32 $0x8100, s12;
	v3 =	vld [tilespmem:s16+$0x10]  }
0x31: {  	s30 =	sand.u32 $0x1, s10;
	v2 =	vld [tilespmem:s16+$0xFFFFFFF0]  }
0x32: {  	s13 =	smul.u32 $0x8100, s30;
	s12 =	sshrl.u32 s12, $0x2;
	v0 =	vld [tilespmem:s16+$0x0]  }
0x33: {  	v1 =	vld [tilespmem:s16+$0xFFFFFFE0];
	s14 =	sor.u32 $0x4000, s12  }
0x34: {  	s31 =	sshrl.u32 s13, $0x2;
	s13 =	sadd.s32 $0x0, s14  }
0x35: {  	s15 =	simm.s32 $0x4;
	s16 =	sadd.s32 $0x40, s16;
	s12 =	sor.u32 $0x4000, s31;
	[tilespmem:s13+$0x1830 ss:$0x81] =	vst.msk $0xffff, v3  }
.LBB1_3:
0x36: {  	v3 =	vld [tilespmem:s16+$0x10];
	p1 =	sne.s32 s15, $0x1FC;
	[tilespmem:s13+$0x810 ss:$0x81] =	vst.msk $0xffff, v2;
	s17 =	smov.u32 s15;
	s15 =	sadd.s32 $0x4, s15  }
.Ltmp3:
0x37: {  	v2 =	vld [tilespmem:s16+$0xFFFFFFF0];
	[tilespmem:s13+$0x1020 ss:$0x81] =	vst.msk $0xffff, v0;
	(pc) =	sbr.rel @p1 .LBB1_3-.Ltmp3, $4  }
0x38: {  	v0 =	vld [tilespmem:s16+$0x0];
	[tilespmem:s13+$0x0 ss:$0x81] =	vst.msk $0xffff, v1  }
0x39: {  	s13 =	sshra.s32 s17, $0x2;
	v1 =	vld [tilespmem:s16+$0xFFFFFFE0]  }
0x3a: {  	s13 =	sadd.s32 s13, s14  }
0x3b: {  	s16 =	sadd.s32 $0x40, s16;
	[tilespmem:s13+$0x1830 ss:$0x81] =	vst.msk $0xffff, v3  }
.Ltmp4:
0x3c: {  	_ = 	snop;
	(pc) =	sbr.rel .LBB1_4-.Ltmp4, $1  }
0x3d: {  	_ =	sdelay $0x3  }
.LBB1_6:
0x3e: {  	_ =	sfence.sel $0x180000  }
0x3f: {  	s2 =	simm.s32 $0x1;
	[bflag:$0x0] =	sbarrier.arrive $0xFFFF  }
0x40: {  	s31 =	simm.s32 $0x2;
	[sflag:s2] =	ssyncpa.u1 $0x1  }
0x41: {  	[sflag:s31] =	ssyncpa.u1 $0x1  }
0x42: {  	p0 =	sne.s32 s0, $0x0;
	_ =	strace $0x90000062  }
0x43: {  	s0 =	sadd.s32 @!p0 $0x100000, s1;
	[bflag:$0x2] =	sbarrier.arrive $0xFFFF  }
0x44: {  	[sflag:s0] =	ssyncadd.tile.s32 @!p0 $0x1;
	_ =	shalt  }
.Lfunc_end1:
_tile_overlayer_lowered:
.L_overlay_start_2:
0x45: {  	(tag) =	ssettag $0x2  }
0x46: {  	s0 =	rddreg [dreg:$0x0];
	s2 =	stileid.u32  }
0x47: {  	s1 =	rddreg [dreg:$0x1];
	p0 =	sne.s32 s2, $0x0  }
0x48: {  	s3 =	rddreg [dreg:$0x2];
	[bflag:$0x3] =	sbarrier.arrive $0xFFFF;
	s2 =	simm.s32 @!p0 $0x1C01  }
0x49: {  	[timem:s3], [sflag:s2] =	dma.local @!p0 [hbm:s0], s1  }
0x4a: {  	s0 =	simm.s32 @!p0 $0x1  }
0x4b: {  	_ =	swait.ge @!p0 [sflag:s0], s1  }
0x4c: {  	s1 =	ssub.s32 @!p0 $0x0, s1;
	[sflag:s0] =	ssyncset.done @!p0 $0x0  }
0x4d: {  	[sflag:s0] =	ssyncadd.s32 @!p0 s1  }
0x4e: {  	[bflag:$0x3] =	sbarrier.arrive $0xFFFF  }
0x4f: {  	_ =	shalt  }

</sc_bundles>
